<compile_context>
chip_gen: v7x
topology: tpu7x:2x2x1
jax: 0.10.2.dev20260603
libtpu: 0.0.44.dev20260713+nightly
codegen_flags: <defaults>
</compile_context>

<pallas_src>
import functools

import jax
import jax.numpy as jnp
from jax import lax
from jax.experimental import pallas as pl
from jax.experimental.pallas import tpu as pltpu
from jax.experimental.pallas import tpu_sc as plsc

_NC = 2
_NS = 16
_NW = _NC * _NS
_L = 16

_B = 16
_R = 512
_W = 512
_RPW = _B * _R // _NW
_ROWS = 32
_NCHUNK = _RPW // _ROWS
_GPR = _W // (8 * _L)

_P0 = 0.0005027216331519035
_P1 = 0.9823971197982734
_P2 = -0.3971182964499643
_P3 = 0.10774685617805925


def _sc_body(pred_hbm, targ_hbm, out_hbm,
             pb0, pb1, tb0, tb1, acc, sp0, sp1, st0, st1):
    wid = lax.axis_index("s") * _NC + lax.axis_index("c")
    b = wid // 2
    r0 = (wid % 2) * _RPW

    pbufs = (pb0, pb1)
    tbufs = (tb0, tb1)
    psems = (sp0, sp1)
    tsems = (st0, st1)
    hp = [None, None]
    ht = [None, None]

    def issue(c):
        k = c % 2
        rows = r0 + c * _ROWS
        hp[k] = pltpu.async_copy(
            pred_hbm.at[b, 0, pl.ds(rows, _ROWS), :], pbufs[k], psems[k])
        ht[k] = pltpu.async_copy(
            targ_hbm.at[b, 0, pl.ds(rows, _ROWS), :], tbufs[k], tsems[k])

    def chunk_sum(pb, tb, carry):
        def grp_step(g, carry):
            ls, cs = carry
            r = g // _GPR
            base = pl.multiple_of((g % _GPR) * (8 * _L), 8 * _L)
            ls2 = list(ls)
            cs2 = list(cs)
            for k in range(4):
                p0 = pb[r, pl.ds(base + 2 * k * _L, _L)]
                p1 = pb[r, pl.ds(base + (2 * k + 1) * _L, _L)]
                t0 = tb[r, pl.ds(base + 2 * k * _L, _L)]
                t1 = tb[r, pl.ds(base + (2 * k + 1) * _L, _L)]
                pp = plsc.pack(p0, p1, format=plsc.PackFormat.INTERLEAVED)
                npp = -pp
                u = jnp.exp(jnp.minimum(pp, npp))
                l = _P0 + u * (_P1 + u * (_P2 + u * _P3))
                a0 = jnp.maximum(pp, 0.0) + l
                a2 = jnp.maximum(npp, 0.0) + l
                a0_0, a0_1 = plsc.unpack(a0, format=plsc.PackFormat.INTERLEAVED)
                a2_0, a2_1 = plsc.unpack(a2, format=plsc.PackFormat.INTERLEAVED)
                j = k
                for t, lo, hi in ((t0, a0_0, a2_0), (t1, a0_1, a2_1)):
                    mb = t != 1
                    per = jnp.where(t > 0, hi, lo)
                    ls2[j] = ls2[j] + jnp.where(mb, per, 0.0)
                    cs2[j] = cs2[j] + plsc.all_reduce_population_count(mb)
            return tuple(ls2), tuple(cs2)

        return lax.fori_loop(0, _ROWS * _W // (8 * _L), grp_step, carry)

    issue(0)
    z = jnp.zeros((_L,), jnp.float32)
    zi = jnp.zeros((_L,), jnp.int32)
    carry = ((z,) * 4, (zi,) * 4)
    for c in range(_NCHUNK):
        if c + 1 < _NCHUNK:
            issue(c + 1)
        hp[c % 2].wait()
        ht[c % 2].wait()
        carry = chunk_sum(pbufs[c % 2], tbufs[c % 2], carry)

    ls, cs = carry
    lt = (ls[0] + ls[1]) + (ls[2] + ls[3])
    ct = (cs[0] + cs[1]) + (cs[2] + cs[3])
    acc[pl.ds(0, _L)] = lt
    acc[pl.ds(_L, _L)] = ct.astype(jnp.float32)
    pltpu.sync_copy(acc, out_hbm.at[wid])


@functools.cache
def _sc_partials():
    return pl.kernel(
        _sc_body,
        out_type=jax.ShapeDtypeStruct((_NW, 2 * _L), jnp.float32),
        mesh=plsc.VectorSubcoreMesh(core_axis_name="c", subcore_axis_name="s"),
        scratch_types=[
            pltpu.VMEM((_ROWS, _W), jnp.float32),
            pltpu.VMEM((_ROWS, _W), jnp.float32),
            pltpu.VMEM((_ROWS, _W), jnp.int32),
            pltpu.VMEM((_ROWS, _W), jnp.int32),
            pltpu.VMEM((2 * _L,), jnp.float32),
            pltpu.SemaphoreType.DMA,
            pltpu.SemaphoreType.DMA,
            pltpu.SemaphoreType.DMA,
            pltpu.SemaphoreType.DMA,
        ],
        compiler_params=pltpu.CompilerParams(use_tc_tiling_on_sc=True, needs_layout_passes=False),
    )


def _finish_body(acc_ref, out_ref):
    s = jnp.sum(acc_ref[:, 0:_L])
    c = jnp.sum(acc_ref[:, _L:2 * _L]) * (1.0 / _L)
    out_ref[0, 0] = s / c


_finish = pl.pallas_call(
    _finish_body,
    out_shape=jax.ShapeDtypeStruct((1, 1), jnp.float32),
    out_specs=pl.BlockSpec(memory_space=pltpu.SMEM),
)


def kernel(pred, target):
    partials = _sc_partials()(pred, target)
    return _finish(partials).reshape(())

# --- scband reference (transcript-rebuilt; emitter-appended) ---
"""Pipeline reference for scband-conditional-bce-50903952392791 (READ-ONLY COPY).

The authoritative reference and input builder live on the scoring server;
editing this copy changes nothing except your own understanding.
"""

import jax, jax.numpy as jnp
import numpy as np


def setup_inputs(seed: int = 0) -> dict:
    key = jax.random.key(seed)
    k1, k2 = jax.random.split(key)
    pred = jax.random.normal(k1, (16, 1, 512, 512), dtype=jnp.float32)
    target = jax.random.randint(k2, (16, 1, 512, 512), 0, 3, dtype=jnp.int64)
    return {"pred": pred, "target": target}


def reference(pred, target):
    # Faithful translation of ConditionalBCE.forward:
    #   flatten; select entries where target != 1 (ignore label);
    #   binary target = (target > 0); BCEWithLogitsLoss (mean over selected).
    p = pred.reshape(-1).astype(jnp.float32)
    t = target.reshape(-1)
    mask = (t != 1)
    tgt = (t > 0).astype(jnp.float32)
    # numerically-stable BCE with logits: max(x,0) - x*z + log(1 + exp(-|x|))
    per_elem = jnp.maximum(p, 0.0) - p * tgt + jnp.log1p(jnp.exp(-jnp.abs(p)))
    m = mask.astype(jnp.float32)
    # mean over the gathered (masked) subset == masked sum / mask count
    return jnp.sum(per_elem * m) / jnp.sum(m)

if __name__ == "__main__":
    import jax
    _d = setup_inputs()
    print(jax.jit(kernel)(*tuple(_d.values())))

</pallas_src>

<mosaic_0001>
#map = affine_map<(d0, d1) -> (0, 0, 0, 0)>
#map1 = affine_map<(d0, d1) -> (0, 0)>
module attributes {stable_mosaic.version = 14 : i64} {
  func.func @_sc_body(%arg0: i32, %arg1: i32, %arg2: memref<16x1x512x512xf32, #tpu.memory_space<hbm>>, %arg3: memref<16x1x512x512xi32, #tpu.memory_space<hbm>>, %arg4: memref<32x32xf32, #tpu.memory_space<hbm>>, %arg5: memref<32x512xf32, #tpu.memory_space<vmem>>, %arg6: memref<32x512xf32, #tpu.memory_space<vmem>>, %arg7: memref<32x512xi32, #tpu.memory_space<vmem>>, %arg8: memref<32x512xi32, #tpu.memory_space<vmem>>, %arg9: memref<32xf32, #tpu.memory_space<vmem>>, %arg10: memref<!tpu.dma_semaphore, #tpu.memory_space<semaphore_mem>>, %arg11: memref<!tpu.dma_semaphore, #tpu.memory_space<semaphore_mem>>, %arg12: memref<!tpu.dma_semaphore, #tpu.memory_space<semaphore_mem>>, %arg13: memref<!tpu.dma_semaphore, #tpu.memory_space<semaphore_mem>>) attributes {dimension_semantics = [#tpu.dimension_semantics<core_parallel>, #tpu.dimension_semantics<subcore_parallel>], iteration_bounds = array<i64: 2, 16>, scalar_prefetch = 0 : i64, scratch_operands = 9 : i64, tpu.core_type = #tpu.core_type<sc_vector_subcore>, window_params = [{transform_indices = #map}, {transform_indices = #map}, {transform_indices = #map1}]} {
    %mul3A = arith.constant 2 : i32
    %mul3A_0 = arith.muli %arg1, %mul3A : i32
    %add3A = arith.addi %mul3A_0, %arg0 : i32
    %jit3A = arith.constant 2 : i32
    %div3A = arith.divsi %add3A, %jit3A : i32
    %sign3A = arith.constant 0 : i32
    %sign3A_1 = arith.cmpi sgt, %add3A, %sign3A : i32
    %sign3A_2 = arith.extui %sign3A_1 : i1 to i32
    %sign3A_3 = arith.constant 0 : i32
    %sign3A_4 = arith.cmpi slt, %add3A, %sign3A_3 : i32
    %sign3A_5 = arith.extui %sign3A_4 : i1 to i32
    %sign3A_6 = arith.subi %sign3A_2, %sign3A_5 : i32
    %sign3A_7 = arith.constant 0 : i32
    %sign3A_8 = arith.cmpi sgt, %jit3A, %sign3A_7 : i32
    %sign3A_9 = arith.extui %sign3A_8 : i1 to i32
    %sign3A_10 = arith.constant 0 : i32
    %sign3A_11 = arith.cmpi slt, %jit3A, %sign3A_10 : i32
    %sign3A_12 = arith.extui %sign3A_11 : i1 to i32
    %sign3A_13 = arith.subi %sign3A_9, %sign3A_12 : i32
    %ne3A = arith.cmpi ne, %sign3A_6, %sign3A_13 : i32
    %rem3A = arith.remsi %add3A, %jit3A : i32
    %ne3A_14 = arith.constant 0 : i32
    %ne3A_15 = arith.cmpi ne, %rem3A, %ne3A_14 : i32
    %and3A = arith.andi %ne3A, %ne3A_15 : i1
    %sub3A = arith.constant 1 : i32
    %sub3A_16 = arith.subi %div3A, %sub3A : i32
    %select_n3A = arith.select %and3A, %sub3A_16, %div3A : i32
    %jit3A_17 = arith.constant 2 : i32
    %eq3A = arith.constant 0 : i32
    %eq3A_18 = arith.cmpi eq, %jit3A_17, %eq3A : i32
    %jit3A_19 = arith.constant 1 : i32
    %select_n3A_20 = arith.select %eq3A_18, %jit3A_19, %jit3A_17 : i32
    %rem3A_21 = arith.remsi %add3A, %select_n3A_20 : i32
    %ne3A_22 = arith.constant 0 : i32
    %ne3A_23 = arith.cmpi ne, %rem3A_21, %ne3A_22 : i32
    %lt3A = arith.constant 0 : i32
    %lt3A_24 = arith.cmpi slt, %rem3A_21, %lt3A : i32
    %lt3A_25 = arith.constant 0 : i32
    %lt3A_26 = arith.cmpi slt, %select_n3A_20, %lt3A_25 : i32
    %ne3A_27 = arith.xori %lt3A_24, %lt3A_26 : i1
    %and3A_28 = arith.andi %ne3A_27, %ne3A_23 : i1
    %add3A_29 = arith.addi %rem3A_21, %select_n3A_20 : i32
    %select_n3A_30 = arith.select %and3A_28, %add3A_29, %rem3A_21 : i32
    %mul3A_31 = arith.constant 256 : i32
    %mul3A_32 = arith.muli %select_n3A_30, %mul3A_31 : i32
    %add3A_33 = arith.constant 0 : i32
    %add3A_34 = arith.addi %mul3A_32, %add3A_33 : i32
    %dma_start3A = arith.constant 0 : i32
    %dma_start3A_35 = arith.constant 0 : i32
    %dma_start3A_36 = tpu.memref_slice %arg2[%select_n3A, %dma_start3A, %add3A_34, %dma_start3A_35] : memref<16x1x512x512xf32, #tpu.memory_space<hbm>> -> memref<1x1x32x512xf32, #tpu.memory_space<hbm>>
    %dma_start3A_37 = tpu.memref_squeeze %dma_start3A_36 : memref<1x1x32x512xf32, #tpu.memory_space<hbm>> -> memref<32x512xf32, #tpu.memory_space<hbm>>
    %dma_start3A_38 = arith.constant 0 : i32
    %dma_start3A_39 = tpu.memref_slice %arg2[%select_n3A, %dma_start3A, %add3A_34, %dma_start3A_38] : memref<16x1x512x512xf32, #tpu.memory_space<hbm>> -> memref<1x1x32x512xf32, #tpu.memory_space<hbm>>
    %dma_start3A_40 = tpu.memref_squeeze %dma_start3A_39 : memref<1x1x32x512xf32, #tpu.memory_space<hbm>> -> memref<32x512xf32, #tpu.memory_space<hbm>>
    tpu.enqueue_dma source(%dma_start3A_40 : memref<32x512xf32, #tpu.memory_space<hbm>>) target(%arg5 : memref<32x512xf32, #tpu.memory_space<vmem>>) target_semaphore(%arg10 : memref<!tpu.dma_semaphore, #tpu.memory_space<semaphore_mem>>)
    %dma_start3A_41 = arith.constant 0 : i32
    %dma_start3A_42 = arith.constant 0 : i32
    %dma_start3A_43 = tpu.memref_slice %arg3[%select_n3A, %dma_start3A_41, %add3A_34, %dma_start3A_42] : memref<16x1x512x512xi32, #tpu.memory_space<hbm>> -> memref<1x1x32x512xi32, #tpu.memory_space<hbm>>
    %dma_start3A_44 = tpu.memref_squeeze %dma_start3A_43 : memref<1x1x32x512xi32, #tpu.memory_space<hbm>> -> memref<32x512xi32, #tpu.memory_space<hbm>>
    %dma_start3A_45 = arith.constant 0 : i32
    %dma_start3A_46 = tpu.memref_slice %arg3[%select_n3A, %dma_start3A_41, %add3A_34, %dma_start3A_45] : memref<16x1x512x512xi32, #tpu.memory_space<hbm>> -> memref<1x1x32x512xi32, #tpu.memory_space<hbm>>
    %dma_start3A_47 = tpu.memref_squeeze %dma_start3A_46 : memref<1x1x32x512xi32, #tpu.memory_space<hbm>> -> memref<32x512xi32, #tpu.memory_space<hbm>>
    tpu.enqueue_dma source(%dma_start3A_47 : memref<32x512xi32, #tpu.memory_space<hbm>>) target(%arg7 : memref<32x512xi32, #tpu.memory_space<vmem>>) target_semaphore(%arg12 : memref<!tpu.dma_semaphore, #tpu.memory_space<semaphore_mem>>)
    %broadcast_in_dim3A = arith.constant 0.000000e+00 : f32
    %broadcast_in_dim3A_48 = vector.broadcast %broadcast_in_dim3A : f32 to vector<16xf32>
    %broadcast_in_dim3A_49 = arith.constant 0 : i32
    %broadcast_in_dim3A_50 = vector.broadcast %broadcast_in_dim3A_49 : i32 to vector<16xi32>
    %add3A_51 = arith.constant 32 : i32
    %add3A_52 = arith.addi %mul3A_32, %add3A_51 : i32
    %dma_start3A_53 = arith.constant 0 : i32
    %dma_start3A_54 = arith.constant 0 : i32
    %dma_start3A_55 = tpu.memref_slice %arg2[%select_n3A, %dma_start3A_53, %add3A_52, %dma_start3A_54] : memref<16x1x512x512xf32, #tpu.memory_space<hbm>> -> memref<1x1x32x512xf32, #tpu.memory_space<hbm>>
    %dma_start3A_56 = tpu.memref_squeeze %dma_start3A_55 : memref<1x1x32x512xf32, #tpu.memory_space<hbm>> -> memref<32x512xf32, #tpu.memory_space<hbm>>
    %dma_start3A_57 = arith.constant 0 : i32
    %dma_start3A_58 = tpu.memref_slice %arg2[%select_n3A, %dma_start3A_53, %add3A_52, %dma_start3A_57] : memref<16x1x512x512xf32, #tpu.memory_space<hbm>> -> memref<1x1x32x512xf32, #tpu.memory_space<hbm>>
    %dma_start3A_59 = tpu.memref_squeeze %dma_start3A_58 : memref<1x1x32x512xf32, #tpu.memory_space<hbm>> -> memref<32x512xf32, #tpu.memory_space<hbm>>
    tpu.enqueue_dma source(%dma_start3A_59 : memref<32x512xf32, #tpu.memory_space<hbm>>) target(%arg6 : memref<32x512xf32, #tpu.memory_space<vmem>>) target_semaphore(%arg11 : memref<!tpu.dma_semaphore, #tpu.memory_space<semaphore_mem>>)
    %dma_start3A_60 = arith.constant 0 : i32
    %dma_start3A_61 = arith.constant 0 : i32
    %dma_start3A_62 = tpu.memref_slice %arg3[%select_n3A, %dma_start3A_60, %add3A_52, %dma_start3A_61] : memref<16x1x512x512xi32, #tpu.memory_space<hbm>> -> memref<1x1x32x512xi32, #tpu.memory_space<hbm>>
    %dma_start3A_63 = tpu.memref_squeeze %dma_start3A_62 : memref<1x1x32x512xi32, #tpu.memory_space<hbm>> -> memref<32x512xi32, #tpu.memory_space<hbm>>
    %dma_start3A_64 = arith.constant 0 : i32
    %dma_start3A_65 = tpu.memref_slice %arg3[%select_n3A, %dma_start3A_60, %add3A_52, %dma_start3A_64] : memref<16x1x512x512xi32, #tpu.memory_space<hbm>> -> memref<1x1x32x512xi32, #tpu.memory_space<hbm>>
    %dma_start3A_66 = tpu.memref_squeeze %dma_start3A_65 : memref<1x1x32x512xi32, #tpu.memory_space<hbm>> -> memref<32x512xi32, #tpu.memory_space<hbm>>
    tpu.enqueue_dma source(%dma_start3A_66 : memref<32x512xi32, #tpu.memory_space<hbm>>) target(%arg8 : memref<32x512xi32, #tpu.memory_space<vmem>>) target_semaphore(%arg13 : memref<!tpu.dma_semaphore, #tpu.memory_space<semaphore_mem>>)
    %dma_wait3A = arith.constant 0 : i32
    %dma_wait3A_67 = arith.constant 0 : i32
    %dma_wait3A_68 = tpu.memref_slice %arg2[%select_n3A, %dma_wait3A, %add3A_34, %dma_wait3A_67] : memref<16x1x512x512xf32, #tpu.memory_space<hbm>> -> memref<1x1x32x512xf32, #tpu.memory_space<hbm>>
    %dma_wait3A_69 = tpu.memref_squeeze %dma_wait3A_68 : memref<1x1x32x512xf32, #tpu.memory_space<hbm>> -> memref<32x512xf32, #tpu.memory_space<hbm>>
    %dma_wait3A_70 = arith.constant 0 : i32
    %dma_wait3A_71 = tpu.memref_slice %arg2[%select_n3A, %dma_wait3A, %add3A_34, %dma_wait3A_70] : memref<16x1x512x512xf32, #tpu.memory_space<hbm>> -> memref<1x1x32x512xf32, #tpu.memory_space<hbm>>
    %dma_wait3A_72 = tpu.memref_squeeze %dma_wait3A_71 : memref<1x1x32x512xf32, #tpu.memory_space<hbm>> -> memref<32x512xf32, #tpu.memory_space<hbm>>
    tpu.wait_dma2 semaphore(%arg10 : memref<!tpu.dma_semaphore, #tpu.memory_space<semaphore_mem>>) src(%dma_wait3A_72 : memref<32x512xf32, #tpu.memory_space<hbm>>) dst(%arg5 : memref<32x512xf32, #tpu.memory_space<vmem>>)
    %dma_wait3A_73 = arith.constant 0 : i32
    %dma_wait3A_74 = arith.constant 0 : i32
    %dma_wait3A_75 = tpu.memref_slice %arg3[%select_n3A, %dma_wait3A_73, %add3A_34, %dma_wait3A_74] : memref<16x1x512x512xi32, #tpu.memory_space<hbm>> -> memref<1x1x32x512xi32, #tpu.memory_space<hbm>>
    %dma_wait3A_76 = tpu.memref_squeeze %dma_wait3A_75 : memref<1x1x32x512xi32, #tpu.memory_space<hbm>> -> memref<32x512xi32, #tpu.memory_space<hbm>>
    %dma_wait3A_77 = arith.constant 0 : i32
    %dma_wait3A_78 = tpu.memref_slice %arg3[%select_n3A, %dma_wait3A_73, %add3A_34, %dma_wait3A_77] : memref<16x1x512x512xi32, #tpu.memory_space<hbm>> -> memref<1x1x32x512xi32, #tpu.memory_space<hbm>>
    %dma_wait3A_79 = tpu.memref_squeeze %dma_wait3A_78 : memref<1x1x32x512xi32, #tpu.memory_space<hbm>> -> memref<32x512xi32, #tpu.memory_space<hbm>>
    tpu.wait_dma2 semaphore(%arg12 : memref<!tpu.dma_semaphore, #tpu.memory_space<semaphore_mem>>) src(%dma_wait3A_79 : memref<32x512xi32, #tpu.memory_space<hbm>>) dst(%arg7 : memref<32x512xi32, #tpu.memory_space<vmem>>)
    %scan3A = arith.constant 0 : i32
    %scan3A_80 = arith.constant 128 : i32
    %scan3A_81 = arith.addi %scan3A, %scan3A_80 : i32
    %scan3A_82 = arith.constant 1 : i32
    %scan3A_83:8 = scf.for %scan3A_330 = %scan3A to %scan3A_81 step %scan3A_82 iter_args(%scan3A_331 = %broadcast_in_dim3A_48, %scan3A_332 = %broadcast_in_dim3A_48, %scan3A_333 = %broadcast_in_dim3A_48, %scan3A_334 = %broadcast_in_dim3A_48, %scan3A_335 = %broadcast_in_dim3A_50, %scan3A_336 = %broadcast_in_dim3A_50, %scan3A_337 = %broadcast_in_dim3A_50, %scan3A_338 = %broadcast_in_dim3A_50) -> (vector<16xf32>, vector<16xf32>, vector<16xf32>, vector<16xf32>, vector<16xi32>, vector<16xi32>, vector<16xi32>, vector<16xi32>)  : i32 {
      %jit3A_339 = arith.constant 4 : i32
      %div3A_340 = arith.divsi %scan3A_330, %jit3A_339 : i32
      %sign3A_341 = arith.constant 0 : i32
      %sign3A_342 = arith.cmpi sgt, %scan3A_330, %sign3A_341 : i32
      %sign3A_343 = arith.extui %sign3A_342 : i1 to i32
      %sign3A_344 = arith.constant 0 : i32
      %sign3A_345 = arith.cmpi slt, %scan3A_330, %sign3A_344 : i32
      %sign3A_346 = arith.extui %sign3A_345 : i1 to i32
      %sign3A_347 = arith.subi %sign3A_343, %sign3A_346 : i32
      %sign3A_348 = arith.constant 0 : i32
      %sign3A_349 = arith.cmpi sgt, %jit3A_339, %sign3A_348 : i32
      %sign3A_350 = arith.extui %sign3A_349 : i1 to i32
      %sign3A_351 = arith.constant 0 : i32
      %sign3A_352 = arith.cmpi slt, %jit3A_339, %sign3A_351 : i32
      %sign3A_353 = arith.extui %sign3A_352 : i1 to i32
      %sign3A_354 = arith.subi %sign3A_350, %sign3A_353 : i32
      %ne3A_355 = arith.cmpi ne, %sign3A_347, %sign3A_354 : i32
      %rem3A_356 = arith.remsi %scan3A_330, %jit3A_339 : i32
      %ne3A_357 = arith.constant 0 : i32
      %ne3A_358 = arith.cmpi ne, %rem3A_356, %ne3A_357 : i32
      %and3A_359 = arith.andi %ne3A_355, %ne3A_358 : i1
      %sub3A_360 = arith.constant 1 : i32
      %sub3A_361 = arith.subi %div3A_340, %sub3A_360 : i32
      %select_n3A_362 = arith.select %and3A_359, %sub3A_361, %div3A_340 : i32
      %jit3A_363 = arith.constant 4 : i32
      %eq3A_364 = arith.constant 0 : i32
      %eq3A_365 = arith.cmpi eq, %jit3A_363, %eq3A_364 : i32
      %jit3A_366 = arith.constant 1 : i32
      %select_n3A_367 = arith.select %eq3A_365, %jit3A_366, %jit3A_363 : i32
      %rem3A_368 = arith.remsi %scan3A_330, %select_n3A_367 : i32
      %ne3A_369 = arith.constant 0 : i32
      %ne3A_370 = arith.cmpi ne, %rem3A_368, %ne3A_369 : i32
      %lt3A_371 = arith.constant 0 : i32
      %lt3A_372 = arith.cmpi slt, %rem3A_368, %lt3A_371 : i32
      %lt3A_373 = arith.constant 0 : i32
      %lt3A_374 = arith.cmpi slt, %select_n3A_367, %lt3A_373 : i32
      %ne3A_375 = arith.xori %lt3A_372, %lt3A_374 : i1
      %and3A_376 = arith.andi %ne3A_375, %ne3A_370 : i1
      %add3A_377 = arith.addi %rem3A_368, %select_n3A_367 : i32
      %select_n3A_378 = arith.select %and3A_376, %add3A_377, %rem3A_368 : i32
      %mul3A_379 = arith.constant 128 : i32
      %mul3A_380 = arith.muli %select_n3A_378, %mul3A_379 : i32
      %multiple_of3A = tpu.assume_multiple %mul3A_380, 128 : i32
      %add3A_381 = arith.constant 0 : i32
      %add3A_382 = arith.addi %multiple_of3A, %add3A_381 : i32
      %get3A = arith.index_cast %select_n3A_362 : i32 to index
      %get3A_383 = arith.index_cast %add3A_382 : i32 to index
      %get3A_384 = tpu.vector_load %arg5[%get3A, %get3A_383] {strides = array<i32>} : memref<32x512xf32, #tpu.memory_space<vmem>>, vector<16xf32>,
      %add3A_385 = arith.constant 16 : i32
      %add3A_386 = arith.addi %multiple_of3A, %add3A_385 : i32
      %get3A_387 = arith.index_cast %select_n3A_362 : i32 to index
      %get3A_388 = arith.index_cast %add3A_386 : i32 to index
      %get3A_389 = tpu.vector_load %arg5[%get3A_387, %get3A_388] {strides = array<i32>} : memref<32x512xf32, #tpu.memory_space<vmem>>, vector<16xf32>,
      %add3A_390 = arith.constant 0 : i32
      %add3A_391 = arith.addi %multiple_of3A, %add3A_390 : i32
      %get3A_392 = arith.index_cast %select_n3A_362 : i32 to index
      %get3A_393 = arith.index_cast %add3A_391 : i32 to index
      %get3A_394 = tpu.vector_load %arg7[%get3A_392, %get3A_393] {strides = array<i32>} : memref<32x512xi32, #tpu.memory_space<vmem>>, vector<16xi32>,
      %add3A_395 = arith.constant 16 : i32
      %add3A_396 = arith.addi %multiple_of3A, %add3A_395 : i32
      %get3A_397 = arith.index_cast %select_n3A_362 : i32 to index
      %get3A_398 = arith.index_cast %add3A_396 : i32 to index
      %get3A_399 = tpu.vector_load %arg7[%get3A_397, %get3A_398] {strides = array<i32>} : memref<32x512xi32, #tpu.memory_space<vmem>>, vector<16xi32>,
      %pack3A = tpu.pack_subelements %get3A_384, %get3A_389 {pack_format = #tpu.pack_format<interleaved>, positions = array<i32: 0, 1>} : vector<16xf32>, vector<16xf32> -> vector<32xbf16>
      %neg3A = arith.constant 0.000000e+00 : bf16
      %neg3A_400 = vector.broadcast %neg3A : bf16 to vector<32xbf16>
      %neg3A_401 = arith.subf %neg3A_400, %pack3A : vector<32xbf16>
      %min3A = arith.minimumf %pack3A, %neg3A_401 : vector<32xbf16>
      %exp3A = math.exp %min3A : vector<32xbf16>
      %mul3A_402 = arith.constant 1.079100e-01 : bf16
      %mul3A_403 = vector.broadcast %mul3A_402 : bf16 to vector<32xbf16>
      %mul3A_404 = arith.mulf %exp3A, %mul3A_403 : vector<32xbf16>
      %add3A_405 = arith.constant -3.964840e-01 : bf16
      %add3A_406 = vector.broadcast %add3A_405 : bf16 to vector<32xbf16>
      %add3A_407 = arith.addf %add3A_406, %mul3A_404 : vector<32xbf16>
      %mul3A_408 = arith.mulf %exp3A, %add3A_407 : vector<32xbf16>
      %add3A_409 = arith.constant 9.804680e-01 : bf16
      %add3A_410 = vector.broadcast %add3A_409 : bf16 to vector<32xbf16>
      %add3A_411 = arith.addf %add3A_410, %mul3A_408 : vector<32xbf16>
      %mul3A_412 = arith.mulf %exp3A, %add3A_411 : vector<32xbf16>
      %add3A_413 = arith.constant 5.035400e-04 : bf16
      %add3A_414 = vector.broadcast %add3A_413 : bf16 to vector<32xbf16>
      %add3A_415 = arith.addf %add3A_414, %mul3A_412 : vector<32xbf16>
      %max3A = arith.constant 0.000000e+00 : bf16
      %max3A_416 = vector.broadcast %max3A : bf16 to vector<32xbf16>
      %max3A_417 = arith.maximumf %pack3A, %max3A_416 : vector<32xbf16>
      %add3A_418 = arith.addf %max3A_417, %add3A_415 : vector<32xbf16>
      %max3A_419 = arith.constant 0.000000e+00 : bf16
      %max3A_420 = vector.broadcast %max3A_419 : bf16 to vector<32xbf16>
      %max3A_421 = arith.maximumf %neg3A_401, %max3A_420 : vector<32xbf16>
      %add3A_422 = arith.addf %max3A_421, %add3A_415 : vector<32xbf16>
      %unpack3A = tpu.unpack_subelements %add3A_418, 0 {pack_format = #tpu.pack_format<interleaved>} : vector<32xbf16> -> vector<16xf32>
      %unpack3A_423 = tpu.unpack_subelements %add3A_418, 1 {pack_format = #tpu.pack_format<interleaved>} : vector<32xbf16> -> vector<16xf32>
      %unpack3A_424 = tpu.unpack_subelements %add3A_422, 0 {pack_format = #tpu.pack_format<interleaved>} : vector<32xbf16> -> vector<16xf32>
      %unpack3A_425 = tpu.unpack_subelements %add3A_422, 1 {pack_format = #tpu.pack_format<interleaved>} : vector<32xbf16> -> vector<16xf32>
      %ne3A_426 = arith.constant 1 : i32
      %ne3A_427 = vector.broadcast %ne3A_426 : i32 to vector<16xi32>
      %ne3A_428 = arith.cmpi ne, %get3A_394, %ne3A_427 : vector<16xi32>
      %gt3A = arith.constant 0 : i32
      %gt3A_429 = vector.broadcast %gt3A : i32 to vector<16xi32>
      %gt3A_430 = arith.cmpi sgt, %get3A_394, %gt3A_429 : vector<16xi32>
      %select_n3A_431 = arith.select %gt3A_430, %unpack3A_424, %unpack3A : vector<16xi1>, vector<16xf32>
      %jit3A_432 = arith.constant 0.000000e+00 : f32
      %broadcast_in_dim3A_433 = vector.broadcast %jit3A_432 : f32 to vector<16xf32>
      %select_n3A_434 = arith.select %ne3A_428, %select_n3A_431, %broadcast_in_dim3A_433 : vector<16xi1>, vector<16xf32>
      %add3A_435 = arith.addf %scan3A_331, %select_n3A_434 : vector<16xf32>
      %all_reduce_population_count3A = tpu.all_reduce %ne3A_428 {dim = 0 : i64, kind = #tpu.reduction_kind<sum>} : vector<16xi1> -> vector<16xi32>
      %add3A_436 = arith.addi %scan3A_335, %all_reduce_population_count3A : vector<16xi32>
      %ne3A_437 = arith.constant 1 : i32
      %ne3A_438 = vector.broadcast %ne3A_437 : i32 to vector<16xi32>
      %ne3A_439 = arith.cmpi ne, %get3A_399, %ne3A_438 : vector<16xi32>
      %gt3A_440 = arith.constant 0 : i32
      %gt3A_441 = vector.broadcast %gt3A_440 : i32 to vector<16xi32>
      %gt3A_442 = arith.cmpi sgt, %get3A_399, %gt3A_441 : vector<16xi32>
      %select_n3A_443 = arith.select %gt3A_442, %unpack3A_425, %unpack3A_423 : vector<16xi1>, vector<16xf32>
      %jit3A_444 = arith.constant 0.000000e+00 : f32
      %broadcast_in_dim3A_445 = vector.broadcast %jit3A_444 : f32 to vector<16xf32>
      %select_n3A_446 = arith.select %ne3A_439, %select_n3A_443, %broadcast_in_dim3A_445 : vector<16xi1>, vector<16xf32>
      %add3A_447 = arith.addf %add3A_435, %select_n3A_446 : vector<16xf32>
      %all_reduce_population_count3A_448 = tpu.all_reduce %ne3A_439 {dim = 0 : i64, kind = #tpu.reduction_kind<sum>} : vector<16xi1> -> vector<16xi32>
      %add3A_449 = arith.addi %add3A_436, %all_reduce_population_count3A_448 : vector<16xi32>
      %add3A_450 = arith.constant 32 : i32
      %add3A_451 = arith.addi %multiple_of3A, %add3A_450 : i32
      %get3A_452 = arith.index_cast %select_n3A_362 : i32 to index
      %get3A_453 = arith.index_cast %add3A_451 : i32 to index
      %get3A_454 = tpu.vector_load %arg5[%get3A_452, %get3A_453] {strides = array<i32>} : memref<32x512xf32, #tpu.memory_space<vmem>>, vector<16xf32>,
      %add3A_455 = arith.constant 48 : i32
      %add3A_456 = arith.addi %multiple_of3A, %add3A_455 : i32
      %get3A_457 = arith.index_cast %select_n3A_362 : i32 to index
      %get3A_458 = arith.index_cast %add3A_456 : i32 to index
      %get3A_459 = tpu.vector_load %arg5[%get3A_457, %get3A_458] {strides = array<i32>} : memref<32x512xf32, #tpu.memory_space<vmem>>, vector<16xf32>,
      %add3A_460 = arith.constant 32 : i32
      %add3A_461 = arith.addi %multiple_of3A, %add3A_460 : i32
      %get3A_462 = arith.index_cast %select_n3A_362 : i32 to index
      %get3A_463 = arith.index_cast %add3A_461 : i32 to index
      %get3A_464 = tpu.vector_load %arg7[%get3A_462, %get3A_463] {strides = array<i32>} : memref<32x512xi32, #tpu.memory_space<vmem>>, vector<16xi32>,
      %add3A_465 = arith.constant 48 : i32
      %add3A_466 = arith.addi %multiple_of3A, %add3A_465 : i32
      %get3A_467 = arith.index_cast %select_n3A_362 : i32 to index
      %get3A_468 = arith.index_cast %add3A_466 : i32 to index
      %get3A_469 = tpu.vector_load %arg7[%get3A_467, %get3A_468] {strides = array<i32>} : memref<32x512xi32, #tpu.memory_space<vmem>>, vector<16xi32>,
      %pack3A_470 = tpu.pack_subelements %get3A_454, %get3A_459 {pack_format = #tpu.pack_format<interleaved>, positions = array<i32: 0, 1>} : vector<16xf32>, vector<16xf32> -> vector<32xbf16>
      %neg3A_471 = arith.constant 0.000000e+00 : bf16
      %neg3A_472 = vector.broadcast %neg3A_471 : bf16 to vector<32xbf16>
      %neg3A_473 = arith.subf %neg3A_472, %pack3A_470 : vector<32xbf16>
      %min3A_474 = arith.minimumf %pack3A_470, %neg3A_473 : vector<32xbf16>
      %exp3A_475 = math.exp %min3A_474 : vector<32xbf16>
      %mul3A_476 = arith.constant 1.079100e-01 : bf16
      %mul3A_477 = vector.broadcast %mul3A_476 : bf16 to vector<32xbf16>
      %mul3A_478 = arith.mulf %exp3A_475, %mul3A_477 : vector<32xbf16>
      %add3A_479 = arith.constant -3.964840e-01 : bf16
      %add3A_480 = vector.broadcast %add3A_479 : bf16 to vector<32xbf16>
      %add3A_481 = arith.addf %add3A_480, %mul3A_478 : vector<32xbf16>
      %mul3A_482 = arith.mulf %exp3A_475, %add3A_481 : vector<32xbf16>
      %add3A_483 = arith.constant 9.804680e-01 : bf16
      %add3A_484 = vector.broadcast %add3A_483 : bf16 to vector<32xbf16>
      %add3A_485 = arith.addf %add3A_484, %mul3A_482 : vector<32xbf16>
      %mul3A_486 = arith.mulf %exp3A_475, %add3A_485 : vector<32xbf16>
      %add3A_487 = arith.constant 5.035400e-04 : bf16
      %add3A_488 = vector.broadcast %add3A_487 : bf16 to vector<32xbf16>
      %add3A_489 = arith.addf %add3A_488, %mul3A_486 : vector<32xbf16>
      %max3A_490 = arith.constant 0.000000e+00 : bf16
      %max3A_491 = vector.broadcast %max3A_490 : bf16 to vector<32xbf16>
      %max3A_492 = arith.maximumf %pack3A_470, %max3A_491 : vector<32xbf16>
      %add3A_493 = arith.addf %max3A_492, %add3A_489 : vector<32xbf16>
      %max3A_494 = arith.constant 0.000000e+00 : bf16
      %max3A_495 = vector.broadcast %max3A_494 : bf16 to vector<32xbf16>
      %max3A_496 = arith.maximumf %neg3A_473, %max3A_495 : vector<32xbf16>
      %add3A_497 = arith.addf %max3A_496, %add3A_489 : vector<32xbf16>
      %unpack3A_498 = tpu.unpack_subelements %add3A_493, 0 {pack_format = #tpu.pack_format<interleaved>} : vector<32xbf16> -> vector<16xf32>
      %unpack3A_499 = tpu.unpack_subelements %add3A_493, 1 {pack_format = #tpu.pack_format<interleaved>} : vector<32xbf16> -> vector<16xf32>
      %unpack3A_500 = tpu.unpack_subelements %add3A_497, 0 {pack_format = #tpu.pack_format<interleaved>} : vector<32xbf16> -> vector<16xf32>
      %unpack3A_501 = tpu.unpack_subelements %add3A_497, 1 {pack_format = #tpu.pack_format<interleaved>} : vector<32xbf16> -> vector<16xf32>
      %ne3A_502 = arith.constant 1 : i32
      %ne3A_503 = vector.broadcast %ne3A_502 : i32 to vector<16xi32>
      %ne3A_504 = arith.cmpi ne, %get3A_464, %ne3A_503 : vector<16xi32>
      %gt3A_505 = arith.constant 0 : i32
      %gt3A_506 = vector.broadcast %gt3A_505 : i32 to vector<16xi32>
      %gt3A_507 = arith.cmpi sgt, %get3A_464, %gt3A_506 : vector<16xi32>
      %select_n3A_508 = arith.select %gt3A_507, %unpack3A_500, %unpack3A_498 : vector<16xi1>, vector<16xf32>
      %jit3A_509 = arith.constant 0.000000e+00 : f32
      %broadcast_in_dim3A_510 = vector.broadcast %jit3A_509 : f32 to vector<16xf32>
      %select_n3A_511 = arith.select %ne3A_504, %select_n3A_508, %broadcast_in_dim3A_510 : vector<16xi1>, vector<16xf32>
      %add3A_512 = arith.addf %scan3A_332, %select_n3A_511 : vector<16xf32>
      %all_reduce_population_count3A_513 = tpu.all_reduce %ne3A_504 {dim = 0 : i64, kind = #tpu.reduction_kind<sum>} : vector<16xi1> -> vector<16xi32>
      %add3A_514 = arith.addi %scan3A_336, %all_reduce_population_count3A_513 : vector<16xi32>
      %ne3A_515 = arith.constant 1 : i32
      %ne3A_516 = vector.broadcast %ne3A_515 : i32 to vector<16xi32>
      %ne3A_517 = arith.cmpi ne, %get3A_469, %ne3A_516 : vector<16xi32>
      %gt3A_518 = arith.constant 0 : i32
      %gt3A_519 = vector.broadcast %gt3A_518 : i32 to vector<16xi32>
      %gt3A_520 = arith.cmpi sgt, %get3A_469, %gt3A_519 : vector<16xi32>
      %select_n3A_521 = arith.select %gt3A_520, %unpack3A_501, %unpack3A_499 : vector<16xi1>, vector<16xf32>
      %jit3A_522 = arith.constant 0.000000e+00 : f32
      %broadcast_in_dim3A_523 = vector.broadcast %jit3A_522 : f32 to vector<16xf32>
      %select_n3A_524 = arith.select %ne3A_517, %select_n3A_521, %broadcast_in_dim3A_523 : vector<16xi1>, vector<16xf32>
      %add3A_525 = arith.addf %add3A_512, %select_n3A_524 : vector<16xf32>
      %all_reduce_population_count3A_526 = tpu.all_reduce %ne3A_517 {dim = 0 : i64, kind = #tpu.reduction_kind<sum>} : vector<16xi1> -> vector<16xi32>
      %add3A_527 = arith.addi %add3A_514, %all_reduce_population_count3A_526 : vector<16xi32>
      %add3A_528 = arith.constant 64 : i32
      %add3A_529 = arith.addi %multiple_of3A, %add3A_528 : i32
      %get3A_530 = arith.index_cast %select_n3A_362 : i32 to index
      %get3A_531 = arith.index_cast %add3A_529 : i32 to index
      %get3A_532 = tpu.vector_load %arg5[%get3A_530, %get3A_531] {strides = array<i32>} : memref<32x512xf32, #tpu.memory_space<vmem>>, vector<16xf32>,
      %add3A_533 = arith.constant 80 : i32
      %add3A_534 = arith.addi %multiple_of3A, %add3A_533 : i32
      %get3A_535 = arith.index_cast %select_n3A_362 : i32 to index
      %get3A_536 = arith.index_cast %add3A_534 : i32 to index
      %get3A_537 = tpu.vector_load %arg5[%get3A_535, %get3A_536] {strides = array<i32>} : memref<32x512xf32, #tpu.memory_space<vmem>>, vector<16xf32>,
      %add3A_538 = arith.constant 64 : i32
      %add3A_539 = arith.addi %multiple_of3A, %add3A_538 : i32
      %get3A_540 = arith.index_cast %select_n3A_362 : i32 to index
      %get3A_541 = arith.index_cast %add3A_539 : i32 to index
      %get3A_542 = tpu.vector_load %arg7[%get3A_540, %get3A_541] {strides = array<i32>} : memref<32x512xi32, #tpu.memory_space<vmem>>, vector<16xi32>,
      %add3A_543 = arith.constant 80 : i32
      %add3A_544 = arith.addi %multiple_of3A, %add3A_543 : i32
      %get3A_545 = arith.index_cast %select_n3A_362 : i32 to index
      %get3A_546 = arith.index_cast %add3A_544 : i32 to index
      %get3A_547 = tpu.vector_load %arg7[%get3A_545, %get3A_546] {strides = array<i32>} : memref<32x512xi32, #tpu.memory_space<vmem>>, vector<16xi32>,
      %pack3A_548 = tpu.pack_subelements %get3A_532, %get3A_537 {pack_format = #tpu.pack_format<interleaved>, positions = array<i32: 0, 1>} : vector<16xf32>, vector<16xf32> -> vector<32xbf16>
      %neg3A_549 = arith.constant 0.000000e+00 : bf16
      %neg3A_550 = vector.broadcast %neg3A_549 : bf16 to vector<32xbf16>
      %neg3A_551 = arith.subf %neg3A_550, %pack3A_548 : vector<32xbf16>
      %min3A_552 = arith.minimumf %pack3A_548, %neg3A_551 : vector<32xbf16>
      %exp3A_553 = math.exp %min3A_552 : vector<32xbf16>
      %mul3A_554 = arith.constant 1.079100e-01 : bf16
      %mul3A_555 = vector.broadcast %mul3A_554 : bf16 to vector<32xbf16>
      %mul3A_556 = arith.mulf %exp3A_553, %mul3A_555 : vector<32xbf16>
      %add3A_557 = arith.constant -3.964840e-01 : bf16
      %add3A_558 = vector.broadcast %add3A_557 : bf16 to vector<32xbf16>
      %add3A_559 = arith.addf %add3A_558, %mul3A_556 : vector<32xbf16>
      %mul3A_560 = arith.mulf %exp3A_553, %add3A_559 : vector<32xbf16>
      %add3A_561 = arith.constant 9.804680e-01 : bf16
      %add3A_562 = vector.broadcast %add3A_561 : bf16 to vector<32xbf16>
      %add3A_563 = arith.addf %add3A_562, %mul3A_560 : vector<32xbf16>
      %mul3A_564 = arith.mulf %exp3A_553, %add3A_563 : vector<32xbf16>
      %add3A_565 = arith.constant 5.035400e-04 : bf16
      %add3A_566 = vector.broadcast %add3A_565 : bf16 to vector<32xbf16>
      %add3A_567 = arith.addf %add3A_566, %mul3A_564 : vector<32xbf16>
      %max3A_568 = arith.constant 0.000000e+00 : bf16
      %max3A_569 = vector.broadcast %max3A_568 : bf16 to vector<32xbf16>
      %max3A_570 = arith.maximumf %pack3A_548, %max3A_569 : vector<32xbf16>
      %add3A_571 = arith.addf %max3A_570, %add3A_567 : vector<32xbf16>
      %max3A_572 = arith.constant 0.000000e+00 : bf16
      %max3A_573 = vector.broadcast %max3A_572 : bf16 to vector<32xbf16>
      %max3A_574 = arith.maximumf %neg3A_551, %max3A_573 : vector<32xbf16>
      %add3A_575 = arith.addf %max3A_574, %add3A_567 : vector<32xbf16>
      %unpack3A_576 = tpu.unpack_subelements %add3A_571, 0 {pack_format = #tpu.pack_format<interleaved>} : vector<32xbf16> -> vector<16xf32>
      %unpack3A_577 = tpu.unpack_subelements %add3A_571, 1 {pack_format = #tpu.pack_format<interleaved>} : vector<32xbf16> -> vector<16xf32>
      %unpack3A_578 = tpu.unpack_subelements %add3A_575, 0 {pack_format = #tpu.pack_format<interleaved>} : vector<32xbf16> -> vector<16xf32>
      %unpack3A_579 = tpu.unpack_subelements %add3A_575, 1 {pack_format = #tpu.pack_format<interleaved>} : vector<32xbf16> -> vector<16xf32>
      %ne3A_580 = arith.constant 1 : i32
      %ne3A_581 = vector.broadcast %ne3A_580 : i32 to vector<16xi32>
      %ne3A_582 = arith.cmpi ne, %get3A_542, %ne3A_581 : vector<16xi32>
      %gt3A_583 = arith.constant 0 : i32
      %gt3A_584 = vector.broadcast %gt3A_583 : i32 to vector<16xi32>
      %gt3A_585 = arith.cmpi sgt, %get3A_542, %gt3A_584 : vector<16xi32>
      %select_n3A_586 = arith.select %gt3A_585, %unpack3A_578, %unpack3A_576 : vector<16xi1>, vector<16xf32>
      %jit3A_587 = arith.constant 0.000000e+00 : f32
      %broadcast_in_dim3A_588 = vector.broadcast %jit3A_587 : f32 to vector<16xf32>
      %select_n3A_589 = arith.select %ne3A_582, %select_n3A_586, %broadcast_in_dim3A_588 : vector<16xi1>, vector<16xf32>
      %add3A_590 = arith.addf %scan3A_333, %select_n3A_589 : vector<16xf32>
      %all_reduce_population_count3A_591 = tpu.all_reduce %ne3A_582 {dim = 0 : i64, kind = #tpu.reduction_kind<sum>} : vector<16xi1> -> vector<16xi32>
      %add3A_592 = arith.addi %scan3A_337, %all_reduce_population_count3A_591 : vector<16xi32>
      %ne3A_593 = arith.constant 1 : i32
      %ne3A_594 = vector.broadcast %ne3A_593 : i32 to vector<16xi32>
      %ne3A_595 = arith.cmpi ne, %get3A_547, %ne3A_594 : vector<16xi32>
      %gt3A_596 = arith.constant 0 : i32
      %gt3A_597 = vector.broadcast %gt3A_596 : i32 to vector<16xi32>
      %gt3A_598 = arith.cmpi sgt, %get3A_547, %gt3A_597 : vector<16xi32>
      %select_n3A_599 = arith.select %gt3A_598, %unpack3A_579, %unpack3A_577 : vector<16xi1>, vector<16xf32>
      %jit3A_600 = arith.constant 0.000000e+00 : f32
      %broadcast_in_dim3A_601 = vector.broadcast %jit3A_600 : f32 to vector<16xf32>
      %select_n3A_602 = arith.select %ne3A_595, %select_n3A_599, %broadcast_in_dim3A_601 : vector<16xi1>, vector<16xf32>
      %add3A_603 = arith.addf %add3A_590, %select_n3A_602 : vector<16xf32>
      %all_reduce_population_count3A_604 = tpu.all_reduce %ne3A_595 {dim = 0 : i64, kind = #tpu.reduction_kind<sum>} : vector<16xi1> -> vector<16xi32>
      %add3A_605 = arith.addi %add3A_592, %all_reduce_population_count3A_604 : vector<16xi32>
      %add3A_606 = arith.constant 96 : i32
      %add3A_607 = arith.addi %multiple_of3A, %add3A_606 : i32
      %get3A_608 = arith.index_cast %select_n3A_362 : i32 to index
      %get3A_609 = arith.index_cast %add3A_607 : i32 to index
      %get3A_610 = tpu.vector_load %arg5[%get3A_608, %get3A_609] {strides = array<i32>} : memref<32x512xf32, #tpu.memory_space<vmem>>, vector<16xf32>,
      %add3A_611 = arith.constant 112 : i32
      %add3A_612 = arith.addi %multiple_of3A, %add3A_611 : i32
      %get3A_613 = arith.index_cast %select_n3A_362 : i32 to index
      %get3A_614 = arith.index_cast %add3A_612 : i32 to index
      %get3A_615 = tpu.vector_load %arg5[%get3A_613, %get3A_614] {strides = array<i32>} : memref<32x512xf32, #tpu.memory_space<vmem>>, vector<16xf32>,
      %add3A_616 = arith.constant 96 : i32
      %add3A_617 = arith.addi %multiple_of3A, %add3A_616 : i32
      %get3A_618 = arith.index_cast %select_n3A_362 : i32 to index
      %get3A_619 = arith.index_cast %add3A_617 : i32 to index
      %get3A_620 = tpu.vector_load %arg7[%get3A_618, %get3A_619] {strides = array<i32>} : memref<32x512xi32, #tpu.memory_space<vmem>>, vector<16xi32>,
      %add3A_621 = arith.constant 112 : i32
      %add3A_622 = arith.addi %multiple_of3A, %add3A_621 : i32
      %get3A_623 = arith.index_cast %select_n3A_362 : i32 to index
      %get3A_624 = arith.index_cast %add3A_622 : i32 to index
      %get3A_625 = tpu.vector_load %arg7[%get3A_623, %get3A_624] {strides = array<i32>} : memref<32x512xi32, #tpu.memory_space<vmem>>, vector<16xi32>,
      %pack3A_626 = tpu.pack_subelements %get3A_610, %get3A_615 {pack_format = #tpu.pack_format<interleaved>, positions = array<i32: 0, 1>} : vector<16xf32>, vector<16xf32> -> vector<32xbf16>
      %neg3A_627 = arith.constant 0.000000e+00 : bf16
      %neg3A_628 = vector.broadcast %neg3A_627 : bf16 to vector<32xbf16>
      %neg3A_629 = arith.subf %neg3A_628, %pack3A_626 : vector<32xbf16>
      %min3A_630 = arith.minimumf %pack3A_626, %neg3A_629 : vector<32xbf16>
      %exp3A_631 = math.exp %min3A_630 : vector<32xbf16>
      %mul3A_632 = arith.constant 1.079100e-01 : bf16
      %mul3A_633 = vector.broadcast %mul3A_632 : bf16 to vector<32xbf16>
      %mul3A_634 = arith.mulf %exp3A_631, %mul3A_633 : vector<32xbf16>
      %add3A_635 = arith.constant -3.964840e-01 : bf16
      %add3A_636 = vector.broadcast %add3A_635 : bf16 to vector<32xbf16>
      %add3A_637 = arith.addf %add3A_636, %mul3A_634 : vector<32xbf16>
      %mul3A_638 = arith.mulf %exp3A_631, %add3A_637 : vector<32xbf16>
      %add3A_639 = arith.constant 9.804680e-01 : bf16
      %add3A_640 = vector.broadcast %add3A_639 : bf16 to vector<32xbf16>
      %add3A_641 = arith.addf %add3A_640, %mul3A_638 : vector<32xbf16>
      %mul3A_642 = arith.mulf %exp3A_631, %add3A_641 : vector<32xbf16>
      %add3A_643 = arith.constant 5.035400e-04 : bf16
      %add3A_644 = vector.broadcast %add3A_643 : bf16 to vector<32xbf16>
      %add3A_645 = arith.addf %add3A_644, %mul3A_642 : vector<32xbf16>
      %max3A_646 = arith.constant 0.000000e+00 : bf16
      %max3A_647 = vector.broadcast %max3A_646 : bf16 to vector<32xbf16>
      %max3A_648 = arith.maximumf %pack3A_626, %max3A_647 : vector<32xbf16>
      %add3A_649 = arith.addf %max3A_648, %add3A_645 : vector<32xbf16>
      %max3A_650 = arith.constant 0.000000e+00 : bf16
      %max3A_651 = vector.broadcast %max3A_650 : bf16 to vector<32xbf16>
      %max3A_652 = arith.maximumf %neg3A_629, %max3A_651 : vector<32xbf16>
      %add3A_653 = arith.addf %max3A_652, %add3A_645 : vector<32xbf16>
      %unpack3A_654 = tpu.unpack_subelements %add3A_649, 0 {pack_format = #tpu.pack_format<interleaved>} : vector<32xbf16> -> vector<16xf32>
      %unpack3A_655 = tpu.unpack_subelements %add3A_649, 1 {pack_format = #tpu.pack_format<interleaved>} : vector<32xbf16> -> vector<16xf32>
      %unpack3A_656 = tpu.unpack_subelements %add3A_653, 0 {pack_format = #tpu.pack_format<interleaved>} : vector<32xbf16> -> vector<16xf32>
      %unpack3A_657 = tpu.unpack_subelements %add3A_653, 1 {pack_format = #tpu.pack_format<interleaved>} : vector<32xbf16> -> vector<16xf32>
      %ne3A_658 = arith.constant 1 : i32
      %ne3A_659 = vector.broadcast %ne3A_658 : i32 to vector<16xi32>
      %ne3A_660 = arith.cmpi ne, %get3A_620, %ne3A_659 : vector<16xi32>
      %gt3A_661 = arith.constant 0 : i32
      %gt3A_662 = vector.broadcast %gt3A_661 : i32 to vector<16xi32>
      %gt3A_663 = arith.cmpi sgt, %get3A_620, %gt3A_662 : vector<16xi32>
      %select_n3A_664 = arith.select %gt3A_663, %unpack3A_656, %unpack3A_654 : vector<16xi1>, vector<16xf32>
      %jit3A_665 = arith.constant 0.000000e+00 : f32
      %broadcast_in_dim3A_666 = vector.broadcast %jit3A_665 : f32 to vector<16xf32>
      %select_n3A_667 = arith.select %ne3A_660, %select_n3A_664, %broadcast_in_dim3A_666 : vector<16xi1>, vector<16xf32>
      %add3A_668 = arith.addf %scan3A_334, %select_n3A_667 : vector<16xf32>
      %all_reduce_population_count3A_669 = tpu.all_reduce %ne3A_660 {dim = 0 : i64, kind = #tpu.reduction_kind<sum>} : vector<16xi1> -> vector<16xi32>
      %add3A_670 = arith.addi %scan3A_338, %all_reduce_population_count3A_669 : vector<16xi32>
      %ne3A_671 = arith.constant 1 : i32
      %ne3A_672 = vector.broadcast %ne3A_671 : i32 to vector<16xi32>
      %ne3A_673 = arith.cmpi ne, %get3A_625, %ne3A_672 : vector<16xi32>
      %gt3A_674 = arith.constant 0 : i32
      %gt3A_675 = vector.broadcast %gt3A_674 : i32 to vector<16xi32>
      %gt3A_676 = arith.cmpi sgt, %get3A_625, %gt3A_675 : vector<16xi32>
      %select_n3A_677 = arith.select %gt3A_676, %unpack3A_657, %unpack3A_655 : vector<16xi1>, vector<16xf32>
      %jit3A_678 = arith.constant 0.000000e+00 : f32
      %broadcast_in_dim3A_679 = vector.broadcast %jit3A_678 : f32 to vector<16xf32>
      %select_n3A_680 = arith.select %ne3A_673, %select_n3A_677, %broadcast_in_dim3A_679 : vector<16xi1>, vector<16xf32>
      %add3A_681 = arith.addf %add3A_668, %select_n3A_680 : vector<16xf32>
      %all_reduce_population_count3A_682 = tpu.all_reduce %ne3A_673 {dim = 0 : i64, kind = #tpu.reduction_kind<sum>} : vector<16xi1> -> vector<16xi32>
      %add3A_683 = arith.addi %add3A_670, %all_reduce_population_count3A_682 : vector<16xi32>
      scf.yield %add3A_447, %add3A_525, %add3A_603, %add3A_681, %add3A_449, %add3A_527, %add3A_605, %add3A_683 : vector<16xf32>, vector<16xf32>, vector<16xf32>, vector<16xf32>, vector<16xi32>, vector<16xi32>, vector<16xi32>, vector<16xi32>
    }
    %scan3A_84 = arith.constant 128 : i32
    %add3A_85 = arith.constant 64 : i32
    %add3A_86 = arith.addi %mul3A_32, %add3A_85 : i32
    %dma_start3A_87 = arith.constant 0 : i32
    %dma_start3A_88 = arith.constant 0 : i32
    %dma_start3A_89 = tpu.memref_slice %arg2[%select_n3A, %dma_start3A_87, %add3A_86, %dma_start3A_88] : memref<16x1x512x512xf32, #tpu.memory_space<hbm>> -> memref<1x1x32x512xf32, #tpu.memory_space<hbm>>
    %dma_start3A_90 = tpu.memref_squeeze %dma_start3A_89 : memref<1x1x32x512xf32, #tpu.memory_space<hbm>> -> memref<32x512xf32, #tpu.memory_space<hbm>>
    %dma_start3A_91 = arith.constant 0 : i32
    %dma_start3A_92 = tpu.memref_slice %arg2[%select_n3A, %dma_start3A_87, %add3A_86, %dma_start3A_91] : memref<16x1x512x512xf32, #tpu.memory_space<hbm>> -> memref<1x1x32x512xf32, #tpu.memory_space<hbm>>
    %dma_start3A_93 = tpu.memref_squeeze %dma_start3A_92 : memref<1x1x32x512xf32, #tpu.memory_space<hbm>> -> memref<32x512xf32, #tpu.memory_space<hbm>>
    tpu.enqueue_dma source(%dma_start3A_93 : memref<32x512xf32, #tpu.memory_space<hbm>>) target(%arg5 : memref<32x512xf32, #tpu.memory_space<vmem>>) target_semaphore(%arg10 : memref<!tpu.dma_semaphore, #tpu.memory_space<semaphore_mem>>)
    %dma_start3A_94 = arith.constant 0 : i32
    %dma_start3A_95 = arith.constant 0 : i32
    %dma_start3A_96 = tpu.memref_slice %arg3[%select_n3A, %dma_start3A_94, %add3A_86, %dma_start3A_95] : memref<16x1x512x512xi32, #tpu.memory_space<hbm>> -> memref<1x1x32x512xi32, #tpu.memory_space<hbm>>
    %dma_start3A_97 = tpu.memref_squeeze %dma_start3A_96 : memref<1x1x32x512xi32, #tpu.memory_space<hbm>> -> memref<32x512xi32, #tpu.memory_space<hbm>>
    %dma_start3A_98 = arith.constant 0 : i32
    %dma_start3A_99 = tpu.memref_slice %arg3[%select_n3A, %dma_start3A_94, %add3A_86, %dma_start3A_98] : memref<16x1x512x512xi32, #tpu.memory_space<hbm>> -> memref<1x1x32x512xi32, #tpu.memory_space<hbm>>
    %dma_start3A_100 = tpu.memref_squeeze %dma_start3A_99 : memref<1x1x32x512xi32, #tpu.memory_space<hbm>> -> memref<32x512xi32, #tpu.memory_space<hbm>>
    tpu.enqueue_dma source(%dma_start3A_100 : memref<32x512xi32, #tpu.memory_space<hbm>>) target(%arg7 : memref<32x512xi32, #tpu.memory_space<vmem>>) target_semaphore(%arg12 : memref<!tpu.dma_semaphore, #tpu.memory_space<semaphore_mem>>)
    %dma_wait3A_101 = arith.constant 0 : i32
    %dma_wait3A_102 = arith.constant 0 : i32
    %dma_wait3A_103 = tpu.memref_slice %arg2[%select_n3A, %dma_wait3A_101, %add3A_52, %dma_wait3A_102] : memref<16x1x512x512xf32, #tpu.memory_space<hbm>> -> memref<1x1x32x512xf32, #tpu.memory_space<hbm>>
    %dma_wait3A_104 = tpu.memref_squeeze %dma_wait3A_103 : memref<1x1x32x512xf32, #tpu.memory_space<hbm>> -> memref<32x512xf32, #tpu.memory_space<hbm>>
    %dma_wait3A_105 = arith.constant 0 : i32
    %dma_wait3A_106 = tpu.memref_slice %arg2[%select_n3A, %dma_wait3A_101, %add3A_52, %dma_wait3A_105] : memref<16x1x512x512xf32, #tpu.memory_space<hbm>> -> memref<1x1x32x512xf32, #tpu.memory_space<hbm>>
    %dma_wait3A_107 = tpu.memref_squeeze %dma_wait3A_106 : memref<1x1x32x512xf32, #tpu.memory_space<hbm>> -> memref<32x512xf32, #tpu.memory_space<hbm>>
    tpu.wait_dma2 semaphore(%arg11 : memref<!tpu.dma_semaphore, #tpu.memory_space<semaphore_mem>>) src(%dma_wait3A_107 : memref<32x512xf32, #tpu.memory_space<hbm>>) dst(%arg6 : memref<32x512xf32, #tpu.memory_space<vmem>>)
    %dma_wait3A_108 = arith.constant 0 : i32
    %dma_wait3A_109 = arith.constant 0 : i32
    %dma_wait3A_110 = tpu.memref_slice %arg3[%select_n3A, %dma_wait3A_108, %add3A_52, %dma_wait3A_109] : memref<16x1x512x512xi32, #tpu.memory_space<hbm>> -> memref<1x1x32x512xi32, #tpu.memory_space<hbm>>
    %dma_wait3A_111 = tpu.memref_squeeze %dma_wait3A_110 : memref<1x1x32x512xi32, #tpu.memory_space<hbm>> -> memref<32x512xi32, #tpu.memory_space<hbm>>
    %dma_wait3A_112 = arith.constant 0 : i32
    %dma_wait3A_113 = tpu.memref_slice %arg3[%select_n3A, %dma_wait3A_108, %add3A_52, %dma_wait3A_112] : memref<16x1x512x512xi32, #tpu.memory_space<hbm>> -> memref<1x1x32x512xi32, #tpu.memory_space<hbm>>
    %dma_wait3A_114 = tpu.memref_squeeze %dma_wait3A_113 : memref<1x1x32x512xi32, #tpu.memory_space<hbm>> -> memref<32x512xi32, #tpu.memory_space<hbm>>
    tpu.wait_dma2 semaphore(%arg13 : memref<!tpu.dma_semaphore, #tpu.memory_space<semaphore_mem>>) src(%dma_wait3A_114 : memref<32x512xi32, #tpu.memory_space<hbm>>) dst(%arg8 : memref<32x512xi32, #tpu.memory_space<vmem>>)
    %scan3A_115 = arith.constant 0 : i32
    %scan3A_116 = arith.constant 128 : i32
    %scan3A_117 = arith.addi %scan3A_115, %scan3A_116 : i32
    %scan3A_118 = arith.constant 1 : i32
    %scan3A_119:8 = scf.for %scan3A_330 = %scan3A_115 to %scan3A_117 step %scan3A_118 iter_args(%scan3A_331 = %scan3A_83#0, %scan3A_332 = %scan3A_83#1, %scan3A_333 = %scan3A_83#2, %scan3A_334 = %scan3A_83#3, %scan3A_335 = %scan3A_83#4, %scan3A_336 = %scan3A_83#5, %scan3A_337 = %scan3A_83#6, %scan3A_338 = %scan3A_83#7) -> (vector<16xf32>, vector<16xf32>, vector<16xf32>, vector<16xf32>, vector<16xi32>, vector<16xi32>, vector<16xi32>, vector<16xi32>)  : i32 {
      %jit3A_339 = arith.constant 4 : i32
      %div3A_340 = arith.divsi %scan3A_330, %jit3A_339 : i32
      %sign3A_341 = arith.constant 0 : i32
      %sign3A_342 = arith.cmpi sgt, %scan3A_330, %sign3A_341 : i32
      %sign3A_343 = arith.extui %sign3A_342 : i1 to i32
      %sign3A_344 = arith.constant 0 : i32
      %sign3A_345 = arith.cmpi slt, %scan3A_330, %sign3A_344 : i32
      %sign3A_346 = arith.extui %sign3A_345 : i1 to i32
      %sign3A_347 = arith.subi %sign3A_343, %sign3A_346 : i32
      %sign3A_348 = arith.constant 0 : i32
      %sign3A_349 = arith.cmpi sgt, %jit3A_339, %sign3A_348 : i32
      %sign3A_350 = arith.extui %sign3A_349 : i1 to i32
      %sign3A_351 = arith.constant 0 : i32
      %sign3A_352 = arith.cmpi slt, %jit3A_339, %sign3A_351 : i32
      %sign3A_353 = arith.extui %sign3A_352 : i1 to i32
      %sign3A_354 = arith.subi %sign3A_350, %sign3A_353 : i32
      %ne3A_355 = arith.cmpi ne, %sign3A_347, %sign3A_354 : i32
      %rem3A_356 = arith.remsi %scan3A_330, %jit3A_339 : i32
      %ne3A_357 = arith.constant 0 : i32
      %ne3A_358 = arith.cmpi ne, %rem3A_356, %ne3A_357 : i32
      %and3A_359 = arith.andi %ne3A_355, %ne3A_358 : i1
      %sub3A_360 = arith.constant 1 : i32
      %sub3A_361 = arith.subi %div3A_340, %sub3A_360 : i32
      %select_n3A_362 = arith.select %and3A_359, %sub3A_361, %div3A_340 : i32
      %jit3A_363 = arith.constant 4 : i32
      %eq3A_364 = arith.constant 0 : i32
      %eq3A_365 = arith.cmpi eq, %jit3A_363, %eq3A_364 : i32
      %jit3A_366 = arith.constant 1 : i32
      %select_n3A_367 = arith.select %eq3A_365, %jit3A_366, %jit3A_363 : i32
      %rem3A_368 = arith.remsi %scan3A_330, %select_n3A_367 : i32
      %ne3A_369 = arith.constant 0 : i32
      %ne3A_370 = arith.cmpi ne, %rem3A_368, %ne3A_369 : i32
      %lt3A_371 = arith.constant 0 : i32
      %lt3A_372 = arith.cmpi slt, %rem3A_368, %lt3A_371 : i32
      %lt3A_373 = arith.constant 0 : i32
      %lt3A_374 = arith.cmpi slt, %select_n3A_367, %lt3A_373 : i32
      %ne3A_375 = arith.xori %lt3A_372, %lt3A_374 : i1
      %and3A_376 = arith.andi %ne3A_375, %ne3A_370 : i1
      %add3A_377 = arith.addi %rem3A_368, %select_n3A_367 : i32
      %select_n3A_378 = arith.select %and3A_376, %add3A_377, %rem3A_368 : i32
      %mul3A_379 = arith.constant 128 : i32
      %mul3A_380 = arith.muli %select_n3A_378, %mul3A_379 : i32
      %multiple_of3A = tpu.assume_multiple %mul3A_380, 128 : i32
      %add3A_381 = arith.constant 0 : i32
      %add3A_382 = arith.addi %multiple_of3A, %add3A_381 : i32
      %get3A = arith.index_cast %select_n3A_362 : i32 to index
      %get3A_383 = arith.index_cast %add3A_382 : i32 to index
      %get3A_384 = tpu.vector_load %arg6[%get3A, %get3A_383] {strides = array<i32>} : memref<32x512xf32, #tpu.memory_space<vmem>>, vector<16xf32>,
      %add3A_385 = arith.constant 16 : i32
      %add3A_386 = arith.addi %multiple_of3A, %add3A_385 : i32
      %get3A_387 = arith.index_cast %select_n3A_362 : i32 to index
      %get3A_388 = arith.index_cast %add3A_386 : i32 to index
      %get3A_389 = tpu.vector_load %arg6[%get3A_387, %get3A_388] {strides = array<i32>} : memref<32x512xf32, #tpu.memory_space<vmem>>, vector<16xf32>,
      %add3A_390 = arith.constant 0 : i32
      %add3A_391 = arith.addi %multiple_of3A, %add3A_390 : i32
      %get3A_392 = arith.index_cast %select_n3A_362 : i32 to index
      %get3A_393 = arith.index_cast %add3A_391 : i32 to index
      %get3A_394 = tpu.vector_load %arg8[%get3A_392, %get3A_393] {strides = array<i32>} : memref<32x512xi32, #tpu.memory_space<vmem>>, vector<16xi32>,
      %add3A_395 = arith.constant 16 : i32
      %add3A_396 = arith.addi %multiple_of3A, %add3A_395 : i32
      %get3A_397 = arith.index_cast %select_n3A_362 : i32 to index
      %get3A_398 = arith.index_cast %add3A_396 : i32 to index
      %get3A_399 = tpu.vector_load %arg8[%get3A_397, %get3A_398] {strides = array<i32>} : memref<32x512xi32, #tpu.memory_space<vmem>>, vector<16xi32>,
      %pack3A = tpu.pack_subelements %get3A_384, %get3A_389 {pack_format = #tpu.pack_format<interleaved>, positions = array<i32: 0, 1>} : vector<16xf32>, vector<16xf32> -> vector<32xbf16>
      %neg3A = arith.constant 0.000000e+00 : bf16
      %neg3A_400 = vector.broadcast %neg3A : bf16 to vector<32xbf16>
      %neg3A_401 = arith.subf %neg3A_400, %pack3A : vector<32xbf16>
      %min3A = arith.minimumf %pack3A, %neg3A_401 : vector<32xbf16>
      %exp3A = math.exp %min3A : vector<32xbf16>
      %mul3A_402 = arith.constant 1.079100e-01 : bf16
      %mul3A_403 = vector.broadcast %mul3A_402 : bf16 to vector<32xbf16>
      %mul3A_404 = arith.mulf %exp3A, %mul3A_403 : vector<32xbf16>
      %add3A_405 = arith.constant -3.964840e-01 : bf16
      %add3A_406 = vector.broadcast %add3A_405 : bf16 to vector<32xbf16>
      %add3A_407 = arith.addf %add3A_406, %mul3A_404 : vector<32xbf16>
      %mul3A_408 = arith.mulf %exp3A, %add3A_407 : vector<32xbf16>
      %add3A_409 = arith.constant 9.804680e-01 : bf16
      %add3A_410 = vector.broadcast %add3A_409 : bf16 to vector<32xbf16>
      %add3A_411 = arith.addf %add3A_410, %mul3A_408 : vector<32xbf16>
      %mul3A_412 = arith.mulf %exp3A, %add3A_411 : vector<32xbf16>
      %add3A_413 = arith.constant 5.035400e-04 : bf16
      %add3A_414 = vector.broadcast %add3A_413 : bf16 to vector<32xbf16>
      %add3A_415 = arith.addf %add3A_414, %mul3A_412 : vector<32xbf16>
      %max3A = arith.constant 0.000000e+00 : bf16
      %max3A_416 = vector.broadcast %max3A : bf16 to vector<32xbf16>
      %max3A_417 = arith.maximumf %pack3A, %max3A_416 : vector<32xbf16>
      %add3A_418 = arith.addf %max3A_417, %add3A_415 : vector<32xbf16>
      %max3A_419 = arith.constant 0.000000e+00 : bf16
      %max3A_420 = vector.broadcast %max3A_419 : bf16 to vector<32xbf16>
      %max3A_421 = arith.maximumf %neg3A_401, %max3A_420 : vector<32xbf16>
      %add3A_422 = arith.addf %max3A_421, %add3A_415 : vector<32xbf16>
      %unpack3A = tpu.unpack_subelements %add3A_418, 0 {pack_format = #tpu.pack_format<interleaved>} : vector<32xbf16> -> vector<16xf32>
      %unpack3A_423 = tpu.unpack_subelements %add3A_418, 1 {pack_format = #tpu.pack_format<interleaved>} : vector<32xbf16> -> vector<16xf32>
      %unpack3A_424 = tpu.unpack_subelements %add3A_422, 0 {pack_format = #tpu.pack_format<interleaved>} : vector<32xbf16> -> vector<16xf32>
      %unpack3A_425 = tpu.unpack_subelements %add3A_422, 1 {pack_format = #tpu.pack_format<interleaved>} : vector<32xbf16> -> vector<16xf32>
      %ne3A_426 = arith.constant 1 : i32
      %ne3A_427 = vector.broadcast %ne3A_426 : i32 to vector<16xi32>
      %ne3A_428 = arith.cmpi ne, %get3A_394, %ne3A_427 : vector<16xi32>
      %gt3A = arith.constant 0 : i32
      %gt3A_429 = vector.broadcast %gt3A : i32 to vector<16xi32>
      %gt3A_430 = arith.cmpi sgt, %get3A_394, %gt3A_429 : vector<16xi32>
      %select_n3A_431 = arith.select %gt3A_430, %unpack3A_424, %unpack3A : vector<16xi1>, vector<16xf32>
      %jit3A_432 = arith.constant 0.000000e+00 : f32
      %broadcast_in_dim3A_433 = vector.broadcast %jit3A_432 : f32 to vector<16xf32>
      %select_n3A_434 = arith.select %ne3A_428, %select_n3A_431, %broadcast_in_dim3A_433 : vector<16xi1>, vector<16xf32>
      %add3A_435 = arith.addf %scan3A_331, %select_n3A_434 : vector<16xf32>
      %all_reduce_population_count3A = tpu.all_reduce %ne3A_428 {dim = 0 : i64, kind = #tpu.reduction_kind<sum>} : vector<16xi1> -> vector<16xi32>
      %add3A_436 = arith.addi %scan3A_335, %all_reduce_population_count3A : vector<16xi32>
      %ne3A_437 = arith.constant 1 : i32
      %ne3A_438 = vector.broadcast %ne3A_437 : i32 to vector<16xi32>
      %ne3A_439 = arith.cmpi ne, %get3A_399, %ne3A_438 : vector<16xi32>
      %gt3A_440 = arith.constant 0 : i32
      %gt3A_441 = vector.broadcast %gt3A_440 : i32 to vector<16xi32>
      %gt3A_442 = arith.cmpi sgt, %get3A_399, %gt3A_441 : vector<16xi32>
      %select_n3A_443 = arith.select %gt3A_442, %unpack3A_425, %unpack3A_423 : vector<16xi1>, vector<16xf32>
      %jit3A_444 = arith.constant 0.000000e+00 : f32
      %broadcast_in_dim3A_445 = vector.broadcast %jit3A_444 : f32 to vector<16xf32>
      %select_n3A_446 = arith.select %ne3A_439, %select_n3A_443, %broadcast_in_dim3A_445 : vector<16xi1>, vector<16xf32>
      %add3A_447 = arith.addf %add3A_435, %select_n3A_446 : vector<16xf32>
      %all_reduce_population_count3A_448 = tpu.all_reduce %ne3A_439 {dim = 0 : i64, kind = #tpu.reduction_kind<sum>} : vector<16xi1> -> vector<16xi32>
      %add3A_449 = arith.addi %add3A_436, %all_reduce_population_count3A_448 : vector<16xi32>
      %add3A_450 = arith.constant 32 : i32
      %add3A_451 = arith.addi %multiple_of3A, %add3A_450 : i32
      %get3A_452 = arith.index_cast %select_n3A_362 : i32 to index
      %get3A_453 = arith.index_cast %add3A_451 : i32 to index
      %get3A_454 = tpu.vector_load %arg6[%get3A_452, %get3A_453] {strides = array<i32>} : memref<32x512xf32, #tpu.memory_space<vmem>>, vector<16xf32>,
      %add3A_455 = arith.constant 48 : i32
      %add3A_456 = arith.addi %multiple_of3A, %add3A_455 : i32
      %get3A_457 = arith.index_cast %select_n3A_362 : i32 to index
      %get3A_458 = arith.index_cast %add3A_456 : i32 to index
      %get3A_459 = tpu.vector_load %arg6[%get3A_457, %get3A_458] {strides = array<i32>} : memref<32x512xf32, #tpu.memory_space<vmem>>, vector<16xf32>,
      %add3A_460 = arith.constant 32 : i32
      %add3A_461 = arith.addi %multiple_of3A, %add3A_460 : i32
      %get3A_462 = arith.index_cast %select_n3A_362 : i32 to index
      %get3A_463 = arith.index_cast %add3A_461 : i32 to index
      %get3A_464 = tpu.vector_load %arg8[%get3A_462, %get3A_463] {strides = array<i32>} : memref<32x512xi32, #tpu.memory_space<vmem>>, vector<16xi32>,
      %add3A_465 = arith.constant 48 : i32
      %add3A_466 = arith.addi %multiple_of3A, %add3A_465 : i32
      %get3A_467 = arith.index_cast %select_n3A_362 : i32 to index
      %get3A_468 = arith.index_cast %add3A_466 : i32 to index
      %get3A_469 = tpu.vector_load %arg8[%get3A_467, %get3A_468] {strides = array<i32>} : memref<32x512xi32, #tpu.memory_space<vmem>>, vector<16xi32>,
      %pack3A_470 = tpu.pack_subelements %get3A_454, %get3A_459 {pack_format = #tpu.pack_format<interleaved>, positions = array<i32: 0, 1>} : vector<16xf32>, vector<16xf32> -> vector<32xbf16>
      %neg3A_471 = arith.constant 0.000000e+00 : bf16
      %neg3A_472 = vector.broadcast %neg3A_471 : bf16 to vector<32xbf16>
      %neg3A_473 = arith.subf %neg3A_472, %pack3A_470 : vector<32xbf16>
      %min3A_474 = arith.minimumf %pack3A_470, %neg3A_473 : vector<32xbf16>
      %exp3A_475 = math.exp %min3A_474 : vector<32xbf16>
      %mul3A_476 = arith.constant 1.079100e-01 : bf16
      %mul3A_477 = vector.broadcast %mul3A_476 : bf16 to vector<32xbf16>
      %mul3A_478 = arith.mulf %exp3A_475, %mul3A_477 : vector<32xbf16>
      %add3A_479 = arith.constant -3.964840e-01 : bf16
      %add3A_480 = vector.broadcast %add3A_479 : bf16 to vector<32xbf16>
      %add3A_481 = arith.addf %add3A_480, %mul3A_478 : vector<32xbf16>
      %mul3A_482 = arith.mulf %exp3A_475, %add3A_481 : vector<32xbf16>
      %add3A_483 = arith.constant 9.804680e-01 : bf16
      %add3A_484 = vector.broadcast %add3A_483 : bf16 to vector<32xbf16>
      %add3A_485 = arith.addf %add3A_484, %mul3A_482 : vector<32xbf16>
      %mul3A_486 = arith.mulf %exp3A_475, %add3A_485 : vector<32xbf16>
      %add3A_487 = arith.constant 5.035400e-04 : bf16
      %add3A_488 = vector.broadcast %add3A_487 : bf16 to vector<32xbf16>
      %add3A_489 = arith.addf %add3A_488, %mul3A_486 : vector<32xbf16>
      %max3A_490 = arith.constant 0.000000e+00 : bf16
      %max3A_491 = vector.broadcast %max3A_490 : bf16 to vector<32xbf16>
      %max3A_492 = arith.maximumf %pack3A_470, %max3A_491 : vector<32xbf16>
      %add3A_493 = arith.addf %max3A_492, %add3A_489 : vector<32xbf16>
      %max3A_494 = arith.constant 0.000000e+00 : bf16
      %max3A_495 = vector.broadcast %max3A_494 : bf16 to vector<32xbf16>
      %max3A_496 = arith.maximumf %neg3A_473, %max3A_495 : vector<32xbf16>
      %add3A_497 = arith.addf %max3A_496, %add3A_489 : vector<32xbf16>
      %unpack3A_498 = tpu.unpack_subelements %add3A_493, 0 {pack_format = #tpu.pack_format<interleaved>} : vector<32xbf16> -> vector<16xf32>
      %unpack3A_499 = tpu.unpack_subelements %add3A_493, 1 {pack_format = #tpu.pack_format<interleaved>} : vector<32xbf16> -> vector<16xf32>
      %unpack3A_500 = tpu.unpack_subelements %add3A_497, 0 {pack_format = #tpu.pack_format<interleaved>} : vector<32xbf16> -> vector<16xf32>
      %unpack3A_501 = tpu.unpack_subelements %add3A_497, 1 {pack_format = #tpu.pack_format<interleaved>} : vector<32xbf16> -> vector<16xf32>
      %ne3A_502 = arith.constant 1 : i32
      %ne3A_503 = vector.broadcast %ne3A_502 : i32 to vector<16xi32>
      %ne3A_504 = arith.cmpi ne, %get3A_464, %ne3A_503 : vector<16xi32>
      %gt3A_505 = arith.constant 0 : i32
      %gt3A_506 = vector.broadcast %gt3A_505 : i32 to vector<16xi32>
      %gt3A_507 = arith.cmpi sgt, %get3A_464, %gt3A_506 : vector<16xi32>
      %select_n3A_508 = arith.select %gt3A_507, %unpack3A_500, %unpack3A_498 : vector<16xi1>, vector<16xf32>
      %jit3A_509 = arith.constant 0.000000e+00 : f32
      %broadcast_in_dim3A_510 = vector.broadcast %jit3A_509 : f32 to vector<16xf32>
      %select_n3A_511 = arith.select %ne3A_504, %select_n3A_508, %broadcast_in_dim3A_510 : vector<16xi1>, vector<16xf32>
      %add3A_512 = arith.addf %scan3A_332, %select_n3A_511 : vector<16xf32>
      %all_reduce_population_count3A_513 = tpu.all_reduce %ne3A_504 {dim = 0 : i64, kind = #tpu.reduction_kind<sum>} : vector<16xi1> -> vector<16xi32>
      %add3A_514 = arith.addi %scan3A_336, %all_reduce_population_count3A_513 : vector<16xi32>
      %ne3A_515 = arith.constant 1 : i32
      %ne3A_516 = vector.broadcast %ne3A_515 : i32 to vector<16xi32>
      %ne3A_517 = arith.cmpi ne, %get3A_469, %ne3A_516 : vector<16xi32>
      %gt3A_518 = arith.constant 0 : i32
      %gt3A_519 = vector.broadcast %gt3A_518 : i32 to vector<16xi32>
      %gt3A_520 = arith.cmpi sgt, %get3A_469, %gt3A_519 : vector<16xi32>
      %select_n3A_521 = arith.select %gt3A_520, %unpack3A_501, %unpack3A_499 : vector<16xi1>, vector<16xf32>
      %jit3A_522 = arith.constant 0.000000e+00 : f32
      %broadcast_in_dim3A_523 = vector.broadcast %jit3A_522 : f32 to vector<16xf32>
      %select_n3A_524 = arith.select %ne3A_517, %select_n3A_521, %broadcast_in_dim3A_523 : vector<16xi1>, vector<16xf32>
      %add3A_525 = arith.addf %add3A_512, %select_n3A_524 : vector<16xf32>
      %all_reduce_population_count3A_526 = tpu.all_reduce %ne3A_517 {dim = 0 : i64, kind = #tpu.reduction_kind<sum>} : vector<16xi1> -> vector<16xi32>
      %add3A_527 = arith.addi %add3A_514, %all_reduce_population_count3A_526 : vector<16xi32>
      %add3A_528 = arith.constant 64 : i32
      %add3A_529 = arith.addi %multiple_of3A, %add3A_528 : i32
      %get3A_530 = arith.index_cast %select_n3A_362 : i32 to index
      %get3A_531 = arith.index_cast %add3A_529 : i32 to index
      %get3A_532 = tpu.vector_load %arg6[%get3A_530, %get3A_531] {strides = array<i32>} : memref<32x512xf32, #tpu.memory_space<vmem>>, vector<16xf32>,
      %add3A_533 = arith.constant 80 : i32
      %add3A_534 = arith.addi %multiple_of3A, %add3A_533 : i32
      %get3A_535 = arith.index_cast %select_n3A_362 : i32 to index
      %get3A_536 = arith.index_cast %add3A_534 : i32 to index
      %get3A_537 = tpu.vector_load %arg6[%get3A_535, %get3A_536] {strides = array<i32>} : memref<32x512xf32, #tpu.memory_space<vmem>>, vector<16xf32>,
      %add3A_538 = arith.constant 64 : i32
      %add3A_539 = arith.addi %multiple_of3A, %add3A_538 : i32
      %get3A_540 = arith.index_cast %select_n3A_362 : i32 to index
      %get3A_541 = arith.index_cast %add3A_539 : i32 to index
      %get3A_542 = tpu.vector_load %arg8[%get3A_540, %get3A_541] {strides = array<i32>} : memref<32x512xi32, #tpu.memory_space<vmem>>, vector<16xi32>,
      %add3A_543 = arith.constant 80 : i32
      %add3A_544 = arith.addi %multiple_of3A, %add3A_543 : i32
      %get3A_545 = arith.index_cast %select_n3A_362 : i32 to index
      %get3A_546 = arith.index_cast %add3A_544 : i32 to index
      %get3A_547 = tpu.vector_load %arg8[%get3A_545, %get3A_546] {strides = array<i32>} : memref<32x512xi32, #tpu.memory_space<vmem>>, vector<16xi32>,
      %pack3A_548 = tpu.pack_subelements %get3A_532, %get3A_537 {pack_format = #tpu.pack_format<interleaved>, positions = array<i32: 0, 1>} : vector<16xf32>, vector<16xf32> -> vector<32xbf16>
      %neg3A_549 = arith.constant 0.000000e+00 : bf16
      %neg3A_550 = vector.broadcast %neg3A_549 : bf16 to vector<32xbf16>
      %neg3A_551 = arith.subf %neg3A_550, %pack3A_548 : vector<32xbf16>
      %min3A_552 = arith.minimumf %pack3A_548, %neg3A_551 : vector<32xbf16>
      %exp3A_553 = math.exp %min3A_552 : vector<32xbf16>
      %mul3A_554 = arith.constant 1.079100e-01 : bf16
      %mul3A_555 = vector.broadcast %mul3A_554 : bf16 to vector<32xbf16>
      %mul3A_556 = arith.mulf %exp3A_553, %mul3A_555 : vector<32xbf16>
      %add3A_557 = arith.constant -3.964840e-01 : bf16
      %add3A_558 = vector.broadcast %add3A_557 : bf16 to vector<32xbf16>
      %add3A_559 = arith.addf %add3A_558, %mul3A_556 : vector<32xbf16>
      %mul3A_560 = arith.mulf %exp3A_553, %add3A_559 : vector<32xbf16>
      %add3A_561 = arith.constant 9.804680e-01 : bf16
      %add3A_562 = vector.broadcast %add3A_561 : bf16 to vector<32xbf16>
      %add3A_563 = arith.addf %add3A_562, %mul3A_560 : vector<32xbf16>
      %mul3A_564 = arith.mulf %exp3A_553, %add3A_563 : vector<32xbf16>
      %add3A_565 = arith.constant 5.035400e-04 : bf16
      %add3A_566 = vector.broadcast %add3A_565 : bf16 to vector<32xbf16>
      %add3A_567 = arith.addf %add3A_566, %mul3A_564 : vector<32xbf16>
      %max3A_568 = arith.constant 0.000000e+00 : bf16
      %max3A_569 = vector.broadcast %max3A_568 : bf16 to vector<32xbf16>
      %max3A_570 = arith.maximumf %pack3A_548, %max3A_569 : vector<32xbf16>
      %add3A_571 = arith.addf %max3A_570, %add3A_567 : vector<32xbf16>
      %max3A_572 = arith.constant 0.000000e+00 : bf16
      %max3A_573 = vector.broadcast %max3A_572 : bf16 to vector<32xbf16>
      %max3A_574 = arith.maximumf %neg3A_551, %max3A_573 : vector<32xbf16>
      %add3A_575 = arith.addf %max3A_574, %add3A_567 : vector<32xbf16>
      %unpack3A_576 = tpu.unpack_subelements %add3A_571, 0 {pack_format = #tpu.pack_format<interleaved>} : vector<32xbf16> -> vector<16xf32>
      %unpack3A_577 = tpu.unpack_subelements %add3A_571, 1 {pack_format = #tpu.pack_format<interleaved>} : vector<32xbf16> -> vector<16xf32>
      %unpack3A_578 = tpu.unpack_subelements %add3A_575, 0 {pack_format = #tpu.pack_format<interleaved>} : vector<32xbf16> -> vector<16xf32>
      %unpack3A_579 = tpu.unpack_subelements %add3A_575, 1 {pack_format = #tpu.pack_format<interleaved>} : vector<32xbf16> -> vector<16xf32>
      %ne3A_580 = arith.constant 1 : i32
      %ne3A_581 = vector.broadcast %ne3A_580 : i32 to vector<16xi32>
      %ne3A_582 = arith.cmpi ne, %get3A_542, %ne3A_581 : vector<16xi32>
      %gt3A_583 = arith.constant 0 : i32
      %gt3A_584 = vector.broadcast %gt3A_583 : i32 to vector<16xi32>
      %gt3A_585 = arith.cmpi sgt, %get3A_542, %gt3A_584 : vector<16xi32>
      %select_n3A_586 = arith.select %gt3A_585, %unpack3A_578, %unpack3A_576 : vector<16xi1>, vector<16xf32>
      %jit3A_587 = arith.constant 0.000000e+00 : f32
      %broadcast_in_dim3A_588 = vector.broadcast %jit3A_587 : f32 to vector<16xf32>
      %select_n3A_589 = arith.select %ne3A_582, %select_n3A_586, %broadcast_in_dim3A_588 : vector<16xi1>, vector<16xf32>
      %add3A_590 = arith.addf %scan3A_333, %select_n3A_589 : vector<16xf32>
      %all_reduce_population_count3A_591 = tpu.all_reduce %ne3A_582 {dim = 0 : i64, kind = #tpu.reduction_kind<sum>} : vector<16xi1> -> vector<16xi32>
      %add3A_592 = arith.addi %scan3A_337, %all_reduce_population_count3A_591 : vector<16xi32>
      %ne3A_593 = arith.constant 1 : i32
      %ne3A_594 = vector.broadcast %ne3A_593 : i32 to vector<16xi32>
      %ne3A_595 = arith.cmpi ne, %get3A_547, %ne3A_594 : vector<16xi32>
      %gt3A_596 = arith.constant 0 : i32
      %gt3A_597 = vector.broadcast %gt3A_596 : i32 to vector<16xi32>
      %gt3A_598 = arith.cmpi sgt, %get3A_547, %gt3A_597 : vector<16xi32>
      %select_n3A_599 = arith.select %gt3A_598, %unpack3A_579, %unpack3A_577 : vector<16xi1>, vector<16xf32>
      %jit3A_600 = arith.constant 0.000000e+00 : f32
      %broadcast_in_dim3A_601 = vector.broadcast %jit3A_600 : f32 to vector<16xf32>
      %select_n3A_602 = arith.select %ne3A_595, %select_n3A_599, %broadcast_in_dim3A_601 : vector<16xi1>, vector<16xf32>
      %add3A_603 = arith.addf %add3A_590, %select_n3A_602 : vector<16xf32>
      %all_reduce_population_count3A_604 = tpu.all_reduce %ne3A_595 {dim = 0 : i64, kind = #tpu.reduction_kind<sum>} : vector<16xi1> -> vector<16xi32>
      %add3A_605 = arith.addi %add3A_592, %all_reduce_population_count3A_604 : vector<16xi32>
      %add3A_606 = arith.constant 96 : i32
      %add3A_607 = arith.addi %multiple_of3A, %add3A_606 : i32
      %get3A_608 = arith.index_cast %select_n3A_362 : i32 to index
      %get3A_609 = arith.index_cast %add3A_607 : i32 to index
      %get3A_610 = tpu.vector_load %arg6[%get3A_608, %get3A_609] {strides = array<i32>} : memref<32x512xf32, #tpu.memory_space<vmem>>, vector<16xf32>,
      %add3A_611 = arith.constant 112 : i32
      %add3A_612 = arith.addi %multiple_of3A, %add3A_611 : i32
      %get3A_613 = arith.index_cast %select_n3A_362 : i32 to index
      %get3A_614 = arith.index_cast %add3A_612 : i32 to index
      %get3A_615 = tpu.vector_load %arg6[%get3A_613, %get3A_614] {strides = array<i32>} : memref<32x512xf32, #tpu.memory_space<vmem>>, vector<16xf32>,
      %add3A_616 = arith.constant 96 : i32
      %add3A_617 = arith.addi %multiple_of3A, %add3A_616 : i32
      %get3A_618 = arith.index_cast %select_n3A_362 : i32 to index
      %get3A_619 = arith.index_cast %add3A_617 : i32 to index
      %get3A_620 = tpu.vector_load %arg8[%get3A_618, %get3A_619] {strides = array<i32>} : memref<32x512xi32, #tpu.memory_space<vmem>>, vector<16xi32>,
      %add3A_621 = arith.constant 112 : i32
      %add3A_622 = arith.addi %multiple_of3A, %add3A_621 : i32
      %get3A_623 = arith.index_cast %select_n3A_362 : i32 to index
      %get3A_624 = arith.index_cast %add3A_622 : i32 to index
      %get3A_625 = tpu.vector_load %arg8[%get3A_623, %get3A_624] {strides = array<i32>} : memref<32x512xi32, #tpu.memory_space<vmem>>, vector<16xi32>,
      %pack3A_626 = tpu.pack_subelements %get3A_610, %get3A_615 {pack_format = #tpu.pack_format<interleaved>, positions = array<i32: 0, 1>} : vector<16xf32>, vector<16xf32> -> vector<32xbf16>
      %neg3A_627 = arith.constant 0.000000e+00 : bf16
      %neg3A_628 = vector.broadcast %neg3A_627 : bf16 to vector<32xbf16>
      %neg3A_629 = arith.subf %neg3A_628, %pack3A_626 : vector<32xbf16>
      %min3A_630 = arith.minimumf %pack3A_626, %neg3A_629 : vector<32xbf16>
      %exp3A_631 = math.exp %min3A_630 : vector<32xbf16>
      %mul3A_632 = arith.constant 1.079100e-01 : bf16
      %mul3A_633 = vector.broadcast %mul3A_632 : bf16 to vector<32xbf16>
      %mul3A_634 = arith.mulf %exp3A_631, %mul3A_633 : vector<32xbf16>
      %add3A_635 = arith.constant -3.964840e-01 : bf16
      %add3A_636 = vector.broadcast %add3A_635 : bf16 to vector<32xbf16>
      %add3A_637 = arith.addf %add3A_636, %mul3A_634 : vector<32xbf16>
      %mul3A_638 = arith.mulf %exp3A_631, %add3A_637 : vector<32xbf16>
      %add3A_639 = arith.constant 9.804680e-01 : bf16
      %add3A_640 = vector.broadcast %add3A_639 : bf16 to vector<32xbf16>
      %add3A_641 = arith.addf %add3A_640, %mul3A_638 : vector<32xbf16>
      %mul3A_642 = arith.mulf %exp3A_631, %add3A_641 : vector<32xbf16>
      %add3A_643 = arith.constant 5.035400e-04 : bf16
      %add3A_644 = vector.broadcast %add3A_643 : bf16 to vector<32xbf16>
      %add3A_645 = arith.addf %add3A_644, %mul3A_642 : vector<32xbf16>
      %max3A_646 = arith.constant 0.000000e+00 : bf16
      %max3A_647 = vector.broadcast %max3A_646 : bf16 to vector<32xbf16>
      %max3A_648 = arith.maximumf %pack3A_626, %max3A_647 : vector<32xbf16>
      %add3A_649 = arith.addf %max3A_648, %add3A_645 : vector<32xbf16>
      %max3A_650 = arith.constant 0.000000e+00 : bf16
      %max3A_651 = vector.broadcast %max3A_650 : bf16 to vector<32xbf16>
      %max3A_652 = arith.maximumf %neg3A_629, %max3A_651 : vector<32xbf16>
      %add3A_653 = arith.addf %max3A_652, %add3A_645 : vector<32xbf16>
      %unpack3A_654 = tpu.unpack_subelements %add3A_649, 0 {pack_format = #tpu.pack_format<interleaved>} : vector<32xbf16> -> vector<16xf32>
      %unpack3A_655 = tpu.unpack_subelements %add3A_649, 1 {pack_format = #tpu.pack_format<interleaved>} : vector<32xbf16> -> vector<16xf32>
      %unpack3A_656 = tpu.unpack_subelements %add3A_653, 0 {pack_format = #tpu.pack_format<interleaved>} : vector<32xbf16> -> vector<16xf32>
      %unpack3A_657 = tpu.unpack_subelements %add3A_653, 1 {pack_format = #tpu.pack_format<interleaved>} : vector<32xbf16> -> vector<16xf32>
      %ne3A_658 = arith.constant 1 : i32
      %ne3A_659 = vector.broadcast %ne3A_658 : i32 to vector<16xi32>
      %ne3A_660 = arith.cmpi ne, %get3A_620, %ne3A_659 : vector<16xi32>
      %gt3A_661 = arith.constant 0 : i32
      %gt3A_662 = vector.broadcast %gt3A_661 : i32 to vector<16xi32>
      %gt3A_663 = arith.cmpi sgt, %get3A_620, %gt3A_662 : vector<16xi32>
      %select_n3A_664 = arith.select %gt3A_663, %unpack3A_656, %unpack3A_654 : vector<16xi1>, vector<16xf32>
      %jit3A_665 = arith.constant 0.000000e+00 : f32
      %broadcast_in_dim3A_666 = vector.broadcast %jit3A_665 : f32 to vector<16xf32>
      %select_n3A_667 = arith.select %ne3A_660, %select_n3A_664, %broadcast_in_dim3A_666 : vector<16xi1>, vector<16xf32>
      %add3A_668 = arith.addf %scan3A_334, %select_n3A_667 : vector<16xf32>
      %all_reduce_population_count3A_669 = tpu.all_reduce %ne3A_660 {dim = 0 : i64, kind = #tpu.reduction_kind<sum>} : vector<16xi1> -> vector<16xi32>
      %add3A_670 = arith.addi %scan3A_338, %all_reduce_population_count3A_669 : vector<16xi32>
      %ne3A_671 = arith.constant 1 : i32
      %ne3A_672 = vector.broadcast %ne3A_671 : i32 to vector<16xi32>
      %ne3A_673 = arith.cmpi ne, %get3A_625, %ne3A_672 : vector<16xi32>
      %gt3A_674 = arith.constant 0 : i32
      %gt3A_675 = vector.broadcast %gt3A_674 : i32 to vector<16xi32>
      %gt3A_676 = arith.cmpi sgt, %get3A_625, %gt3A_675 : vector<16xi32>
      %select_n3A_677 = arith.select %gt3A_676, %unpack3A_657, %unpack3A_655 : vector<16xi1>, vector<16xf32>
      %jit3A_678 = arith.constant 0.000000e+00 : f32
      %broadcast_in_dim3A_679 = vector.broadcast %jit3A_678 : f32 to vector<16xf32>
      %select_n3A_680 = arith.select %ne3A_673, %select_n3A_677, %broadcast_in_dim3A_679 : vector<16xi1>, vector<16xf32>
      %add3A_681 = arith.addf %add3A_668, %select_n3A_680 : vector<16xf32>
      %all_reduce_population_count3A_682 = tpu.all_reduce %ne3A_673 {dim = 0 : i64, kind = #tpu.reduction_kind<sum>} : vector<16xi1> -> vector<16xi32>
      %add3A_683 = arith.addi %add3A_670, %all_reduce_population_count3A_682 : vector<16xi32>
      scf.yield %add3A_447, %add3A_525, %add3A_603, %add3A_681, %add3A_449, %add3A_527, %add3A_605, %add3A_683 : vector<16xf32>, vector<16xf32>, vector<16xf32>, vector<16xf32>, vector<16xi32>, vector<16xi32>, vector<16xi32>, vector<16xi32>
    }
    %scan3A_120 = arith.constant 128 : i32
    %add3A_121 = arith.constant 96 : i32
    %add3A_122 = arith.addi %mul3A_32, %add3A_121 : i32
    %dma_start3A_123 = arith.constant 0 : i32
    %dma_start3A_124 = arith.constant 0 : i32
    %dma_start3A_125 = tpu.memref_slice %arg2[%select_n3A, %dma_start3A_123, %add3A_122, %dma_start3A_124] : memref<16x1x512x512xf32, #tpu.memory_space<hbm>> -> memref<1x1x32x512xf32, #tpu.memory_space<hbm>>
    %dma_start3A_126 = tpu.memref_squeeze %dma_start3A_125 : memref<1x1x32x512xf32, #tpu.memory_space<hbm>> -> memref<32x512xf32, #tpu.memory_space<hbm>>
    %dma_start3A_127 = arith.constant 0 : i32
    %dma_start3A_128 = tpu.memref_slice %arg2[%select_n3A, %dma_start3A_123, %add3A_122, %dma_start3A_127] : memref<16x1x512x512xf32, #tpu.memory_space<hbm>> -> memref<1x1x32x512xf32, #tpu.memory_space<hbm>>
    %dma_start3A_129 = tpu.memref_squeeze %dma_start3A_128 : memref<1x1x32x512xf32, #tpu.memory_space<hbm>> -> memref<32x512xf32, #tpu.memory_space<hbm>>
    tpu.enqueue_dma source(%dma_start3A_129 : memref<32x512xf32, #tpu.memory_space<hbm>>) target(%arg6 : memref<32x512xf32, #tpu.memory_space<vmem>>) target_semaphore(%arg11 : memref<!tpu.dma_semaphore, #tpu.memory_space<semaphore_mem>>)
    %dma_start3A_130 = arith.constant 0 : i32
    %dma_start3A_131 = arith.constant 0 : i32
    %dma_start3A_132 = tpu.memref_slice %arg3[%select_n3A, %dma_start3A_130, %add3A_122, %dma_start3A_131] : memref<16x1x512x512xi32, #tpu.memory_space<hbm>> -> memref<1x1x32x512xi32, #tpu.memory_space<hbm>>
    %dma_start3A_133 = tpu.memref_squeeze %dma_start3A_132 : memref<1x1x32x512xi32, #tpu.memory_space<hbm>> -> memref<32x512xi32, #tpu.memory_space<hbm>>
    %dma_start3A_134 = arith.constant 0 : i32
    %dma_start3A_135 = tpu.memref_slice %arg3[%select_n3A, %dma_start3A_130, %add3A_122, %dma_start3A_134] : memref<16x1x512x512xi32, #tpu.memory_space<hbm>> -> memref<1x1x32x512xi32, #tpu.memory_space<hbm>>
    %dma_start3A_136 = tpu.memref_squeeze %dma_start3A_135 : memref<1x1x32x512xi32, #tpu.memory_space<hbm>> -> memref<32x512xi32, #tpu.memory_space<hbm>>
    tpu.enqueue_dma source(%dma_start3A_136 : memref<32x512xi32, #tpu.memory_space<hbm>>) target(%arg8 : memref<32x512xi32, #tpu.memory_space<vmem>>) target_semaphore(%arg13 : memref<!tpu.dma_semaphore, #tpu.memory_space<semaphore_mem>>)
    %dma_wait3A_137 = arith.constant 0 : i32
    %dma_wait3A_138 = arith.constant 0 : i32
    %dma_wait3A_139 = tpu.memref_slice %arg2[%select_n3A, %dma_wait3A_137, %add3A_86, %dma_wait3A_138] : memref<16x1x512x512xf32, #tpu.memory_space<hbm>> -> memref<1x1x32x512xf32, #tpu.memory_space<hbm>>
    %dma_wait3A_140 = tpu.memref_squeeze %dma_wait3A_139 : memref<1x1x32x512xf32, #tpu.memory_space<hbm>> -> memref<32x512xf32, #tpu.memory_space<hbm>>
    %dma_wait3A_141 = arith.constant 0 : i32
    %dma_wait3A_142 = tpu.memref_slice %arg2[%select_n3A, %dma_wait3A_137, %add3A_86, %dma_wait3A_141] : memref<16x1x512x512xf32, #tpu.memory_space<hbm>> -> memref<1x1x32x512xf32, #tpu.memory_space<hbm>>
    %dma_wait3A_143 = tpu.memref_squeeze %dma_wait3A_142 : memref<1x1x32x512xf32, #tpu.memory_space<hbm>> -> memref<32x512xf32, #tpu.memory_space<hbm>>
    tpu.wait_dma2 semaphore(%arg10 : memref<!tpu.dma_semaphore, #tpu.memory_space<semaphore_mem>>) src(%dma_wait3A_143 : memref<32x512xf32, #tpu.memory_space<hbm>>) dst(%arg5 : memref<32x512xf32, #tpu.memory_space<vmem>>)
    %dma_wait3A_144 = arith.constant 0 : i32
    %dma_wait3A_145 = arith.constant 0 : i32
    %dma_wait3A_146 = tpu.memref_slice %arg3[%select_n3A, %dma_wait3A_144, %add3A_86, %dma_wait3A_145] : memref<16x1x512x512xi32, #tpu.memory_space<hbm>> -> memref<1x1x32x512xi32, #tpu.memory_space<hbm>>
    %dma_wait3A_147 = tpu.memref_squeeze %dma_wait3A_146 : memref<1x1x32x512xi32, #tpu.memory_space<hbm>> -> memref<32x512xi32, #tpu.memory_space<hbm>>
    %dma_wait3A_148 = arith.constant 0 : i32
    %dma_wait3A_149 = tpu.memref_slice %arg3[%select_n3A, %dma_wait3A_144, %add3A_86, %dma_wait3A_148] : memref<16x1x512x512xi32, #tpu.memory_space<hbm>> -> memref<1x1x32x512xi32, #tpu.memory_space<hbm>>
    %dma_wait3A_150 = tpu.memref_squeeze %dma_wait3A_149 : memref<1x1x32x512xi32, #tpu.memory_space<hbm>> -> memref<32x512xi32, #tpu.memory_space<hbm>>
    tpu.wait_dma2 semaphore(%arg12 : memref<!tpu.dma_semaphore, #tpu.memory_space<semaphore_mem>>) src(%dma_wait3A_150 : memref<32x512xi32, #tpu.memory_space<hbm>>) dst(%arg7 : memref<32x512xi32, #tpu.memory_space<vmem>>)
    %scan3A_151 = arith.constant 0 : i32
    %scan3A_152 = arith.constant 128 : i32
    %scan3A_153 = arith.addi %scan3A_151, %scan3A_152 : i32
    %scan3A_154 = arith.constant 1 : i32
    %scan3A_155:8 = scf.for %scan3A_330 = %scan3A_151 to %scan3A_153 step %scan3A_154 iter_args(%scan3A_331 = %scan3A_119#0, %scan3A_332 = %scan3A_119#1, %scan3A_333 = %scan3A_119#2, %scan3A_334 = %scan3A_119#3, %scan3A_335 = %scan3A_119#4, %scan3A_336 = %scan3A_119#5, %scan3A_337 = %scan3A_119#6, %scan3A_338 = %scan3A_119#7) -> (vector<16xf32>, vector<16xf32>, vector<16xf32>, vector<16xf32>, vector<16xi32>, vector<16xi32>, vector<16xi32>, vector<16xi32>)  : i32 {
      %jit3A_339 = arith.constant 4 : i32
      %div3A_340 = arith.divsi %scan3A_330, %jit3A_339 : i32
      %sign3A_341 = arith.constant 0 : i32
      %sign3A_342 = arith.cmpi sgt, %scan3A_330, %sign3A_341 : i32
      %sign3A_343 = arith.extui %sign3A_342 : i1 to i32
      %sign3A_344 = arith.constant 0 : i32
      %sign3A_345 = arith.cmpi slt, %scan3A_330, %sign3A_344 : i32
      %sign3A_346 = arith.extui %sign3A_345 : i1 to i32
      %sign3A_347 = arith.subi %sign3A_343, %sign3A_346 : i32
      %sign3A_348 = arith.constant 0 : i32
      %sign3A_349 = arith.cmpi sgt, %jit3A_339, %sign3A_348 : i32
      %sign3A_350 = arith.extui %sign3A_349 : i1 to i32
      %sign3A_351 = arith.constant 0 : i32
      %sign3A_352 = arith.cmpi slt, %jit3A_339, %sign3A_351 : i32
      %sign3A_353 = arith.extui %sign3A_352 : i1 to i32
      %sign3A_354 = arith.subi %sign3A_350, %sign3A_353 : i32
      %ne3A_355 = arith.cmpi ne, %sign3A_347, %sign3A_354 : i32
      %rem3A_356 = arith.remsi %scan3A_330, %jit3A_339 : i32
      %ne3A_357 = arith.constant 0 : i32
      %ne3A_358 = arith.cmpi ne, %rem3A_356, %ne3A_357 : i32
      %and3A_359 = arith.andi %ne3A_355, %ne3A_358 : i1
      %sub3A_360 = arith.constant 1 : i32
      %sub3A_361 = arith.subi %div3A_340, %sub3A_360 : i32
      %select_n3A_362 = arith.select %and3A_359, %sub3A_361, %div3A_340 : i32
      %jit3A_363 = arith.constant 4 : i32
      %eq3A_364 = arith.constant 0 : i32
      %eq3A_365 = arith.cmpi eq, %jit3A_363, %eq3A_364 : i32
      %jit3A_366 = arith.constant 1 : i32
      %select_n3A_367 = arith.select %eq3A_365, %jit3A_366, %jit3A_363 : i32
      %rem3A_368 = arith.remsi %scan3A_330, %select_n3A_367 : i32
      %ne3A_369 = arith.constant 0 : i32
      %ne3A_370 = arith.cmpi ne, %rem3A_368, %ne3A_369 : i32
      %lt3A_371 = arith.constant 0 : i32
      %lt3A_372 = arith.cmpi slt, %rem3A_368, %lt3A_371 : i32
      %lt3A_373 = arith.constant 0 : i32
      %lt3A_374 = arith.cmpi slt, %select_n3A_367, %lt3A_373 : i32
      %ne3A_375 = arith.xori %lt3A_372, %lt3A_374 : i1
      %and3A_376 = arith.andi %ne3A_375, %ne3A_370 : i1
      %add3A_377 = arith.addi %rem3A_368, %select_n3A_367 : i32
      %select_n3A_378 = arith.select %and3A_376, %add3A_377, %rem3A_368 : i32
      %mul3A_379 = arith.constant 128 : i32
      %mul3A_380 = arith.muli %select_n3A_378, %mul3A_379 : i32
      %multiple_of3A = tpu.assume_multiple %mul3A_380, 128 : i32
      %add3A_381 = arith.constant 0 : i32
      %add3A_382 = arith.addi %multiple_of3A, %add3A_381 : i32
      %get3A = arith.index_cast %select_n3A_362 : i32 to index
      %get3A_383 = arith.index_cast %add3A_382 : i32 to index
      %get3A_384 = tpu.vector_load %arg5[%get3A, %get3A_383] {strides = array<i32>} : memref<32x512xf32, #tpu.memory_space<vmem>>, vector<16xf32>,
      %add3A_385 = arith.constant 16 : i32
      %add3A_386 = arith.addi %multiple_of3A, %add3A_385 : i32
      %get3A_387 = arith.index_cast %select_n3A_362 : i32 to index
      %get3A_388 = arith.index_cast %add3A_386 : i32 to index
      %get3A_389 = tpu.vector_load %arg5[%get3A_387, %get3A_388] {strides = array<i32>} : memref<32x512xf32, #tpu.memory_space<vmem>>, vector<16xf32>,
      %add3A_390 = arith.constant 0 : i32
      %add3A_391 = arith.addi %multiple_of3A, %add3A_390 : i32
      %get3A_392 = arith.index_cast %select_n3A_362 : i32 to index
      %get3A_393 = arith.index_cast %add3A_391 : i32 to index
      %get3A_394 = tpu.vector_load %arg7[%get3A_392, %get3A_393] {strides = array<i32>} : memref<32x512xi32, #tpu.memory_space<vmem>>, vector<16xi32>,
      %add3A_395 = arith.constant 16 : i32
      %add3A_396 = arith.addi %multiple_of3A, %add3A_395 : i32
      %get3A_397 = arith.index_cast %select_n3A_362 : i32 to index
      %get3A_398 = arith.index_cast %add3A_396 : i32 to index
      %get3A_399 = tpu.vector_load %arg7[%get3A_397, %get3A_398] {strides = array<i32>} : memref<32x512xi32, #tpu.memory_space<vmem>>, vector<16xi32>,
      %pack3A = tpu.pack_subelements %get3A_384, %get3A_389 {pack_format = #tpu.pack_format<interleaved>, positions = array<i32: 0, 1>} : vector<16xf32>, vector<16xf32> -> vector<32xbf16>
      %neg3A = arith.constant 0.000000e+00 : bf16
      %neg3A_400 = vector.broadcast %neg3A : bf16 to vector<32xbf16>
      %neg3A_401 = arith.subf %neg3A_400, %pack3A : vector<32xbf16>
      %min3A = arith.minimumf %pack3A, %neg3A_401 : vector<32xbf16>
      %exp3A = math.exp %min3A : vector<32xbf16>
      %mul3A_402 = arith.constant 1.079100e-01 : bf16
      %mul3A_403 = vector.broadcast %mul3A_402 : bf16 to vector<32xbf16>
      %mul3A_404 = arith.mulf %exp3A, %mul3A_403 : vector<32xbf16>
      %add3A_405 = arith.constant -3.964840e-01 : bf16
      %add3A_406 = vector.broadcast %add3A_405 : bf16 to vector<32xbf16>
      %add3A_407 = arith.addf %add3A_406, %mul3A_404 : vector<32xbf16>
      %mul3A_408 = arith.mulf %exp3A, %add3A_407 : vector<32xbf16>
      %add3A_409 = arith.constant 9.804680e-01 : bf16
      %add3A_410 = vector.broadcast %add3A_409 : bf16 to vector<32xbf16>
      %add3A_411 = arith.addf %add3A_410, %mul3A_408 : vector<32xbf16>
      %mul3A_412 = arith.mulf %exp3A, %add3A_411 : vector<32xbf16>
      %add3A_413 = arith.constant 5.035400e-04 : bf16
      %add3A_414 = vector.broadcast %add3A_413 : bf16 to vector<32xbf16>
      %add3A_415 = arith.addf %add3A_414, %mul3A_412 : vector<32xbf16>
      %max3A = arith.constant 0.000000e+00 : bf16
      %max3A_416 = vector.broadcast %max3A : bf16 to vector<32xbf16>
      %max3A_417 = arith.maximumf %pack3A, %max3A_416 : vector<32xbf16>
      %add3A_418 = arith.addf %max3A_417, %add3A_415 : vector<32xbf16>
      %max3A_419 = arith.constant 0.000000e+00 : bf16
      %max3A_420 = vector.broadcast %max3A_419 : bf16 to vector<32xbf16>
      %max3A_421 = arith.maximumf %neg3A_401, %max3A_420 : vector<32xbf16>
      %add3A_422 = arith.addf %max3A_421, %add3A_415 : vector<32xbf16>
      %unpack3A = tpu.unpack_subelements %add3A_418, 0 {pack_format = #tpu.pack_format<interleaved>} : vector<32xbf16> -> vector<16xf32>
      %unpack3A_423 = tpu.unpack_subelements %add3A_418, 1 {pack_format = #tpu.pack_format<interleaved>} : vector<32xbf16> -> vector<16xf32>
      %unpack3A_424 = tpu.unpack_subelements %add3A_422, 0 {pack_format = #tpu.pack_format<interleaved>} : vector<32xbf16> -> vector<16xf32>
      %unpack3A_425 = tpu.unpack_subelements %add3A_422, 1 {pack_format = #tpu.pack_format<interleaved>} : vector<32xbf16> -> vector<16xf32>
      %ne3A_426 = arith.constant 1 : i32
      %ne3A_427 = vector.broadcast %ne3A_426 : i32 to vector<16xi32>
      %ne3A_428 = arith.cmpi ne, %get3A_394, %ne3A_427 : vector<16xi32>
      %gt3A = arith.constant 0 : i32
      %gt3A_429 = vector.broadcast %gt3A : i32 to vector<16xi32>
      %gt3A_430 = arith.cmpi sgt, %get3A_394, %gt3A_429 : vector<16xi32>
      %select_n3A_431 = arith.select %gt3A_430, %unpack3A_424, %unpack3A : vector<16xi1>, vector<16xf32>
      %jit3A_432 = arith.constant 0.000000e+00 : f32
      %broadcast_in_dim3A_433 = vector.broadcast %jit3A_432 : f32 to vector<16xf32>
      %select_n3A_434 = arith.select %ne3A_428, %select_n3A_431, %broadcast_in_dim3A_433 : vector<16xi1>, vector<16xf32>
      %add3A_435 = arith.addf %scan3A_331, %select_n3A_434 : vector<16xf32>
      %all_reduce_population_count3A = tpu.all_reduce %ne3A_428 {dim = 0 : i64, kind = #tpu.reduction_kind<sum>} : vector<16xi1> -> vector<16xi32>
      %add3A_436 = arith.addi %scan3A_335, %all_reduce_population_count3A : vector<16xi32>
      %ne3A_437 = arith.constant 1 : i32
      %ne3A_438 = vector.broadcast %ne3A_437 : i32 to vector<16xi32>
      %ne3A_439 = arith.cmpi ne, %get3A_399, %ne3A_438 : vector<16xi32>
      %gt3A_440 = arith.constant 0 : i32
      %gt3A_441 = vector.broadcast %gt3A_440 : i32 to vector<16xi32>
      %gt3A_442 = arith.cmpi sgt, %get3A_399, %gt3A_441 : vector<16xi32>
      %select_n3A_443 = arith.select %gt3A_442, %unpack3A_425, %unpack3A_423 : vector<16xi1>, vector<16xf32>
      %jit3A_444 = arith.constant 0.000000e+00 : f32
      %broadcast_in_dim3A_445 = vector.broadcast %jit3A_444 : f32 to vector<16xf32>
      %select_n3A_446 = arith.select %ne3A_439, %select_n3A_443, %broadcast_in_dim3A_445 : vector<16xi1>, vector<16xf32>
      %add3A_447 = arith.addf %add3A_435, %select_n3A_446 : vector<16xf32>
      %all_reduce_population_count3A_448 = tpu.all_reduce %ne3A_439 {dim = 0 : i64, kind = #tpu.reduction_kind<sum>} : vector<16xi1> -> vector<16xi32>
      %add3A_449 = arith.addi %add3A_436, %all_reduce_population_count3A_448 : vector<16xi32>
      %add3A_450 = arith.constant 32 : i32
      %add3A_451 = arith.addi %multiple_of3A, %add3A_450 : i32
      %get3A_452 = arith.index_cast %select_n3A_362 : i32 to index
      %get3A_453 = arith.index_cast %add3A_451 : i32 to index
      %get3A_454 = tpu.vector_load %arg5[%get3A_452, %get3A_453] {strides = array<i32>} : memref<32x512xf32, #tpu.memory_space<vmem>>, vector<16xf32>,
      %add3A_455 = arith.constant 48 : i32
      %add3A_456 = arith.addi %multiple_of3A, %add3A_455 : i32
      %get3A_457 = arith.index_cast %select_n3A_362 : i32 to index
      %get3A_458 = arith.index_cast %add3A_456 : i32 to index
      %get3A_459 = tpu.vector_load %arg5[%get3A_457, %get3A_458] {strides = array<i32>} : memref<32x512xf32, #tpu.memory_space<vmem>>, vector<16xf32>,
      %add3A_460 = arith.constant 32 : i32
      %add3A_461 = arith.addi %multiple_of3A, %add3A_460 : i32
      %get3A_462 = arith.index_cast %select_n3A_362 : i32 to index
      %get3A_463 = arith.index_cast %add3A_461 : i32 to index
      %get3A_464 = tpu.vector_load %arg7[%get3A_462, %get3A_463] {strides = array<i32>} : memref<32x512xi32, #tpu.memory_space<vmem>>, vector<16xi32>,
      %add3A_465 = arith.constant 48 : i32
      %add3A_466 = arith.addi %multiple_of3A, %add3A_465 : i32
      %get3A_467 = arith.index_cast %select_n3A_362 : i32 to index
      %get3A_468 = arith.index_cast %add3A_466 : i32 to index
      %get3A_469 = tpu.vector_load %arg7[%get3A_467, %get3A_468] {strides = array<i32>} : memref<32x512xi32, #tpu.memory_space<vmem>>, vector<16xi32>,
      %pack3A_470 = tpu.pack_subelements %get3A_454, %get3A_459 {pack_format = #tpu.pack_format<interleaved>, positions = array<i32: 0, 1>} : vector<16xf32>, vector<16xf32> -> vector<32xbf16>
      %neg3A_471 = arith.constant 0.000000e+00 : bf16
      %neg3A_472 = vector.broadcast %neg3A_471 : bf16 to vector<32xbf16>
      %neg3A_473 = arith.subf %neg3A_472, %pack3A_470 : vector<32xbf16>
      %min3A_474 = arith.minimumf %pack3A_470, %neg3A_473 : vector<32xbf16>
      %exp3A_475 = math.exp %min3A_474 : vector<32xbf16>
      %mul3A_476 = arith.constant 1.079100e-01 : bf16
      %mul3A_477 = vector.broadcast %mul3A_476 : bf16 to vector<32xbf16>
      %mul3A_478 = arith.mulf %exp3A_475, %mul3A_477 : vector<32xbf16>
      %add3A_479 = arith.constant -3.964840e-01 : bf16
      %add3A_480 = vector.broadcast %add3A_479 : bf16 to vector<32xbf16>
      %add3A_481 = arith.addf %add3A_480, %mul3A_478 : vector<32xbf16>
      %mul3A_482 = arith.mulf %exp3A_475, %add3A_481 : vector<32xbf16>
      %add3A_483 = arith.constant 9.804680e-01 : bf16
      %add3A_484 = vector.broadcast %add3A_483 : bf16 to vector<32xbf16>
      %add3A_485 = arith.addf %add3A_484, %mul3A_482 : vector<32xbf16>
      %mul3A_486 = arith.mulf %exp3A_475, %add3A_485 : vector<32xbf16>
      %add3A_487 = arith.constant 5.035400e-04 : bf16
      %add3A_488 = vector.broadcast %add3A_487 : bf16 to vector<32xbf16>
      %add3A_489 = arith.addf %add3A_488, %mul3A_486 : vector<32xbf16>
      %max3A_490 = arith.constant 0.000000e+00 : bf16
      %max3A_491 = vector.broadcast %max3A_490 : bf16 to vector<32xbf16>
      %max3A_492 = arith.maximumf %pack3A_470, %max3A_491 : vector<32xbf16>
      %add3A_493 = arith.addf %max3A_492, %add3A_489 : vector<32xbf16>
      %max3A_494 = arith.constant 0.000000e+00 : bf16
      %max3A_495 = vector.broadcast %max3A_494 : bf16 to vector<32xbf16>
      %max3A_496 = arith.maximumf %neg3A_473, %max3A_495 : vector<32xbf16>
      %add3A_497 = arith.addf %max3A_496, %add3A_489 : vector<32xbf16>
      %unpack3A_498 = tpu.unpack_subelements %add3A_493, 0 {pack_format = #tpu.pack_format<interleaved>} : vector<32xbf16> -> vector<16xf32>
      %unpack3A_499 = tpu.unpack_subelements %add3A_493, 1 {pack_format = #tpu.pack_format<interleaved>} : vector<32xbf16> -> vector<16xf32>
      %unpack3A_500 = tpu.unpack_subelements %add3A_497, 0 {pack_format = #tpu.pack_format<interleaved>} : vector<32xbf16> -> vector<16xf32>
      %unpack3A_501 = tpu.unpack_subelements %add3A_497, 1 {pack_format = #tpu.pack_format<interleaved>} : vector<32xbf16> -> vector<16xf32>
      %ne3A_502 = arith.constant 1 : i32
      %ne3A_503 = vector.broadcast %ne3A_502 : i32 to vector<16xi32>
      %ne3A_504 = arith.cmpi ne, %get3A_464, %ne3A_503 : vector<16xi32>
      %gt3A_505 = arith.constant 0 : i32
      %gt3A_506 = vector.broadcast %gt3A_505 : i32 to vector<16xi32>
      %gt3A_507 = arith.cmpi sgt, %get3A_464, %gt3A_506 : vector<16xi32>
      %select_n3A_508 = arith.select %gt3A_507, %unpack3A_500, %unpack3A_498 : vector<16xi1>, vector<16xf32>
      %jit3A_509 = arith.constant 0.000000e+00 : f32
      %broadcast_in_dim3A_510 = vector.broadcast %jit3A_509 : f32 to vector<16xf32>
      %select_n3A_511 = arith.select %ne3A_504, %select_n3A_508, %broadcast_in_dim3A_510 : vector<16xi1>, vector<16xf32>
      %add3A_512 = arith.addf %scan3A_332, %select_n3A_511 : vector<16xf32>
      %all_reduce_population_count3A_513 = tpu.all_reduce %ne3A_504 {dim = 0 : i64, kind = #tpu.reduction_kind<sum>} : vector<16xi1> -> vector<16xi32>
      %add3A_514 = arith.addi %scan3A_336, %all_reduce_population_count3A_513 : vector<16xi32>
      %ne3A_515 = arith.constant 1 : i32
      %ne3A_516 = vector.broadcast %ne3A_515 : i32 to vector<16xi32>
      %ne3A_517 = arith.cmpi ne, %get3A_469, %ne3A_516 : vector<16xi32>
      %gt3A_518 = arith.constant 0 : i32
      %gt3A_519 = vector.broadcast %gt3A_518 : i32 to vector<16xi32>
      %gt3A_520 = arith.cmpi sgt, %get3A_469, %gt3A_519 : vector<16xi32>
      %select_n3A_521 = arith.select %gt3A_520, %unpack3A_501, %unpack3A_499 : vector<16xi1>, vector<16xf32>
      %jit3A_522 = arith.constant 0.000000e+00 : f32
      %broadcast_in_dim3A_523 = vector.broadcast %jit3A_522 : f32 to vector<16xf32>
      %select_n3A_524 = arith.select %ne3A_517, %select_n3A_521, %broadcast_in_dim3A_523 : vector<16xi1>, vector<16xf32>
      %add3A_525 = arith.addf %add3A_512, %select_n3A_524 : vector<16xf32>
      %all_reduce_population_count3A_526 = tpu.all_reduce %ne3A_517 {dim = 0 : i64, kind = #tpu.reduction_kind<sum>} : vector<16xi1> -> vector<16xi32>
      %add3A_527 = arith.addi %add3A_514, %all_reduce_population_count3A_526 : vector<16xi32>
      %add3A_528 = arith.constant 64 : i32
      %add3A_529 = arith.addi %multiple_of3A, %add3A_528 : i32
      %get3A_530 = arith.index_cast %select_n3A_362 : i32 to index
      %get3A_531 = arith.index_cast %add3A_529 : i32 to index
      %get3A_532 = tpu.vector_load %arg5[%get3A_530, %get3A_531] {strides = array<i32>} : memref<32x512xf32, #tpu.memory_space<vmem>>, vector<16xf32>,
      %add3A_533 = arith.constant 80 : i32
      %add3A_534 = arith.addi %multiple_of3A, %add3A_533 : i32
      %get3A_535 = arith.index_cast %select_n3A_362 : i32 to index
      %get3A_536 = arith.index_cast %add3A_534 : i32 to index
      %get3A_537 = tpu.vector_load %arg5[%get3A_535, %get3A_536] {strides = array<i32>} : memref<32x512xf32, #tpu.memory_space<vmem>>, vector<16xf32>,
      %add3A_538 = arith.constant 64 : i32
      %add3A_539 = arith.addi %multiple_of3A, %add3A_538 : i32
      %get3A_540 = arith.index_cast %select_n3A_362 : i32 to index
      %get3A_541 = arith.index_cast %add3A_539 : i32 to index
      %get3A_542 = tpu.vector_load %arg7[%get3A_540, %get3A_541] {strides = array<i32>} : memref<32x512xi32, #tpu.memory_space<vmem>>, vector<16xi32>,
      %add3A_543 = arith.constant 80 : i32
      %add3A_544 = arith.addi %multiple_of3A, %add3A_543 : i32
      %get3A_545 = arith.index_cast %select_n3A_362 : i32 to index
      %get3A_546 = arith.index_cast %add3A_544 : i32 to index
      %get3A_547 = tpu.vector_load %arg7[%get3A_545, %get3A_546] {strides = array<i32>} : memref<32x512xi32, #tpu.memory_space<vmem>>, vector<16xi32>,
      %pack3A_548 = tpu.pack_subelements %get3A_532, %get3A_537 {pack_format = #tpu.pack_format<interleaved>, positions = array<i32: 0, 1>} : vector<16xf32>, vector<16xf32> -> vector<32xbf16>
      %neg3A_549 = arith.constant 0.000000e+00 : bf16
      %neg3A_550 = vector.broadcast %neg3A_549 : bf16 to vector<32xbf16>
      %neg3A_551 = arith.subf %neg3A_550, %pack3A_548 : vector<32xbf16>
      %min3A_552 = arith.minimumf %pack3A_548, %neg3A_551 : vector<32xbf16>
      %exp3A_553 = math.exp %min3A_552 : vector<32xbf16>
      %mul3A_554 = arith.constant 1.079100e-01 : bf16
      %mul3A_555 = vector.broadcast %mul3A_554 : bf16 to vector<32xbf16>
      %mul3A_556 = arith.mulf %exp3A_553, %mul3A_555 : vector<32xbf16>
      %add3A_557 = arith.constant -3.964840e-01 : bf16
      %add3A_558 = vector.broadcast %add3A_557 : bf16 to vector<32xbf16>
      %add3A_559 = arith.addf %add3A_558, %mul3A_556 : vector<32xbf16>
      %mul3A_560 = arith.mulf %exp3A_553, %add3A_559 : vector<32xbf16>
      %add3A_561 = arith.constant 9.804680e-01 : bf16
      %add3A_562 = vector.broadcast %add3A_561 : bf16 to vector<32xbf16>
      %add3A_563 = arith.addf %add3A_562, %mul3A_560 : vector<32xbf16>
      %mul3A_564 = arith.mulf %exp3A_553, %add3A_563 : vector<32xbf16>
      %add3A_565 = arith.constant 5.035400e-04 : bf16
      %add3A_566 = vector.broadcast %add3A_565 : bf16 to vector<32xbf16>
      %add3A_567 = arith.addf %add3A_566, %mul3A_564 : vector<32xbf16>
      %max3A_568 = arith.constant 0.000000e+00 : bf16
      %max3A_569 = vector.broadcast %max3A_568 : bf16 to vector<32xbf16>
      %max3A_570 = arith.maximumf %pack3A_548, %max3A_569 : vector<32xbf16>
      %add3A_571 = arith.addf %max3A_570, %add3A_567 : vector<32xbf16>
      %max3A_572 = arith.constant 0.000000e+00 : bf16
      %max3A_573 = vector.broadcast %max3A_572 : bf16 to vector<32xbf16>
      %max3A_574 = arith.maximumf %neg3A_551, %max3A_573 : vector<32xbf16>
      %add3A_575 = arith.addf %max3A_574, %add3A_567 : vector<32xbf16>
      %unpack3A_576 = tpu.unpack_subelements %add3A_571, 0 {pack_format = #tpu.pack_format<interleaved>} : vector<32xbf16> -> vector<16xf32>
      %unpack3A_577 = tpu.unpack_subelements %add3A_571, 1 {pack_format = #tpu.pack_format<interleaved>} : vector<32xbf16> -> vector<16xf32>
      %unpack3A_578 = tpu.unpack_subelements %add3A_575, 0 {pack_format = #tpu.pack_format<interleaved>} : vector<32xbf16> -> vector<16xf32>
      %unpack3A_579 = tpu.unpack_subelements %add3A_575, 1 {pack_format = #tpu.pack_format<interleaved>} : vector<32xbf16> -> vector<16xf32>
      %ne3A_580 = arith.constant 1 : i32
      %ne3A_581 = vector.broadcast %ne3A_580 : i32 to vector<16xi32>
      %ne3A_582 = arith.cmpi ne, %get3A_542, %ne3A_581 : vector<16xi32>
      %gt3A_583 = arith.constant 0 : i32
      %gt3A_584 = vector.broadcast %gt3A_583 : i32 to vector<16xi32>
      %gt3A_585 = arith.cmpi sgt, %get3A_542, %gt3A_584 : vector<16xi32>
      %select_n3A_586 = arith.select %gt3A_585, %unpack3A_578, %unpack3A_576 : vector<16xi1>, vector<16xf32>
      %jit3A_587 = arith.constant 0.000000e+00 : f32
      %broadcast_in_dim3A_588 = vector.broadcast %jit3A_587 : f32 to vector<16xf32>
      %select_n3A_589 = arith.select %ne3A_582, %select_n3A_586, %broadcast_in_dim3A_588 : vector<16xi1>, vector<16xf32>
      %add3A_590 = arith.addf %scan3A_333, %select_n3A_589 : vector<16xf32>
      %all_reduce_population_count3A_591 = tpu.all_reduce %ne3A_582 {dim = 0 : i64, kind = #tpu.reduction_kind<sum>} : vector<16xi1> -> vector<16xi32>
      %add3A_592 = arith.addi %scan3A_337, %all_reduce_population_count3A_591 : vector<16xi32>
      %ne3A_593 = arith.constant 1 : i32
      %ne3A_594 = vector.broadcast %ne3A_593 : i32 to vector<16xi32>
      %ne3A_595 = arith.cmpi ne, %get3A_547, %ne3A_594 : vector<16xi32>
      %gt3A_596 = arith.constant 0 : i32
      %gt3A_597 = vector.broadcast %gt3A_596 : i32 to vector<16xi32>
      %gt3A_598 = arith.cmpi sgt, %get3A_547, %gt3A_597 : vector<16xi32>
      %select_n3A_599 = arith.select %gt3A_598, %unpack3A_579, %unpack3A_577 : vector<16xi1>, vector<16xf32>
      %jit3A_600 = arith.constant 0.000000e+00 : f32
      %broadcast_in_dim3A_601 = vector.broadcast %jit3A_600 : f32 to vector<16xf32>
      %select_n3A_602 = arith.select %ne3A_595, %select_n3A_599, %broadcast_in_dim3A_601 : vector<16xi1>, vector<16xf32>
      %add3A_603 = arith.addf %add3A_590, %select_n3A_602 : vector<16xf32>
      %all_reduce_population_count3A_604 = tpu.all_reduce %ne3A_595 {dim = 0 : i64, kind = #tpu.reduction_kind<sum>} : vector<16xi1> -> vector<16xi32>
      %add3A_605 = arith.addi %add3A_592, %all_reduce_population_count3A_604 : vector<16xi32>
      %add3A_606 = arith.constant 96 : i32
      %add3A_607 = arith.addi %multiple_of3A, %add3A_606 : i32
      %get3A_608 = arith.index_cast %select_n3A_362 : i32 to index
      %get3A_609 = arith.index_cast %add3A_607 : i32 to index
      %get3A_610 = tpu.vector_load %arg5[%get3A_608, %get3A_609] {strides = array<i32>} : memref<32x512xf32, #tpu.memory_space<vmem>>, vector<16xf32>,
      %add3A_611 = arith.constant 112 : i32
      %add3A_612 = arith.addi %multiple_of3A, %add3A_611 : i32
      %get3A_613 = arith.index_cast %select_n3A_362 : i32 to index
      %get3A_614 = arith.index_cast %add3A_612 : i32 to index
      %get3A_615 = tpu.vector_load %arg5[%get3A_613, %get3A_614] {strides = array<i32>} : memref<32x512xf32, #tpu.memory_space<vmem>>, vector<16xf32>,
      %add3A_616 = arith.constant 96 : i32
      %add3A_617 = arith.addi %multiple_of3A, %add3A_616 : i32
      %get3A_618 = arith.index_cast %select_n3A_362 : i32 to index
      %get3A_619 = arith.index_cast %add3A_617 : i32 to index
      %get3A_620 = tpu.vector_load %arg7[%get3A_618, %get3A_619] {strides = array<i32>} : memref<32x512xi32, #tpu.memory_space<vmem>>, vector<16xi32>,
      %add3A_621 = arith.constant 112 : i32
      %add3A_622 = arith.addi %multiple_of3A, %add3A_621 : i32
      %get3A_623 = arith.index_cast %select_n3A_362 : i32 to index
      %get3A_624 = arith.index_cast %add3A_622 : i32 to index
      %get3A_625 = tpu.vector_load %arg7[%get3A_623, %get3A_624] {strides = array<i32>} : memref<32x512xi32, #tpu.memory_space<vmem>>, vector<16xi32>,
      %pack3A_626 = tpu.pack_subelements %get3A_610, %get3A_615 {pack_format = #tpu.pack_format<interleaved>, positions = array<i32: 0, 1>} : vector<16xf32>, vector<16xf32> -> vector<32xbf16>
      %neg3A_627 = arith.constant 0.000000e+00 : bf16
      %neg3A_628 = vector.broadcast %neg3A_627 : bf16 to vector<32xbf16>
      %neg3A_629 = arith.subf %neg3A_628, %pack3A_626 : vector<32xbf16>
      %min3A_630 = arith.minimumf %pack3A_626, %neg3A_629 : vector<32xbf16>
      %exp3A_631 = math.exp %min3A_630 : vector<32xbf16>
      %mul3A_632 = arith.constant 1.079100e-01 : bf16
      %mul3A_633 = vector.broadcast %mul3A_632 : bf16 to vector<32xbf16>
      %mul3A_634 = arith.mulf %exp3A_631, %mul3A_633 : vector<32xbf16>
      %add3A_635 = arith.constant -3.964840e-01 : bf16
      %add3A_636 = vector.broadcast %add3A_635 : bf16 to vector<32xbf16>
      %add3A_637 = arith.addf %add3A_636, %mul3A_634 : vector<32xbf16>
      %mul3A_638 = arith.mulf %exp3A_631, %add3A_637 : vector<32xbf16>
      %add3A_639 = arith.constant 9.804680e-01 : bf16
      %add3A_640 = vector.broadcast %add3A_639 : bf16 to vector<32xbf16>
      %add3A_641 = arith.addf %add3A_640, %mul3A_638 : vector<32xbf16>
      %mul3A_642 = arith.mulf %exp3A_631, %add3A_641 : vector<32xbf16>
      %add3A_643 = arith.constant 5.035400e-04 : bf16
      %add3A_644 = vector.broadcast %add3A_643 : bf16 to vector<32xbf16>
      %add3A_645 = arith.addf %add3A_644, %mul3A_642 : vector<32xbf16>
      %max3A_646 = arith.constant 0.000000e+00 : bf16
      %max3A_647 = vector.broadcast %max3A_646 : bf16 to vector<32xbf16>
      %max3A_648 = arith.maximumf %pack3A_626, %max3A_647 : vector<32xbf16>
      %add3A_649 = arith.addf %max3A_648, %add3A_645 : vector<32xbf16>
      %max3A_650 = arith.constant 0.000000e+00 : bf16
      %max3A_651 = vector.broadcast %max3A_650 : bf16 to vector<32xbf16>
      %max3A_652 = arith.maximumf %neg3A_629, %max3A_651 : vector<32xbf16>
      %add3A_653 = arith.addf %max3A_652, %add3A_645 : vector<32xbf16>
      %unpack3A_654 = tpu.unpack_subelements %add3A_649, 0 {pack_format = #tpu.pack_format<interleaved>} : vector<32xbf16> -> vector<16xf32>
      %unpack3A_655 = tpu.unpack_subelements %add3A_649, 1 {pack_format = #tpu.pack_format<interleaved>} : vector<32xbf16> -> vector<16xf32>
      %unpack3A_656 = tpu.unpack_subelements %add3A_653, 0 {pack_format = #tpu.pack_format<interleaved>} : vector<32xbf16> -> vector<16xf32>
      %unpack3A_657 = tpu.unpack_subelements %add3A_653, 1 {pack_format = #tpu.pack_format<interleaved>} : vector<32xbf16> -> vector<16xf32>
      %ne3A_658 = arith.constant 1 : i32
      %ne3A_659 = vector.broadcast %ne3A_658 : i32 to vector<16xi32>
      %ne3A_660 = arith.cmpi ne, %get3A_620, %ne3A_659 : vector<16xi32>
      %gt3A_661 = arith.constant 0 : i32
      %gt3A_662 = vector.broadcast %gt3A_661 : i32 to vector<16xi32>
      %gt3A_663 = arith.cmpi sgt, %get3A_620, %gt3A_662 : vector<16xi32>
      %select_n3A_664 = arith.select %gt3A_663, %unpack3A_656, %unpack3A_654 : vector<16xi1>, vector<16xf32>
      %jit3A_665 = arith.constant 0.000000e+00 : f32
      %broadcast_in_dim3A_666 = vector.broadcast %jit3A_665 : f32 to vector<16xf32>
      %select_n3A_667 = arith.select %ne3A_660, %select_n3A_664, %broadcast_in_dim3A_666 : vector<16xi1>, vector<16xf32>
      %add3A_668 = arith.addf %scan3A_334, %select_n3A_667 : vector<16xf32>
      %all_reduce_population_count3A_669 = tpu.all_reduce %ne3A_660 {dim = 0 : i64, kind = #tpu.reduction_kind<sum>} : vector<16xi1> -> vector<16xi32>
      %add3A_670 = arith.addi %scan3A_338, %all_reduce_population_count3A_669 : vector<16xi32>
      %ne3A_671 = arith.constant 1 : i32
      %ne3A_672 = vector.broadcast %ne3A_671 : i32 to vector<16xi32>
      %ne3A_673 = arith.cmpi ne, %get3A_625, %ne3A_672 : vector<16xi32>
      %gt3A_674 = arith.constant 0 : i32
      %gt3A_675 = vector.broadcast %gt3A_674 : i32 to vector<16xi32>
      %gt3A_676 = arith.cmpi sgt, %get3A_625, %gt3A_675 : vector<16xi32>
      %select_n3A_677 = arith.select %gt3A_676, %unpack3A_657, %unpack3A_655 : vector<16xi1>, vector<16xf32>
      %jit3A_678 = arith.constant 0.000000e+00 : f32
      %broadcast_in_dim3A_679 = vector.broadcast %jit3A_678 : f32 to vector<16xf32>
      %select_n3A_680 = arith.select %ne3A_673, %select_n3A_677, %broadcast_in_dim3A_679 : vector<16xi1>, vector<16xf32>
      %add3A_681 = arith.addf %add3A_668, %select_n3A_680 : vector<16xf32>
      %all_reduce_population_count3A_682 = tpu.all_reduce %ne3A_673 {dim = 0 : i64, kind = #tpu.reduction_kind<sum>} : vector<16xi1> -> vector<16xi32>
      %add3A_683 = arith.addi %add3A_670, %all_reduce_population_count3A_682 : vector<16xi32>
      scf.yield %add3A_447, %add3A_525, %add3A_603, %add3A_681, %add3A_449, %add3A_527, %add3A_605, %add3A_683 : vector<16xf32>, vector<16xf32>, vector<16xf32>, vector<16xf32>, vector<16xi32>, vector<16xi32>, vector<16xi32>, vector<16xi32>
    }
    %scan3A_156 = arith.constant 128 : i32
    %add3A_157 = arith.constant 128 : i32
    %add3A_158 = arith.addi %mul3A_32, %add3A_157 : i32
    %dma_start3A_159 = arith.constant 0 : i32
    %dma_start3A_160 = arith.constant 0 : i32
    %dma_start3A_161 = tpu.memref_slice %arg2[%select_n3A, %dma_start3A_159, %add3A_158, %dma_start3A_160] : memref<16x1x512x512xf32, #tpu.memory_space<hbm>> -> memref<1x1x32x512xf32, #tpu.memory_space<hbm>>
    %dma_start3A_162 = tpu.memref_squeeze %dma_start3A_161 : memref<1x1x32x512xf32, #tpu.memory_space<hbm>> -> memref<32x512xf32, #tpu.memory_space<hbm>>
    %dma_start3A_163 = arith.constant 0 : i32
    %dma_start3A_164 = tpu.memref_slice %arg2[%select_n3A, %dma_start3A_159, %add3A_158, %dma_start3A_163] : memref<16x1x512x512xf32, #tpu.memory_space<hbm>> -> memref<1x1x32x512xf32, #tpu.memory_space<hbm>>
    %dma_start3A_165 = tpu.memref_squeeze %dma_start3A_164 : memref<1x1x32x512xf32, #tpu.memory_space<hbm>> -> memref<32x512xf32, #tpu.memory_space<hbm>>
    tpu.enqueue_dma source(%dma_start3A_165 : memref<32x512xf32, #tpu.memory_space<hbm>>) target(%arg5 : memref<32x512xf32, #tpu.memory_space<vmem>>) target_semaphore(%arg10 : memref<!tpu.dma_semaphore, #tpu.memory_space<semaphore_mem>>)
    %dma_start3A_166 = arith.constant 0 : i32
    %dma_start3A_167 = arith.constant 0 : i32
    %dma_start3A_168 = tpu.memref_slice %arg3[%select_n3A, %dma_start3A_166, %add3A_158, %dma_start3A_167] : memref<16x1x512x512xi32, #tpu.memory_space<hbm>> -> memref<1x1x32x512xi32, #tpu.memory_space<hbm>>
    %dma_start3A_169 = tpu.memref_squeeze %dma_start3A_168 : memref<1x1x32x512xi32, #tpu.memory_space<hbm>> -> memref<32x512xi32, #tpu.memory_space<hbm>>
    %dma_start3A_170 = arith.constant 0 : i32
    %dma_start3A_171 = tpu.memref_slice %arg3[%select_n3A, %dma_start3A_166, %add3A_158, %dma_start3A_170] : memref<16x1x512x512xi32, #tpu.memory_space<hbm>> -> memref<1x1x32x512xi32, #tpu.memory_space<hbm>>
    %dma_start3A_172 = tpu.memref_squeeze %dma_start3A_171 : memref<1x1x32x512xi32, #tpu.memory_space<hbm>> -> memref<32x512xi32, #tpu.memory_space<hbm>>
    tpu.enqueue_dma source(%dma_start3A_172 : memref<32x512xi32, #tpu.memory_space<hbm>>) target(%arg7 : memref<32x512xi32, #tpu.memory_space<vmem>>) target_semaphore(%arg12 : memref<!tpu.dma_semaphore, #tpu.memory_space<semaphore_mem>>)
    %dma_wait3A_173 = arith.constant 0 : i32
    %dma_wait3A_174 = arith.constant 0 : i32
    %dma_wait3A_175 = tpu.memref_slice %arg2[%select_n3A, %dma_wait3A_173, %add3A_122, %dma_wait3A_174] : memref<16x1x512x512xf32, #tpu.memory_space<hbm>> -> memref<1x1x32x512xf32, #tpu.memory_space<hbm>>
    %dma_wait3A_176 = tpu.memref_squeeze %dma_wait3A_175 : memref<1x1x32x512xf32, #tpu.memory_space<hbm>> -> memref<32x512xf32, #tpu.memory_space<hbm>>
    %dma_wait3A_177 = arith.constant 0 : i32
    %dma_wait3A_178 = tpu.memref_slice %arg2[%select_n3A, %dma_wait3A_173, %add3A_122, %dma_wait3A_177] : memref<16x1x512x512xf32, #tpu.memory_space<hbm>> -> memref<1x1x32x512xf32, #tpu.memory_space<hbm>>
    %dma_wait3A_179 = tpu.memref_squeeze %dma_wait3A_178 : memref<1x1x32x512xf32, #tpu.memory_space<hbm>> -> memref<32x512xf32, #tpu.memory_space<hbm>>
    tpu.wait_dma2 semaphore(%arg11 : memref<!tpu.dma_semaphore, #tpu.memory_space<semaphore_mem>>) src(%dma_wait3A_179 : memref<32x512xf32, #tpu.memory_space<hbm>>) dst(%arg6 : memref<32x512xf32, #tpu.memory_space<vmem>>)
    %dma_wait3A_180 = arith.constant 0 : i32
    %dma_wait3A_181 = arith.constant 0 : i32
    %dma_wait3A_182 = tpu.memref_slice %arg3[%select_n3A, %dma_wait3A_180, %add3A_122, %dma_wait3A_181] : memref<16x1x512x512xi32, #tpu.memory_space<hbm>> -> memref<1x1x32x512xi32, #tpu.memory_space<hbm>>
    %dma_wait3A_183 = tpu.memref_squeeze %dma_wait3A_182 : memref<1x1x32x512xi32, #tpu.memory_space<hbm>> -> memref<32x512xi32, #tpu.memory_space<hbm>>
    %dma_wait3A_184 = arith.constant 0 : i32
    %dma_wait3A_185 = tpu.memref_slice %arg3[%select_n3A, %dma_wait3A_180, %add3A_122, %dma_wait3A_184] : memref<16x1x512x512xi32, #tpu.memory_space<hbm>> -> memref<1x1x32x512xi32, #tpu.memory_space<hbm>>
    %dma_wait3A_186 = tpu.memref_squeeze %dma_wait3A_185 : memref<1x1x32x512xi32, #tpu.memory_space<hbm>> -> memref<32x512xi32, #tpu.memory_space<hbm>>
    tpu.wait_dma2 semaphore(%arg13 : memref<!tpu.dma_semaphore, #tpu.memory_space<semaphore_mem>>) src(%dma_wait3A_186 : memref<32x512xi32, #tpu.memory_space<hbm>>) dst(%arg8 : memref<32x512xi32, #tpu.memory_space<vmem>>)
    %scan3A_187 = arith.constant 0 : i32
    %scan3A_188 = arith.constant 128 : i32
    %scan3A_189 = arith.addi %scan3A_187, %scan3A_188 : i32
    %scan3A_190 = arith.constant 1 : i32
    %scan3A_191:8 = scf.for %scan3A_330 = %scan3A_187 to %scan3A_189 step %scan3A_190 iter_args(%scan3A_331 = %scan3A_155#0, %scan3A_332 = %scan3A_155#1, %scan3A_333 = %scan3A_155#2, %scan3A_334 = %scan3A_155#3, %scan3A_335 = %scan3A_155#4, %scan3A_336 = %scan3A_155#5, %scan3A_337 = %scan3A_155#6, %scan3A_338 = %scan3A_155#7) -> (vector<16xf32>, vector<16xf32>, vector<16xf32>, vector<16xf32>, vector<16xi32>, vector<16xi32>, vector<16xi32>, vector<16xi32>)  : i32 {
      %jit3A_339 = arith.constant 4 : i32
      %div3A_340 = arith.divsi %scan3A_330, %jit3A_339 : i32
      %sign3A_341 = arith.constant 0 : i32
      %sign3A_342 = arith.cmpi sgt, %scan3A_330, %sign3A_341 : i32
      %sign3A_343 = arith.extui %sign3A_342 : i1 to i32
      %sign3A_344 = arith.constant 0 : i32
      %sign3A_345 = arith.cmpi slt, %scan3A_330, %sign3A_344 : i32
      %sign3A_346 = arith.extui %sign3A_345 : i1 to i32
      %sign3A_347 = arith.subi %sign3A_343, %sign3A_346 : i32
      %sign3A_348 = arith.constant 0 : i32
      %sign3A_349 = arith.cmpi sgt, %jit3A_339, %sign3A_348 : i32
      %sign3A_350 = arith.extui %sign3A_349 : i1 to i32
      %sign3A_351 = arith.constant 0 : i32
      %sign3A_352 = arith.cmpi slt, %jit3A_339, %sign3A_351 : i32
      %sign3A_353 = arith.extui %sign3A_352 : i1 to i32
      %sign3A_354 = arith.subi %sign3A_350, %sign3A_353 : i32
      %ne3A_355 = arith.cmpi ne, %sign3A_347, %sign3A_354 : i32
      %rem3A_356 = arith.remsi %scan3A_330, %jit3A_339 : i32
      %ne3A_357 = arith.constant 0 : i32
      %ne3A_358 = arith.cmpi ne, %rem3A_356, %ne3A_357 : i32
      %and3A_359 = arith.andi %ne3A_355, %ne3A_358 : i1
      %sub3A_360 = arith.constant 1 : i32
      %sub3A_361 = arith.subi %div3A_340, %sub3A_360 : i32
      %select_n3A_362 = arith.select %and3A_359, %sub3A_361, %div3A_340 : i32
      %jit3A_363 = arith.constant 4 : i32
      %eq3A_364 = arith.constant 0 : i32
      %eq3A_365 = arith.cmpi eq, %jit3A_363, %eq3A_364 : i32
      %jit3A_366 = arith.constant 1 : i32
      %select_n3A_367 = arith.select %eq3A_365, %jit3A_366, %jit3A_363 : i32
      %rem3A_368 = arith.remsi %scan3A_330, %select_n3A_367 : i32
      %ne3A_369 = arith.constant 0 : i32
      %ne3A_370 = arith.cmpi ne, %rem3A_368, %ne3A_369 : i32
      %lt3A_371 = arith.constant 0 : i32
      %lt3A_372 = arith.cmpi slt, %rem3A_368, %lt3A_371 : i32
      %lt3A_373 = arith.constant 0 : i32
      %lt3A_374 = arith.cmpi slt, %select_n3A_367, %lt3A_373 : i32
      %ne3A_375 = arith.xori %lt3A_372, %lt3A_374 : i1
      %and3A_376 = arith.andi %ne3A_375, %ne3A_370 : i1
      %add3A_377 = arith.addi %rem3A_368, %select_n3A_367 : i32
      %select_n3A_378 = arith.select %and3A_376, %add3A_377, %rem3A_368 : i32
      %mul3A_379 = arith.constant 128 : i32
      %mul3A_380 = arith.muli %select_n3A_378, %mul3A_379 : i32
      %multiple_of3A = tpu.assume_multiple %mul3A_380, 128 : i32
      %add3A_381 = arith.constant 0 : i32
      %add3A_382 = arith.addi %multiple_of3A, %add3A_381 : i32
      %get3A = arith.index_cast %select_n3A_362 : i32 to index
      %get3A_383 = arith.index_cast %add3A_382 : i32 to index
      %get3A_384 = tpu.vector_load %arg6[%get3A, %get3A_383] {strides = array<i32>} : memref<32x512xf32, #tpu.memory_space<vmem>>, vector<16xf32>,
      %add3A_385 = arith.constant 16 : i32
      %add3A_386 = arith.addi %multiple_of3A, %add3A_385 : i32
      %get3A_387 = arith.index_cast %select_n3A_362 : i32 to index
      %get3A_388 = arith.index_cast %add3A_386 : i32 to index
      %get3A_389 = tpu.vector_load %arg6[%get3A_387, %get3A_388] {strides = array<i32>} : memref<32x512xf32, #tpu.memory_space<vmem>>, vector<16xf32>,
      %add3A_390 = arith.constant 0 : i32
      %add3A_391 = arith.addi %multiple_of3A, %add3A_390 : i32
      %get3A_392 = arith.index_cast %select_n3A_362 : i32 to index
      %get3A_393 = arith.index_cast %add3A_391 : i32 to index
      %get3A_394 = tpu.vector_load %arg8[%get3A_392, %get3A_393] {strides = array<i32>} : memref<32x512xi32, #tpu.memory_space<vmem>>, vector<16xi32>,
      %add3A_395 = arith.constant 16 : i32
      %add3A_396 = arith.addi %multiple_of3A, %add3A_395 : i32
      %get3A_397 = arith.index_cast %select_n3A_362 : i32 to index
      %get3A_398 = arith.index_cast %add3A_396 : i32 to index
      %get3A_399 = tpu.vector_load %arg8[%get3A_397, %get3A_398] {strides = array<i32>} : memref<32x512xi32, #tpu.memory_space<vmem>>, vector<16xi32>,
      %pack3A = tpu.pack_subelements %get3A_384, %get3A_389 {pack_format = #tpu.pack_format<interleaved>, positions = array<i32: 0, 1>} : vector<16xf32>, vector<16xf32> -> vector<32xbf16>
      %neg3A = arith.constant 0.000000e+00 : bf16
      %neg3A_400 = vector.broadcast %neg3A : bf16 to vector<32xbf16>
      %neg3A_401 = arith.subf %neg3A_400, %pack3A : vector<32xbf16>
      %min3A = arith.minimumf %pack3A, %neg3A_401 : vector<32xbf16>
      %exp3A = math.exp %min3A : vector<32xbf16>
      %mul3A_402 = arith.constant 1.079100e-01 : bf16
      %mul3A_403 = vector.broadcast %mul3A_402 : bf16 to vector<32xbf16>
      %mul3A_404 = arith.mulf %exp3A, %mul3A_403 : vector<32xbf16>
      %add3A_405 = arith.constant -3.964840e-01 : bf16
      %add3A_406 = vector.broadcast %add3A_405 : bf16 to vector<32xbf16>
      %add3A_407 = arith.addf %add3A_406, %mul3A_404 : vector<32xbf16>
      %mul3A_408 = arith.mulf %exp3A, %add3A_407 : vector<32xbf16>
      %add3A_409 = arith.constant 9.804680e-01 : bf16
      %add3A_410 = vector.broadcast %add3A_409 : bf16 to vector<32xbf16>
      %add3A_411 = arith.addf %add3A_410, %mul3A_408 : vector<32xbf16>
      %mul3A_412 = arith.mulf %exp3A, %add3A_411 : vector<32xbf16>
      %add3A_413 = arith.constant 5.035400e-04 : bf16
      %add3A_414 = vector.broadcast %add3A_413 : bf16 to vector<32xbf16>
      %add3A_415 = arith.addf %add3A_414, %mul3A_412 : vector<32xbf16>
      %max3A = arith.constant 0.000000e+00 : bf16
      %max3A_416 = vector.broadcast %max3A : bf16 to vector<32xbf16>
      %max3A_417 = arith.maximumf %pack3A, %max3A_416 : vector<32xbf16>
      %add3A_418 = arith.addf %max3A_417, %add3A_415 : vector<32xbf16>
      %max3A_419 = arith.constant 0.000000e+00 : bf16
      %max3A_420 = vector.broadcast %max3A_419 : bf16 to vector<32xbf16>
      %max3A_421 = arith.maximumf %neg3A_401, %max3A_420 : vector<32xbf16>
      %add3A_422 = arith.addf %max3A_421, %add3A_415 : vector<32xbf16>
      %unpack3A = tpu.unpack_subelements %add3A_418, 0 {pack_format = #tpu.pack_format<interleaved>} : vector<32xbf16> -> vector<16xf32>
      %unpack3A_423 = tpu.unpack_subelements %add3A_418, 1 {pack_format = #tpu.pack_format<interleaved>} : vector<32xbf16> -> vector<16xf32>
      %unpack3A_424 = tpu.unpack_subelements %add3A_422, 0 {pack_format = #tpu.pack_format<interleaved>} : vector<32xbf16> -> vector<16xf32>
      %unpack3A_425 = tpu.unpack_subelements %add3A_422, 1 {pack_format = #tpu.pack_format<interleaved>} : vector<32xbf16> -> vector<16xf32>
      %ne3A_426 = arith.constant 1 : i32
      %ne3A_427 = vector.broadcast %ne3A_426 : i32 to vector<16xi32>
      %ne3A_428 = arith.cmpi ne, %get3A_394, %ne3A_427 : vector<16xi32>
      %gt3A = arith.constant 0 : i32
      %gt3A_429 = vector.broadcast %gt3A : i32 to vector<16xi32>
      %gt3A_430 = arith.cmpi sgt, %get3A_394, %gt3A_429 : vector<16xi32>
      %select_n3A_431 = arith.select %gt3A_430, %unpack3A_424, %unpack3A : vector<16xi1>, vector<16xf32>
      %jit3A_432 = arith.constant 0.000000e+00 : f32
      %broadcast_in_dim3A_433 = vector.broadcast %jit3A_432 : f32 to vector<16xf32>
      %select_n3A_434 = arith.select %ne3A_428, %select_n3A_431, %broadcast_in_dim3A_433 : vector<16xi1>, vector<16xf32>
      %add3A_435 = arith.addf %scan3A_331, %select_n3A_434 : vector<16xf32>
      %all_reduce_population_count3A = tpu.all_reduce %ne3A_428 {dim = 0 : i64, kind = #tpu.reduction_kind<sum>} : vector<16xi1> -> vector<16xi32>
      %add3A_436 = arith.addi %scan3A_335, %all_reduce_population_count3A : vector<16xi32>
      %ne3A_437 = arith.constant 1 : i32
      %ne3A_438 = vector.broadcast %ne3A_437 : i32 to vector<16xi32>
      %ne3A_439 = arith.cmpi ne, %get3A_399, %ne3A_438 : vector<16xi32>
      %gt3A_440 = arith.constant 0 : i32
      %gt3A_441 = vector.broadcast %gt3A_440 : i32 to vector<16xi32>
      %gt3A_442 = arith.cmpi sgt, %get3A_399, %gt3A_441 : vector<16xi32>
      %select_n3A_443 = arith.select %gt3A_442, %unpack3A_425, %unpack3A_423 : vector<16xi1>, vector<16xf32>
      %jit3A_444 = arith.constant 0.000000e+00 : f32
      %broadcast_in_dim3A_445 = vector.broadcast %jit3A_444 : f32 to vector<16xf32>
      %select_n3A_446 = arith.select %ne3A_439, %select_n3A_443, %broadcast_in_dim3A_445 : vector<16xi1>, vector<16xf32>
      %add3A_447 = arith.addf %add3A_435, %select_n3A_446 : vector<16xf32>
      %all_reduce_population_count3A_448 = tpu.all_reduce %ne3A_439 {dim = 0 : i64, kind = #tpu.reduction_kind<sum>} : vector<16xi1> -> vector<16xi32>
      %add3A_449 = arith.addi %add3A_436, %all_reduce_population_count3A_448 : vector<16xi32>
      %add3A_450 = arith.constant 32 : i32
      %add3A_451 = arith.addi %multiple_of3A, %add3A_450 : i32
      %get3A_452 = arith.index_cast %select_n3A_362 : i32 to index
      %get3A_453 = arith.index_cast %add3A_451 : i32 to index
      %get3A_454 = tpu.vector_load %arg6[%get3A_452, %get3A_453] {strides = array<i32>} : memref<32x512xf32, #tpu.memory_space<vmem>>, vector<16xf32>,
      %add3A_455 = arith.constant 48 : i32
      %add3A_456 = arith.addi %multiple_of3A, %add3A_455 : i32
      %get3A_457 = arith.index_cast %select_n3A_362 : i32 to index
      %get3A_458 = arith.index_cast %add3A_456 : i32 to index
      %get3A_459 = tpu.vector_load %arg6[%get3A_457, %get3A_458] {strides = array<i32>} : memref<32x512xf32, #tpu.memory_space<vmem>>, vector<16xf32>,
      %add3A_460 = arith.constant 32 : i32
      %add3A_461 = arith.addi %multiple_of3A, %add3A_460 : i32
      %get3A_462 = arith.index_cast %select_n3A_362 : i32 to index
      %get3A_463 = arith.index_cast %add3A_461 : i32 to index
      %get3A_464 = tpu.vector_load %arg8[%get3A_462, %get3A_463] {strides = array<i32>} : memref<32x512xi32, #tpu.memory_space<vmem>>, vector<16xi32>,
      %add3A_465 = arith.constant 48 : i32
      %add3A_466 = arith.addi %multiple_of3A, %add3A_465 : i32
      %get3A_467 = arith.index_cast %select_n3A_362 : i32 to index
      %get3A_468 = arith.index_cast %add3A_466 : i32 to index
      %get3A_469 = tpu.vector_load %arg8[%get3A_467, %get3A_468] {strides = array<i32>} : memref<32x512xi32, #tpu.memory_space<vmem>>, vector<16xi32>,
      %pack3A_470 = tpu.pack_subelements %get3A_454, %get3A_459 {pack_format = #tpu.pack_format<interleaved>, positions = array<i32: 0, 1>} : vector<16xf32>, vector<16xf32> -> vector<32xbf16>
      %neg3A_471 = arith.constant 0.000000e+00 : bf16
      %neg3A_472 = vector.broadcast %neg3A_471 : bf16 to vector<32xbf16>
      %neg3A_473 = arith.subf %neg3A_472, %pack3A_470 : vector<32xbf16>
      %min3A_474 = arith.minimumf %pack3A_470, %neg3A_473 : vector<32xbf16>
      %exp3A_475 = math.exp %min3A_474 : vector<32xbf16>
      %mul3A_476 = arith.constant 1.079100e-01 : bf16
      %mul3A_477 = vector.broadcast %mul3A_476 : bf16 to vector<32xbf16>
      %mul3A_478 = arith.mulf %exp3A_475, %mul3A_477 : vector<32xbf16>
      %add3A_479 = arith.constant -3.964840e-01 : bf16
      %add3A_480 = vector.broadcast %add3A_479 : bf16 to vector<32xbf16>
      %add3A_481 = arith.addf %add3A_480, %mul3A_478 : vector<32xbf16>
      %mul3A_482 = arith.mulf %exp3A_475, %add3A_481 : vector<32xbf16>
      %add3A_483 = arith.constant 9.804680e-01 : bf16
      %add3A_484 = vector.broadcast %add3A_483 : bf16 to vector<32xbf16>
      %add3A_485 = arith.addf %add3A_484, %mul3A_482 : vector<32xbf16>
      %mul3A_486 = arith.mulf %exp3A_475, %add3A_485 : vector<32xbf16>
      %add3A_487 = arith.constant 5.035400e-04 : bf16
      %add3A_488 = vector.broadcast %add3A_487 : bf16 to vector<32xbf16>
      %add3A_489 = arith.addf %add3A_488, %mul3A_486 : vector<32xbf16>
      %max3A_490 = arith.constant 0.000000e+00 : bf16
      %max3A_491 = vector.broadcast %max3A_490 : bf16 to vector<32xbf16>
      %max3A_492 = arith.maximumf %pack3A_470, %max3A_491 : vector<32xbf16>
      %add3A_493 = arith.addf %max3A_492, %add3A_489 : vector<32xbf16>
      %max3A_494 = arith.constant 0.000000e+00 : bf16
      %max3A_495 = vector.broadcast %max3A_494 : bf16 to vector<32xbf16>
      %max3A_496 = arith.maximumf %neg3A_473, %max3A_495 : vector<32xbf16>
      %add3A_497 = arith.addf %max3A_496, %add3A_489 : vector<32xbf16>
      %unpack3A_498 = tpu.unpack_subelements %add3A_493, 0 {pack_format = #tpu.pack_format<interleaved>} : vector<32xbf16> -> vector<16xf32>
      %unpack3A_499 = tpu.unpack_subelements %add3A_493, 1 {pack_format = #tpu.pack_format<interleaved>} : vector<32xbf16> -> vector<16xf32>
      %unpack3A_500 = tpu.unpack_subelements %add3A_497, 0 {pack_format = #tpu.pack_format<interleaved>} : vector<32xbf16> -> vector<16xf32>
      %unpack3A_501 = tpu.unpack_subelements %add3A_497, 1 {pack_format = #tpu.pack_format<interleaved>} : vector<32xbf16> -> vector<16xf32>
      %ne3A_502 = arith.constant 1 : i32
      %ne3A_503 = vector.broadcast %ne3A_502 : i32 to vector<16xi32>
      %ne3A_504 = arith.cmpi ne, %get3A_464, %ne3A_503 : vector<16xi32>
      %gt3A_505 = arith.constant 0 : i32
      %gt3A_506 = vector.broadcast %gt3A_505 : i32 to vector<16xi32>
      %gt3A_507 = arith.cmpi sgt, %get3A_464, %gt3A_506 : vector<16xi32>
      %select_n3A_508 = arith.select %gt3A_507, %unpack3A_500, %unpack3A_498 : vector<16xi1>, vector<16xf32>
      %jit3A_509 = arith.constant 0.000000e+00 : f32
      %broadcast_in_dim3A_510 = vector.broadcast %jit3A_509 : f32 to vector<16xf32>
      %select_n3A_511 = arith.select %ne3A_504, %select_n3A_508, %broadcast_in_dim3A_510 : vector<16xi1>, vector<16xf32>
      %add3A_512 = arith.addf %scan3A_332, %select_n3A_511 : vector<16xf32>
      %all_reduce_population_count3A_513 = tpu.all_reduce %ne3A_504 {dim = 0 : i64, kind = #tpu.reduction_kind<sum>} : vector<16xi1> -> vector<16xi32>
      %add3A_514 = arith.addi %scan3A_336, %all_reduce_population_count3A_513 : vector<16xi32>
      %ne3A_515 = arith.constant 1 : i32
      %ne3A_516 = vector.broadcast %ne3A_515 : i32 to vector<16xi32>
      %ne3A_517 = arith.cmpi ne, %get3A_469, %ne3A_516 : vector<16xi32>
      %gt3A_518 = arith.constant 0 : i32
      %gt3A_519 = vector.broadcast %gt3A_518 : i32 to vector<16xi32>
      %gt3A_520 = arith.cmpi sgt, %get3A_469, %gt3A_519 : vector<16xi32>
      %select_n3A_521 = arith.select %gt3A_520, %unpack3A_501, %unpack3A_499 : vector<16xi1>, vector<16xf32>
      %jit3A_522 = arith.constant 0.000000e+00 : f32
      %broadcast_in_dim3A_523 = vector.broadcast %jit3A_522 : f32 to vector<16xf32>
      %select_n3A_524 = arith.select %ne3A_517, %select_n3A_521, %broadcast_in_dim3A_523 : vector<16xi1>, vector<16xf32>
      %add3A_525 = arith.addf %add3A_512, %select_n3A_524 : vector<16xf32>
      %all_reduce_population_count3A_526 = tpu.all_reduce %ne3A_517 {dim = 0 : i64, kind = #tpu.reduction_kind<sum>} : vector<16xi1> -> vector<16xi32>
      %add3A_527 = arith.addi %add3A_514, %all_reduce_population_count3A_526 : vector<16xi32>
      %add3A_528 = arith.constant 64 : i32
      %add3A_529 = arith.addi %multiple_of3A, %add3A_528 : i32
      %get3A_530 = arith.index_cast %select_n3A_362 : i32 to index
      %get3A_531 = arith.index_cast %add3A_529 : i32 to index
      %get3A_532 = tpu.vector_load %arg6[%get3A_530, %get3A_531] {strides = array<i32>} : memref<32x512xf32, #tpu.memory_space<vmem>>, vector<16xf32>,
      %add3A_533 = arith.constant 80 : i32
      %add3A_534 = arith.addi %multiple_of3A, %add3A_533 : i32
      %get3A_535 = arith.index_cast %select_n3A_362 : i32 to index
      %get3A_536 = arith.index_cast %add3A_534 : i32 to index
      %get3A_537 = tpu.vector_load %arg6[%get3A_535, %get3A_536] {strides = array<i32>} : memref<32x512xf32, #tpu.memory_space<vmem>>, vector<16xf32>,
      %add3A_538 = arith.constant 64 : i32
      %add3A_539 = arith.addi %multiple_of3A, %add3A_538 : i32
      %get3A_540 = arith.index_cast %select_n3A_362 : i32 to index
      %get3A_541 = arith.index_cast %add3A_539 : i32 to index
      %get3A_542 = tpu.vector_load %arg8[%get3A_540, %get3A_541] {strides = array<i32>} : memref<32x512xi32, #tpu.memory_space<vmem>>, vector<16xi32>,
      %add3A_543 = arith.constant 80 : i32
      %add3A_544 = arith.addi %multiple_of3A, %add3A_543 : i32
      %get3A_545 = arith.index_cast %select_n3A_362 : i32 to index
      %get3A_546 = arith.index_cast %add3A_544 : i32 to index
      %get3A_547 = tpu.vector_load %arg8[%get3A_545, %get3A_546] {strides = array<i32>} : memref<32x512xi32, #tpu.memory_space<vmem>>, vector<16xi32>,
      %pack3A_548 = tpu.pack_subelements %get3A_532, %get3A_537 {pack_format = #tpu.pack_format<interleaved>, positions = array<i32: 0, 1>} : vector<16xf32>, vector<16xf32> -> vector<32xbf16>
      %neg3A_549 = arith.constant 0.000000e+00 : bf16
      %neg3A_550 = vector.broadcast %neg3A_549 : bf16 to vector<32xbf16>
      %neg3A_551 = arith.subf %neg3A_550, %pack3A_548 : vector<32xbf16>
      %min3A_552 = arith.minimumf %pack3A_548, %neg3A_551 : vector<32xbf16>
      %exp3A_553 = math.exp %min3A_552 : vector<32xbf16>
      %mul3A_554 = arith.constant 1.079100e-01 : bf16
      %mul3A_555 = vector.broadcast %mul3A_554 : bf16 to vector<32xbf16>
      %mul3A_556 = arith.mulf %exp3A_553, %mul3A_555 : vector<32xbf16>
      %add3A_557 = arith.constant -3.964840e-01 : bf16
      %add3A_558 = vector.broadcast %add3A_557 : bf16 to vector<32xbf16>
      %add3A_559 = arith.addf %add3A_558, %mul3A_556 : vector<32xbf16>
      %mul3A_560 = arith.mulf %exp3A_553, %add3A_559 : vector<32xbf16>
      %add3A_561 = arith.constant 9.804680e-01 : bf16
      %add3A_562 = vector.broadcast %add3A_561 : bf16 to vector<32xbf16>
      %add3A_563 = arith.addf %add3A_562, %mul3A_560 : vector<32xbf16>
      %mul3A_564 = arith.mulf %exp3A_553, %add3A_563 : vector<32xbf16>
      %add3A_565 = arith.constant 5.035400e-04 : bf16
      %add3A_566 = vector.broadcast %add3A_565 : bf16 to vector<32xbf16>
      %add3A_567 = arith.addf %add3A_566, %mul3A_564 : vector<32xbf16>
      %max3A_568 = arith.constant 0.000000e+00 : bf16
      %max3A_569 = vector.broadcast %max3A_568 : bf16 to vector<32xbf16>
      %max3A_570 = arith.maximumf %pack3A_548, %max3A_569 : vector<32xbf16>
      %add3A_571 = arith.addf %max3A_570, %add3A_567 : vector<32xbf16>
      %max3A_572 = arith.constant 0.000000e+00 : bf16
      %max3A_573 = vector.broadcast %max3A_572 : bf16 to vector<32xbf16>
      %max3A_574 = arith.maximumf %neg3A_551, %max3A_573 : vector<32xbf16>
      %add3A_575 = arith.addf %max3A_574, %add3A_567 : vector<32xbf16>
      %unpack3A_576 = tpu.unpack_subelements %add3A_571, 0 {pack_format = #tpu.pack_format<interleaved>} : vector<32xbf16> -> vector<16xf32>
      %unpack3A_577 = tpu.unpack_subelements %add3A_571, 1 {pack_format = #tpu.pack_format<interleaved>} : vector<32xbf16> -> vector<16xf32>
      %unpack3A_578 = tpu.unpack_subelements %add3A_575, 0 {pack_format = #tpu.pack_format<interleaved>} : vector<32xbf16> -> vector<16xf32>
      %unpack3A_579 = tpu.unpack_subelements %add3A_575, 1 {pack_format = #tpu.pack_format<interleaved>} : vector<32xbf16> -> vector<16xf32>
      %ne3A_580 = arith.constant 1 : i32
      %ne3A_581 = vector.broadcast %ne3A_580 : i32 to vector<16xi32>
      %ne3A_582 = arith.cmpi ne, %get3A_542, %ne3A_581 : vector<16xi32>
      %gt3A_583 = arith.constant 0 : i32
      %gt3A_584 = vector.broadcast %gt3A_583 : i32 to vector<16xi32>
      %gt3A_585 = arith.cmpi sgt, %get3A_542, %gt3A_584 : vector<16xi32>
      %select_n3A_586 = arith.select %gt3A_585, %unpack3A_578, %unpack3A_576 : vector<16xi1>, vector<16xf32>
      %jit3A_587 = arith.constant 0.000000e+00 : f32
      %broadcast_in_dim3A_588 = vector.broadcast %jit3A_587 : f32 to vector<16xf32>
      %select_n3A_589 = arith.select %ne3A_582, %select_n3A_586, %broadcast_in_dim3A_588 : vector<16xi1>, vector<16xf32>
      %add3A_590 = arith.addf %scan3A_333, %select_n3A_589 : vector<16xf32>
      %all_reduce_population_count3A_591 = tpu.all_reduce %ne3A_582 {dim = 0 : i64, kind = #tpu.reduction_kind<sum>} : vector<16xi1> -> vector<16xi32>
      %add3A_592 = arith.addi %scan3A_337, %all_reduce_population_count3A_591 : vector<16xi32>
      %ne3A_593 = arith.constant 1 : i32
      %ne3A_594 = vector.broadcast %ne3A_593 : i32 to vector<16xi32>
      %ne3A_595 = arith.cmpi ne, %get3A_547, %ne3A_594 : vector<16xi32>
      %gt3A_596 = arith.constant 0 : i32
      %gt3A_597 = vector.broadcast %gt3A_596 : i32 to vector<16xi32>
      %gt3A_598 = arith.cmpi sgt, %get3A_547, %gt3A_597 : vector<16xi32>
      %select_n3A_599 = arith.select %gt3A_598, %unpack3A_579, %unpack3A_577 : vector<16xi1>, vector<16xf32>
      %jit3A_600 = arith.constant 0.000000e+00 : f32
      %broadcast_in_dim3A_601 = vector.broadcast %jit3A_600 : f32 to vector<16xf32>
      %select_n3A_602 = arith.select %ne3A_595, %select_n3A_599, %broadcast_in_dim3A_601 : vector<16xi1>, vector<16xf32>
      %add3A_603 = arith.addf %add3A_590, %select_n3A_602 : vector<16xf32>
      %all_reduce_population_count3A_604 = tpu.all_reduce %ne3A_595 {dim = 0 : i64, kind = #tpu.reduction_kind<sum>} : vector<16xi1> -> vector<16xi32>
      %add3A_605 = arith.addi %add3A_592, %all_reduce_population_count3A_604 : vector<16xi32>
      %add3A_606 = arith.constant 96 : i32
      %add3A_607 = arith.addi %multiple_of3A, %add3A_606 : i32
      %get3A_608 = arith.index_cast %select_n3A_362 : i32 to index
      %get3A_609 = arith.index_cast %add3A_607 : i32 to index
      %get3A_610 = tpu.vector_load %arg6[%get3A_608, %get3A_609] {strides = array<i32>} : memref<32x512xf32, #tpu.memory_space<vmem>>, vector<16xf32>,
      %add3A_611 = arith.constant 112 : i32
      %add3A_612 = arith.addi %multiple_of3A, %add3A_611 : i32
      %get3A_613 = arith.index_cast %select_n3A_362 : i32 to index
      %get3A_614 = arith.index_cast %add3A_612 : i32 to index
      %get3A_615 = tpu.vector_load %arg6[%get3A_613, %get3A_614] {strides = array<i32>} : memref<32x512xf32, #tpu.memory_space<vmem>>, vector<16xf32>,
      %add3A_616 = arith.constant 96 : i32
      %add3A_617 = arith.addi %multiple_of3A, %add3A_616 : i32
      %get3A_618 = arith.index_cast %select_n3A_362 : i32 to index
      %get3A_619 = arith.index_cast %add3A_617 : i32 to index
      %get3A_620 = tpu.vector_load %arg8[%get3A_618, %get3A_619] {strides = array<i32>} : memref<32x512xi32, #tpu.memory_space<vmem>>, vector<16xi32>,
      %add3A_621 = arith.constant 112 : i32
      %add3A_622 = arith.addi %multiple_of3A, %add3A_621 : i32
      %get3A_623 = arith.index_cast %select_n3A_362 : i32 to index
      %get3A_624 = arith.index_cast %add3A_622 : i32 to index
      %get3A_625 = tpu.vector_load %arg8[%get3A_623, %get3A_624] {strides = array<i32>} : memref<32x512xi32, #tpu.memory_space<vmem>>, vector<16xi32>,
      %pack3A_626 = tpu.pack_subelements %get3A_610, %get3A_615 {pack_format = #tpu.pack_format<interleaved>, positions = array<i32: 0, 1>} : vector<16xf32>, vector<16xf32> -> vector<32xbf16>
      %neg3A_627 = arith.constant 0.000000e+00 : bf16
      %neg3A_628 = vector.broadcast %neg3A_627 : bf16 to vector<32xbf16>
      %neg3A_629 = arith.subf %neg3A_628, %pack3A_626 : vector<32xbf16>
      %min3A_630 = arith.minimumf %pack3A_626, %neg3A_629 : vector<32xbf16>
      %exp3A_631 = math.exp %min3A_630 : vector<32xbf16>
      %mul3A_632 = arith.constant 1.079100e-01 : bf16
      %mul3A_633 = vector.broadcast %mul3A_632 : bf16 to vector<32xbf16>
      %mul3A_634 = arith.mulf %exp3A_631, %mul3A_633 : vector<32xbf16>
      %add3A_635 = arith.constant -3.964840e-01 : bf16
      %add3A_636 = vector.broadcast %add3A_635 : bf16 to vector<32xbf16>
      %add3A_637 = arith.addf %add3A_636, %mul3A_634 : vector<32xbf16>
      %mul3A_638 = arith.mulf %exp3A_631, %add3A_637 : vector<32xbf16>
      %add3A_639 = arith.constant 9.804680e-01 : bf16
      %add3A_640 = vector.broadcast %add3A_639 : bf16 to vector<32xbf16>
      %add3A_641 = arith.addf %add3A_640, %mul3A_638 : vector<32xbf16>
      %mul3A_642 = arith.mulf %exp3A_631, %add3A_641 : vector<32xbf16>
      %add3A_643 = arith.constant 5.035400e-04 : bf16
      %add3A_644 = vector.broadcast %add3A_643 : bf16 to vector<32xbf16>
      %add3A_645 = arith.addf %add3A_644, %mul3A_642 : vector<32xbf16>
      %max3A_646 = arith.constant 0.000000e+00 : bf16
      %max3A_647 = vector.broadcast %max3A_646 : bf16 to vector<32xbf16>
      %max3A_648 = arith.maximumf %pack3A_626, %max3A_647 : vector<32xbf16>
      %add3A_649 = arith.addf %max3A_648, %add3A_645 : vector<32xbf16>
      %max3A_650 = arith.constant 0.000000e+00 : bf16
      %max3A_651 = vector.broadcast %max3A_650 : bf16 to vector<32xbf16>
      %max3A_652 = arith.maximumf %neg3A_629, %max3A_651 : vector<32xbf16>
      %add3A_653 = arith.addf %max3A_652, %add3A_645 : vector<32xbf16>
      %unpack3A_654 = tpu.unpack_subelements %add3A_649, 0 {pack_format = #tpu.pack_format<interleaved>} : vector<32xbf16> -> vector<16xf32>
      %unpack3A_655 = tpu.unpack_subelements %add3A_649, 1 {pack_format = #tpu.pack_format<interleaved>} : vector<32xbf16> -> vector<16xf32>
      %unpack3A_656 = tpu.unpack_subelements %add3A_653, 0 {pack_format = #tpu.pack_format<interleaved>} : vector<32xbf16> -> vector<16xf32>
      %unpack3A_657 = tpu.unpack_subelements %add3A_653, 1 {pack_format = #tpu.pack_format<interleaved>} : vector<32xbf16> -> vector<16xf32>
      %ne3A_658 = arith.constant 1 : i32
      %ne3A_659 = vector.broadcast %ne3A_658 : i32 to vector<16xi32>
      %ne3A_660 = arith.cmpi ne, %get3A_620, %ne3A_659 : vector<16xi32>
      %gt3A_661 = arith.constant 0 : i32
      %gt3A_662 = vector.broadcast %gt3A_661 : i32 to vector<16xi32>
      %gt3A_663 = arith.cmpi sgt, %get3A_620, %gt3A_662 : vector<16xi32>
      %select_n3A_664 = arith.select %gt3A_663, %unpack3A_656, %unpack3A_654 : vector<16xi1>, vector<16xf32>
      %jit3A_665 = arith.constant 0.000000e+00 : f32
      %broadcast_in_dim3A_666 = vector.broadcast %jit3A_665 : f32 to vector<16xf32>
      %select_n3A_667 = arith.select %ne3A_660, %select_n3A_664, %broadcast_in_dim3A_666 : vector<16xi1>, vector<16xf32>
      %add3A_668 = arith.addf %scan3A_334, %select_n3A_667 : vector<16xf32>
      %all_reduce_population_count3A_669 = tpu.all_reduce %ne3A_660 {dim = 0 : i64, kind = #tpu.reduction_kind<sum>} : vector<16xi1> -> vector<16xi32>
      %add3A_670 = arith.addi %scan3A_338, %all_reduce_population_count3A_669 : vector<16xi32>
      %ne3A_671 = arith.constant 1 : i32
      %ne3A_672 = vector.broadcast %ne3A_671 : i32 to vector<16xi32>
      %ne3A_673 = arith.cmpi ne, %get3A_625, %ne3A_672 : vector<16xi32>
      %gt3A_674 = arith.constant 0 : i32
      %gt3A_675 = vector.broadcast %gt3A_674 : i32 to vector<16xi32>
      %gt3A_676 = arith.cmpi sgt, %get3A_625, %gt3A_675 : vector<16xi32>
      %select_n3A_677 = arith.select %gt3A_676, %unpack3A_657, %unpack3A_655 : vector<16xi1>, vector<16xf32>
      %jit3A_678 = arith.constant 0.000000e+00 : f32
      %broadcast_in_dim3A_679 = vector.broadcast %jit3A_678 : f32 to vector<16xf32>
      %select_n3A_680 = arith.select %ne3A_673, %select_n3A_677, %broadcast_in_dim3A_679 : vector<16xi1>, vector<16xf32>
      %add3A_681 = arith.addf %add3A_668, %select_n3A_680 : vector<16xf32>
      %all_reduce_population_count3A_682 = tpu.all_reduce %ne3A_673 {dim = 0 : i64, kind = #tpu.reduction_kind<sum>} : vector<16xi1> -> vector<16xi32>
      %add3A_683 = arith.addi %add3A_670, %all_reduce_population_count3A_682 : vector<16xi32>
      scf.yield %add3A_447, %add3A_525, %add3A_603, %add3A_681, %add3A_449, %add3A_527, %add3A_605, %add3A_683 : vector<16xf32>, vector<16xf32>, vector<16xf32>, vector<16xf32>, vector<16xi32>, vector<16xi32>, vector<16xi32>, vector<16xi32>
    }
    %scan3A_192 = arith.constant 128 : i32
    %add3A_193 = arith.constant 160 : i32
    %add3A_194 = arith.addi %mul3A_32, %add3A_193 : i32
    %dma_start3A_195 = arith.constant 0 : i32
    %dma_start3A_196 = arith.constant 0 : i32
    %dma_start3A_197 = tpu.memref_slice %arg2[%select_n3A, %dma_start3A_195, %add3A_194, %dma_start3A_196] : memref<16x1x512x512xf32, #tpu.memory_space<hbm>> -> memref<1x1x32x512xf32, #tpu.memory_space<hbm>>
    %dma_start3A_198 = tpu.memref_squeeze %dma_start3A_197 : memref<1x1x32x512xf32, #tpu.memory_space<hbm>> -> memref<32x512xf32, #tpu.memory_space<hbm>>
    %dma_start3A_199 = arith.constant 0 : i32
    %dma_start3A_200 = tpu.memref_slice %arg2[%select_n3A, %dma_start3A_195, %add3A_194, %dma_start3A_199] : memref<16x1x512x512xf32, #tpu.memory_space<hbm>> -> memref<1x1x32x512xf32, #tpu.memory_space<hbm>>
    %dma_start3A_201 = tpu.memref_squeeze %dma_start3A_200 : memref<1x1x32x512xf32, #tpu.memory_space<hbm>> -> memref<32x512xf32, #tpu.memory_space<hbm>>
    tpu.enqueue_dma source(%dma_start3A_201 : memref<32x512xf32, #tpu.memory_space<hbm>>) target(%arg6 : memref<32x512xf32, #tpu.memory_space<vmem>>) target_semaphore(%arg11 : memref<!tpu.dma_semaphore, #tpu.memory_space<semaphore_mem>>)
    %dma_start3A_202 = arith.constant 0 : i32
    %dma_start3A_203 = arith.constant 0 : i32
    %dma_start3A_204 = tpu.memref_slice %arg3[%select_n3A, %dma_start3A_202, %add3A_194, %dma_start3A_203] : memref<16x1x512x512xi32, #tpu.memory_space<hbm>> -> memref<1x1x32x512xi32, #tpu.memory_space<hbm>>
    %dma_start3A_205 = tpu.memref_squeeze %dma_start3A_204 : memref<1x1x32x512xi32, #tpu.memory_space<hbm>> -> memref<32x512xi32, #tpu.memory_space<hbm>>
    %dma_start3A_206 = arith.constant 0 : i32
    %dma_start3A_207 = tpu.memref_slice %arg3[%select_n3A, %dma_start3A_202, %add3A_194, %dma_start3A_206] : memref<16x1x512x512xi32, #tpu.memory_space<hbm>> -> memref<1x1x32x512xi32, #tpu.memory_space<hbm>>
    %dma_start3A_208 = tpu.memref_squeeze %dma_start3A_207 : memref<1x1x32x512xi32, #tpu.memory_space<hbm>> -> memref<32x512xi32, #tpu.memory_space<hbm>>
    tpu.enqueue_dma source(%dma_start3A_208 : memref<32x512xi32, #tpu.memory_space<hbm>>) target(%arg8 : memref<32x512xi32, #tpu.memory_space<vmem>>) target_semaphore(%arg13 : memref<!tpu.dma_semaphore, #tpu.memory_space<semaphore_mem>>)
    %dma_wait3A_209 = arith.constant 0 : i32
    %dma_wait3A_210 = arith.constant 0 : i32
    %dma_wait3A_211 = tpu.memref_slice %arg2[%select_n3A, %dma_wait3A_209, %add3A_158, %dma_wait3A_210] : memref<16x1x512x512xf32, #tpu.memory_space<hbm>> -> memref<1x1x32x512xf32, #tpu.memory_space<hbm>>
    %dma_wait3A_212 = tpu.memref_squeeze %dma_wait3A_211 : memref<1x1x32x512xf32, #tpu.memory_space<hbm>> -> memref<32x512xf32, #tpu.memory_space<hbm>>
    %dma_wait3A_213 = arith.constant 0 : i32
    %dma_wait3A_214 = tpu.memref_slice %arg2[%select_n3A, %dma_wait3A_209, %add3A_158, %dma_wait3A_213] : memref<16x1x512x512xf32, #tpu.memory_space<hbm>> -> memref<1x1x32x512xf32, #tpu.memory_space<hbm>>
    %dma_wait3A_215 = tpu.memref_squeeze %dma_wait3A_214 : memref<1x1x32x512xf32, #tpu.memory_space<hbm>> -> memref<32x512xf32, #tpu.memory_space<hbm>>
    tpu.wait_dma2 semaphore(%arg10 : memref<!tpu.dma_semaphore, #tpu.memory_space<semaphore_mem>>) src(%dma_wait3A_215 : memref<32x512xf32, #tpu.memory_space<hbm>>) dst(%arg5 : memref<32x512xf32, #tpu.memory_space<vmem>>)
    %dma_wait3A_216 = arith.constant 0 : i32
    %dma_wait3A_217 = arith.constant 0 : i32
    %dma_wait3A_218 = tpu.memref_slice %arg3[%select_n3A, %dma_wait3A_216, %add3A_158, %dma_wait3A_217] : memref<16x1x512x512xi32, #tpu.memory_space<hbm>> -> memref<1x1x32x512xi32, #tpu.memory_space<hbm>>
    %dma_wait3A_219 = tpu.memref_squeeze %dma_wait3A_218 : memref<1x1x32x512xi32, #tpu.memory_space<hbm>> -> memref<32x512xi32, #tpu.memory_space<hbm>>
    %dma_wait3A_220 = arith.constant 0 : i32
    %dma_wait3A_221 = tpu.memref_slice %arg3[%select_n3A, %dma_wait3A_216, %add3A_158, %dma_wait3A_220] : memref<16x1x512x512xi32, #tpu.memory_space<hbm>> -> memref<1x1x32x512xi32, #tpu.memory_space<hbm>>
    %dma_wait3A_222 = tpu.memref_squeeze %dma_wait3A_221 : memref<1x1x32x512xi32, #tpu.memory_space<hbm>> -> memref<32x512xi32, #tpu.memory_space<hbm>>
    tpu.wait_dma2 semaphore(%arg12 : memref<!tpu.dma_semaphore, #tpu.memory_space<semaphore_mem>>) src(%dma_wait3A_222 : memref<32x512xi32, #tpu.memory_space<hbm>>) dst(%arg7 : memref<32x512xi32, #tpu.memory_space<vmem>>)
    %scan3A_223 = arith.constant 0 : i32
    %scan3A_224 = arith.constant 128 : i32
    %scan3A_225 = arith.addi %scan3A_223, %scan3A_224 : i32
    %scan3A_226 = arith.constant 1 : i32
    %scan3A_227:8 = scf.for %scan3A_330 = %scan3A_223 to %scan3A_225 step %scan3A_226 iter_args(%scan3A_331 = %scan3A_191#0, %scan3A_332 = %scan3A_191#1, %scan3A_333 = %scan3A_191#2, %scan3A_334 = %scan3A_191#3, %scan3A_335 = %scan3A_191#4, %scan3A_336 = %scan3A_191#5, %scan3A_337 = %scan3A_191#6, %scan3A_338 = %scan3A_191#7) -> (vector<16xf32>, vector<16xf32>, vector<16xf32>, vector<16xf32>, vector<16xi32>, vector<16xi32>, vector<16xi32>, vector<16xi32>)  : i32 {
      %jit3A_339 = arith.constant 4 : i32
      %div3A_340 = arith.divsi %scan3A_330, %jit3A_339 : i32
      %sign3A_341 = arith.constant 0 : i32
      %sign3A_342 = arith.cmpi sgt, %scan3A_330, %sign3A_341 : i32
      %sign3A_343 = arith.extui %sign3A_342 : i1 to i32
      %sign3A_344 = arith.constant 0 : i32
      %sign3A_345 = arith.cmpi slt, %scan3A_330, %sign3A_344 : i32
      %sign3A_346 = arith.extui %sign3A_345 : i1 to i32
      %sign3A_347 = arith.subi %sign3A_343, %sign3A_346 : i32
      %sign3A_348 = arith.constant 0 : i32
      %sign3A_349 = arith.cmpi sgt, %jit3A_339, %sign3A_348 : i32
      %sign3A_350 = arith.extui %sign3A_349 : i1 to i32
      %sign3A_351 = arith.constant 0 : i32
      %sign3A_352 = arith.cmpi slt, %jit3A_339, %sign3A_351 : i32
      %sign3A_353 = arith.extui %sign3A_352 : i1 to i32
      %sign3A_354 = arith.subi %sign3A_350, %sign3A_353 : i32
      %ne3A_355 = arith.cmpi ne, %sign3A_347, %sign3A_354 : i32
      %rem3A_356 = arith.remsi %scan3A_330, %jit3A_339 : i32
      %ne3A_357 = arith.constant 0 : i32
      %ne3A_358 = arith.cmpi ne, %rem3A_356, %ne3A_357 : i32
      %and3A_359 = arith.andi %ne3A_355, %ne3A_358 : i1
      %sub3A_360 = arith.constant 1 : i32
      %sub3A_361 = arith.subi %div3A_340, %sub3A_360 : i32
      %select_n3A_362 = arith.select %and3A_359, %sub3A_361, %div3A_340 : i32
      %jit3A_363 = arith.constant 4 : i32
      %eq3A_364 = arith.constant 0 : i32
      %eq3A_365 = arith.cmpi eq, %jit3A_363, %eq3A_364 : i32
      %jit3A_366 = arith.constant 1 : i32
      %select_n3A_367 = arith.select %eq3A_365, %jit3A_366, %jit3A_363 : i32
      %rem3A_368 = arith.remsi %scan3A_330, %select_n3A_367 : i32
      %ne3A_369 = arith.constant 0 : i32
      %ne3A_370 = arith.cmpi ne, %rem3A_368, %ne3A_369 : i32
      %lt3A_371 = arith.constant 0 : i32
      %lt3A_372 = arith.cmpi slt, %rem3A_368, %lt3A_371 : i32
      %lt3A_373 = arith.constant 0 : i32
      %lt3A_374 = arith.cmpi slt, %select_n3A_367, %lt3A_373 : i32
      %ne3A_375 = arith.xori %lt3A_372, %lt3A_374 : i1
      %and3A_376 = arith.andi %ne3A_375, %ne3A_370 : i1
      %add3A_377 = arith.addi %rem3A_368, %select_n3A_367 : i32
      %select_n3A_378 = arith.select %and3A_376, %add3A_377, %rem3A_368 : i32
      %mul3A_379 = arith.constant 128 : i32
      %mul3A_380 = arith.muli %select_n3A_378, %mul3A_379 : i32
      %multiple_of3A = tpu.assume_multiple %mul3A_380, 128 : i32
      %add3A_381 = arith.constant 0 : i32
      %add3A_382 = arith.addi %multiple_of3A, %add3A_381 : i32
      %get3A = arith.index_cast %select_n3A_362 : i32 to index
      %get3A_383 = arith.index_cast %add3A_382 : i32 to index
      %get3A_384 = tpu.vector_load %arg5[%get3A, %get3A_383] {strides = array<i32>} : memref<32x512xf32, #tpu.memory_space<vmem>>, vector<16xf32>,
      %add3A_385 = arith.constant 16 : i32
      %add3A_386 = arith.addi %multiple_of3A, %add3A_385 : i32
      %get3A_387 = arith.index_cast %select_n3A_362 : i32 to index
      %get3A_388 = arith.index_cast %add3A_386 : i32 to index
      %get3A_389 = tpu.vector_load %arg5[%get3A_387, %get3A_388] {strides = array<i32>} : memref<32x512xf32, #tpu.memory_space<vmem>>, vector<16xf32>,
      %add3A_390 = arith.constant 0 : i32
      %add3A_391 = arith.addi %multiple_of3A, %add3A_390 : i32
      %get3A_392 = arith.index_cast %select_n3A_362 : i32 to index
      %get3A_393 = arith.index_cast %add3A_391 : i32 to index
      %get3A_394 = tpu.vector_load %arg7[%get3A_392, %get3A_393] {strides = array<i32>} : memref<32x512xi32, #tpu.memory_space<vmem>>, vector<16xi32>,
      %add3A_395 = arith.constant 16 : i32
      %add3A_396 = arith.addi %multiple_of3A, %add3A_395 : i32
      %get3A_397 = arith.index_cast %select_n3A_362 : i32 to index
      %get3A_398 = arith.index_cast %add3A_396 : i32 to index
      %get3A_399 = tpu.vector_load %arg7[%get3A_397, %get3A_398] {strides = array<i32>} : memref<32x512xi32, #tpu.memory_space<vmem>>, vector<16xi32>,
      %pack3A = tpu.pack_subelements %get3A_384, %get3A_389 {pack_format = #tpu.pack_format<interleaved>, positions = array<i32: 0, 1>} : vector<16xf32>, vector<16xf32> -> vector<32xbf16>
      %neg3A = arith.constant 0.000000e+00 : bf16
      %neg3A_400 = vector.broadcast %neg3A : bf16 to vector<32xbf16>
      %neg3A_401 = arith.subf %neg3A_400, %pack3A : vector<32xbf16>
      %min3A = arith.minimumf %pack3A, %neg3A_401 : vector<32xbf16>
      %exp3A = math.exp %min3A : vector<32xbf16>
      %mul3A_402 = arith.constant 1.079100e-01 : bf16
      %mul3A_403 = vector.broadcast %mul3A_402 : bf16 to vector<32xbf16>
      %mul3A_404 = arith.mulf %exp3A, %mul3A_403 : vector<32xbf16>
      %add3A_405 = arith.constant -3.964840e-01 : bf16
      %add3A_406 = vector.broadcast %add3A_405 : bf16 to vector<32xbf16>
      %add3A_407 = arith.addf %add3A_406, %mul3A_404 : vector<32xbf16>
      %mul3A_408 = arith.mulf %exp3A, %add3A_407 : vector<32xbf16>
      %add3A_409 = arith.constant 9.804680e-01 : bf16
      %add3A_410 = vector.broadcast %add3A_409 : bf16 to vector<32xbf16>
      %add3A_411 = arith.addf %add3A_410, %mul3A_408 : vector<32xbf16>
      %mul3A_412 = arith.mulf %exp3A, %add3A_411 : vector<32xbf16>
      %add3A_413 = arith.constant 5.035400e-04 : bf16
      %add3A_414 = vector.broadcast %add3A_413 : bf16 to vector<32xbf16>
      %add3A_415 = arith.addf %add3A_414, %mul3A_412 : vector<32xbf16>
      %max3A = arith.constant 0.000000e+00 : bf16
      %max3A_416 = vector.broadcast %max3A : bf16 to vector<32xbf16>
      %max3A_417 = arith.maximumf %pack3A, %max3A_416 : vector<32xbf16>
      %add3A_418 = arith.addf %max3A_417, %add3A_415 : vector<32xbf16>
      %max3A_419 = arith.constant 0.000000e+00 : bf16
      %max3A_420 = vector.broadcast %max3A_419 : bf16 to vector<32xbf16>
      %max3A_421 = arith.maximumf %neg3A_401, %max3A_420 : vector<32xbf16>
      %add3A_422 = arith.addf %max3A_421, %add3A_415 : vector<32xbf16>
      %unpack3A = tpu.unpack_subelements %add3A_418, 0 {pack_format = #tpu.pack_format<interleaved>} : vector<32xbf16> -> vector<16xf32>
      %unpack3A_423 = tpu.unpack_subelements %add3A_418, 1 {pack_format = #tpu.pack_format<interleaved>} : vector<32xbf16> -> vector<16xf32>
      %unpack3A_424 = tpu.unpack_subelements %add3A_422, 0 {pack_format = #tpu.pack_format<interleaved>} : vector<32xbf16> -> vector<16xf32>
      %unpack3A_425 = tpu.unpack_subelements %add3A_422, 1 {pack_format = #tpu.pack_format<interleaved>} : vector<32xbf16> -> vector<16xf32>
      %ne3A_426 = arith.constant 1 : i32
      %ne3A_427 = vector.broadcast %ne3A_426 : i32 to vector<16xi32>
      %ne3A_428 = arith.cmpi ne, %get3A_394, %ne3A_427 : vector<16xi32>
      %gt3A = arith.constant 0 : i32
      %gt3A_429 = vector.broadcast %gt3A : i32 to vector<16xi32>
      %gt3A_430 = arith.cmpi sgt, %get3A_394, %gt3A_429 : vector<16xi32>
      %select_n3A_431 = arith.select %gt3A_430, %unpack3A_424, %unpack3A : vector<16xi1>, vector<16xf32>
      %jit3A_432 = arith.constant 0.000000e+00 : f32
      %broadcast_in_dim3A_433 = vector.broadcast %jit3A_432 : f32 to vector<16xf32>
      %select_n3A_434 = arith.select %ne3A_428, %select_n3A_431, %broadcast_in_dim3A_433 : vector<16xi1>, vector<16xf32>
      %add3A_435 = arith.addf %scan3A_331, %select_n3A_434 : vector<16xf32>
      %all_reduce_population_count3A = tpu.all_reduce %ne3A_428 {dim = 0 : i64, kind = #tpu.reduction_kind<sum>} : vector<16xi1> -> vector<16xi32>
      %add3A_436 = arith.addi %scan3A_335, %all_reduce_population_count3A : vector<16xi32>
      %ne3A_437 = arith.constant 1 : i32
      %ne3A_438 = vector.broadcast %ne3A_437 : i32 to vector<16xi32>
      %ne3A_439 = arith.cmpi ne, %get3A_399, %ne3A_438 : vector<16xi32>
      %gt3A_440 = arith.constant 0 : i32
      %gt3A_441 = vector.broadcast %gt3A_440 : i32 to vector<16xi32>
      %gt3A_442 = arith.cmpi sgt, %get3A_399, %gt3A_441 : vector<16xi32>
      %select_n3A_443 = arith.select %gt3A_442, %unpack3A_425, %unpack3A_423 : vector<16xi1>, vector<16xf32>
      %jit3A_444 = arith.constant 0.000000e+00 : f32
      %broadcast_in_dim3A_445 = vector.broadcast %jit3A_444 : f32 to vector<16xf32>
      %select_n3A_446 = arith.select %ne3A_439, %select_n3A_443, %broadcast_in_dim3A_445 : vector<16xi1>, vector<16xf32>
      %add3A_447 = arith.addf %add3A_435, %select_n3A_446 : vector<16xf32>
      %all_reduce_population_count3A_448 = tpu.all_reduce %ne3A_439 {dim = 0 : i64, kind = #tpu.reduction_kind<sum>} : vector<16xi1> -> vector<16xi32>
      %add3A_449 = arith.addi %add3A_436, %all_reduce_population_count3A_448 : vector<16xi32>
      %add3A_450 = arith.constant 32 : i32
      %add3A_451 = arith.addi %multiple_of3A, %add3A_450 : i32
      %get3A_452 = arith.index_cast %select_n3A_362 : i32 to index
      %get3A_453 = arith.index_cast %add3A_451 : i32 to index
      %get3A_454 = tpu.vector_load %arg5[%get3A_452, %get3A_453] {strides = array<i32>} : memref<32x512xf32, #tpu.memory_space<vmem>>, vector<16xf32>,
      %add3A_455 = arith.constant 48 : i32
      %add3A_456 = arith.addi %multiple_of3A, %add3A_455 : i32
      %get3A_457 = arith.index_cast %select_n3A_362 : i32 to index
      %get3A_458 = arith.index_cast %add3A_456 : i32 to index
      %get3A_459 = tpu.vector_load %arg5[%get3A_457, %get3A_458] {strides = array<i32>} : memref<32x512xf32, #tpu.memory_space<vmem>>, vector<16xf32>,
      %add3A_460 = arith.constant 32 : i32
      %add3A_461 = arith.addi %multiple_of3A, %add3A_460 : i32
      %get3A_462 = arith.index_cast %select_n3A_362 : i32 to index
      %get3A_463 = arith.index_cast %add3A_461 : i32 to index
      %get3A_464 = tpu.vector_load %arg7[%get3A_462, %get3A_463] {strides = array<i32>} : memref<32x512xi32, #tpu.memory_space<vmem>>, vector<16xi32>,
      %add3A_465 = arith.constant 48 : i32
      %add3A_466 = arith.addi %multiple_of3A, %add3A_465 : i32
      %get3A_467 = arith.index_cast %select_n3A_362 : i32 to index
      %get3A_468 = arith.index_cast %add3A_466 : i32 to index
      %get3A_469 = tpu.vector_load %arg7[%get3A_467, %get3A_468] {strides = array<i32>} : memref<32x512xi32, #tpu.memory_space<vmem>>, vector<16xi32>,
      %pack3A_470 = tpu.pack_subelements %get3A_454, %get3A_459 {pack_format = #tpu.pack_format<interleaved>, positions = array<i32: 0, 1>} : vector<16xf32>, vector<16xf32> -> vector<32xbf16>
      %neg3A_471 = arith.constant 0.000000e+00 : bf16
      %neg3A_472 = vector.broadcast %neg3A_471 : bf16 to vector<32xbf16>
      %neg3A_473 = arith.subf %neg3A_472, %pack3A_470 : vector<32xbf16>
      %min3A_474 = arith.minimumf %pack3A_470, %neg3A_473 : vector<32xbf16>
      %exp3A_475 = math.exp %min3A_474 : vector<32xbf16>
      %mul3A_476 = arith.constant 1.079100e-01 : bf16
      %mul3A_477 = vector.broadcast %mul3A_476 : bf16 to vector<32xbf16>
      %mul3A_478 = arith.mulf %exp3A_475, %mul3A_477 : vector<32xbf16>
      %add3A_479 = arith.constant -3.964840e-01 : bf16
      %add3A_480 = vector.broadcast %add3A_479 : bf16 to vector<32xbf16>
      %add3A_481 = arith.addf %add3A_480, %mul3A_478 : vector<32xbf16>
      %mul3A_482 = arith.mulf %exp3A_475, %add3A_481 : vector<32xbf16>
      %add3A_483 = arith.constant 9.804680e-01 : bf16
      %add3A_484 = vector.broadcast %add3A_483 : bf16 to vector<32xbf16>
      %add3A_485 = arith.addf %add3A_484, %mul3A_482 : vector<32xbf16>
      %mul3A_486 = arith.mulf %exp3A_475, %add3A_485 : vector<32xbf16>
      %add3A_487 = arith.constant 5.035400e-04 : bf16
      %add3A_488 = vector.broadcast %add3A_487 : bf16 to vector<32xbf16>
      %add3A_489 = arith.addf %add3A_488, %mul3A_486 : vector<32xbf16>
      %max3A_490 = arith.constant 0.000000e+00 : bf16
      %max3A_491 = vector.broadcast %max3A_490 : bf16 to vector<32xbf16>
      %max3A_492 = arith.maximumf %pack3A_470, %max3A_491 : vector<32xbf16>
      %add3A_493 = arith.addf %max3A_492, %add3A_489 : vector<32xbf16>
      %max3A_494 = arith.constant 0.000000e+00 : bf16
      %max3A_495 = vector.broadcast %max3A_494 : bf16 to vector<32xbf16>
      %max3A_496 = arith.maximumf %neg3A_473, %max3A_495 : vector<32xbf16>
      %add3A_497 = arith.addf %max3A_496, %add3A_489 : vector<32xbf16>
      %unpack3A_498 = tpu.unpack_subelements %add3A_493, 0 {pack_format = #tpu.pack_format<interleaved>} : vector<32xbf16> -> vector<16xf32>
      %unpack3A_499 = tpu.unpack_subelements %add3A_493, 1 {pack_format = #tpu.pack_format<interleaved>} : vector<32xbf16> -> vector<16xf32>
      %unpack3A_500 = tpu.unpack_subelements %add3A_497, 0 {pack_format = #tpu.pack_format<interleaved>} : vector<32xbf16> -> vector<16xf32>
      %unpack3A_501 = tpu.unpack_subelements %add3A_497, 1 {pack_format = #tpu.pack_format<interleaved>} : vector<32xbf16> -> vector<16xf32>
      %ne3A_502 = arith.constant 1 : i32
      %ne3A_503 = vector.broadcast %ne3A_502 : i32 to vector<16xi32>
      %ne3A_504 = arith.cmpi ne, %get3A_464, %ne3A_503 : vector<16xi32>
      %gt3A_505 = arith.constant 0 : i32
      %gt3A_506 = vector.broadcast %gt3A_505 : i32 to vector<16xi32>
      %gt3A_507 = arith.cmpi sgt, %get3A_464, %gt3A_506 : vector<16xi32>
      %select_n3A_508 = arith.select %gt3A_507, %unpack3A_500, %unpack3A_498 : vector<16xi1>, vector<16xf32>
      %jit3A_509 = arith.constant 0.000000e+00 : f32
      %broadcast_in_dim3A_510 = vector.broadcast %jit3A_509 : f32 to vector<16xf32>
      %select_n3A_511 = arith.select %ne3A_504, %select_n3A_508, %broadcast_in_dim3A_510 : vector<16xi1>, vector<16xf32>
      %add3A_512 = arith.addf %scan3A_332, %select_n3A_511 : vector<16xf32>
      %all_reduce_population_count3A_513 = tpu.all_reduce %ne3A_504 {dim = 0 : i64, kind = #tpu.reduction_kind<sum>} : vector<16xi1> -> vector<16xi32>
      %add3A_514 = arith.addi %scan3A_336, %all_reduce_population_count3A_513 : vector<16xi32>
      %ne3A_515 = arith.constant 1 : i32
      %ne3A_516 = vector.broadcast %ne3A_515 : i32 to vector<16xi32>
      %ne3A_517 = arith.cmpi ne, %get3A_469, %ne3A_516 : vector<16xi32>
      %gt3A_518 = arith.constant 0 : i32
      %gt3A_519 = vector.broadcast %gt3A_518 : i32 to vector<16xi32>
      %gt3A_520 = arith.cmpi sgt, %get3A_469, %gt3A_519 : vector<16xi32>
      %select_n3A_521 = arith.select %gt3A_520, %unpack3A_501, %unpack3A_499 : vector<16xi1>, vector<16xf32>
      %jit3A_522 = arith.constant 0.000000e+00 : f32
      %broadcast_in_dim3A_523 = vector.broadcast %jit3A_522 : f32 to vector<16xf32>
      %select_n3A_524 = arith.select %ne3A_517, %select_n3A_521, %broadcast_in_dim3A_523 : vector<16xi1>, vector<16xf32>
      %add3A_525 = arith.addf %add3A_512, %select_n3A_524 : vector<16xf32>
      %all_reduce_population_count3A_526 = tpu.all_reduce %ne3A_517 {dim = 0 : i64, kind = #tpu.reduction_kind<sum>} : vector<16xi1> -> vector<16xi32>
      %add3A_527 = arith.addi %add3A_514, %all_reduce_population_count3A_526 : vector<16xi32>
      %add3A_528 = arith.constant 64 : i32
      %add3A_529 = arith.addi %multiple_of3A, %add3A_528 : i32
      %get3A_530 = arith.index_cast %select_n3A_362 : i32 to index
      %get3A_531 = arith.index_cast %add3A_529 : i32 to index
      %get3A_532 = tpu.vector_load %arg5[%get3A_530, %get3A_531] {strides = array<i32>} : memref<32x512xf32, #tpu.memory_space<vmem>>, vector<16xf32>,
      %add3A_533 = arith.constant 80 : i32
      %add3A_534 = arith.addi %multiple_of3A, %add3A_533 : i32
      %get3A_535 = arith.index_cast %select_n3A_362 : i32 to index
      %get3A_536 = arith.index_cast %add3A_534 : i32 to index
      %get3A_537 = tpu.vector_load %arg5[%get3A_535, %get3A_536] {strides = array<i32>} : memref<32x512xf32, #tpu.memory_space<vmem>>, vector<16xf32>,
      %add3A_538 = arith.constant 64 : i32
      %add3A_539 = arith.addi %multiple_of3A, %add3A_538 : i32
      %get3A_540 = arith.index_cast %select_n3A_362 : i32 to index
      %get3A_541 = arith.index_cast %add3A_539 : i32 to index
      %get3A_542 = tpu.vector_load %arg7[%get3A_540, %get3A_541] {strides = array<i32>} : memref<32x512xi32, #tpu.memory_space<vmem>>, vector<16xi32>,
      %add3A_543 = arith.constant 80 : i32
      %add3A_544 = arith.addi %multiple_of3A, %add3A_543 : i32
      %get3A_545 = arith.index_cast %select_n3A_362 : i32 to index
      %get3A_546 = arith.index_cast %add3A_544 : i32 to index
      %get3A_547 = tpu.vector_load %arg7[%get3A_545, %get3A_546] {strides = array<i32>} : memref<32x512xi32, #tpu.memory_space<vmem>>, vector<16xi32>,
      %pack3A_548 = tpu.pack_subelements %get3A_532, %get3A_537 {pack_format = #tpu.pack_format<interleaved>, positions = array<i32: 0, 1>} : vector<16xf32>, vector<16xf32> -> vector<32xbf16>
      %neg3A_549 = arith.constant 0.000000e+00 : bf16
      %neg3A_550 = vector.broadcast %neg3A_549 : bf16 to vector<32xbf16>
      %neg3A_551 = arith.subf %neg3A_550, %pack3A_548 : vector<32xbf16>
      %min3A_552 = arith.minimumf %pack3A_548, %neg3A_551 : vector<32xbf16>
      %exp3A_553 = math.exp %min3A_552 : vector<32xbf16>
      %mul3A_554 = arith.constant 1.079100e-01 : bf16
      %mul3A_555 = vector.broadcast %mul3A_554 : bf16 to vector<32xbf16>
      %mul3A_556 = arith.mulf %exp3A_553, %mul3A_555 : vector<32xbf16>
      %add3A_557 = arith.constant -3.964840e-01 : bf16
      %add3A_558 = vector.broadcast %add3A_557 : bf16 to vector<32xbf16>
      %add3A_559 = arith.addf %add3A_558, %mul3A_556 : vector<32xbf16>
      %mul3A_560 = arith.mulf %exp3A_553, %add3A_559 : vector<32xbf16>
      %add3A_561 = arith.constant 9.804680e-01 : bf16
      %add3A_562 = vector.broadcast %add3A_561 : bf16 to vector<32xbf16>
      %add3A_563 = arith.addf %add3A_562, %mul3A_560 : vector<32xbf16>
      %mul3A_564 = arith.mulf %exp3A_553, %add3A_563 : vector<32xbf16>
      %add3A_565 = arith.constant 5.035400e-04 : bf16
      %add3A_566 = vector.broadcast %add3A_565 : bf16 to vector<32xbf16>
      %add3A_567 = arith.addf %add3A_566, %mul3A_564 : vector<32xbf16>
      %max3A_568 = arith.constant 0.000000e+00 : bf16
      %max3A_569 = vector.broadcast %max3A_568 : bf16 to vector<32xbf16>
      %max3A_570 = arith.maximumf %pack3A_548, %max3A_569 : vector<32xbf16>
      %add3A_571 = arith.addf %max3A_570, %add3A_567 : vector<32xbf16>
      %max3A_572 = arith.constant 0.000000e+00 : bf16
      %max3A_573 = vector.broadcast %max3A_572 : bf16 to vector<32xbf16>
      %max3A_574 = arith.maximumf %neg3A_551, %max3A_573 : vector<32xbf16>
      %add3A_575 = arith.addf %max3A_574, %add3A_567 : vector<32xbf16>
      %unpack3A_576 = tpu.unpack_subelements %add3A_571, 0 {pack_format = #tpu.pack_format<interleaved>} : vector<32xbf16> -> vector<16xf32>
      %unpack3A_577 = tpu.unpack_subelements %add3A_571, 1 {pack_format = #tpu.pack_format<interleaved>} : vector<32xbf16> -> vector<16xf32>
      %unpack3A_578 = tpu.unpack_subelements %add3A_575, 0 {pack_format = #tpu.pack_format<interleaved>} : vector<32xbf16> -> vector<16xf32>
      %unpack3A_579 = tpu.unpack_subelements %add3A_575, 1 {pack_format = #tpu.pack_format<interleaved>} : vector<32xbf16> -> vector<16xf32>
      %ne3A_580 = arith.constant 1 : i32
      %ne3A_581 = vector.broadcast %ne3A_580 : i32 to vector<16xi32>
      %ne3A_582 = arith.cmpi ne, %get3A_542, %ne3A_581 : vector<16xi32>
      %gt3A_583 = arith.constant 0 : i32
      %gt3A_584 = vector.broadcast %gt3A_583 : i32 to vector<16xi32>
      %gt3A_585 = arith.cmpi sgt, %get3A_542, %gt3A_584 : vector<16xi32>
      %select_n3A_586 = arith.select %gt3A_585, %unpack3A_578, %unpack3A_576 : vector<16xi1>, vector<16xf32>
      %jit3A_587 = arith.constant 0.000000e+00 : f32
      %broadcast_in_dim3A_588 = vector.broadcast %jit3A_587 : f32 to vector<16xf32>
      %select_n3A_589 = arith.select %ne3A_582, %select_n3A_586, %broadcast_in_dim3A_588 : vector<16xi1>, vector<16xf32>
      %add3A_590 = arith.addf %scan3A_333, %select_n3A_589 : vector<16xf32>
      %all_reduce_population_count3A_591 = tpu.all_reduce %ne3A_582 {dim = 0 : i64, kind = #tpu.reduction_kind<sum>} : vector<16xi1> -> vector<16xi32>
      %add3A_592 = arith.addi %scan3A_337, %all_reduce_population_count3A_591 : vector<16xi32>
      %ne3A_593 = arith.constant 1 : i32
      %ne3A_594 = vector.broadcast %ne3A_593 : i32 to vector<16xi32>
      %ne3A_595 = arith.cmpi ne, %get3A_547, %ne3A_594 : vector<16xi32>
      %gt3A_596 = arith.constant 0 : i32
      %gt3A_597 = vector.broadcast %gt3A_596 : i32 to vector<16xi32>
      %gt3A_598 = arith.cmpi sgt, %get3A_547, %gt3A_597 : vector<16xi32>
      %select_n3A_599 = arith.select %gt3A_598, %unpack3A_579, %unpack3A_577 : vector<16xi1>, vector<16xf32>
      %jit3A_600 = arith.constant 0.000000e+00 : f32
      %broadcast_in_dim3A_601 = vector.broadcast %jit3A_600 : f32 to vector<16xf32>
      %select_n3A_602 = arith.select %ne3A_595, %select_n3A_599, %broadcast_in_dim3A_601 : vector<16xi1>, vector<16xf32>
      %add3A_603 = arith.addf %add3A_590, %select_n3A_602 : vector<16xf32>
      %all_reduce_population_count3A_604 = tpu.all_reduce %ne3A_595 {dim = 0 : i64, kind = #tpu.reduction_kind<sum>} : vector<16xi1> -> vector<16xi32>
      %add3A_605 = arith.addi %add3A_592, %all_reduce_population_count3A_604 : vector<16xi32>
      %add3A_606 = arith.constant 96 : i32
      %add3A_607 = arith.addi %multiple_of3A, %add3A_606 : i32
      %get3A_608 = arith.index_cast %select_n3A_362 : i32 to index
      %get3A_609 = arith.index_cast %add3A_607 : i32 to index
      %get3A_610 = tpu.vector_load %arg5[%get3A_608, %get3A_609] {strides = array<i32>} : memref<32x512xf32, #tpu.memory_space<vmem>>, vector<16xf32>,
      %add3A_611 = arith.constant 112 : i32
      %add3A_612 = arith.addi %multiple_of3A, %add3A_611 : i32
      %get3A_613 = arith.index_cast %select_n3A_362 : i32 to index
      %get3A_614 = arith.index_cast %add3A_612 : i32 to index
      %get3A_615 = tpu.vector_load %arg5[%get3A_613, %get3A_614] {strides = array<i32>} : memref<32x512xf32, #tpu.memory_space<vmem>>, vector<16xf32>,
      %add3A_616 = arith.constant 96 : i32
      %add3A_617 = arith.addi %multiple_of3A, %add3A_616 : i32
      %get3A_618 = arith.index_cast %select_n3A_362 : i32 to index
      %get3A_619 = arith.index_cast %add3A_617 : i32 to index
      %get3A_620 = tpu.vector_load %arg7[%get3A_618, %get3A_619] {strides = array<i32>} : memref<32x512xi32, #tpu.memory_space<vmem>>, vector<16xi32>,
      %add3A_621 = arith.constant 112 : i32
      %add3A_622 = arith.addi %multiple_of3A, %add3A_621 : i32
      %get3A_623 = arith.index_cast %select_n3A_362 : i32 to index
      %get3A_624 = arith.index_cast %add3A_622 : i32 to index
      %get3A_625 = tpu.vector_load %arg7[%get3A_623, %get3A_624] {strides = array<i32>} : memref<32x512xi32, #tpu.memory_space<vmem>>, vector<16xi32>,
      %pack3A_626 = tpu.pack_subelements %get3A_610, %get3A_615 {pack_format = #tpu.pack_format<interleaved>, positions = array<i32: 0, 1>} : vector<16xf32>, vector<16xf32> -> vector<32xbf16>
      %neg3A_627 = arith.constant 0.000000e+00 : bf16
      %neg3A_628 = vector.broadcast %neg3A_627 : bf16 to vector<32xbf16>
      %neg3A_629 = arith.subf %neg3A_628, %pack3A_626 : vector<32xbf16>
      %min3A_630 = arith.minimumf %pack3A_626, %neg3A_629 : vector<32xbf16>
      %exp3A_631 = math.exp %min3A_630 : vector<32xbf16>
      %mul3A_632 = arith.constant 1.079100e-01 : bf16
      %mul3A_633 = vector.broadcast %mul3A_632 : bf16 to vector<32xbf16>
      %mul3A_634 = arith.mulf %exp3A_631, %mul3A_633 : vector<32xbf16>
      %add3A_635 = arith.constant -3.964840e-01 : bf16
      %add3A_636 = vector.broadcast %add3A_635 : bf16 to vector<32xbf16>
      %add3A_637 = arith.addf %add3A_636, %mul3A_634 : vector<32xbf16>
      %mul3A_638 = arith.mulf %exp3A_631, %add3A_637 : vector<32xbf16>
      %add3A_639 = arith.constant 9.804680e-01 : bf16
      %add3A_640 = vector.broadcast %add3A_639 : bf16 to vector<32xbf16>
      %add3A_641 = arith.addf %add3A_640, %mul3A_638 : vector<32xbf16>
      %mul3A_642 = arith.mulf %exp3A_631, %add3A_641 : vector<32xbf16>
      %add3A_643 = arith.constant 5.035400e-04 : bf16
      %add3A_644 = vector.broadcast %add3A_643 : bf16 to vector<32xbf16>
      %add3A_645 = arith.addf %add3A_644, %mul3A_642 : vector<32xbf16>
      %max3A_646 = arith.constant 0.000000e+00 : bf16
      %max3A_647 = vector.broadcast %max3A_646 : bf16 to vector<32xbf16>
      %max3A_648 = arith.maximumf %pack3A_626, %max3A_647 : vector<32xbf16>
      %add3A_649 = arith.addf %max3A_648, %add3A_645 : vector<32xbf16>
      %max3A_650 = arith.constant 0.000000e+00 : bf16
      %max3A_651 = vector.broadcast %max3A_650 : bf16 to vector<32xbf16>
      %max3A_652 = arith.maximumf %neg3A_629, %max3A_651 : vector<32xbf16>
      %add3A_653 = arith.addf %max3A_652, %add3A_645 : vector<32xbf16>
      %unpack3A_654 = tpu.unpack_subelements %add3A_649, 0 {pack_format = #tpu.pack_format<interleaved>} : vector<32xbf16> -> vector<16xf32>
      %unpack3A_655 = tpu.unpack_subelements %add3A_649, 1 {pack_format = #tpu.pack_format<interleaved>} : vector<32xbf16> -> vector<16xf32>
      %unpack3A_656 = tpu.unpack_subelements %add3A_653, 0 {pack_format = #tpu.pack_format<interleaved>} : vector<32xbf16> -> vector<16xf32>
      %unpack3A_657 = tpu.unpack_subelements %add3A_653, 1 {pack_format = #tpu.pack_format<interleaved>} : vector<32xbf16> -> vector<16xf32>
      %ne3A_658 = arith.constant 1 : i32
      %ne3A_659 = vector.broadcast %ne3A_658 : i32 to vector<16xi32>
      %ne3A_660 = arith.cmpi ne, %get3A_620, %ne3A_659 : vector<16xi32>
      %gt3A_661 = arith.constant 0 : i32
      %gt3A_662 = vector.broadcast %gt3A_661 : i32 to vector<16xi32>
      %gt3A_663 = arith.cmpi sgt, %get3A_620, %gt3A_662 : vector<16xi32>
      %select_n3A_664 = arith.select %gt3A_663, %unpack3A_656, %unpack3A_654 : vector<16xi1>, vector<16xf32>
      %jit3A_665 = arith.constant 0.000000e+00 : f32
      %broadcast_in_dim3A_666 = vector.broadcast %jit3A_665 : f32 to vector<16xf32>
      %select_n3A_667 = arith.select %ne3A_660, %select_n3A_664, %broadcast_in_dim3A_666 : vector<16xi1>, vector<16xf32>
      %add3A_668 = arith.addf %scan3A_334, %select_n3A_667 : vector<16xf32>
      %all_reduce_population_count3A_669 = tpu.all_reduce %ne3A_660 {dim = 0 : i64, kind = #tpu.reduction_kind<sum>} : vector<16xi1> -> vector<16xi32>
      %add3A_670 = arith.addi %scan3A_338, %all_reduce_population_count3A_669 : vector<16xi32>
      %ne3A_671 = arith.constant 1 : i32
      %ne3A_672 = vector.broadcast %ne3A_671 : i32 to vector<16xi32>
      %ne3A_673 = arith.cmpi ne, %get3A_625, %ne3A_672 : vector<16xi32>
      %gt3A_674 = arith.constant 0 : i32
      %gt3A_675 = vector.broadcast %gt3A_674 : i32 to vector<16xi32>
      %gt3A_676 = arith.cmpi sgt, %get3A_625, %gt3A_675 : vector<16xi32>
      %select_n3A_677 = arith.select %gt3A_676, %unpack3A_657, %unpack3A_655 : vector<16xi1>, vector<16xf32>
      %jit3A_678 = arith.constant 0.000000e+00 : f32
      %broadcast_in_dim3A_679 = vector.broadcast %jit3A_678 : f32 to vector<16xf32>
      %select_n3A_680 = arith.select %ne3A_673, %select_n3A_677, %broadcast_in_dim3A_679 : vector<16xi1>, vector<16xf32>
      %add3A_681 = arith.addf %add3A_668, %select_n3A_680 : vector<16xf32>
      %all_reduce_population_count3A_682 = tpu.all_reduce %ne3A_673 {dim = 0 : i64, kind = #tpu.reduction_kind<sum>} : vector<16xi1> -> vector<16xi32>
      %add3A_683 = arith.addi %add3A_670, %all_reduce_population_count3A_682 : vector<16xi32>
      scf.yield %add3A_447, %add3A_525, %add3A_603, %add3A_681, %add3A_449, %add3A_527, %add3A_605, %add3A_683 : vector<16xf32>, vector<16xf32>, vector<16xf32>, vector<16xf32>, vector<16xi32>, vector<16xi32>, vector<16xi32>, vector<16xi32>
    }
    %scan3A_228 = arith.constant 128 : i32
    %add3A_229 = arith.constant 192 : i32
    %add3A_230 = arith.addi %mul3A_32, %add3A_229 : i32
    %dma_start3A_231 = arith.constant 0 : i32
    %dma_start3A_232 = arith.constant 0 : i32
    %dma_start3A_233 = tpu.memref_slice %arg2[%select_n3A, %dma_start3A_231, %add3A_230, %dma_start3A_232] : memref<16x1x512x512xf32, #tpu.memory_space<hbm>> -> memref<1x1x32x512xf32, #tpu.memory_space<hbm>>
    %dma_start3A_234 = tpu.memref_squeeze %dma_start3A_233 : memref<1x1x32x512xf32, #tpu.memory_space<hbm>> -> memref<32x512xf32, #tpu.memory_space<hbm>>
    %dma_start3A_235 = arith.constant 0 : i32
    %dma_start3A_236 = tpu.memref_slice %arg2[%select_n3A, %dma_start3A_231, %add3A_230, %dma_start3A_235] : memref<16x1x512x512xf32, #tpu.memory_space<hbm>> -> memref<1x1x32x512xf32, #tpu.memory_space<hbm>>
    %dma_start3A_237 = tpu.memref_squeeze %dma_start3A_236 : memref<1x1x32x512xf32, #tpu.memory_space<hbm>> -> memref<32x512xf32, #tpu.memory_space<hbm>>
    tpu.enqueue_dma source(%dma_start3A_237 : memref<32x512xf32, #tpu.memory_space<hbm>>) target(%arg5 : memref<32x512xf32, #tpu.memory_space<vmem>>) target_semaphore(%arg10 : memref<!tpu.dma_semaphore, #tpu.memory_space<semaphore_mem>>)
    %dma_start3A_238 = arith.constant 0 : i32
    %dma_start3A_239 = arith.constant 0 : i32
    %dma_start3A_240 = tpu.memref_slice %arg3[%select_n3A, %dma_start3A_238, %add3A_230, %dma_start3A_239] : memref<16x1x512x512xi32, #tpu.memory_space<hbm>> -> memref<1x1x32x512xi32, #tpu.memory_space<hbm>>
    %dma_start3A_241 = tpu.memref_squeeze %dma_start3A_240 : memref<1x1x32x512xi32, #tpu.memory_space<hbm>> -> memref<32x512xi32, #tpu.memory_space<hbm>>
    %dma_start3A_242 = arith.constant 0 : i32
    %dma_start3A_243 = tpu.memref_slice %arg3[%select_n3A, %dma_start3A_238, %add3A_230, %dma_start3A_242] : memref<16x1x512x512xi32, #tpu.memory_space<hbm>> -> memref<1x1x32x512xi32, #tpu.memory_space<hbm>>
    %dma_start3A_244 = tpu.memref_squeeze %dma_start3A_243 : memref<1x1x32x512xi32, #tpu.memory_space<hbm>> -> memref<32x512xi32, #tpu.memory_space<hbm>>
    tpu.enqueue_dma source(%dma_start3A_244 : memref<32x512xi32, #tpu.memory_space<hbm>>) target(%arg7 : memref<32x512xi32, #tpu.memory_space<vmem>>) target_semaphore(%arg12 : memref<!tpu.dma_semaphore, #tpu.memory_space<semaphore_mem>>)
    %dma_wait3A_245 = arith.constant 0 : i32
    %dma_wait3A_246 = arith.constant 0 : i32
    %dma_wait3A_247 = tpu.memref_slice %arg2[%select_n3A, %dma_wait3A_245, %add3A_194, %dma_wait3A_246] : memref<16x1x512x512xf32, #tpu.memory_space<hbm>> -> memref<1x1x32x512xf32, #tpu.memory_space<hbm>>
    %dma_wait3A_248 = tpu.memref_squeeze %dma_wait3A_247 : memref<1x1x32x512xf32, #tpu.memory_space<hbm>> -> memref<32x512xf32, #tpu.memory_space<hbm>>
    %dma_wait3A_249 = arith.constant 0 : i32
    %dma_wait3A_250 = tpu.memref_slice %arg2[%select_n3A, %dma_wait3A_245, %add3A_194, %dma_wait3A_249] : memref<16x1x512x512xf32, #tpu.memory_space<hbm>> -> memref<1x1x32x512xf32, #tpu.memory_space<hbm>>
    %dma_wait3A_251 = tpu.memref_squeeze %dma_wait3A_250 : memref<1x1x32x512xf32, #tpu.memory_space<hbm>> -> memref<32x512xf32, #tpu.memory_space<hbm>>
    tpu.wait_dma2 semaphore(%arg11 : memref<!tpu.dma_semaphore, #tpu.memory_space<semaphore_mem>>) src(%dma_wait3A_251 : memref<32x512xf32, #tpu.memory_space<hbm>>) dst(%arg6 : memref<32x512xf32, #tpu.memory_space<vmem>>)
    %dma_wait3A_252 = arith.constant 0 : i32
    %dma_wait3A_253 = arith.constant 0 : i32
    %dma_wait3A_254 = tpu.memref_slice %arg3[%select_n3A, %dma_wait3A_252, %add3A_194, %dma_wait3A_253] : memref<16x1x512x512xi32, #tpu.memory_space<hbm>> -> memref<1x1x32x512xi32, #tpu.memory_space<hbm>>
    %dma_wait3A_255 = tpu.memref_squeeze %dma_wait3A_254 : memref<1x1x32x512xi32, #tpu.memory_space<hbm>> -> memref<32x512xi32, #tpu.memory_space<hbm>>
    %dma_wait3A_256 = arith.constant 0 : i32
    %dma_wait3A_257 = tpu.memref_slice %arg3[%select_n3A, %dma_wait3A_252, %add3A_194, %dma_wait3A_256] : memref<16x1x512x512xi32, #tpu.memory_space<hbm>> -> memref<1x1x32x512xi32, #tpu.memory_space<hbm>>
    %dma_wait3A_258 = tpu.memref_squeeze %dma_wait3A_257 : memref<1x1x32x512xi32, #tpu.memory_space<hbm>> -> memref<32x512xi32, #tpu.memory_space<hbm>>
    tpu.wait_dma2 semaphore(%arg13 : memref<!tpu.dma_semaphore, #tpu.memory_space<semaphore_mem>>) src(%dma_wait3A_258 : memref<32x512xi32, #tpu.memory_space<hbm>>) dst(%arg8 : memref<32x512xi32, #tpu.memory_space<vmem>>)
    %scan3A_259 = arith.constant 0 : i32
    %scan3A_260 = arith.constant 128 : i32
    %scan3A_261 = arith.addi %scan3A_259, %scan3A_260 : i32
    %scan3A_262 = arith.constant 1 : i32
    %scan3A_263:8 = scf.for %scan3A_330 = %scan3A_259 to %scan3A_261 step %scan3A_262 iter_args(%scan3A_331 = %scan3A_227#0, %scan3A_332 = %scan3A_227#1, %scan3A_333 = %scan3A_227#2, %scan3A_334 = %scan3A_227#3, %scan3A_335 = %scan3A_227#4, %scan3A_336 = %scan3A_227#5, %scan3A_337 = %scan3A_227#6, %scan3A_338 = %scan3A_227#7) -> (vector<16xf32>, vector<16xf32>, vector<16xf32>, vector<16xf32>, vector<16xi32>, vector<16xi32>, vector<16xi32>, vector<16xi32>)  : i32 {
      %jit3A_339 = arith.constant 4 : i32
      %div3A_340 = arith.divsi %scan3A_330, %jit3A_339 : i32
      %sign3A_341 = arith.constant 0 : i32
      %sign3A_342 = arith.cmpi sgt, %scan3A_330, %sign3A_341 : i32
      %sign3A_343 = arith.extui %sign3A_342 : i1 to i32
      %sign3A_344 = arith.constant 0 : i32
      %sign3A_345 = arith.cmpi slt, %scan3A_330, %sign3A_344 : i32
      %sign3A_346 = arith.extui %sign3A_345 : i1 to i32
      %sign3A_347 = arith.subi %sign3A_343, %sign3A_346 : i32
      %sign3A_348 = arith.constant 0 : i32
      %sign3A_349 = arith.cmpi sgt, %jit3A_339, %sign3A_348 : i32
      %sign3A_350 = arith.extui %sign3A_349 : i1 to i32
      %sign3A_351 = arith.constant 0 : i32
      %sign3A_352 = arith.cmpi slt, %jit3A_339, %sign3A_351 : i32
      %sign3A_353 = arith.extui %sign3A_352 : i1 to i32
      %sign3A_354 = arith.subi %sign3A_350, %sign3A_353 : i32
      %ne3A_355 = arith.cmpi ne, %sign3A_347, %sign3A_354 : i32
      %rem3A_356 = arith.remsi %scan3A_330, %jit3A_339 : i32
      %ne3A_357 = arith.constant 0 : i32
      %ne3A_358 = arith.cmpi ne, %rem3A_356, %ne3A_357 : i32
      %and3A_359 = arith.andi %ne3A_355, %ne3A_358 : i1
      %sub3A_360 = arith.constant 1 : i32
      %sub3A_361 = arith.subi %div3A_340, %sub3A_360 : i32
      %select_n3A_362 = arith.select %and3A_359, %sub3A_361, %div3A_340 : i32
      %jit3A_363 = arith.constant 4 : i32
      %eq3A_364 = arith.constant 0 : i32
      %eq3A_365 = arith.cmpi eq, %jit3A_363, %eq3A_364 : i32
      %jit3A_366 = arith.constant 1 : i32
      %select_n3A_367 = arith.select %eq3A_365, %jit3A_366, %jit3A_363 : i32
      %rem3A_368 = arith.remsi %scan3A_330, %select_n3A_367 : i32
      %ne3A_369 = arith.constant 0 : i32
      %ne3A_370 = arith.cmpi ne, %rem3A_368, %ne3A_369 : i32
      %lt3A_371 = arith.constant 0 : i32
      %lt3A_372 = arith.cmpi slt, %rem3A_368, %lt3A_371 : i32
      %lt3A_373 = arith.constant 0 : i32
      %lt3A_374 = arith.cmpi slt, %select_n3A_367, %lt3A_373 : i32
      %ne3A_375 = arith.xori %lt3A_372, %lt3A_374 : i1
      %and3A_376 = arith.andi %ne3A_375, %ne3A_370 : i1
      %add3A_377 = arith.addi %rem3A_368, %select_n3A_367 : i32
      %select_n3A_378 = arith.select %and3A_376, %add3A_377, %rem3A_368 : i32
      %mul3A_379 = arith.constant 128 : i32
      %mul3A_380 = arith.muli %select_n3A_378, %mul3A_379 : i32
      %multiple_of3A = tpu.assume_multiple %mul3A_380, 128 : i32
      %add3A_381 = arith.constant 0 : i32
      %add3A_382 = arith.addi %multiple_of3A, %add3A_381 : i32
      %get3A = arith.index_cast %select_n3A_362 : i32 to index
      %get3A_383 = arith.index_cast %add3A_382 : i32 to index
      %get3A_384 = tpu.vector_load %arg6[%get3A, %get3A_383] {strides = array<i32>} : memref<32x512xf32, #tpu.memory_space<vmem>>, vector<16xf32>,
      %add3A_385 = arith.constant 16 : i32
      %add3A_386 = arith.addi %multiple_of3A, %add3A_385 : i32
      %get3A_387 = arith.index_cast %select_n3A_362 : i32 to index
      %get3A_388 = arith.index_cast %add3A_386 : i32 to index
      %get3A_389 = tpu.vector_load %arg6[%get3A_387, %get3A_388] {strides = array<i32>} : memref<32x512xf32, #tpu.memory_space<vmem>>, vector<16xf32>,
      %add3A_390 = arith.constant 0 : i32
      %add3A_391 = arith.addi %multiple_of3A, %add3A_390 : i32
      %get3A_392 = arith.index_cast %select_n3A_362 : i32 to index
      %get3A_393 = arith.index_cast %add3A_391 : i32 to index
      %get3A_394 = tpu.vector_load %arg8[%get3A_392, %get3A_393] {strides = array<i32>} : memref<32x512xi32, #tpu.memory_space<vmem>>, vector<16xi32>,
      %add3A_395 = arith.constant 16 : i32
      %add3A_396 = arith.addi %multiple_of3A, %add3A_395 : i32
      %get3A_397 = arith.index_cast %select_n3A_362 : i32 to index
      %get3A_398 = arith.index_cast %add3A_396 : i32 to index
      %get3A_399 = tpu.vector_load %arg8[%get3A_397, %get3A_398] {strides = array<i32>} : memref<32x512xi32, #tpu.memory_space<vmem>>, vector<16xi32>,
      %pack3A = tpu.pack_subelements %get3A_384, %get3A_389 {pack_format = #tpu.pack_format<interleaved>, positions = array<i32: 0, 1>} : vector<16xf32>, vector<16xf32> -> vector<32xbf16>
      %neg3A = arith.constant 0.000000e+00 : bf16
      %neg3A_400 = vector.broadcast %neg3A : bf16 to vector<32xbf16>
      %neg3A_401 = arith.subf %neg3A_400, %pack3A : vector<32xbf16>
      %min3A = arith.minimumf %pack3A, %neg3A_401 : vector<32xbf16>
      %exp3A = math.exp %min3A : vector<32xbf16>
      %mul3A_402 = arith.constant 1.079100e-01 : bf16
      %mul3A_403 = vector.broadcast %mul3A_402 : bf16 to vector<32xbf16>
      %mul3A_404 = arith.mulf %exp3A, %mul3A_403 : vector<32xbf16>
      %add3A_405 = arith.constant -3.964840e-01 : bf16
      %add3A_406 = vector.broadcast %add3A_405 : bf16 to vector<32xbf16>
      %add3A_407 = arith.addf %add3A_406, %mul3A_404 : vector<32xbf16>
      %mul3A_408 = arith.mulf %exp3A, %add3A_407 : vector<32xbf16>
      %add3A_409 = arith.constant 9.804680e-01 : bf16
      %add3A_410 = vector.broadcast %add3A_409 : bf16 to vector<32xbf16>
      %add3A_411 = arith.addf %add3A_410, %mul3A_408 : vector<32xbf16>
      %mul3A_412 = arith.mulf %exp3A, %add3A_411 : vector<32xbf16>
      %add3A_413 = arith.constant 5.035400e-04 : bf16
      %add3A_414 = vector.broadcast %add3A_413 : bf16 to vector<32xbf16>
      %add3A_415 = arith.addf %add3A_414, %mul3A_412 : vector<32xbf16>
      %max3A = arith.constant 0.000000e+00 : bf16
      %max3A_416 = vector.broadcast %max3A : bf16 to vector<32xbf16>
      %max3A_417 = arith.maximumf %pack3A, %max3A_416 : vector<32xbf16>
      %add3A_418 = arith.addf %max3A_417, %add3A_415 : vector<32xbf16>
      %max3A_419 = arith.constant 0.000000e+00 : bf16
      %max3A_420 = vector.broadcast %max3A_419 : bf16 to vector<32xbf16>
      %max3A_421 = arith.maximumf %neg3A_401, %max3A_420 : vector<32xbf16>
      %add3A_422 = arith.addf %max3A_421, %add3A_415 : vector<32xbf16>
      %unpack3A = tpu.unpack_subelements %add3A_418, 0 {pack_format = #tpu.pack_format<interleaved>} : vector<32xbf16> -> vector<16xf32>
      %unpack3A_423 = tpu.unpack_subelements %add3A_418, 1 {pack_format = #tpu.pack_format<interleaved>} : vector<32xbf16> -> vector<16xf32>
      %unpack3A_424 = tpu.unpack_subelements %add3A_422, 0 {pack_format = #tpu.pack_format<interleaved>} : vector<32xbf16> -> vector<16xf32>
      %unpack3A_425 = tpu.unpack_subelements %add3A_422, 1 {pack_format = #tpu.pack_format<interleaved>} : vector<32xbf16> -> vector<16xf32>
      %ne3A_426 = arith.constant 1 : i32
      %ne3A_427 = vector.broadcast %ne3A_426 : i32 to vector<16xi32>
      %ne3A_428 = arith.cmpi ne, %get3A_394, %ne3A_427 : vector<16xi32>
      %gt3A = arith.constant 0 : i32
      %gt3A_429 = vector.broadcast %gt3A : i32 to vector<16xi32>
      %gt3A_430 = arith.cmpi sgt, %get3A_394, %gt3A_429 : vector<16xi32>
      %select_n3A_431 = arith.select %gt3A_430, %unpack3A_424, %unpack3A : vector<16xi1>, vector<16xf32>
      %jit3A_432 = arith.constant 0.000000e+00 : f32
      %broadcast_in_dim3A_433 = vector.broadcast %jit3A_432 : f32 to vector<16xf32>
      %select_n3A_434 = arith.select %ne3A_428, %select_n3A_431, %broadcast_in_dim3A_433 : vector<16xi1>, vector<16xf32>
      %add3A_435 = arith.addf %scan3A_331, %select_n3A_434 : vector<16xf32>
      %all_reduce_population_count3A = tpu.all_reduce %ne3A_428 {dim = 0 : i64, kind = #tpu.reduction_kind<sum>} : vector<16xi1> -> vector<16xi32>
      %add3A_436 = arith.addi %scan3A_335, %all_reduce_population_count3A : vector<16xi32>
      %ne3A_437 = arith.constant 1 : i32
      %ne3A_438 = vector.broadcast %ne3A_437 : i32 to vector<16xi32>
      %ne3A_439 = arith.cmpi ne, %get3A_399, %ne3A_438 : vector<16xi32>
      %gt3A_440 = arith.constant 0 : i32
      %gt3A_441 = vector.broadcast %gt3A_440 : i32 to vector<16xi32>
      %gt3A_442 = arith.cmpi sgt, %get3A_399, %gt3A_441 : vector<16xi32>
      %select_n3A_443 = arith.select %gt3A_442, %unpack3A_425, %unpack3A_423 : vector<16xi1>, vector<16xf32>
      %jit3A_444 = arith.constant 0.000000e+00 : f32
      %broadcast_in_dim3A_445 = vector.broadcast %jit3A_444 : f32 to vector<16xf32>
      %select_n3A_446 = arith.select %ne3A_439, %select_n3A_443, %broadcast_in_dim3A_445 : vector<16xi1>, vector<16xf32>
      %add3A_447 = arith.addf %add3A_435, %select_n3A_446 : vector<16xf32>
      %all_reduce_population_count3A_448 = tpu.all_reduce %ne3A_439 {dim = 0 : i64, kind = #tpu.reduction_kind<sum>} : vector<16xi1> -> vector<16xi32>
      %add3A_449 = arith.addi %add3A_436, %all_reduce_population_count3A_448 : vector<16xi32>
      %add3A_450 = arith.constant 32 : i32
      %add3A_451 = arith.addi %multiple_of3A, %add3A_450 : i32
      %get3A_452 = arith.index_cast %select_n3A_362 : i32 to index
      %get3A_453 = arith.index_cast %add3A_451 : i32 to index
      %get3A_454 = tpu.vector_load %arg6[%get3A_452, %get3A_453] {strides = array<i32>} : memref<32x512xf32, #tpu.memory_space<vmem>>, vector<16xf32>,
      %add3A_455 = arith.constant 48 : i32
      %add3A_456 = arith.addi %multiple_of3A, %add3A_455 : i32
      %get3A_457 = arith.index_cast %select_n3A_362 : i32 to index
      %get3A_458 = arith.index_cast %add3A_456 : i32 to index
      %get3A_459 = tpu.vector_load %arg6[%get3A_457, %get3A_458] {strides = array<i32>} : memref<32x512xf32, #tpu.memory_space<vmem>>, vector<16xf32>,
      %add3A_460 = arith.constant 32 : i32
      %add3A_461 = arith.addi %multiple_of3A, %add3A_460 : i32
      %get3A_462 = arith.index_cast %select_n3A_362 : i32 to index
      %get3A_463 = arith.index_cast %add3A_461 : i32 to index
      %get3A_464 = tpu.vector_load %arg8[%get3A_462, %get3A_463] {strides = array<i32>} : memref<32x512xi32, #tpu.memory_space<vmem>>, vector<16xi32>,
      %add3A_465 = arith.constant 48 : i32
      %add3A_466 = arith.addi %multiple_of3A, %add3A_465 : i32
      %get3A_467 = arith.index_cast %select_n3A_362 : i32 to index
      %get3A_468 = arith.index_cast %add3A_466 : i32 to index
      %get3A_469 = tpu.vector_load %arg8[%get3A_467, %get3A_468] {strides = array<i32>} : memref<32x512xi32, #tpu.memory_space<vmem>>, vector<16xi32>,
      %pack3A_470 = tpu.pack_subelements %get3A_454, %get3A_459 {pack_format = #tpu.pack_format<interleaved>, positions = array<i32: 0, 1>} : vector<16xf32>, vector<16xf32> -> vector<32xbf16>
      %neg3A_471 = arith.constant 0.000000e+00 : bf16
      %neg3A_472 = vector.broadcast %neg3A_471 : bf16 to vector<32xbf16>
      %neg3A_473 = arith.subf %neg3A_472, %pack3A_470 : vector<32xbf16>
      %min3A_474 = arith.minimumf %pack3A_470, %neg3A_473 : vector<32xbf16>
      %exp3A_475 = math.exp %min3A_474 : vector<32xbf16>
      %mul3A_476 = arith.constant 1.079100e-01 : bf16
      %mul3A_477 = vector.broadcast %mul3A_476 : bf16 to vector<32xbf16>
      %mul3A_478 = arith.mulf %exp3A_475, %mul3A_477 : vector<32xbf16>
      %add3A_479 = arith.constant -3.964840e-01 : bf16
      %add3A_480 = vector.broadcast %add3A_479 : bf16 to vector<32xbf16>
      %add3A_481 = arith.addf %add3A_480, %mul3A_478 : vector<32xbf16>
      %mul3A_482 = arith.mulf %exp3A_475, %add3A_481 : vector<32xbf16>
      %add3A_483 = arith.constant 9.804680e-01 : bf16
      %add3A_484 = vector.broadcast %add3A_483 : bf16 to vector<32xbf16>
      %add3A_485 = arith.addf %add3A_484, %mul3A_482 : vector<32xbf16>
      %mul3A_486 = arith.mulf %exp3A_475, %add3A_485 : vector<32xbf16>
      %add3A_487 = arith.constant 5.035400e-04 : bf16
      %add3A_488 = vector.broadcast %add3A_487 : bf16 to vector<32xbf16>
      %add3A_489 = arith.addf %add3A_488, %mul3A_486 : vector<32xbf16>
      %max3A_490 = arith.constant 0.000000e+00 : bf16
      %max3A_491 = vector.broadcast %max3A_490 : bf16 to vector<32xbf16>
      %max3A_492 = arith.maximumf %pack3A_470, %max3A_491 : vector<32xbf16>
      %add3A_493 = arith.addf %max3A_492, %add3A_489 : vector<32xbf16>
      %max3A_494 = arith.constant 0.000000e+00 : bf16
      %max3A_495 = vector.broadcast %max3A_494 : bf16 to vector<32xbf16>
      %max3A_496 = arith.maximumf %neg3A_473, %max3A_495 : vector<32xbf16>
      %add3A_497 = arith.addf %max3A_496, %add3A_489 : vector<32xbf16>
      %unpack3A_498 = tpu.unpack_subelements %add3A_493, 0 {pack_format = #tpu.pack_format<interleaved>} : vector<32xbf16> -> vector<16xf32>
      %unpack3A_499 = tpu.unpack_subelements %add3A_493, 1 {pack_format = #tpu.pack_format<interleaved>} : vector<32xbf16> -> vector<16xf32>
      %unpack3A_500 = tpu.unpack_subelements %add3A_497, 0 {pack_format = #tpu.pack_format<interleaved>} : vector<32xbf16> -> vector<16xf32>
      %unpack3A_501 = tpu.unpack_subelements %add3A_497, 1 {pack_format = #tpu.pack_format<interleaved>} : vector<32xbf16> -> vector<16xf32>
      %ne3A_502 = arith.constant 1 : i32
      %ne3A_503 = vector.broadcast %ne3A_502 : i32 to vector<16xi32>
      %ne3A_504 = arith.cmpi ne, %get3A_464, %ne3A_503 : vector<16xi32>
      %gt3A_505 = arith.constant 0 : i32
      %gt3A_506 = vector.broadcast %gt3A_505 : i32 to vector<16xi32>
      %gt3A_507 = arith.cmpi sgt, %get3A_464, %gt3A_506 : vector<16xi32>
      %select_n3A_508 = arith.select %gt3A_507, %unpack3A_500, %unpack3A_498 : vector<16xi1>, vector<16xf32>
      %jit3A_509 = arith.constant 0.000000e+00 : f32
      %broadcast_in_dim3A_510 = vector.broadcast %jit3A_509 : f32 to vector<16xf32>
      %select_n3A_511 = arith.select %ne3A_504, %select_n3A_508, %broadcast_in_dim3A_510 : vector<16xi1>, vector<16xf32>
      %add3A_512 = arith.addf %scan3A_332, %select_n3A_511 : vector<16xf32>
      %all_reduce_population_count3A_513 = tpu.all_reduce %ne3A_504 {dim = 0 : i64, kind = #tpu.reduction_kind<sum>} : vector<16xi1> -> vector<16xi32>
      %add3A_514 = arith.addi %scan3A_336, %all_reduce_population_count3A_513 : vector<16xi32>
      %ne3A_515 = arith.constant 1 : i32
      %ne3A_516 = vector.broadcast %ne3A_515 : i32 to vector<16xi32>
      %ne3A_517 = arith.cmpi ne, %get3A_469, %ne3A_516 : vector<16xi32>
      %gt3A_518 = arith.constant 0 : i32
      %gt3A_519 = vector.broadcast %gt3A_518 : i32 to vector<16xi32>
      %gt3A_520 = arith.cmpi sgt, %get3A_469, %gt3A_519 : vector<16xi32>
      %select_n3A_521 = arith.select %gt3A_520, %unpack3A_501, %unpack3A_499 : vector<16xi1>, vector<16xf32>
      %jit3A_522 = arith.constant 0.000000e+00 : f32
      %broadcast_in_dim3A_523 = vector.broadcast %jit3A_522 : f32 to vector<16xf32>
      %select_n3A_524 = arith.select %ne3A_517, %select_n3A_521, %broadcast_in_dim3A_523 : vector<16xi1>, vector<16xf32>
      %add3A_525 = arith.addf %add3A_512, %select_n3A_524 : vector<16xf32>
      %all_reduce_population_count3A_526 = tpu.all_reduce %ne3A_517 {dim = 0 : i64, kind = #tpu.reduction_kind<sum>} : vector<16xi1> -> vector<16xi32>
      %add3A_527 = arith.addi %add3A_514, %all_reduce_population_count3A_526 : vector<16xi32>
      %add3A_528 = arith.constant 64 : i32
      %add3A_529 = arith.addi %multiple_of3A, %add3A_528 : i32
      %get3A_530 = arith.index_cast %select_n3A_362 : i32 to index
      %get3A_531 = arith.index_cast %add3A_529 : i32 to index
      %get3A_532 = tpu.vector_load %arg6[%get3A_530, %get3A_531] {strides = array<i32>} : memref<32x512xf32, #tpu.memory_space<vmem>>, vector<16xf32>,
      %add3A_533 = arith.constant 80 : i32
      %add3A_534 = arith.addi %multiple_of3A, %add3A_533 : i32
      %get3A_535 = arith.index_cast %select_n3A_362 : i32 to index
      %get3A_536 = arith.index_cast %add3A_534 : i32 to index
      %get3A_537 = tpu.vector_load %arg6[%get3A_535, %get3A_536] {strides = array<i32>} : memref<32x512xf32, #tpu.memory_space<vmem>>, vector<16xf32>,
      %add3A_538 = arith.constant 64 : i32
      %add3A_539 = arith.addi %multiple_of3A, %add3A_538 : i32
      %get3A_540 = arith.index_cast %select_n3A_362 : i32 to index
      %get3A_541 = arith.index_cast %add3A_539 : i32 to index
      %get3A_542 = tpu.vector_load %arg8[%get3A_540, %get3A_541] {strides = array<i32>} : memref<32x512xi32, #tpu.memory_space<vmem>>, vector<16xi32>,
      %add3A_543 = arith.constant 80 : i32
      %add3A_544 = arith.addi %multiple_of3A, %add3A_543 : i32
      %get3A_545 = arith.index_cast %select_n3A_362 : i32 to index
      %get3A_546 = arith.index_cast %add3A_544 : i32 to index
      %get3A_547 = tpu.vector_load %arg8[%get3A_545, %get3A_546] {strides = array<i32>} : memref<32x512xi32, #tpu.memory_space<vmem>>, vector<16xi32>,
      %pack3A_548 = tpu.pack_subelements %get3A_532, %get3A_537 {pack_format = #tpu.pack_format<interleaved>, positions = array<i32: 0, 1>} : vector<16xf32>, vector<16xf32> -> vector<32xbf16>
      %neg3A_549 = arith.constant 0.000000e+00 : bf16
      %neg3A_550 = vector.broadcast %neg3A_549 : bf16 to vector<32xbf16>
      %neg3A_551 = arith.subf %neg3A_550, %pack3A_548 : vector<32xbf16>
      %min3A_552 = arith.minimumf %pack3A_548, %neg3A_551 : vector<32xbf16>
      %exp3A_553 = math.exp %min3A_552 : vector<32xbf16>
      %mul3A_554 = arith.constant 1.079100e-01 : bf16
      %mul3A_555 = vector.broadcast %mul3A_554 : bf16 to vector<32xbf16>
      %mul3A_556 = arith.mulf %exp3A_553, %mul3A_555 : vector<32xbf16>
      %add3A_557 = arith.constant -3.964840e-01 : bf16
      %add3A_558 = vector.broadcast %add3A_557 : bf16 to vector<32xbf16>
      %add3A_559 = arith.addf %add3A_558, %mul3A_556 : vector<32xbf16>
      %mul3A_560 = arith.mulf %exp3A_553, %add3A_559 : vector<32xbf16>
      %add3A_561 = arith.constant 9.804680e-01 : bf16
      %add3A_562 = vector.broadcast %add3A_561 : bf16 to vector<32xbf16>
      %add3A_563 = arith.addf %add3A_562, %mul3A_560 : vector<32xbf16>
      %mul3A_564 = arith.mulf %exp3A_553, %add3A_563 : vector<32xbf16>
      %add3A_565 = arith.constant 5.035400e-04 : bf16
      %add3A_566 = vector.broadcast %add3A_565 : bf16 to vector<32xbf16>
      %add3A_567 = arith.addf %add3A_566, %mul3A_564 : vector<32xbf16>
      %max3A_568 = arith.constant 0.000000e+00 : bf16
      %max3A_569 = vector.broadcast %max3A_568 : bf16 to vector<32xbf16>
      %max3A_570 = arith.maximumf %pack3A_548, %max3A_569 : vector<32xbf16>
      %add3A_571 = arith.addf %max3A_570, %add3A_567 : vector<32xbf16>
      %max3A_572 = arith.constant 0.000000e+00 : bf16
      %max3A_573 = vector.broadcast %max3A_572 : bf16 to vector<32xbf16>
      %max3A_574 = arith.maximumf %neg3A_551, %max3A_573 : vector<32xbf16>
      %add3A_575 = arith.addf %max3A_574, %add3A_567 : vector<32xbf16>
      %unpack3A_576 = tpu.unpack_subelements %add3A_571, 0 {pack_format = #tpu.pack_format<interleaved>} : vector<32xbf16> -> vector<16xf32>
      %unpack3A_577 = tpu.unpack_subelements %add3A_571, 1 {pack_format = #tpu.pack_format<interleaved>} : vector<32xbf16> -> vector<16xf32>
      %unpack3A_578 = tpu.unpack_subelements %add3A_575, 0 {pack_format = #tpu.pack_format<interleaved>} : vector<32xbf16> -> vector<16xf32>
      %unpack3A_579 = tpu.unpack_subelements %add3A_575, 1 {pack_format = #tpu.pack_format<interleaved>} : vector<32xbf16> -> vector<16xf32>
      %ne3A_580 = arith.constant 1 : i32
      %ne3A_581 = vector.broadcast %ne3A_580 : i32 to vector<16xi32>
      %ne3A_582 = arith.cmpi ne, %get3A_542, %ne3A_581 : vector<16xi32>
      %gt3A_583 = arith.constant 0 : i32
      %gt3A_584 = vector.broadcast %gt3A_583 : i32 to vector<16xi32>
      %gt3A_585 = arith.cmpi sgt, %get3A_542, %gt3A_584 : vector<16xi32>
      %select_n3A_586 = arith.select %gt3A_585, %unpack3A_578, %unpack3A_576 : vector<16xi1>, vector<16xf32>
      %jit3A_587 = arith.constant 0.000000e+00 : f32
      %broadcast_in_dim3A_588 = vector.broadcast %jit3A_587 : f32 to vector<16xf32>
      %select_n3A_589 = arith.select %ne3A_582, %select_n3A_586, %broadcast_in_dim3A_588 : vector<16xi1>, vector<16xf32>
      %add3A_590 = arith.addf %scan3A_333, %select_n3A_589 : vector<16xf32>
      %all_reduce_population_count3A_591 = tpu.all_reduce %ne3A_582 {dim = 0 : i64, kind = #tpu.reduction_kind<sum>} : vector<16xi1> -> vector<16xi32>
      %add3A_592 = arith.addi %scan3A_337, %all_reduce_population_count3A_591 : vector<16xi32>
      %ne3A_593 = arith.constant 1 : i32
      %ne3A_594 = vector.broadcast %ne3A_593 : i32 to vector<16xi32>
      %ne3A_595 = arith.cmpi ne, %get3A_547, %ne3A_594 : vector<16xi32>
      %gt3A_596 = arith.constant 0 : i32
      %gt3A_597 = vector.broadcast %gt3A_596 : i32 to vector<16xi32>
      %gt3A_598 = arith.cmpi sgt, %get3A_547, %gt3A_597 : vector<16xi32>
      %select_n3A_599 = arith.select %gt3A_598, %unpack3A_579, %unpack3A_577 : vector<16xi1>, vector<16xf32>
      %jit3A_600 = arith.constant 0.000000e+00 : f32
      %broadcast_in_dim3A_601 = vector.broadcast %jit3A_600 : f32 to vector<16xf32>
      %select_n3A_602 = arith.select %ne3A_595, %select_n3A_599, %broadcast_in_dim3A_601 : vector<16xi1>, vector<16xf32>
      %add3A_603 = arith.addf %add3A_590, %select_n3A_602 : vector<16xf32>
      %all_reduce_population_count3A_604 = tpu.all_reduce %ne3A_595 {dim = 0 : i64, kind = #tpu.reduction_kind<sum>} : vector<16xi1> -> vector<16xi32>
      %add3A_605 = arith.addi %add3A_592, %all_reduce_population_count3A_604 : vector<16xi32>
      %add3A_606 = arith.constant 96 : i32
      %add3A_607 = arith.addi %multiple_of3A, %add3A_606 : i32
      %get3A_608 = arith.index_cast %select_n3A_362 : i32 to index
      %get3A_609 = arith.index_cast %add3A_607 : i32 to index
      %get3A_610 = tpu.vector_load %arg6[%get3A_608, %get3A_609] {strides = array<i32>} : memref<32x512xf32, #tpu.memory_space<vmem>>, vector<16xf32>,
      %add3A_611 = arith.constant 112 : i32
      %add3A_612 = arith.addi %multiple_of3A, %add3A_611 : i32
      %get3A_613 = arith.index_cast %select_n3A_362 : i32 to index
      %get3A_614 = arith.index_cast %add3A_612 : i32 to index
      %get3A_615 = tpu.vector_load %arg6[%get3A_613, %get3A_614] {strides = array<i32>} : memref<32x512xf32, #tpu.memory_space<vmem>>, vector<16xf32>,
      %add3A_616 = arith.constant 96 : i32
      %add3A_617 = arith.addi %multiple_of3A, %add3A_616 : i32
      %get3A_618 = arith.index_cast %select_n3A_362 : i32 to index
      %get3A_619 = arith.index_cast %add3A_617 : i32 to index
      %get3A_620 = tpu.vector_load %arg8[%get3A_618, %get3A_619] {strides = array<i32>} : memref<32x512xi32, #tpu.memory_space<vmem>>, vector<16xi32>,
      %add3A_621 = arith.constant 112 : i32
      %add3A_622 = arith.addi %multiple_of3A, %add3A_621 : i32
      %get3A_623 = arith.index_cast %select_n3A_362 : i32 to index
      %get3A_624 = arith.index_cast %add3A_622 : i32 to index
      %get3A_625 = tpu.vector_load %arg8[%get3A_623, %get3A_624] {strides = array<i32>} : memref<32x512xi32, #tpu.memory_space<vmem>>, vector<16xi32>,
      %pack3A_626 = tpu.pack_subelements %get3A_610, %get3A_615 {pack_format = #tpu.pack_format<interleaved>, positions = array<i32: 0, 1>} : vector<16xf32>, vector<16xf32> -> vector<32xbf16>
      %neg3A_627 = arith.constant 0.000000e+00 : bf16
      %neg3A_628 = vector.broadcast %neg3A_627 : bf16 to vector<32xbf16>
      %neg3A_629 = arith.subf %neg3A_628, %pack3A_626 : vector<32xbf16>
      %min3A_630 = arith.minimumf %pack3A_626, %neg3A_629 : vector<32xbf16>
      %exp3A_631 = math.exp %min3A_630 : vector<32xbf16>
      %mul3A_632 = arith.constant 1.079100e-01 : bf16
      %mul3A_633 = vector.broadcast %mul3A_632 : bf16 to vector<32xbf16>
      %mul3A_634 = arith.mulf %exp3A_631, %mul3A_633 : vector<32xbf16>
      %add3A_635 = arith.constant -3.964840e-01 : bf16
      %add3A_636 = vector.broadcast %add3A_635 : bf16 to vector<32xbf16>
      %add3A_637 = arith.addf %add3A_636, %mul3A_634 : vector<32xbf16>
      %mul3A_638 = arith.mulf %exp3A_631, %add3A_637 : vector<32xbf16>
      %add3A_639 = arith.constant 9.804680e-01 : bf16
      %add3A_640 = vector.broadcast %add3A_639 : bf16 to vector<32xbf16>
      %add3A_641 = arith.addf %add3A_640, %mul3A_638 : vector<32xbf16>
      %mul3A_642 = arith.mulf %exp3A_631, %add3A_641 : vector<32xbf16>
      %add3A_643 = arith.constant 5.035400e-04 : bf16
      %add3A_644 = vector.broadcast %add3A_643 : bf16 to vector<32xbf16>
      %add3A_645 = arith.addf %add3A_644, %mul3A_642 : vector<32xbf16>
      %max3A_646 = arith.constant 0.000000e+00 : bf16
      %max3A_647 = vector.broadcast %max3A_646 : bf16 to vector<32xbf16>
      %max3A_648 = arith.maximumf %pack3A_626, %max3A_647 : vector<32xbf16>
      %add3A_649 = arith.addf %max3A_648, %add3A_645 : vector<32xbf16>
      %max3A_650 = arith.constant 0.000000e+00 : bf16
      %max3A_651 = vector.broadcast %max3A_650 : bf16 to vector<32xbf16>
      %max3A_652 = arith.maximumf %neg3A_629, %max3A_651 : vector<32xbf16>
      %add3A_653 = arith.addf %max3A_652, %add3A_645 : vector<32xbf16>
      %unpack3A_654 = tpu.unpack_subelements %add3A_649, 0 {pack_format = #tpu.pack_format<interleaved>} : vector<32xbf16> -> vector<16xf32>
      %unpack3A_655 = tpu.unpack_subelements %add3A_649, 1 {pack_format = #tpu.pack_format<interleaved>} : vector<32xbf16> -> vector<16xf32>
      %unpack3A_656 = tpu.unpack_subelements %add3A_653, 0 {pack_format = #tpu.pack_format<interleaved>} : vector<32xbf16> -> vector<16xf32>
      %unpack3A_657 = tpu.unpack_subelements %add3A_653, 1 {pack_format = #tpu.pack_format<interleaved>} : vector<32xbf16> -> vector<16xf32>
      %ne3A_658 = arith.constant 1 : i32
      %ne3A_659 = vector.broadcast %ne3A_658 : i32 to vector<16xi32>
      %ne3A_660 = arith.cmpi ne, %get3A_620, %ne3A_659 : vector<16xi32>
      %gt3A_661 = arith.constant 0 : i32
      %gt3A_662 = vector.broadcast %gt3A_661 : i32 to vector<16xi32>
      %gt3A_663 = arith.cmpi sgt, %get3A_620, %gt3A_662 : vector<16xi32>
      %select_n3A_664 = arith.select %gt3A_663, %unpack3A_656, %unpack3A_654 : vector<16xi1>, vector<16xf32>
      %jit3A_665 = arith.constant 0.000000e+00 : f32
      %broadcast_in_dim3A_666 = vector.broadcast %jit3A_665 : f32 to vector<16xf32>
      %select_n3A_667 = arith.select %ne3A_660, %select_n3A_664, %broadcast_in_dim3A_666 : vector<16xi1>, vector<16xf32>
      %add3A_668 = arith.addf %scan3A_334, %select_n3A_667 : vector<16xf32>
      %all_reduce_population_count3A_669 = tpu.all_reduce %ne3A_660 {dim = 0 : i64, kind = #tpu.reduction_kind<sum>} : vector<16xi1> -> vector<16xi32>
      %add3A_670 = arith.addi %scan3A_338, %all_reduce_population_count3A_669 : vector<16xi32>
      %ne3A_671 = arith.constant 1 : i32
      %ne3A_672 = vector.broadcast %ne3A_671 : i32 to vector<16xi32>
      %ne3A_673 = arith.cmpi ne, %get3A_625, %ne3A_672 : vector<16xi32>
      %gt3A_674 = arith.constant 0 : i32
      %gt3A_675 = vector.broadcast %gt3A_674 : i32 to vector<16xi32>
      %gt3A_676 = arith.cmpi sgt, %get3A_625, %gt3A_675 : vector<16xi32>
      %select_n3A_677 = arith.select %gt3A_676, %unpack3A_657, %unpack3A_655 : vector<16xi1>, vector<16xf32>
      %jit3A_678 = arith.constant 0.000000e+00 : f32
      %broadcast_in_dim3A_679 = vector.broadcast %jit3A_678 : f32 to vector<16xf32>
      %select_n3A_680 = arith.select %ne3A_673, %select_n3A_677, %broadcast_in_dim3A_679 : vector<16xi1>, vector<16xf32>
      %add3A_681 = arith.addf %add3A_668, %select_n3A_680 : vector<16xf32>
      %all_reduce_population_count3A_682 = tpu.all_reduce %ne3A_673 {dim = 0 : i64, kind = #tpu.reduction_kind<sum>} : vector<16xi1> -> vector<16xi32>
      %add3A_683 = arith.addi %add3A_670, %all_reduce_population_count3A_682 : vector<16xi32>
      scf.yield %add3A_447, %add3A_525, %add3A_603, %add3A_681, %add3A_449, %add3A_527, %add3A_605, %add3A_683 : vector<16xf32>, vector<16xf32>, vector<16xf32>, vector<16xf32>, vector<16xi32>, vector<16xi32>, vector<16xi32>, vector<16xi32>
    }
    %scan3A_264 = arith.constant 128 : i32
    %add3A_265 = arith.constant 224 : i32
    %add3A_266 = arith.addi %mul3A_32, %add3A_265 : i32
    %dma_start3A_267 = arith.constant 0 : i32
    %dma_start3A_268 = arith.constant 0 : i32
    %dma_start3A_269 = tpu.memref_slice %arg2[%select_n3A, %dma_start3A_267, %add3A_266, %dma_start3A_268] : memref<16x1x512x512xf32, #tpu.memory_space<hbm>> -> memref<1x1x32x512xf32, #tpu.memory_space<hbm>>
    %dma_start3A_270 = tpu.memref_squeeze %dma_start3A_269 : memref<1x1x32x512xf32, #tpu.memory_space<hbm>> -> memref<32x512xf32, #tpu.memory_space<hbm>>
    %dma_start3A_271 = arith.constant 0 : i32
    %dma_start3A_272 = tpu.memref_slice %arg2[%select_n3A, %dma_start3A_267, %add3A_266, %dma_start3A_271] : memref<16x1x512x512xf32, #tpu.memory_space<hbm>> -> memref<1x1x32x512xf32, #tpu.memory_space<hbm>>
    %dma_start3A_273 = tpu.memref_squeeze %dma_start3A_272 : memref<1x1x32x512xf32, #tpu.memory_space<hbm>> -> memref<32x512xf32, #tpu.memory_space<hbm>>
    tpu.enqueue_dma source(%dma_start3A_273 : memref<32x512xf32, #tpu.memory_space<hbm>>) target(%arg6 : memref<32x512xf32, #tpu.memory_space<vmem>>) target_semaphore(%arg11 : memref<!tpu.dma_semaphore, #tpu.memory_space<semaphore_mem>>)
    %dma_start3A_274 = arith.constant 0 : i32
    %dma_start3A_275 = arith.constant 0 : i32
    %dma_start3A_276 = tpu.memref_slice %arg3[%select_n3A, %dma_start3A_274, %add3A_266, %dma_start3A_275] : memref<16x1x512x512xi32, #tpu.memory_space<hbm>> -> memref<1x1x32x512xi32, #tpu.memory_space<hbm>>
    %dma_start3A_277 = tpu.memref_squeeze %dma_start3A_276 : memref<1x1x32x512xi32, #tpu.memory_space<hbm>> -> memref<32x512xi32, #tpu.memory_space<hbm>>
    %dma_start3A_278 = arith.constant 0 : i32
    %dma_start3A_279 = tpu.memref_slice %arg3[%select_n3A, %dma_start3A_274, %add3A_266, %dma_start3A_278] : memref<16x1x512x512xi32, #tpu.memory_space<hbm>> -> memref<1x1x32x512xi32, #tpu.memory_space<hbm>>
    %dma_start3A_280 = tpu.memref_squeeze %dma_start3A_279 : memref<1x1x32x512xi32, #tpu.memory_space<hbm>> -> memref<32x512xi32, #tpu.memory_space<hbm>>
    tpu.enqueue_dma source(%dma_start3A_280 : memref<32x512xi32, #tpu.memory_space<hbm>>) target(%arg8 : memref<32x512xi32, #tpu.memory_space<vmem>>) target_semaphore(%arg13 : memref<!tpu.dma_semaphore, #tpu.memory_space<semaphore_mem>>)
    %dma_wait3A_281 = arith.constant 0 : i32
    %dma_wait3A_282 = arith.constant 0 : i32
    %dma_wait3A_283 = tpu.memref_slice %arg2[%select_n3A, %dma_wait3A_281, %add3A_230, %dma_wait3A_282] : memref<16x1x512x512xf32, #tpu.memory_space<hbm>> -> memref<1x1x32x512xf32, #tpu.memory_space<hbm>>
    %dma_wait3A_284 = tpu.memref_squeeze %dma_wait3A_283 : memref<1x1x32x512xf32, #tpu.memory_space<hbm>> -> memref<32x512xf32, #tpu.memory_space<hbm>>
    %dma_wait3A_285 = arith.constant 0 : i32
    %dma_wait3A_286 = tpu.memref_slice %arg2[%select_n3A, %dma_wait3A_281, %add3A_230, %dma_wait3A_285] : memref<16x1x512x512xf32, #tpu.memory_space<hbm>> -> memref<1x1x32x512xf32, #tpu.memory_space<hbm>>
    %dma_wait3A_287 = tpu.memref_squeeze %dma_wait3A_286 : memref<1x1x32x512xf32, #tpu.memory_space<hbm>> -> memref<32x512xf32, #tpu.memory_space<hbm>>
    tpu.wait_dma2 semaphore(%arg10 : memref<!tpu.dma_semaphore, #tpu.memory_space<semaphore_mem>>) src(%dma_wait3A_287 : memref<32x512xf32, #tpu.memory_space<hbm>>) dst(%arg5 : memref<32x512xf32, #tpu.memory_space<vmem>>)
    %dma_wait3A_288 = arith.constant 0 : i32
    %dma_wait3A_289 = arith.constant 0 : i32
    %dma_wait3A_290 = tpu.memref_slice %arg3[%select_n3A, %dma_wait3A_288, %add3A_230, %dma_wait3A_289] : memref<16x1x512x512xi32, #tpu.memory_space<hbm>> -> memref<1x1x32x512xi32, #tpu.memory_space<hbm>>
    %dma_wait3A_291 = tpu.memref_squeeze %dma_wait3A_290 : memref<1x1x32x512xi32, #tpu.memory_space<hbm>> -> memref<32x512xi32, #tpu.memory_space<hbm>>
    %dma_wait3A_292 = arith.constant 0 : i32
    %dma_wait3A_293 = tpu.memref_slice %arg3[%select_n3A, %dma_wait3A_288, %add3A_230, %dma_wait3A_292] : memref<16x1x512x512xi32, #tpu.memory_space<hbm>> -> memref<1x1x32x512xi32, #tpu.memory_space<hbm>>
    %dma_wait3A_294 = tpu.memref_squeeze %dma_wait3A_293 : memref<1x1x32x512xi32, #tpu.memory_space<hbm>> -> memref<32x512xi32, #tpu.memory_space<hbm>>
    tpu.wait_dma2 semaphore(%arg12 : memref<!tpu.dma_semaphore, #tpu.memory_space<semaphore_mem>>) src(%dma_wait3A_294 : memref<32x512xi32, #tpu.memory_space<hbm>>) dst(%arg7 : memref<32x512xi32, #tpu.memory_space<vmem>>)
    %scan3A_295 = arith.constant 0 : i32
    %scan3A_296 = arith.constant 128 : i32
    %scan3A_297 = arith.addi %scan3A_295, %scan3A_296 : i32
    %scan3A_298 = arith.constant 1 : i32
    %scan3A_299:8 = scf.for %scan3A_330 = %scan3A_295 to %scan3A_297 step %scan3A_298 iter_args(%scan3A_331 = %scan3A_263#0, %scan3A_332 = %scan3A_263#1, %scan3A_333 = %scan3A_263#2, %scan3A_334 = %scan3A_263#3, %scan3A_335 = %scan3A_263#4, %scan3A_336 = %scan3A_263#5, %scan3A_337 = %scan3A_263#6, %scan3A_338 = %scan3A_263#7) -> (vector<16xf32>, vector<16xf32>, vector<16xf32>, vector<16xf32>, vector<16xi32>, vector<16xi32>, vector<16xi32>, vector<16xi32>)  : i32 {
      %jit3A_339 = arith.constant 4 : i32
      %div3A_340 = arith.divsi %scan3A_330, %jit3A_339 : i32
      %sign3A_341 = arith.constant 0 : i32
      %sign3A_342 = arith.cmpi sgt, %scan3A_330, %sign3A_341 : i32
      %sign3A_343 = arith.extui %sign3A_342 : i1 to i32
      %sign3A_344 = arith.constant 0 : i32
      %sign3A_345 = arith.cmpi slt, %scan3A_330, %sign3A_344 : i32
      %sign3A_346 = arith.extui %sign3A_345 : i1 to i32
      %sign3A_347 = arith.subi %sign3A_343, %sign3A_346 : i32
      %sign3A_348 = arith.constant 0 : i32
      %sign3A_349 = arith.cmpi sgt, %jit3A_339, %sign3A_348 : i32
      %sign3A_350 = arith.extui %sign3A_349 : i1 to i32
      %sign3A_351 = arith.constant 0 : i32
      %sign3A_352 = arith.cmpi slt, %jit3A_339, %sign3A_351 : i32
      %sign3A_353 = arith.extui %sign3A_352 : i1 to i32
      %sign3A_354 = arith.subi %sign3A_350, %sign3A_353 : i32
      %ne3A_355 = arith.cmpi ne, %sign3A_347, %sign3A_354 : i32
      %rem3A_356 = arith.remsi %scan3A_330, %jit3A_339 : i32
      %ne3A_357 = arith.constant 0 : i32
      %ne3A_358 = arith.cmpi ne, %rem3A_356, %ne3A_357 : i32
      %and3A_359 = arith.andi %ne3A_355, %ne3A_358 : i1
      %sub3A_360 = arith.constant 1 : i32
      %sub3A_361 = arith.subi %div3A_340, %sub3A_360 : i32
      %select_n3A_362 = arith.select %and3A_359, %sub3A_361, %div3A_340 : i32
      %jit3A_363 = arith.constant 4 : i32
      %eq3A_364 = arith.constant 0 : i32
      %eq3A_365 = arith.cmpi eq, %jit3A_363, %eq3A_364 : i32
      %jit3A_366 = arith.constant 1 : i32
      %select_n3A_367 = arith.select %eq3A_365, %jit3A_366, %jit3A_363 : i32
      %rem3A_368 = arith.remsi %scan3A_330, %select_n3A_367 : i32
      %ne3A_369 = arith.constant 0 : i32
      %ne3A_370 = arith.cmpi ne, %rem3A_368, %ne3A_369 : i32
      %lt3A_371 = arith.constant 0 : i32
      %lt3A_372 = arith.cmpi slt, %rem3A_368, %lt3A_371 : i32
      %lt3A_373 = arith.constant 0 : i32
      %lt3A_374 = arith.cmpi slt, %select_n3A_367, %lt3A_373 : i32
      %ne3A_375 = arith.xori %lt3A_372, %lt3A_374 : i1
      %and3A_376 = arith.andi %ne3A_375, %ne3A_370 : i1
      %add3A_377 = arith.addi %rem3A_368, %select_n3A_367 : i32
      %select_n3A_378 = arith.select %and3A_376, %add3A_377, %rem3A_368 : i32
      %mul3A_379 = arith.constant 128 : i32
      %mul3A_380 = arith.muli %select_n3A_378, %mul3A_379 : i32
      %multiple_of3A = tpu.assume_multiple %mul3A_380, 128 : i32
      %add3A_381 = arith.constant 0 : i32
      %add3A_382 = arith.addi %multiple_of3A, %add3A_381 : i32
      %get3A = arith.index_cast %select_n3A_362 : i32 to index
      %get3A_383 = arith.index_cast %add3A_382 : i32 to index
      %get3A_384 = tpu.vector_load %arg5[%get3A, %get3A_383] {strides = array<i32>} : memref<32x512xf32, #tpu.memory_space<vmem>>, vector<16xf32>,
      %add3A_385 = arith.constant 16 : i32
      %add3A_386 = arith.addi %multiple_of3A, %add3A_385 : i32
      %get3A_387 = arith.index_cast %select_n3A_362 : i32 to index
      %get3A_388 = arith.index_cast %add3A_386 : i32 to index
      %get3A_389 = tpu.vector_load %arg5[%get3A_387, %get3A_388] {strides = array<i32>} : memref<32x512xf32, #tpu.memory_space<vmem>>, vector<16xf32>,
      %add3A_390 = arith.constant 0 : i32
      %add3A_391 = arith.addi %multiple_of3A, %add3A_390 : i32
      %get3A_392 = arith.index_cast %select_n3A_362 : i32 to index
      %get3A_393 = arith.index_cast %add3A_391 : i32 to index
      %get3A_394 = tpu.vector_load %arg7[%get3A_392, %get3A_393] {strides = array<i32>} : memref<32x512xi32, #tpu.memory_space<vmem>>, vector<16xi32>,
      %add3A_395 = arith.constant 16 : i32
      %add3A_396 = arith.addi %multiple_of3A, %add3A_395 : i32
      %get3A_397 = arith.index_cast %select_n3A_362 : i32 to index
      %get3A_398 = arith.index_cast %add3A_396 : i32 to index
      %get3A_399 = tpu.vector_load %arg7[%get3A_397, %get3A_398] {strides = array<i32>} : memref<32x512xi32, #tpu.memory_space<vmem>>, vector<16xi32>,
      %pack3A = tpu.pack_subelements %get3A_384, %get3A_389 {pack_format = #tpu.pack_format<interleaved>, positions = array<i32: 0, 1>} : vector<16xf32>, vector<16xf32> -> vector<32xbf16>
      %neg3A = arith.constant 0.000000e+00 : bf16
      %neg3A_400 = vector.broadcast %neg3A : bf16 to vector<32xbf16>
      %neg3A_401 = arith.subf %neg3A_400, %pack3A : vector<32xbf16>
      %min3A = arith.minimumf %pack3A, %neg3A_401 : vector<32xbf16>
      %exp3A = math.exp %min3A : vector<32xbf16>
      %mul3A_402 = arith.constant 1.079100e-01 : bf16
      %mul3A_403 = vector.broadcast %mul3A_402 : bf16 to vector<32xbf16>
      %mul3A_404 = arith.mulf %exp3A, %mul3A_403 : vector<32xbf16>
      %add3A_405 = arith.constant -3.964840e-01 : bf16
      %add3A_406 = vector.broadcast %add3A_405 : bf16 to vector<32xbf16>
      %add3A_407 = arith.addf %add3A_406, %mul3A_404 : vector<32xbf16>
      %mul3A_408 = arith.mulf %exp3A, %add3A_407 : vector<32xbf16>
      %add3A_409 = arith.constant 9.804680e-01 : bf16
      %add3A_410 = vector.broadcast %add3A_409 : bf16 to vector<32xbf16>
      %add3A_411 = arith.addf %add3A_410, %mul3A_408 : vector<32xbf16>
      %mul3A_412 = arith.mulf %exp3A, %add3A_411 : vector<32xbf16>
      %add3A_413 = arith.constant 5.035400e-04 : bf16
      %add3A_414 = vector.broadcast %add3A_413 : bf16 to vector<32xbf16>
      %add3A_415 = arith.addf %add3A_414, %mul3A_412 : vector<32xbf16>
      %max3A = arith.constant 0.000000e+00 : bf16
      %max3A_416 = vector.broadcast %max3A : bf16 to vector<32xbf16>
      %max3A_417 = arith.maximumf %pack3A, %max3A_416 : vector<32xbf16>
      %add3A_418 = arith.addf %max3A_417, %add3A_415 : vector<32xbf16>
      %max3A_419 = arith.constant 0.000000e+00 : bf16
      %max3A_420 = vector.broadcast %max3A_419 : bf16 to vector<32xbf16>
      %max3A_421 = arith.maximumf %neg3A_401, %max3A_420 : vector<32xbf16>
      %add3A_422 = arith.addf %max3A_421, %add3A_415 : vector<32xbf16>
      %unpack3A = tpu.unpack_subelements %add3A_418, 0 {pack_format = #tpu.pack_format<interleaved>} : vector<32xbf16> -> vector<16xf32>
      %unpack3A_423 = tpu.unpack_subelements %add3A_418, 1 {pack_format = #tpu.pack_format<interleaved>} : vector<32xbf16> -> vector<16xf32>
      %unpack3A_424 = tpu.unpack_subelements %add3A_422, 0 {pack_format = #tpu.pack_format<interleaved>} : vector<32xbf16> -> vector<16xf32>
      %unpack3A_425 = tpu.unpack_subelements %add3A_422, 1 {pack_format = #tpu.pack_format<interleaved>} : vector<32xbf16> -> vector<16xf32>
      %ne3A_426 = arith.constant 1 : i32
      %ne3A_427 = vector.broadcast %ne3A_426 : i32 to vector<16xi32>
      %ne3A_428 = arith.cmpi ne, %get3A_394, %ne3A_427 : vector<16xi32>
      %gt3A = arith.constant 0 : i32
      %gt3A_429 = vector.broadcast %gt3A : i32 to vector<16xi32>
      %gt3A_430 = arith.cmpi sgt, %get3A_394, %gt3A_429 : vector<16xi32>
      %select_n3A_431 = arith.select %gt3A_430, %unpack3A_424, %unpack3A : vector<16xi1>, vector<16xf32>
      %jit3A_432 = arith.constant 0.000000e+00 : f32
      %broadcast_in_dim3A_433 = vector.broadcast %jit3A_432 : f32 to vector<16xf32>
      %select_n3A_434 = arith.select %ne3A_428, %select_n3A_431, %broadcast_in_dim3A_433 : vector<16xi1>, vector<16xf32>
      %add3A_435 = arith.addf %scan3A_331, %select_n3A_434 : vector<16xf32>
      %all_reduce_population_count3A = tpu.all_reduce %ne3A_428 {dim = 0 : i64, kind = #tpu.reduction_kind<sum>} : vector<16xi1> -> vector<16xi32>
      %add3A_436 = arith.addi %scan3A_335, %all_reduce_population_count3A : vector<16xi32>
      %ne3A_437 = arith.constant 1 : i32
      %ne3A_438 = vector.broadcast %ne3A_437 : i32 to vector<16xi32>
      %ne3A_439 = arith.cmpi ne, %get3A_399, %ne3A_438 : vector<16xi32>
      %gt3A_440 = arith.constant 0 : i32
      %gt3A_441 = vector.broadcast %gt3A_440 : i32 to vector<16xi32>
      %gt3A_442 = arith.cmpi sgt, %get3A_399, %gt3A_441 : vector<16xi32>
      %select_n3A_443 = arith.select %gt3A_442, %unpack3A_425, %unpack3A_423 : vector<16xi1>, vector<16xf32>
      %jit3A_444 = arith.constant 0.000000e+00 : f32
      %broadcast_in_dim3A_445 = vector.broadcast %jit3A_444 : f32 to vector<16xf32>
      %select_n3A_446 = arith.select %ne3A_439, %select_n3A_443, %broadcast_in_dim3A_445 : vector<16xi1>, vector<16xf32>
      %add3A_447 = arith.addf %add3A_435, %select_n3A_446 : vector<16xf32>
      %all_reduce_population_count3A_448 = tpu.all_reduce %ne3A_439 {dim = 0 : i64, kind = #tpu.reduction_kind<sum>} : vector<16xi1> -> vector<16xi32>
      %add3A_449 = arith.addi %add3A_436, %all_reduce_population_count3A_448 : vector<16xi32>
      %add3A_450 = arith.constant 32 : i32
      %add3A_451 = arith.addi %multiple_of3A, %add3A_450 : i32
      %get3A_452 = arith.index_cast %select_n3A_362 : i32 to index
      %get3A_453 = arith.index_cast %add3A_451 : i32 to index
      %get3A_454 = tpu.vector_load %arg5[%get3A_452, %get3A_453] {strides = array<i32>} : memref<32x512xf32, #tpu.memory_space<vmem>>, vector<16xf32>,
      %add3A_455 = arith.constant 48 : i32
      %add3A_456 = arith.addi %multiple_of3A, %add3A_455 : i32
      %get3A_457 = arith.index_cast %select_n3A_362 : i32 to index
      %get3A_458 = arith.index_cast %add3A_456 : i32 to index
      %get3A_459 = tpu.vector_load %arg5[%get3A_457, %get3A_458] {strides = array<i32>} : memref<32x512xf32, #tpu.memory_space<vmem>>, vector<16xf32>,
      %add3A_460 = arith.constant 32 : i32
      %add3A_461 = arith.addi %multiple_of3A, %add3A_460 : i32
      %get3A_462 = arith.index_cast %select_n3A_362 : i32 to index
      %get3A_463 = arith.index_cast %add3A_461 : i32 to index
      %get3A_464 = tpu.vector_load %arg7[%get3A_462, %get3A_463] {strides = array<i32>} : memref<32x512xi32, #tpu.memory_space<vmem>>, vector<16xi32>,
      %add3A_465 = arith.constant 48 : i32
      %add3A_466 = arith.addi %multiple_of3A, %add3A_465 : i32
      %get3A_467 = arith.index_cast %select_n3A_362 : i32 to index
      %get3A_468 = arith.index_cast %add3A_466 : i32 to index
      %get3A_469 = tpu.vector_load %arg7[%get3A_467, %get3A_468] {strides = array<i32>} : memref<32x512xi32, #tpu.memory_space<vmem>>, vector<16xi32>,
      %pack3A_470 = tpu.pack_subelements %get3A_454, %get3A_459 {pack_format = #tpu.pack_format<interleaved>, positions = array<i32: 0, 1>} : vector<16xf32>, vector<16xf32> -> vector<32xbf16>
      %neg3A_471 = arith.constant 0.000000e+00 : bf16
      %neg3A_472 = vector.broadcast %neg3A_471 : bf16 to vector<32xbf16>
      %neg3A_473 = arith.subf %neg3A_472, %pack3A_470 : vector<32xbf16>
      %min3A_474 = arith.minimumf %pack3A_470, %neg3A_473 : vector<32xbf16>
      %exp3A_475 = math.exp %min3A_474 : vector<32xbf16>
      %mul3A_476 = arith.constant 1.079100e-01 : bf16
      %mul3A_477 = vector.broadcast %mul3A_476 : bf16 to vector<32xbf16>
      %mul3A_478 = arith.mulf %exp3A_475, %mul3A_477 : vector<32xbf16>
      %add3A_479 = arith.constant -3.964840e-01 : bf16
      %add3A_480 = vector.broadcast %add3A_479 : bf16 to vector<32xbf16>
      %add3A_481 = arith.addf %add3A_480, %mul3A_478 : vector<32xbf16>
      %mul3A_482 = arith.mulf %exp3A_475, %add3A_481 : vector<32xbf16>
      %add3A_483 = arith.constant 9.804680e-01 : bf16
      %add3A_484 = vector.broadcast %add3A_483 : bf16 to vector<32xbf16>
      %add3A_485 = arith.addf %add3A_484, %mul3A_482 : vector<32xbf16>
      %mul3A_486 = arith.mulf %exp3A_475, %add3A_485 : vector<32xbf16>
      %add3A_487 = arith.constant 5.035400e-04 : bf16
      %add3A_488 = vector.broadcast %add3A_487 : bf16 to vector<32xbf16>
      %add3A_489 = arith.addf %add3A_488, %mul3A_486 : vector<32xbf16>
      %max3A_490 = arith.constant 0.000000e+00 : bf16
      %max3A_491 = vector.broadcast %max3A_490 : bf16 to vector<32xbf16>
      %max3A_492 = arith.maximumf %pack3A_470, %max3A_491 : vector<32xbf16>
      %add3A_493 = arith.addf %max3A_492, %add3A_489 : vector<32xbf16>
      %max3A_494 = arith.constant 0.000000e+00 : bf16
      %max3A_495 = vector.broadcast %max3A_494 : bf16 to vector<32xbf16>
      %max3A_496 = arith.maximumf %neg3A_473, %max3A_495 : vector<32xbf16>
      %add3A_497 = arith.addf %max3A_496, %add3A_489 : vector<32xbf16>
      %unpack3A_498 = tpu.unpack_subelements %add3A_493, 0 {pack_format = #tpu.pack_format<interleaved>} : vector<32xbf16> -> vector<16xf32>
      %unpack3A_499 = tpu.unpack_subelements %add3A_493, 1 {pack_format = #tpu.pack_format<interleaved>} : vector<32xbf16> -> vector<16xf32>
      %unpack3A_500 = tpu.unpack_subelements %add3A_497, 0 {pack_format = #tpu.pack_format<interleaved>} : vector<32xbf16> -> vector<16xf32>
      %unpack3A_501 = tpu.unpack_subelements %add3A_497, 1 {pack_format = #tpu.pack_format<interleaved>} : vector<32xbf16> -> vector<16xf32>
      %ne3A_502 = arith.constant 1 : i32
      %ne3A_503 = vector.broadcast %ne3A_502 : i32 to vector<16xi32>
      %ne3A_504 = arith.cmpi ne, %get3A_464, %ne3A_503 : vector<16xi32>
      %gt3A_505 = arith.constant 0 : i32
      %gt3A_506 = vector.broadcast %gt3A_505 : i32 to vector<16xi32>
      %gt3A_507 = arith.cmpi sgt, %get3A_464, %gt3A_506 : vector<16xi32>
      %select_n3A_508 = arith.select %gt3A_507, %unpack3A_500, %unpack3A_498 : vector<16xi1>, vector<16xf32>
      %jit3A_509 = arith.constant 0.000000e+00 : f32
      %broadcast_in_dim3A_510 = vector.broadcast %jit3A_509 : f32 to vector<16xf32>
      %select_n3A_511 = arith.select %ne3A_504, %select_n3A_508, %broadcast_in_dim3A_510 : vector<16xi1>, vector<16xf32>
      %add3A_512 = arith.addf %scan3A_332, %select_n3A_511 : vector<16xf32>
      %all_reduce_population_count3A_513 = tpu.all_reduce %ne3A_504 {dim = 0 : i64, kind = #tpu.reduction_kind<sum>} : vector<16xi1> -> vector<16xi32>
      %add3A_514 = arith.addi %scan3A_336, %all_reduce_population_count3A_513 : vector<16xi32>
      %ne3A_515 = arith.constant 1 : i32
      %ne3A_516 = vector.broadcast %ne3A_515 : i32 to vector<16xi32>
      %ne3A_517 = arith.cmpi ne, %get3A_469, %ne3A_516 : vector<16xi32>
      %gt3A_518 = arith.constant 0 : i32
      %gt3A_519 = vector.broadcast %gt3A_518 : i32 to vector<16xi32>
      %gt3A_520 = arith.cmpi sgt, %get3A_469, %gt3A_519 : vector<16xi32>
      %select_n3A_521 = arith.select %gt3A_520, %unpack3A_501, %unpack3A_499 : vector<16xi1>, vector<16xf32>
      %jit3A_522 = arith.constant 0.000000e+00 : f32
      %broadcast_in_dim3A_523 = vector.broadcast %jit3A_522 : f32 to vector<16xf32>
      %select_n3A_524 = arith.select %ne3A_517, %select_n3A_521, %broadcast_in_dim3A_523 : vector<16xi1>, vector<16xf32>
      %add3A_525 = arith.addf %add3A_512, %select_n3A_524 : vector<16xf32>
      %all_reduce_population_count3A_526 = tpu.all_reduce %ne3A_517 {dim = 0 : i64, kind = #tpu.reduction_kind<sum>} : vector<16xi1> -> vector<16xi32>
      %add3A_527 = arith.addi %add3A_514, %all_reduce_population_count3A_526 : vector<16xi32>
      %add3A_528 = arith.constant 64 : i32
      %add3A_529 = arith.addi %multiple_of3A, %add3A_528 : i32
      %get3A_530 = arith.index_cast %select_n3A_362 : i32 to index
      %get3A_531 = arith.index_cast %add3A_529 : i32 to index
      %get3A_532 = tpu.vector_load %arg5[%get3A_530, %get3A_531] {strides = array<i32>} : memref<32x512xf32, #tpu.memory_space<vmem>>, vector<16xf32>,
      %add3A_533 = arith.constant 80 : i32
      %add3A_534 = arith.addi %multiple_of3A, %add3A_533 : i32
      %get3A_535 = arith.index_cast %select_n3A_362 : i32 to index
      %get3A_536 = arith.index_cast %add3A_534 : i32 to index
      %get3A_537 = tpu.vector_load %arg5[%get3A_535, %get3A_536] {strides = array<i32>} : memref<32x512xf32, #tpu.memory_space<vmem>>, vector<16xf32>,
      %add3A_538 = arith.constant 64 : i32
      %add3A_539 = arith.addi %multiple_of3A, %add3A_538 : i32
      %get3A_540 = arith.index_cast %select_n3A_362 : i32 to index
      %get3A_541 = arith.index_cast %add3A_539 : i32 to index
      %get3A_542 = tpu.vector_load %arg7[%get3A_540, %get3A_541] {strides = array<i32>} : memref<32x512xi32, #tpu.memory_space<vmem>>, vector<16xi32>,
      %add3A_543 = arith.constant 80 : i32
      %add3A_544 = arith.addi %multiple_of3A, %add3A_543 : i32
      %get3A_545 = arith.index_cast %select_n3A_362 : i32 to index
      %get3A_546 = arith.index_cast %add3A_544 : i32 to index
      %get3A_547 = tpu.vector_load %arg7[%get3A_545, %get3A_546] {strides = array<i32>} : memref<32x512xi32, #tpu.memory_space<vmem>>, vector<16xi32>,
      %pack3A_548 = tpu.pack_subelements %get3A_532, %get3A_537 {pack_format = #tpu.pack_format<interleaved>, positions = array<i32: 0, 1>} : vector<16xf32>, vector<16xf32> -> vector<32xbf16>
      %neg3A_549 = arith.constant 0.000000e+00 : bf16
      %neg3A_550 = vector.broadcast %neg3A_549 : bf16 to vector<32xbf16>
      %neg3A_551 = arith.subf %neg3A_550, %pack3A_548 : vector<32xbf16>
      %min3A_552 = arith.minimumf %pack3A_548, %neg3A_551 : vector<32xbf16>
      %exp3A_553 = math.exp %min3A_552 : vector<32xbf16>
      %mul3A_554 = arith.constant 1.079100e-01 : bf16
      %mul3A_555 = vector.broadcast %mul3A_554 : bf16 to vector<32xbf16>
      %mul3A_556 = arith.mulf %exp3A_553, %mul3A_555 : vector<32xbf16>
      %add3A_557 = arith.constant -3.964840e-01 : bf16
      %add3A_558 = vector.broadcast %add3A_557 : bf16 to vector<32xbf16>
      %add3A_559 = arith.addf %add3A_558, %mul3A_556 : vector<32xbf16>
      %mul3A_560 = arith.mulf %exp3A_553, %add3A_559 : vector<32xbf16>
      %add3A_561 = arith.constant 9.804680e-01 : bf16
      %add3A_562 = vector.broadcast %add3A_561 : bf16 to vector<32xbf16>
      %add3A_563 = arith.addf %add3A_562, %mul3A_560 : vector<32xbf16>
      %mul3A_564 = arith.mulf %exp3A_553, %add3A_563 : vector<32xbf16>
      %add3A_565 = arith.constant 5.035400e-04 : bf16
      %add3A_566 = vector.broadcast %add3A_565 : bf16 to vector<32xbf16>
      %add3A_567 = arith.addf %add3A_566, %mul3A_564 : vector<32xbf16>
      %max3A_568 = arith.constant 0.000000e+00 : bf16
      %max3A_569 = vector.broadcast %max3A_568 : bf16 to vector<32xbf16>
      %max3A_570 = arith.maximumf %pack3A_548, %max3A_569 : vector<32xbf16>
      %add3A_571 = arith.addf %max3A_570, %add3A_567 : vector<32xbf16>
      %max3A_572 = arith.constant 0.000000e+00 : bf16
      %max3A_573 = vector.broadcast %max3A_572 : bf16 to vector<32xbf16>
      %max3A_574 = arith.maximumf %neg3A_551, %max3A_573 : vector<32xbf16>
      %add3A_575 = arith.addf %max3A_574, %add3A_567 : vector<32xbf16>
      %unpack3A_576 = tpu.unpack_subelements %add3A_571, 0 {pack_format = #tpu.pack_format<interleaved>} : vector<32xbf16> -> vector<16xf32>
      %unpack3A_577 = tpu.unpack_subelements %add3A_571, 1 {pack_format = #tpu.pack_format<interleaved>} : vector<32xbf16> -> vector<16xf32>
      %unpack3A_578 = tpu.unpack_subelements %add3A_575, 0 {pack_format = #tpu.pack_format<interleaved>} : vector<32xbf16> -> vector<16xf32>
      %unpack3A_579 = tpu.unpack_subelements %add3A_575, 1 {pack_format = #tpu.pack_format<interleaved>} : vector<32xbf16> -> vector<16xf32>
      %ne3A_580 = arith.constant 1 : i32
      %ne3A_581 = vector.broadcast %ne3A_580 : i32 to vector<16xi32>
      %ne3A_582 = arith.cmpi ne, %get3A_542, %ne3A_581 : vector<16xi32>
      %gt3A_583 = arith.constant 0 : i32
      %gt3A_584 = vector.broadcast %gt3A_583 : i32 to vector<16xi32>
      %gt3A_585 = arith.cmpi sgt, %get3A_542, %gt3A_584 : vector<16xi32>
      %select_n3A_586 = arith.select %gt3A_585, %unpack3A_578, %unpack3A_576 : vector<16xi1>, vector<16xf32>
      %jit3A_587 = arith.constant 0.000000e+00 : f32
      %broadcast_in_dim3A_588 = vector.broadcast %jit3A_587 : f32 to vector<16xf32>
      %select_n3A_589 = arith.select %ne3A_582, %select_n3A_586, %broadcast_in_dim3A_588 : vector<16xi1>, vector<16xf32>
      %add3A_590 = arith.addf %scan3A_333, %select_n3A_589 : vector<16xf32>
      %all_reduce_population_count3A_591 = tpu.all_reduce %ne3A_582 {dim = 0 : i64, kind = #tpu.reduction_kind<sum>} : vector<16xi1> -> vector<16xi32>
      %add3A_592 = arith.addi %scan3A_337, %all_reduce_population_count3A_591 : vector<16xi32>
      %ne3A_593 = arith.constant 1 : i32
      %ne3A_594 = vector.broadcast %ne3A_593 : i32 to vector<16xi32>
      %ne3A_595 = arith.cmpi ne, %get3A_547, %ne3A_594 : vector<16xi32>
      %gt3A_596 = arith.constant 0 : i32
      %gt3A_597 = vector.broadcast %gt3A_596 : i32 to vector<16xi32>
      %gt3A_598 = arith.cmpi sgt, %get3A_547, %gt3A_597 : vector<16xi32>
      %select_n3A_599 = arith.select %gt3A_598, %unpack3A_579, %unpack3A_577 : vector<16xi1>, vector<16xf32>
      %jit3A_600 = arith.constant 0.000000e+00 : f32
      %broadcast_in_dim3A_601 = vector.broadcast %jit3A_600 : f32 to vector<16xf32>
      %select_n3A_602 = arith.select %ne3A_595, %select_n3A_599, %broadcast_in_dim3A_601 : vector<16xi1>, vector<16xf32>
      %add3A_603 = arith.addf %add3A_590, %select_n3A_602 : vector<16xf32>
      %all_reduce_population_count3A_604 = tpu.all_reduce %ne3A_595 {dim = 0 : i64, kind = #tpu.reduction_kind<sum>} : vector<16xi1> -> vector<16xi32>
      %add3A_605 = arith.addi %add3A_592, %all_reduce_population_count3A_604 : vector<16xi32>
      %add3A_606 = arith.constant 96 : i32
      %add3A_607 = arith.addi %multiple_of3A, %add3A_606 : i32
      %get3A_608 = arith.index_cast %select_n3A_362 : i32 to index
      %get3A_609 = arith.index_cast %add3A_607 : i32 to index
      %get3A_610 = tpu.vector_load %arg5[%get3A_608, %get3A_609] {strides = array<i32>} : memref<32x512xf32, #tpu.memory_space<vmem>>, vector<16xf32>,
      %add3A_611 = arith.constant 112 : i32
      %add3A_612 = arith.addi %multiple_of3A, %add3A_611 : i32
      %get3A_613 = arith.index_cast %select_n3A_362 : i32 to index
      %get3A_614 = arith.index_cast %add3A_612 : i32 to index
      %get3A_615 = tpu.vector_load %arg5[%get3A_613, %get3A_614] {strides = array<i32>} : memref<32x512xf32, #tpu.memory_space<vmem>>, vector<16xf32>,
      %add3A_616 = arith.constant 96 : i32
      %add3A_617 = arith.addi %multiple_of3A, %add3A_616 : i32
      %get3A_618 = arith.index_cast %select_n3A_362 : i32 to index
      %get3A_619 = arith.index_cast %add3A_617 : i32 to index
      %get3A_620 = tpu.vector_load %arg7[%get3A_618, %get3A_619] {strides = array<i32>} : memref<32x512xi32, #tpu.memory_space<vmem>>, vector<16xi32>,
      %add3A_621 = arith.constant 112 : i32
      %add3A_622 = arith.addi %multiple_of3A, %add3A_621 : i32
      %get3A_623 = arith.index_cast %select_n3A_362 : i32 to index
      %get3A_624 = arith.index_cast %add3A_622 : i32 to index
      %get3A_625 = tpu.vector_load %arg7[%get3A_623, %get3A_624] {strides = array<i32>} : memref<32x512xi32, #tpu.memory_space<vmem>>, vector<16xi32>,
      %pack3A_626 = tpu.pack_subelements %get3A_610, %get3A_615 {pack_format = #tpu.pack_format<interleaved>, positions = array<i32: 0, 1>} : vector<16xf32>, vector<16xf32> -> vector<32xbf16>
      %neg3A_627 = arith.constant 0.000000e+00 : bf16
      %neg3A_628 = vector.broadcast %neg3A_627 : bf16 to vector<32xbf16>
      %neg3A_629 = arith.subf %neg3A_628, %pack3A_626 : vector<32xbf16>
      %min3A_630 = arith.minimumf %pack3A_626, %neg3A_629 : vector<32xbf16>
      %exp3A_631 = math.exp %min3A_630 : vector<32xbf16>
      %mul3A_632 = arith.constant 1.079100e-01 : bf16
      %mul3A_633 = vector.broadcast %mul3A_632 : bf16 to vector<32xbf16>
      %mul3A_634 = arith.mulf %exp3A_631, %mul3A_633 : vector<32xbf16>
      %add3A_635 = arith.constant -3.964840e-01 : bf16
      %add3A_636 = vector.broadcast %add3A_635 : bf16 to vector<32xbf16>
      %add3A_637 = arith.addf %add3A_636, %mul3A_634 : vector<32xbf16>
      %mul3A_638 = arith.mulf %exp3A_631, %add3A_637 : vector<32xbf16>
      %add3A_639 = arith.constant 9.804680e-01 : bf16
      %add3A_640 = vector.broadcast %add3A_639 : bf16 to vector<32xbf16>
      %add3A_641 = arith.addf %add3A_640, %mul3A_638 : vector<32xbf16>
      %mul3A_642 = arith.mulf %exp3A_631, %add3A_641 : vector<32xbf16>
      %add3A_643 = arith.constant 5.035400e-04 : bf16
      %add3A_644 = vector.broadcast %add3A_643 : bf16 to vector<32xbf16>
      %add3A_645 = arith.addf %add3A_644, %mul3A_642 : vector<32xbf16>
      %max3A_646 = arith.constant 0.000000e+00 : bf16
      %max3A_647 = vector.broadcast %max3A_646 : bf16 to vector<32xbf16>
      %max3A_648 = arith.maximumf %pack3A_626, %max3A_647 : vector<32xbf16>
      %add3A_649 = arith.addf %max3A_648, %add3A_645 : vector<32xbf16>
      %max3A_650 = arith.constant 0.000000e+00 : bf16
      %max3A_651 = vector.broadcast %max3A_650 : bf16 to vector<32xbf16>
      %max3A_652 = arith.maximumf %neg3A_629, %max3A_651 : vector<32xbf16>
      %add3A_653 = arith.addf %max3A_652, %add3A_645 : vector<32xbf16>
      %unpack3A_654 = tpu.unpack_subelements %add3A_649, 0 {pack_format = #tpu.pack_format<interleaved>} : vector<32xbf16> -> vector<16xf32>
      %unpack3A_655 = tpu.unpack_subelements %add3A_649, 1 {pack_format = #tpu.pack_format<interleaved>} : vector<32xbf16> -> vector<16xf32>
      %unpack3A_656 = tpu.unpack_subelements %add3A_653, 0 {pack_format = #tpu.pack_format<interleaved>} : vector<32xbf16> -> vector<16xf32>
      %unpack3A_657 = tpu.unpack_subelements %add3A_653, 1 {pack_format = #tpu.pack_format<interleaved>} : vector<32xbf16> -> vector<16xf32>
      %ne3A_658 = arith.constant 1 : i32
      %ne3A_659 = vector.broadcast %ne3A_658 : i32 to vector<16xi32>
      %ne3A_660 = arith.cmpi ne, %get3A_620, %ne3A_659 : vector<16xi32>
      %gt3A_661 = arith.constant 0 : i32
      %gt3A_662 = vector.broadcast %gt3A_661 : i32 to vector<16xi32>
      %gt3A_663 = arith.cmpi sgt, %get3A_620, %gt3A_662 : vector<16xi32>
      %select_n3A_664 = arith.select %gt3A_663, %unpack3A_656, %unpack3A_654 : vector<16xi1>, vector<16xf32>
      %jit3A_665 = arith.constant 0.000000e+00 : f32
      %broadcast_in_dim3A_666 = vector.broadcast %jit3A_665 : f32 to vector<16xf32>
      %select_n3A_667 = arith.select %ne3A_660, %select_n3A_664, %broadcast_in_dim3A_666 : vector<16xi1>, vector<16xf32>
      %add3A_668 = arith.addf %scan3A_334, %select_n3A_667 : vector<16xf32>
      %all_reduce_population_count3A_669 = tpu.all_reduce %ne3A_660 {dim = 0 : i64, kind = #tpu.reduction_kind<sum>} : vector<16xi1> -> vector<16xi32>
      %add3A_670 = arith.addi %scan3A_338, %all_reduce_population_count3A_669 : vector<16xi32>
      %ne3A_671 = arith.constant 1 : i32
      %ne3A_672 = vector.broadcast %ne3A_671 : i32 to vector<16xi32>
      %ne3A_673 = arith.cmpi ne, %get3A_625, %ne3A_672 : vector<16xi32>
      %gt3A_674 = arith.constant 0 : i32
      %gt3A_675 = vector.broadcast %gt3A_674 : i32 to vector<16xi32>
      %gt3A_676 = arith.cmpi sgt, %get3A_625, %gt3A_675 : vector<16xi32>
      %select_n3A_677 = arith.select %gt3A_676, %unpack3A_657, %unpack3A_655 : vector<16xi1>, vector<16xf32>
      %jit3A_678 = arith.constant 0.000000e+00 : f32
      %broadcast_in_dim3A_679 = vector.broadcast %jit3A_678 : f32 to vector<16xf32>
      %select_n3A_680 = arith.select %ne3A_673, %select_n3A_677, %broadcast_in_dim3A_679 : vector<16xi1>, vector<16xf32>
      %add3A_681 = arith.addf %add3A_668, %select_n3A_680 : vector<16xf32>
      %all_reduce_population_count3A_682 = tpu.all_reduce %ne3A_673 {dim = 0 : i64, kind = #tpu.reduction_kind<sum>} : vector<16xi1> -> vector<16xi32>
      %add3A_683 = arith.addi %add3A_670, %all_reduce_population_count3A_682 : vector<16xi32>
      scf.yield %add3A_447, %add3A_525, %add3A_603, %add3A_681, %add3A_449, %add3A_527, %add3A_605, %add3A_683 : vector<16xf32>, vector<16xf32>, vector<16xf32>, vector<16xf32>, vector<16xi32>, vector<16xi32>, vector<16xi32>, vector<16xi32>
    }
    %scan3A_300 = arith.constant 128 : i32
    %dma_wait3A_301 = arith.constant 0 : i32
    %dma_wait3A_302 = arith.constant 0 : i32
    %dma_wait3A_303 = tpu.memref_slice %arg2[%select_n3A, %dma_wait3A_301, %add3A_266, %dma_wait3A_302] : memref<16x1x512x512xf32, #tpu.memory_space<hbm>> -> memref<1x1x32x512xf32, #tpu.memory_space<hbm>>
    %dma_wait3A_304 = tpu.memref_squeeze %dma_wait3A_303 : memref<1x1x32x512xf32, #tpu.memory_space<hbm>> -> memref<32x512xf32, #tpu.memory_space<hbm>>
    %dma_wait3A_305 = arith.constant 0 : i32
    %dma_wait3A_306 = tpu.memref_slice %arg2[%select_n3A, %dma_wait3A_301, %add3A_266, %dma_wait3A_305] : memref<16x1x512x512xf32, #tpu.memory_space<hbm>> -> memref<1x1x32x512xf32, #tpu.memory_space<hbm>>
    %dma_wait3A_307 = tpu.memref_squeeze %dma_wait3A_306 : memref<1x1x32x512xf32, #tpu.memory_space<hbm>> -> memref<32x512xf32, #tpu.memory_space<hbm>>
    tpu.wait_dma2 semaphore(%arg11 : memref<!tpu.dma_semaphore, #tpu.memory_space<semaphore_mem>>) src(%dma_wait3A_307 : memref<32x512xf32, #tpu.memory_space<hbm>>) dst(%arg6 : memref<32x512xf32, #tpu.memory_space<vmem>>)
    %dma_wait3A_308 = arith.constant 0 : i32
    %dma_wait3A_309 = arith.constant 0 : i32
    %dma_wait3A_310 = tpu.memref_slice %arg3[%select_n3A, %dma_wait3A_308, %add3A_266, %dma_wait3A_309] : memref<16x1x512x512xi32, #tpu.memory_space<hbm>> -> memref<1x1x32x512xi32, #tpu.memory_space<hbm>>
    %dma_wait3A_311 = tpu.memref_squeeze %dma_wait3A_310 : memref<1x1x32x512xi32, #tpu.memory_space<hbm>> -> memref<32x512xi32, #tpu.memory_space<hbm>>
    %dma_wait3A_312 = arith.constant 0 : i32
    %dma_wait3A_313 = tpu.memref_slice %arg3[%select_n3A, %dma_wait3A_308, %add3A_266, %dma_wait3A_312] : memref<16x1x512x512xi32, #tpu.memory_space<hbm>> -> memref<1x1x32x512xi32, #tpu.memory_space<hbm>>
    %dma_wait3A_314 = tpu.memref_squeeze %dma_wait3A_313 : memref<1x1x32x512xi32, #tpu.memory_space<hbm>> -> memref<32x512xi32, #tpu.memory_space<hbm>>
    tpu.wait_dma2 semaphore(%arg13 : memref<!tpu.dma_semaphore, #tpu.memory_space<semaphore_mem>>) src(%dma_wait3A_314 : memref<32x512xi32, #tpu.memory_space<hbm>>) dst(%arg8 : memref<32x512xi32, #tpu.memory_space<vmem>>)
    %scan3A_315 = arith.constant 0 : i32
    %scan3A_316 = arith.constant 128 : i32
    %scan3A_317 = arith.addi %scan3A_315, %scan3A_316 : i32
    %scan3A_318 = arith.constant 1 : i32
    %scan3A_319:8 = scf.for %scan3A_330 = %scan3A_315 to %scan3A_317 step %scan3A_318 iter_args(%scan3A_331 = %scan3A_299#0, %scan3A_332 = %scan3A_299#1, %scan3A_333 = %scan3A_299#2, %scan3A_334 = %scan3A_299#3, %scan3A_335 = %scan3A_299#4, %scan3A_336 = %scan3A_299#5, %scan3A_337 = %scan3A_299#6, %scan3A_338 = %scan3A_299#7) -> (vector<16xf32>, vector<16xf32>, vector<16xf32>, vector<16xf32>, vector<16xi32>, vector<16xi32>, vector<16xi32>, vector<16xi32>)  : i32 {
      %jit3A_339 = arith.constant 4 : i32
      %div3A_340 = arith.divsi %scan3A_330, %jit3A_339 : i32
      %sign3A_341 = arith.constant 0 : i32
      %sign3A_342 = arith.cmpi sgt, %scan3A_330, %sign3A_341 : i32
      %sign3A_343 = arith.extui %sign3A_342 : i1 to i32
      %sign3A_344 = arith.constant 0 : i32
      %sign3A_345 = arith.cmpi slt, %scan3A_330, %sign3A_344 : i32
      %sign3A_346 = arith.extui %sign3A_345 : i1 to i32
      %sign3A_347 = arith.subi %sign3A_343, %sign3A_346 : i32
      %sign3A_348 = arith.constant 0 : i32
      %sign3A_349 = arith.cmpi sgt, %jit3A_339, %sign3A_348 : i32
      %sign3A_350 = arith.extui %sign3A_349 : i1 to i32
      %sign3A_351 = arith.constant 0 : i32
      %sign3A_352 = arith.cmpi slt, %jit3A_339, %sign3A_351 : i32
      %sign3A_353 = arith.extui %sign3A_352 : i1 to i32
      %sign3A_354 = arith.subi %sign3A_350, %sign3A_353 : i32
      %ne3A_355 = arith.cmpi ne, %sign3A_347, %sign3A_354 : i32
      %rem3A_356 = arith.remsi %scan3A_330, %jit3A_339 : i32
      %ne3A_357 = arith.constant 0 : i32
      %ne3A_358 = arith.cmpi ne, %rem3A_356, %ne3A_357 : i32
      %and3A_359 = arith.andi %ne3A_355, %ne3A_358 : i1
      %sub3A_360 = arith.constant 1 : i32
      %sub3A_361 = arith.subi %div3A_340, %sub3A_360 : i32
      %select_n3A_362 = arith.select %and3A_359, %sub3A_361, %div3A_340 : i32
      %jit3A_363 = arith.constant 4 : i32
      %eq3A_364 = arith.constant 0 : i32
      %eq3A_365 = arith.cmpi eq, %jit3A_363, %eq3A_364 : i32
      %jit3A_366 = arith.constant 1 : i32
      %select_n3A_367 = arith.select %eq3A_365, %jit3A_366, %jit3A_363 : i32
      %rem3A_368 = arith.remsi %scan3A_330, %select_n3A_367 : i32
      %ne3A_369 = arith.constant 0 : i32
      %ne3A_370 = arith.cmpi ne, %rem3A_368, %ne3A_369 : i32
      %lt3A_371 = arith.constant 0 : i32
      %lt3A_372 = arith.cmpi slt, %rem3A_368, %lt3A_371 : i32
      %lt3A_373 = arith.constant 0 : i32
      %lt3A_374 = arith.cmpi slt, %select_n3A_367, %lt3A_373 : i32
      %ne3A_375 = arith.xori %lt3A_372, %lt3A_374 : i1
      %and3A_376 = arith.andi %ne3A_375, %ne3A_370 : i1
      %add3A_377 = arith.addi %rem3A_368, %select_n3A_367 : i32
      %select_n3A_378 = arith.select %and3A_376, %add3A_377, %rem3A_368 : i32
      %mul3A_379 = arith.constant 128 : i32
      %mul3A_380 = arith.muli %select_n3A_378, %mul3A_379 : i32
      %multiple_of3A = tpu.assume_multiple %mul3A_380, 128 : i32
      %add3A_381 = arith.constant 0 : i32
      %add3A_382 = arith.addi %multiple_of3A, %add3A_381 : i32
      %get3A = arith.index_cast %select_n3A_362 : i32 to index
      %get3A_383 = arith.index_cast %add3A_382 : i32 to index
      %get3A_384 = tpu.vector_load %arg6[%get3A, %get3A_383] {strides = array<i32>} : memref<32x512xf32, #tpu.memory_space<vmem>>, vector<16xf32>,
      %add3A_385 = arith.constant 16 : i32
      %add3A_386 = arith.addi %multiple_of3A, %add3A_385 : i32
      %get3A_387 = arith.index_cast %select_n3A_362 : i32 to index
      %get3A_388 = arith.index_cast %add3A_386 : i32 to index
      %get3A_389 = tpu.vector_load %arg6[%get3A_387, %get3A_388] {strides = array<i32>} : memref<32x512xf32, #tpu.memory_space<vmem>>, vector<16xf32>,
      %add3A_390 = arith.constant 0 : i32
      %add3A_391 = arith.addi %multiple_of3A, %add3A_390 : i32
      %get3A_392 = arith.index_cast %select_n3A_362 : i32 to index
      %get3A_393 = arith.index_cast %add3A_391 : i32 to index
      %get3A_394 = tpu.vector_load %arg8[%get3A_392, %get3A_393] {strides = array<i32>} : memref<32x512xi32, #tpu.memory_space<vmem>>, vector<16xi32>,
      %add3A_395 = arith.constant 16 : i32
      %add3A_396 = arith.addi %multiple_of3A, %add3A_395 : i32
      %get3A_397 = arith.index_cast %select_n3A_362 : i32 to index
      %get3A_398 = arith.index_cast %add3A_396 : i32 to index
      %get3A_399 = tpu.vector_load %arg8[%get3A_397, %get3A_398] {strides = array<i32>} : memref<32x512xi32, #tpu.memory_space<vmem>>, vector<16xi32>,
      %pack3A = tpu.pack_subelements %get3A_384, %get3A_389 {pack_format = #tpu.pack_format<interleaved>, positions = array<i32: 0, 1>} : vector<16xf32>, vector<16xf32> -> vector<32xbf16>
      %neg3A = arith.constant 0.000000e+00 : bf16
      %neg3A_400 = vector.broadcast %neg3A : bf16 to vector<32xbf16>
      %neg3A_401 = arith.subf %neg3A_400, %pack3A : vector<32xbf16>
      %min3A = arith.minimumf %pack3A, %neg3A_401 : vector<32xbf16>
      %exp3A = math.exp %min3A : vector<32xbf16>
      %mul3A_402 = arith.constant 1.079100e-01 : bf16
      %mul3A_403 = vector.broadcast %mul3A_402 : bf16 to vector<32xbf16>
      %mul3A_404 = arith.mulf %exp3A, %mul3A_403 : vector<32xbf16>
      %add3A_405 = arith.constant -3.964840e-01 : bf16
      %add3A_406 = vector.broadcast %add3A_405 : bf16 to vector<32xbf16>
      %add3A_407 = arith.addf %add3A_406, %mul3A_404 : vector<32xbf16>
      %mul3A_408 = arith.mulf %exp3A, %add3A_407 : vector<32xbf16>
      %add3A_409 = arith.constant 9.804680e-01 : bf16
      %add3A_410 = vector.broadcast %add3A_409 : bf16 to vector<32xbf16>
      %add3A_411 = arith.addf %add3A_410, %mul3A_408 : vector<32xbf16>
      %mul3A_412 = arith.mulf %exp3A, %add3A_411 : vector<32xbf16>
      %add3A_413 = arith.constant 5.035400e-04 : bf16
      %add3A_414 = vector.broadcast %add3A_413 : bf16 to vector<32xbf16>
      %add3A_415 = arith.addf %add3A_414, %mul3A_412 : vector<32xbf16>
      %max3A = arith.constant 0.000000e+00 : bf16
      %max3A_416 = vector.broadcast %max3A : bf16 to vector<32xbf16>
      %max3A_417 = arith.maximumf %pack3A, %max3A_416 : vector<32xbf16>
      %add3A_418 = arith.addf %max3A_417, %add3A_415 : vector<32xbf16>
      %max3A_419 = arith.constant 0.000000e+00 : bf16
      %max3A_420 = vector.broadcast %max3A_419 : bf16 to vector<32xbf16>
      %max3A_421 = arith.maximumf %neg3A_401, %max3A_420 : vector<32xbf16>
      %add3A_422 = arith.addf %max3A_421, %add3A_415 : vector<32xbf16>
      %unpack3A = tpu.unpack_subelements %add3A_418, 0 {pack_format = #tpu.pack_format<interleaved>} : vector<32xbf16> -> vector<16xf32>
      %unpack3A_423 = tpu.unpack_subelements %add3A_418, 1 {pack_format = #tpu.pack_format<interleaved>} : vector<32xbf16> -> vector<16xf32>
      %unpack3A_424 = tpu.unpack_subelements %add3A_422, 0 {pack_format = #tpu.pack_format<interleaved>} : vector<32xbf16> -> vector<16xf32>
      %unpack3A_425 = tpu.unpack_subelements %add3A_422, 1 {pack_format = #tpu.pack_format<interleaved>} : vector<32xbf16> -> vector<16xf32>
      %ne3A_426 = arith.constant 1 : i32
      %ne3A_427 = vector.broadcast %ne3A_426 : i32 to vector<16xi32>
      %ne3A_428 = arith.cmpi ne, %get3A_394, %ne3A_427 : vector<16xi32>
      %gt3A = arith.constant 0 : i32
      %gt3A_429 = vector.broadcast %gt3A : i32 to vector<16xi32>
      %gt3A_430 = arith.cmpi sgt, %get3A_394, %gt3A_429 : vector<16xi32>
      %select_n3A_431 = arith.select %gt3A_430, %unpack3A_424, %unpack3A : vector<16xi1>, vector<16xf32>
      %jit3A_432 = arith.constant 0.000000e+00 : f32
      %broadcast_in_dim3A_433 = vector.broadcast %jit3A_432 : f32 to vector<16xf32>
      %select_n3A_434 = arith.select %ne3A_428, %select_n3A_431, %broadcast_in_dim3A_433 : vector<16xi1>, vector<16xf32>
      %add3A_435 = arith.addf %scan3A_331, %select_n3A_434 : vector<16xf32>
      %all_reduce_population_count3A = tpu.all_reduce %ne3A_428 {dim = 0 : i64, kind = #tpu.reduction_kind<sum>} : vector<16xi1> -> vector<16xi32>
      %add3A_436 = arith.addi %scan3A_335, %all_reduce_population_count3A : vector<16xi32>
      %ne3A_437 = arith.constant 1 : i32
      %ne3A_438 = vector.broadcast %ne3A_437 : i32 to vector<16xi32>
      %ne3A_439 = arith.cmpi ne, %get3A_399, %ne3A_438 : vector<16xi32>
      %gt3A_440 = arith.constant 0 : i32
      %gt3A_441 = vector.broadcast %gt3A_440 : i32 to vector<16xi32>
      %gt3A_442 = arith.cmpi sgt, %get3A_399, %gt3A_441 : vector<16xi32>
      %select_n3A_443 = arith.select %gt3A_442, %unpack3A_425, %unpack3A_423 : vector<16xi1>, vector<16xf32>
      %jit3A_444 = arith.constant 0.000000e+00 : f32
      %broadcast_in_dim3A_445 = vector.broadcast %jit3A_444 : f32 to vector<16xf32>
      %select_n3A_446 = arith.select %ne3A_439, %select_n3A_443, %broadcast_in_dim3A_445 : vector<16xi1>, vector<16xf32>
      %add3A_447 = arith.addf %add3A_435, %select_n3A_446 : vector<16xf32>
      %all_reduce_population_count3A_448 = tpu.all_reduce %ne3A_439 {dim = 0 : i64, kind = #tpu.reduction_kind<sum>} : vector<16xi1> -> vector<16xi32>
      %add3A_449 = arith.addi %add3A_436, %all_reduce_population_count3A_448 : vector<16xi32>
      %add3A_450 = arith.constant 32 : i32
      %add3A_451 = arith.addi %multiple_of3A, %add3A_450 : i32
      %get3A_452 = arith.index_cast %select_n3A_362 : i32 to index
      %get3A_453 = arith.index_cast %add3A_451 : i32 to index
      %get3A_454 = tpu.vector_load %arg6[%get3A_452, %get3A_453] {strides = array<i32>} : memref<32x512xf32, #tpu.memory_space<vmem>>, vector<16xf32>,
      %add3A_455 = arith.constant 48 : i32
      %add3A_456 = arith.addi %multiple_of3A, %add3A_455 : i32
      %get3A_457 = arith.index_cast %select_n3A_362 : i32 to index
      %get3A_458 = arith.index_cast %add3A_456 : i32 to index
      %get3A_459 = tpu.vector_load %arg6[%get3A_457, %get3A_458] {strides = array<i32>} : memref<32x512xf32, #tpu.memory_space<vmem>>, vector<16xf32>,
      %add3A_460 = arith.constant 32 : i32
      %add3A_461 = arith.addi %multiple_of3A, %add3A_460 : i32
      %get3A_462 = arith.index_cast %select_n3A_362 : i32 to index
      %get3A_463 = arith.index_cast %add3A_461 : i32 to index
      %get3A_464 = tpu.vector_load %arg8[%get3A_462, %get3A_463] {strides = array<i32>} : memref<32x512xi32, #tpu.memory_space<vmem>>, vector<16xi32>,
      %add3A_465 = arith.constant 48 : i32
      %add3A_466 = arith.addi %multiple_of3A, %add3A_465 : i32
      %get3A_467 = arith.index_cast %select_n3A_362 : i32 to index
      %get3A_468 = arith.index_cast %add3A_466 : i32 to index
      %get3A_469 = tpu.vector_load %arg8[%get3A_467, %get3A_468] {strides = array<i32>} : memref<32x512xi32, #tpu.memory_space<vmem>>, vector<16xi32>,
      %pack3A_470 = tpu.pack_subelements %get3A_454, %get3A_459 {pack_format = #tpu.pack_format<interleaved>, positions = array<i32: 0, 1>} : vector<16xf32>, vector<16xf32> -> vector<32xbf16>
      %neg3A_471 = arith.constant 0.000000e+00 : bf16
      %neg3A_472 = vector.broadcast %neg3A_471 : bf16 to vector<32xbf16>
      %neg3A_473 = arith.subf %neg3A_472, %pack3A_470 : vector<32xbf16>
      %min3A_474 = arith.minimumf %pack3A_470, %neg3A_473 : vector<32xbf16>
      %exp3A_475 = math.exp %min3A_474 : vector<32xbf16>
      %mul3A_476 = arith.constant 1.079100e-01 : bf16
      %mul3A_477 = vector.broadcast %mul3A_476 : bf16 to vector<32xbf16>
      %mul3A_478 = arith.mulf %exp3A_475, %mul3A_477 : vector<32xbf16>
      %add3A_479 = arith.constant -3.964840e-01 : bf16
      %add3A_480 = vector.broadcast %add3A_479 : bf16 to vector<32xbf16>
      %add3A_481 = arith.addf %add3A_480, %mul3A_478 : vector<32xbf16>
      %mul3A_482 = arith.mulf %exp3A_475, %add3A_481 : vector<32xbf16>
      %add3A_483 = arith.constant 9.804680e-01 : bf16
      %add3A_484 = vector.broadcast %add3A_483 : bf16 to vector<32xbf16>
      %add3A_485 = arith.addf %add3A_484, %mul3A_482 : vector<32xbf16>
      %mul3A_486 = arith.mulf %exp3A_475, %add3A_485 : vector<32xbf16>
      %add3A_487 = arith.constant 5.035400e-04 : bf16
      %add3A_488 = vector.broadcast %add3A_487 : bf16 to vector<32xbf16>
      %add3A_489 = arith.addf %add3A_488, %mul3A_486 : vector<32xbf16>
      %max3A_490 = arith.constant 0.000000e+00 : bf16
      %max3A_491 = vector.broadcast %max3A_490 : bf16 to vector<32xbf16>
      %max3A_492 = arith.maximumf %pack3A_470, %max3A_491 : vector<32xbf16>
      %add3A_493 = arith.addf %max3A_492, %add3A_489 : vector<32xbf16>
      %max3A_494 = arith.constant 0.000000e+00 : bf16
      %max3A_495 = vector.broadcast %max3A_494 : bf16 to vector<32xbf16>
      %max3A_496 = arith.maximumf %neg3A_473, %max3A_495 : vector<32xbf16>
      %add3A_497 = arith.addf %max3A_496, %add3A_489 : vector<32xbf16>
      %unpack3A_498 = tpu.unpack_subelements %add3A_493, 0 {pack_format = #tpu.pack_format<interleaved>} : vector<32xbf16> -> vector<16xf32>
      %unpack3A_499 = tpu.unpack_subelements %add3A_493, 1 {pack_format = #tpu.pack_format<interleaved>} : vector<32xbf16> -> vector<16xf32>
      %unpack3A_500 = tpu.unpack_subelements %add3A_497, 0 {pack_format = #tpu.pack_format<interleaved>} : vector<32xbf16> -> vector<16xf32>
      %unpack3A_501 = tpu.unpack_subelements %add3A_497, 1 {pack_format = #tpu.pack_format<interleaved>} : vector<32xbf16> -> vector<16xf32>
      %ne3A_502 = arith.constant 1 : i32
      %ne3A_503 = vector.broadcast %ne3A_502 : i32 to vector<16xi32>
      %ne3A_504 = arith.cmpi ne, %get3A_464, %ne3A_503 : vector<16xi32>
      %gt3A_505 = arith.constant 0 : i32
      %gt3A_506 = vector.broadcast %gt3A_505 : i32 to vector<16xi32>
      %gt3A_507 = arith.cmpi sgt, %get3A_464, %gt3A_506 : vector<16xi32>
      %select_n3A_508 = arith.select %gt3A_507, %unpack3A_500, %unpack3A_498 : vector<16xi1>, vector<16xf32>
      %jit3A_509 = arith.constant 0.000000e+00 : f32
      %broadcast_in_dim3A_510 = vector.broadcast %jit3A_509 : f32 to vector<16xf32>
      %select_n3A_511 = arith.select %ne3A_504, %select_n3A_508, %broadcast_in_dim3A_510 : vector<16xi1>, vector<16xf32>
      %add3A_512 = arith.addf %scan3A_332, %select_n3A_511 : vector<16xf32>
      %all_reduce_population_count3A_513 = tpu.all_reduce %ne3A_504 {dim = 0 : i64, kind = #tpu.reduction_kind<sum>} : vector<16xi1> -> vector<16xi32>
      %add3A_514 = arith.addi %scan3A_336, %all_reduce_population_count3A_513 : vector<16xi32>
      %ne3A_515 = arith.constant 1 : i32
      %ne3A_516 = vector.broadcast %ne3A_515 : i32 to vector<16xi32>
      %ne3A_517 = arith.cmpi ne, %get3A_469, %ne3A_516 : vector<16xi32>
      %gt3A_518 = arith.constant 0 : i32
      %gt3A_519 = vector.broadcast %gt3A_518 : i32 to vector<16xi32>
      %gt3A_520 = arith.cmpi sgt, %get3A_469, %gt3A_519 : vector<16xi32>
      %select_n3A_521 = arith.select %gt3A_520, %unpack3A_501, %unpack3A_499 : vector<16xi1>, vector<16xf32>
      %jit3A_522 = arith.constant 0.000000e+00 : f32
      %broadcast_in_dim3A_523 = vector.broadcast %jit3A_522 : f32 to vector<16xf32>
      %select_n3A_524 = arith.select %ne3A_517, %select_n3A_521, %broadcast_in_dim3A_523 : vector<16xi1>, vector<16xf32>
      %add3A_525 = arith.addf %add3A_512, %select_n3A_524 : vector<16xf32>
      %all_reduce_population_count3A_526 = tpu.all_reduce %ne3A_517 {dim = 0 : i64, kind = #tpu.reduction_kind<sum>} : vector<16xi1> -> vector<16xi32>
      %add3A_527 = arith.addi %add3A_514, %all_reduce_population_count3A_526 : vector<16xi32>
      %add3A_528 = arith.constant 64 : i32
      %add3A_529 = arith.addi %multiple_of3A, %add3A_528 : i32
      %get3A_530 = arith.index_cast %select_n3A_362 : i32 to index
      %get3A_531 = arith.index_cast %add3A_529 : i32 to index
      %get3A_532 = tpu.vector_load %arg6[%get3A_530, %get3A_531] {strides = array<i32>} : memref<32x512xf32, #tpu.memory_space<vmem>>, vector<16xf32>,
      %add3A_533 = arith.constant 80 : i32
      %add3A_534 = arith.addi %multiple_of3A, %add3A_533 : i32
      %get3A_535 = arith.index_cast %select_n3A_362 : i32 to index
      %get3A_536 = arith.index_cast %add3A_534 : i32 to index
      %get3A_537 = tpu.vector_load %arg6[%get3A_535, %get3A_536] {strides = array<i32>} : memref<32x512xf32, #tpu.memory_space<vmem>>, vector<16xf32>,
      %add3A_538 = arith.constant 64 : i32
      %add3A_539 = arith.addi %multiple_of3A, %add3A_538 : i32
      %get3A_540 = arith.index_cast %select_n3A_362 : i32 to index
      %get3A_541 = arith.index_cast %add3A_539 : i32 to index
      %get3A_542 = tpu.vector_load %arg8[%get3A_540, %get3A_541] {strides = array<i32>} : memref<32x512xi32, #tpu.memory_space<vmem>>, vector<16xi32>,
      %add3A_543 = arith.constant 80 : i32
      %add3A_544 = arith.addi %multiple_of3A, %add3A_543 : i32
      %get3A_545 = arith.index_cast %select_n3A_362 : i32 to index
      %get3A_546 = arith.index_cast %add3A_544 : i32 to index
      %get3A_547 = tpu.vector_load %arg8[%get3A_545, %get3A_546] {strides = array<i32>} : memref<32x512xi32, #tpu.memory_space<vmem>>, vector<16xi32>,
      %pack3A_548 = tpu.pack_subelements %get3A_532, %get3A_537 {pack_format = #tpu.pack_format<interleaved>, positions = array<i32: 0, 1>} : vector<16xf32>, vector<16xf32> -> vector<32xbf16>
      %neg3A_549 = arith.constant 0.000000e+00 : bf16
      %neg3A_550 = vector.broadcast %neg3A_549 : bf16 to vector<32xbf16>
      %neg3A_551 = arith.subf %neg3A_550, %pack3A_548 : vector<32xbf16>
      %min3A_552 = arith.minimumf %pack3A_548, %neg3A_551 : vector<32xbf16>
      %exp3A_553 = math.exp %min3A_552 : vector<32xbf16>
      %mul3A_554 = arith.constant 1.079100e-01 : bf16
      %mul3A_555 = vector.broadcast %mul3A_554 : bf16 to vector<32xbf16>
      %mul3A_556 = arith.mulf %exp3A_553, %mul3A_555 : vector<32xbf16>
      %add3A_557 = arith.constant -3.964840e-01 : bf16
      %add3A_558 = vector.broadcast %add3A_557 : bf16 to vector<32xbf16>
      %add3A_559 = arith.addf %add3A_558, %mul3A_556 : vector<32xbf16>
      %mul3A_560 = arith.mulf %exp3A_553, %add3A_559 : vector<32xbf16>
      %add3A_561 = arith.constant 9.804680e-01 : bf16
      %add3A_562 = vector.broadcast %add3A_561 : bf16 to vector<32xbf16>
      %add3A_563 = arith.addf %add3A_562, %mul3A_560 : vector<32xbf16>
      %mul3A_564 = arith.mulf %exp3A_553, %add3A_563 : vector<32xbf16>
      %add3A_565 = arith.constant 5.035400e-04 : bf16
      %add3A_566 = vector.broadcast %add3A_565 : bf16 to vector<32xbf16>
      %add3A_567 = arith.addf %add3A_566, %mul3A_564 : vector<32xbf16>
      %max3A_568 = arith.constant 0.000000e+00 : bf16
      %max3A_569 = vector.broadcast %max3A_568 : bf16 to vector<32xbf16>
      %max3A_570 = arith.maximumf %pack3A_548, %max3A_569 : vector<32xbf16>
      %add3A_571 = arith.addf %max3A_570, %add3A_567 : vector<32xbf16>
      %max3A_572 = arith.constant 0.000000e+00 : bf16
      %max3A_573 = vector.broadcast %max3A_572 : bf16 to vector<32xbf16>
      %max3A_574 = arith.maximumf %neg3A_551, %max3A_573 : vector<32xbf16>
      %add3A_575 = arith.addf %max3A_574, %add3A_567 : vector<32xbf16>
      %unpack3A_576 = tpu.unpack_subelements %add3A_571, 0 {pack_format = #tpu.pack_format<interleaved>} : vector<32xbf16> -> vector<16xf32>
      %unpack3A_577 = tpu.unpack_subelements %add3A_571, 1 {pack_format = #tpu.pack_format<interleaved>} : vector<32xbf16> -> vector<16xf32>
      %unpack3A_578 = tpu.unpack_subelements %add3A_575, 0 {pack_format = #tpu.pack_format<interleaved>} : vector<32xbf16> -> vector<16xf32>
      %unpack3A_579 = tpu.unpack_subelements %add3A_575, 1 {pack_format = #tpu.pack_format<interleaved>} : vector<32xbf16> -> vector<16xf32>
      %ne3A_580 = arith.constant 1 : i32
      %ne3A_581 = vector.broadcast %ne3A_580 : i32 to vector<16xi32>
      %ne3A_582 = arith.cmpi ne, %get3A_542, %ne3A_581 : vector<16xi32>
      %gt3A_583 = arith.constant 0 : i32
      %gt3A_584 = vector.broadcast %gt3A_583 : i32 to vector<16xi32>
      %gt3A_585 = arith.cmpi sgt, %get3A_542, %gt3A_584 : vector<16xi32>
      %select_n3A_586 = arith.select %gt3A_585, %unpack3A_578, %unpack3A_576 : vector<16xi1>, vector<16xf32>
      %jit3A_587 = arith.constant 0.000000e+00 : f32
      %broadcast_in_dim3A_588 = vector.broadcast %jit3A_587 : f32 to vector<16xf32>
      %select_n3A_589 = arith.select %ne3A_582, %select_n3A_586, %broadcast_in_dim3A_588 : vector<16xi1>, vector<16xf32>
      %add3A_590 = arith.addf %scan3A_333, %select_n3A_589 : vector<16xf32>
      %all_reduce_population_count3A_591 = tpu.all_reduce %ne3A_582 {dim = 0 : i64, kind = #tpu.reduction_kind<sum>} : vector<16xi1> -> vector<16xi32>
      %add3A_592 = arith.addi %scan3A_337, %all_reduce_population_count3A_591 : vector<16xi32>
      %ne3A_593 = arith.constant 1 : i32
      %ne3A_594 = vector.broadcast %ne3A_593 : i32 to vector<16xi32>
      %ne3A_595 = arith.cmpi ne, %get3A_547, %ne3A_594 : vector<16xi32>
      %gt3A_596 = arith.constant 0 : i32
      %gt3A_597 = vector.broadcast %gt3A_596 : i32 to vector<16xi32>
      %gt3A_598 = arith.cmpi sgt, %get3A_547, %gt3A_597 : vector<16xi32>
      %select_n3A_599 = arith.select %gt3A_598, %unpack3A_579, %unpack3A_577 : vector<16xi1>, vector<16xf32>
      %jit3A_600 = arith.constant 0.000000e+00 : f32
      %broadcast_in_dim3A_601 = vector.broadcast %jit3A_600 : f32 to vector<16xf32>
      %select_n3A_602 = arith.select %ne3A_595, %select_n3A_599, %broadcast_in_dim3A_601 : vector<16xi1>, vector<16xf32>
      %add3A_603 = arith.addf %add3A_590, %select_n3A_602 : vector<16xf32>
      %all_reduce_population_count3A_604 = tpu.all_reduce %ne3A_595 {dim = 0 : i64, kind = #tpu.reduction_kind<sum>} : vector<16xi1> -> vector<16xi32>
      %add3A_605 = arith.addi %add3A_592, %all_reduce_population_count3A_604 : vector<16xi32>
      %add3A_606 = arith.constant 96 : i32
      %add3A_607 = arith.addi %multiple_of3A, %add3A_606 : i32
      %get3A_608 = arith.index_cast %select_n3A_362 : i32 to index
      %get3A_609 = arith.index_cast %add3A_607 : i32 to index
      %get3A_610 = tpu.vector_load %arg6[%get3A_608, %get3A_609] {strides = array<i32>} : memref<32x512xf32, #tpu.memory_space<vmem>>, vector<16xf32>,
      %add3A_611 = arith.constant 112 : i32
      %add3A_612 = arith.addi %multiple_of3A, %add3A_611 : i32
      %get3A_613 = arith.index_cast %select_n3A_362 : i32 to index
      %get3A_614 = arith.index_cast %add3A_612 : i32 to index
      %get3A_615 = tpu.vector_load %arg6[%get3A_613, %get3A_614] {strides = array<i32>} : memref<32x512xf32, #tpu.memory_space<vmem>>, vector<16xf32>,
      %add3A_616 = arith.constant 96 : i32
      %add3A_617 = arith.addi %multiple_of3A, %add3A_616 : i32
      %get3A_618 = arith.index_cast %select_n3A_362 : i32 to index
      %get3A_619 = arith.index_cast %add3A_617 : i32 to index
      %get3A_620 = tpu.vector_load %arg8[%get3A_618, %get3A_619] {strides = array<i32>} : memref<32x512xi32, #tpu.memory_space<vmem>>, vector<16xi32>,
      %add3A_621 = arith.constant 112 : i32
      %add3A_622 = arith.addi %multiple_of3A, %add3A_621 : i32
      %get3A_623 = arith.index_cast %select_n3A_362 : i32 to index
      %get3A_624 = arith.index_cast %add3A_622 : i32 to index
      %get3A_625 = tpu.vector_load %arg8[%get3A_623, %get3A_624] {strides = array<i32>} : memref<32x512xi32, #tpu.memory_space<vmem>>, vector<16xi32>,
      %pack3A_626 = tpu.pack_subelements %get3A_610, %get3A_615 {pack_format = #tpu.pack_format<interleaved>, positions = array<i32: 0, 1>} : vector<16xf32>, vector<16xf32> -> vector<32xbf16>
      %neg3A_627 = arith.constant 0.000000e+00 : bf16
      %neg3A_628 = vector.broadcast %neg3A_627 : bf16 to vector<32xbf16>
      %neg3A_629 = arith.subf %neg3A_628, %pack3A_626 : vector<32xbf16>
      %min3A_630 = arith.minimumf %pack3A_626, %neg3A_629 : vector<32xbf16>
      %exp3A_631 = math.exp %min3A_630 : vector<32xbf16>
      %mul3A_632 = arith.constant 1.079100e-01 : bf16
      %mul3A_633 = vector.broadcast %mul3A_632 : bf16 to vector<32xbf16>
      %mul3A_634 = arith.mulf %exp3A_631, %mul3A_633 : vector<32xbf16>
      %add3A_635 = arith.constant -3.964840e-01 : bf16
      %add3A_636 = vector.broadcast %add3A_635 : bf16 to vector<32xbf16>
      %add3A_637 = arith.addf %add3A_636, %mul3A_634 : vector<32xbf16>
      %mul3A_638 = arith.mulf %exp3A_631, %add3A_637 : vector<32xbf16>
      %add3A_639 = arith.constant 9.804680e-01 : bf16
      %add3A_640 = vector.broadcast %add3A_639 : bf16 to vector<32xbf16>
      %add3A_641 = arith.addf %add3A_640, %mul3A_638 : vector<32xbf16>
      %mul3A_642 = arith.mulf %exp3A_631, %add3A_641 : vector<32xbf16>
      %add3A_643 = arith.constant 5.035400e-04 : bf16
      %add3A_644 = vector.broadcast %add3A_643 : bf16 to vector<32xbf16>
      %add3A_645 = arith.addf %add3A_644, %mul3A_642 : vector<32xbf16>
      %max3A_646 = arith.constant 0.000000e+00 : bf16
      %max3A_647 = vector.broadcast %max3A_646 : bf16 to vector<32xbf16>
      %max3A_648 = arith.maximumf %pack3A_626, %max3A_647 : vector<32xbf16>
      %add3A_649 = arith.addf %max3A_648, %add3A_645 : vector<32xbf16>
      %max3A_650 = arith.constant 0.000000e+00 : bf16
      %max3A_651 = vector.broadcast %max3A_650 : bf16 to vector<32xbf16>
      %max3A_652 = arith.maximumf %neg3A_629, %max3A_651 : vector<32xbf16>
      %add3A_653 = arith.addf %max3A_652, %add3A_645 : vector<32xbf16>
      %unpack3A_654 = tpu.unpack_subelements %add3A_649, 0 {pack_format = #tpu.pack_format<interleaved>} : vector<32xbf16> -> vector<16xf32>
      %unpack3A_655 = tpu.unpack_subelements %add3A_649, 1 {pack_format = #tpu.pack_format<interleaved>} : vector<32xbf16> -> vector<16xf32>
      %unpack3A_656 = tpu.unpack_subelements %add3A_653, 0 {pack_format = #tpu.pack_format<interleaved>} : vector<32xbf16> -> vector<16xf32>
      %unpack3A_657 = tpu.unpack_subelements %add3A_653, 1 {pack_format = #tpu.pack_format<interleaved>} : vector<32xbf16> -> vector<16xf32>
      %ne3A_658 = arith.constant 1 : i32
      %ne3A_659 = vector.broadcast %ne3A_658 : i32 to vector<16xi32>
      %ne3A_660 = arith.cmpi ne, %get3A_620, %ne3A_659 : vector<16xi32>
      %gt3A_661 = arith.constant 0 : i32
      %gt3A_662 = vector.broadcast %gt3A_661 : i32 to vector<16xi32>
      %gt3A_663 = arith.cmpi sgt, %get3A_620, %gt3A_662 : vector<16xi32>
      %select_n3A_664 = arith.select %gt3A_663, %unpack3A_656, %unpack3A_654 : vector<16xi1>, vector<16xf32>
      %jit3A_665 = arith.constant 0.000000e+00 : f32
      %broadcast_in_dim3A_666 = vector.broadcast %jit3A_665 : f32 to vector<16xf32>
      %select_n3A_667 = arith.select %ne3A_660, %select_n3A_664, %broadcast_in_dim3A_666 : vector<16xi1>, vector<16xf32>
      %add3A_668 = arith.addf %scan3A_334, %select_n3A_667 : vector<16xf32>
      %all_reduce_population_count3A_669 = tpu.all_reduce %ne3A_660 {dim = 0 : i64, kind = #tpu.reduction_kind<sum>} : vector<16xi1> -> vector<16xi32>
      %add3A_670 = arith.addi %scan3A_338, %all_reduce_population_count3A_669 : vector<16xi32>
      %ne3A_671 = arith.constant 1 : i32
      %ne3A_672 = vector.broadcast %ne3A_671 : i32 to vector<16xi32>
      %ne3A_673 = arith.cmpi ne, %get3A_625, %ne3A_672 : vector<16xi32>
      %gt3A_674 = arith.constant 0 : i32
      %gt3A_675 = vector.broadcast %gt3A_674 : i32 to vector<16xi32>
      %gt3A_676 = arith.cmpi sgt, %get3A_625, %gt3A_675 : vector<16xi32>
      %select_n3A_677 = arith.select %gt3A_676, %unpack3A_657, %unpack3A_655 : vector<16xi1>, vector<16xf32>
      %jit3A_678 = arith.constant 0.000000e+00 : f32
      %broadcast_in_dim3A_679 = vector.broadcast %jit3A_678 : f32 to vector<16xf32>
      %select_n3A_680 = arith.select %ne3A_673, %select_n3A_677, %broadcast_in_dim3A_679 : vector<16xi1>, vector<16xf32>
      %add3A_681 = arith.addf %add3A_668, %select_n3A_680 : vector<16xf32>
      %all_reduce_population_count3A_682 = tpu.all_reduce %ne3A_673 {dim = 0 : i64, kind = #tpu.reduction_kind<sum>} : vector<16xi1> -> vector<16xi32>
      %add3A_683 = arith.addi %add3A_670, %all_reduce_population_count3A_682 : vector<16xi32>
      scf.yield %add3A_447, %add3A_525, %add3A_603, %add3A_681, %add3A_449, %add3A_527, %add3A_605, %add3A_683 : vector<16xf32>, vector<16xf32>, vector<16xf32>, vector<16xf32>, vector<16xi32>, vector<16xi32>, vector<16xi32>, vector<16xi32>
    }
    %scan3A_320 = arith.constant 128 : i32
    %add3A_321 = arith.addf %scan3A_319#0, %scan3A_319#1 : vector<16xf32>
    %add3A_322 = arith.addf %scan3A_319#2, %scan3A_319#3 : vector<16xf32>
    %add3A_323 = arith.addf %add3A_321, %add3A_322 : vector<16xf32>
    %add3A_324 = arith.addi %scan3A_319#4, %scan3A_319#5 : vector<16xi32>
    %add3A_325 = arith.addi %scan3A_319#6, %scan3A_319#7 : vector<16xi32>
    %add3A_326 = arith.addi %add3A_324, %add3A_325 : vector<16xi32>
    %swap3A = arith.constant 0 : index
    %swap3A_327 = tpu.vector_load %arg9[%swap3A] {strides = array<i32>} : memref<32xf32, #tpu.memory_space<vmem>>, vector<16xf32>,
    tpu.vector_store %arg9[%swap3A], %add3A_323 {strides = array<i32>} : memref<32xf32, #tpu.memory_space<vmem>>, vector<16xf32>,
    %convert_element_type3A = arith.sitofp %add3A_326 : vector<16xi32> to vector<16xf32>
    %swap3A_328 = arith.constant 16 : index
    %swap3A_329 = tpu.vector_load %arg9[%swap3A_328] {strides = array<i32>} : memref<32xf32, #tpu.memory_space<vmem>>, vector<16xf32>,
    tpu.vector_store %arg9[%swap3A_328], %convert_element_type3A {strides = array<i32>} : memref<32xf32, #tpu.memory_space<vmem>>, vector<16xf32>,
    "tpu.region"() ({
      %run_scoped3A = tpu.sem_alloc : memref<!tpu.dma_semaphore, #tpu.memory_space<semaphore_mem>>
      %dma_start3A_330 = arith.constant 0 : i32
      %dma_start3A_331 = tpu.memref_slice %arg4[%add3A, %dma_start3A_330] : memref<32x32xf32, #tpu.memory_space<hbm>> -> memref<1x32xf32, #tpu.memory_space<hbm>>
      %dma_start3A_332 = tpu.memref_squeeze %dma_start3A_331 : memref<1x32xf32, #tpu.memory_space<hbm>> -> memref<32xf32, #tpu.memory_space<hbm>>
      %dma_start3A_333 = arith.constant 0 : i32
      %dma_start3A_334 = tpu.memref_slice %arg4[%add3A, %dma_start3A_333] : memref<32x32xf32, #tpu.memory_space<hbm>> -> memref<1x32xf32, #tpu.memory_space<hbm>>
      %dma_start3A_335 = tpu.memref_squeeze %dma_start3A_334 : memref<1x32xf32, #tpu.memory_space<hbm>> -> memref<32xf32, #tpu.memory_space<hbm>>
      tpu.enqueue_dma source(%arg9 : memref<32xf32, #tpu.memory_space<vmem>>) target(%dma_start3A_335 : memref<32xf32, #tpu.memory_space<hbm>>) target_semaphore(%run_scoped3A : memref<!tpu.dma_semaphore, #tpu.memory_space<semaphore_mem>>)
      %dma_wait3A_336 = arith.constant 0 : i32
      %dma_wait3A_337 = tpu.memref_slice %arg4[%add3A, %dma_wait3A_336] : memref<32x32xf32, #tpu.memory_space<hbm>> -> memref<1x32xf32, #tpu.memory_space<hbm>>
      %dma_wait3A_338 = tpu.memref_squeeze %dma_wait3A_337 : memref<1x32xf32, #tpu.memory_space<hbm>> -> memref<32xf32, #tpu.memory_space<hbm>>
      %dma_wait3A_339 = arith.constant 0 : i32
      %dma_wait3A_340 = tpu.memref_slice %arg4[%add3A, %dma_wait3A_339] : memref<32x32xf32, #tpu.memory_space<hbm>> -> memref<1x32xf32, #tpu.memory_space<hbm>>
      %dma_wait3A_341 = tpu.memref_squeeze %dma_wait3A_340 : memref<1x32xf32, #tpu.memory_space<hbm>> -> memref<32xf32, #tpu.memory_space<hbm>>
      tpu.wait_dma2 semaphore(%run_scoped3A : memref<!tpu.dma_semaphore, #tpu.memory_space<semaphore_mem>>) src(%arg9 : memref<32xf32, #tpu.memory_space<vmem>>) dst(%dma_wait3A_341 : memref<32xf32, #tpu.memory_space<hbm>>)
      tpu.yield
    }) : () -> ()
    return
  }
}

module attributes {stable_mosaic.version = 14 : i64} {
  func.func @_finish_body(%arg0: memref<32x32xf32, #tpu.memory_space<vmem>>, %arg1: memref<1x1xf32, #tpu.memory_space<smem>>) attributes {dimension_semantics = [], scalar_prefetch = 0 : i64, scratch_operands = 0 : i64, tpu.core_type = #tpu.core_type<tc>} {
    %get3A = arith.constant 0 : index
    %get3A_0 = arith.constant 0 : index
    %get3A_1 = vector.load %arg0[%get3A, %get3A_0] : memref<32x32xf32, #tpu.memory_space<vmem>>, vector<32x16xf32>
    %reduce_sum3A = vector.shape_cast %get3A_1 : vector<32x16xf32> to vector<1x32x16xf32>
    %reduce_sum3A_2 = arith.constant dense<0.000000e+00> : vector<1xf32>
    %reduce_sum3A_3 = vector.multi_reduction <add>, %reduce_sum3A, %reduce_sum3A_2 [1, 2] : vector<1x32x16xf32> to vector<1xf32>
    %reduce_sum3A_4 = vector.shape_cast %reduce_sum3A_3 : vector<1xf32> to vector<1x1x1xf32>
    %reduce_sum3A_5 = vector.extract %reduce_sum3A_4[0, 0, 0] : f32 from vector<1x1x1xf32>
    %get3A_6 = arith.constant 0 : index
    %get3A_7 = arith.constant 16 : index
    %get3A_8 = vector.load %arg0[%get3A_6, %get3A_7] : memref<32x32xf32, #tpu.memory_space<vmem>>, vector<32x16xf32>
    %reduce_sum3A_9 = vector.shape_cast %get3A_8 : vector<32x16xf32> to vector<1x32x16xf32>
    %reduce_sum3A_10 = arith.constant dense<0.000000e+00> : vector<1xf32>
    %reduce_sum3A_11 = vector.multi_reduction <add>, %reduce_sum3A_9, %reduce_sum3A_10 [1, 2] : vector<1x32x16xf32> to vector<1xf32>
    %reduce_sum3A_12 = vector.shape_cast %reduce_sum3A_11 : vector<1xf32> to vector<1x1x1xf32>
    %reduce_sum3A_13 = vector.extract %reduce_sum3A_12[0, 0, 0] : f32 from vector<1x1x1xf32>
    %mul3A = arith.constant 6.250000e-02 : f32
    %mul3A_14 = arith.mulf %reduce_sum3A_13, %mul3A : f32
    %div3A = arith.divf %reduce_sum3A_5, %mul3A_14 : f32
    %swap3A = arith.constant 0 : index
    %swap3A_15 = arith.constant 0 : index
    %swap3A_16 = memref.load %arg1[%swap3A, %swap3A_15] : memref<1x1xf32, #tpu.memory_space<smem>>
    memref.store %div3A, %arg1[%swap3A, %swap3A_15] : memref<1x1xf32, #tpu.memory_space<smem>>
    return
  }
}

</mosaic_0001>

<sc_bundles>
// kernel: kernel.4.cloned.1.call-start
scs
__scs_entry_jumppad:
0x0: {  	(pc) =	sbr.rel $0x88, $3  }
0x1: {  	(tag) =	ssettag $0x0;
	lr =	simm.s32 $0x1  }
0x2: {  	[smem:$0x3F9F] =	sst lr;
	_ =	strace $0xD0000000  }
0x3: {  	_ = 	snop  }
0x4: {  	_ = 	snop  }
0x5: {  	_ = 	snop  }
0x6: {  	_ = 	snop  }
0x7: {  	_ = 	snop  }
__scs_overlays_trampoline_lowered:
0x8: {  	[smem:$0x3FAE] =	sst s0  }
0x9: {  	[smem:$0x3FAF] =	sst s1  }
0xa: {  	[smem:$0x3FB0] =	sst s2  }
0xb: {  	[smem:$0x3FB1] =	sst s3  }
0xc: {  	[smem:$0x3FB2] =	sst s4  }
0xd: {  	[smem:$0x3FB3] =	sst s5  }
0xe: {  	[smem:$0x3FB4] =	sst s6  }
0xf: {  	[smem:$0x3FB5] =	sst s7  }
0x10: {  	[smem:$0x3FB6] =	sst s8  }
0x11: {  	[smem:$0x3FB7] =	sst s9;
	s0 =	simm.s32 @!p0 $0x0  }
0x12: {  	s1 =	sld [smem:$0x3F9D];
	s0 =	simm.s32 @p0 $0x1  }
0x13: {  	[smem:$0x3FB8] =	sst s0;
	s0 =	simm.s32 @!p1 $0x0  }
0x14: {  	s2 =	sld [smem:$0x3F9C];
	s0 =	simm.s32 @p1 $0x1  }
0x15: {  	[smem:$0x3FB9] =	sst s0;
	s0 =	simm.s32 @!p2 $0x0  }
0x16: {  	s3 =	sld [smem:$0x3FDB];
	s0 =	simm.s32 @p2 $0x1  }
0x17: {  	s4 =	simm.s32 $0x1BF5;
	[smem:$0x3FBB] =	sst s0  }
0x18: {  	s0 =	sld [smem:$0x3F9E];
	_ =	swait.ge [sflag:s4], $0x0  }
0x19: {  	s7 =	sld [smem:$0x3F9F]  }
0x1a: {  	s8 =	sadd.s32 $0xFFFFE003, lr  }
0x1b: {  	s9 =	sadd.s32 $0xFFFFFEF7, lr;
	s5 =	simm.s32 $0xFFFFFFFF;
	p2 =	slt.u32 s8, $0xFFFFF086  }
0x1c: {  	p1 =	slt.u32 s9, $0xF7A;
	s5 =	simm.s32 @!p2 $0x0  }
0x1d: {  	s5 =	simm.s32 @p1 $0x1;
	p0 =	seq.s32 s7, s2  }
0x1e: {  	s7 =	smul.u32 @!p0 $0xF7A, s2;
	p2 =	seq.s32 @!p0 s5, $0x0  }
0x1f: {  	s9 =	smul.u32 $0xF7A, s1;
	s8 =	simm.s32 @!p0 $0x1BF5;
	p2 =	por !p2, p0  }
0x20: {  	[sflag:s8] =	ssyncset.s32 @!p0 $0xFFFFF086;
	s6 =	sadd.s32 @!p0 s3, s7;
	s7 =	simm.s32 @!p0 $0x108  }
0x21: {  	s3 =	sadd.s32 s3, s9;
	s6 =	sadd.s32 @!p0 $0x88, s6;
	s7 =	simm.s32 @p2 $0x1082  }
0x22: {  	[simem:s7], [sflag:s8] =	dma.local @!p0 [hbm:s6], $0xF7A  }
0x23: {  	s9 =	sor.u32 $0xD0000000, s2;
	s6 =	simm.s32 $0x108;
	_ =	swait.ge @!p0 [sflag:s8], $0x0  }
0x24: {  	s3 =	sadd.s32 $0x88, s3;
	s6 =	simm.s32 @!p1 $0x1082;
	[sflag:s4] =	ssyncset.s32 $0xFFFFF086  }
0x25: {  	[simem:s6], [sflag:s4] =	dma.local [hbm:s3], $0xF7A  }
0x26: {  	[smem:$0x3F9F] =	sst s1;
	(tag) =	ssettag s2;
	_ =	strace s9  }
0x27: {  	s1 =	sld [smem:$0x3FAF]  }
0x28: {  	s2 =	sld [smem:$0x3FB0]  }
0x29: {  	s4 =	sld [smem:$0x3FB2]  }
0x2a: {  	p0 =	seq.s32 s5, $0x0;
	s5 =	sld [smem:$0x3FB3]  }
0x2b: {  	s6 =	sld [smem:$0x3FB4]  }
0x2c: {  	s7 =	sld [smem:$0x3FB5]  }
0x2d: {  	s3 =	simm.s32 $0x108;
	s8 =	sld [smem:$0x3FB6]  }
0x2e: {  	s3 =	simm.s32 @!p0 $0x1082;
	s9 =	sld [smem:$0x3FB7]  }
0x2f: {  	lr =	sadd.s32 s0, s3;
	s0 =	sld [smem:$0x3FAE]  }
0x30: {  	s3 =	sld [smem:$0x3FB1]  }
0x31: {  	[smem:$0x3FBA] =	sst s10  }
0x32: {  	s10 =	sld [smem:$0x3FB8];
	_ =	sdelay $0x3  }
0x33: {  	p0 =	seq.s32 s10, $0x1;
	s10 =	sld [smem:$0x3FBA];
	_ =	sdelay $0x3  }
0x34: {  	[smem:$0x3FBA] =	sst s10  }
0x35: {  	s10 =	sld [smem:$0x3FB9];
	_ =	sdelay $0x3  }
0x36: {  	p1 =	seq.s32 s10, $0x1;
	s10 =	sld [smem:$0x3FBA];
	_ =	sdelay $0x3  }
0x37: {  	[smem:$0x3FBA] =	sst s10  }
0x38: {  	s10 =	sld [smem:$0x3FBB]  }
0x39: {  	_ = 	snop;
	(pc) =	sbr.ind lr, $3  }
0x3a: {  	_ = 	snop  }
0x3b: {  	_ = 	snop  }
0x3c: {  	p2 =	seq.s32 s10, $0x1;
	s10 =	sld [smem:$0x3FBA]  }
0x3d: {  	_ =	shalt  }
0x3e: {  	_ =	shalt  }
0x3f: {  	_ =	shalt  }
0x40: {  	_ =	shalt  }
0x41: {  	_ =	shalt  }
0x42: {  	_ =	shalt  }
0x43: {  	_ =	shalt  }
0x44: {  	_ =	shalt  }
0x45: {  	_ =	shalt  }
0x46: {  	_ =	shalt  }
0x47: {  	_ =	shalt  }
0x48: {  	_ =	shalt  }
0x49: {  	_ =	shalt  }
0x4a: {  	_ =	shalt  }
0x4b: {  	_ =	shalt  }
0x4c: {  	_ =	shalt  }
0x4d: {  	_ =	shalt  }
0x4e: {  	_ =	shalt  }
0x4f: {  	_ =	shalt  }
0x50: {  	_ =	shalt  }
0x51: {  	_ =	shalt  }
0x52: {  	_ =	shalt  }
0x53: {  	_ =	shalt  }
0x54: {  	_ =	shalt  }
0x55: {  	_ =	shalt  }
0x56: {  	_ =	shalt  }
0x57: {  	_ =	shalt  }
0x58: {  	_ =	shalt  }
0x59: {  	_ =	shalt  }
0x5a: {  	_ =	shalt  }
0x5b: {  	_ =	shalt  }
0x5c: {  	_ =	shalt  }
0x5d: {  	_ =	shalt  }
0x5e: {  	_ =	shalt  }
0x5f: {  	_ =	shalt  }
0x60: {  	_ =	shalt  }
0x61: {  	_ =	shalt  }
0x62: {  	_ =	shalt  }
0x63: {  	_ =	shalt  }
0x64: {  	_ =	shalt  }
0x65: {  	_ =	shalt  }
0x66: {  	_ =	shalt  }
0x67: {  	_ =	shalt  }
0x68: {  	_ =	shalt  }
0x69: {  	_ =	shalt  }
0x6a: {  	_ =	shalt  }
0x6b: {  	_ =	shalt  }
0x6c: {  	_ =	shalt  }
0x6d: {  	_ =	shalt  }
0x6e: {  	_ =	shalt  }
0x6f: {  	_ =	shalt  }
0x70: {  	_ =	shalt  }
0x71: {  	_ =	shalt  }
0x72: {  	_ =	shalt  }
0x73: {  	_ =	shalt  }
0x74: {  	_ =	shalt  }
0x75: {  	_ =	shalt  }
0x76: {  	_ =	shalt  }
0x77: {  	_ =	shalt  }
0x78: {  	_ =	shalt  }
0x79: {  	_ =	shalt  }
0x7a: {  	_ =	shalt  }
0x7b: {  	_ =	shalt  }
0x7c: {  	_ =	shalt  }
0x7d: {  	_ =	shalt  }
0x7e: {  	_ =	shalt  }
0x7f: {  	_ =	shalt  }
0x80: {  	_ =	shalt  }
0x81: {  	_ =	shalt  }
0x82: {  	_ =	shalt  }
0x83: {  	_ =	shalt  }
0x84: {  	_ =	shalt  }
0x85: {  	_ =	shalt  }
0x86: {  	_ =	shalt  }
0x87: {  	_ =	shalt  }
.Lfunc_end0:
.L_simem_size_0:
called_computation_lowered:
.L_overlay_start_0:
0x88: {  	s2 =	sld [smem:$0x3FD9]  }
0x89: {  	s3 =	sld [smem:$0x3FFE];
	_ =	sdelay $0x1  }
0x8a: {  	s1 =	srdreg.scid  }
0x8b: {  	s0 =	sand.u32 $0x1, s1  }
0x8c: {  	s17 =	sshll.u32 s0, $0xA;
	s2 =	sadd.s32 s3, s2  }
0x8d: {  	s2 =	sadd.s32 s2, s17  }
0x8e: {  	[smem:$0x3FC6] =	sst s2  }
0x8f: {  	_ = 	snop  }
0x90: {  	s2 =	sld [smem:$0x3FC9]  }
0x91: {  	s18 =	sld [smem:$0x3FC8];
	(tm) =	ssettm $0x1  }
0x92: {  	s4 =	sld [smem:$0x3FFB];
	_ =	sdelay $0x3  }
0x93: {  	_ =	strace s4  }
0x94: {  	s4 =	sld [smem:$0x3FFC];
	_ =	sdelay $0x3  }
0x95: {  	_ =	strace s4  }
0x96: {  	s4 =	sld [smem:$0x3FFD];
	_ =	sdelay $0x3  }
0x97: {  	_ =	strace s4  }
0x98: {  	_ =	strace $0x8FFFFFFF  }
0x99: {  	s19 =	sld [smem:$0x3FDB];
	_ =	sdelay $0x1  }
0x9a: {  	s5 =	simm.s32 $_scs_section_size  }
0x9b: {  	s6 =	simm.s32 $_size__tile_overlayer_lowered;
	s7 =	simm.s32 $_tile_overlayer_lowered  }
0x9c: {  	s22 =	simm.s32 $0x1BFF;
	s21 =	sshll.u32 s7, $0x1;
	s4 =	sadd.s32 s5, s19  }
0x9d: {  	s8 =	simm.s32 $0x0;
	s20 =	sshll.u32 s6, $0x1;
	s6 =	sadd.s32 s21, s4  }
0x9e: {  	[timem:s8], [sflag:s22] =	dma.local [hbm:s6], s20  }
0x9f: {  	_ =	swait.ge [sflag:s22], s20  }
0xa0: {  	s5 =	ssub.s32 $0x0, s20;
	[sflag:s22] =	ssyncset.done $0x0  }
0xa1: {  	[sflag:s22] =	ssyncadd.s32 s5;
	_ =	sdelay $0x1  }
0xa2: {  	s23 =	simm.s32 $0x1B8B  }
0xa3: {  	_ =	swait.ge [sflag:s23], $0x1  }
0xa4: {  	[sflag:s23] =	ssyncset.done $0x0  }
0xa5: {  	s25 =	simm.s32 $0x1B8E;
	s24 =	sld [smem:$0x3FFE];
	[sflag:s23] =	ssyncadd.s32 $0xFFFFFFFF  }
0xa6: {  	s26 =	simm.s32 $execute0_lowered;
	[smem:$0x3FD2] =	sst s25  }
0xa7: {  	s6 =	sshll.u32 s26, $0x1;
	_ =	strace $0x80000046;
	[dreg:$0x1] =	wrdreg $0xFFFFFFFF  }
0xa8: {  	s28 =	simm.s32 $_size_execute0_lowered;
	s4 =	sadd.s32 s4, s6;
	[dreg:$0x0] =	wrdreg $0x0  }
0xa9: {  	s6 =	sshll.u32 s28, $0x1;
	[dreg:$0x2] =	wrdreg s4  }
0xaa: {  	[dreg:$0x3] =	wrdreg s6  }
0xab: {  	[dreg:$0x4] =	wrdreg $0xC0  }
0xac: {  	_ =	task [dreg:s8], $0x5FFFF  }
0xad: {  	[dreg:$0x1] =	wrdreg $0xFFFFFFFF  }
0xae: {  	[dreg:$0x0] =	wrdreg $0x60  }
0xaf: {  	[dreg:$0x2] =	wrdreg s2  }
0xb0: {  	[dreg:$0x3] =	wrdreg s18  }
0xb1: {  	[dreg:$0x4] =	wrdreg s24  }
0xb2: {  	[dreg:$0x5] =	wrdreg $0x9  }
0xb3: {  	_ =	task.clear_ibuf [dreg:s8], $0x6FFFF;
	_ =	strace $0x90000046  }
0xb4: {  	s29 =	simm.s32 $0x9;
	_ =	strace $0x80000048  }
0xb5: {  	_ =	swait.ge [sflag:s29], $0x1  }
0xb6: {  	[sflag:s29] =	ssyncadd.s32 $0xFFFFFFFF  }
0xb7: {  	_ =	strace $0x90000048  }
0xb8: {  	_ =	sfence  }
0xb9: {  	s30 =	sld [smem:$0x0];
	_ =	sdelay $0x2  }
0xba: {  	s31 =	sshll.u32 s1, $0xD;
	s1 =	sshrl.u32 s1, $0x2  }
0xbb: {  	s3 =	sand.u32 $0x4000, s31;
	s1 =	sadd.s32 s1, s30  }
0xbc: {  	s0 =	sor.u32 s3, s0;
	s1 =	sshll.u32 s1, $0x11  }
0xbd: {  	s0 =	sor.u32 s1, s0  }
0xbe: {  	s0 =	sadd.s32 $0x8F2B, s0  }
0xbf: {  	[sflag:s0] =	ssyncadd.remote.s32 $0x1  }
0xc0: {  	_ =	sfence.sel $0xFFFF  }
0xc1: {  	[dreg:$0x0] =	wrdreg $0xFFFFFFFF;
	(pc) =	sbr.abs _section_cstart, $3  }
0xc2: {  	[dreg:$0x1] =	wrdreg $0xFFFFFFFF  }
0xc3: {  	_ =	task.clear_ibuf [dreg:s8], $0x2FFFF;
	_ =	strace $0x9FFFFFFF  }
0xc4: {  	(tm) =	ssettm $0x7FFFFFFF  }
0xc5: {  	_ =	shalt  }
tec
execute0_lowered:
.L_overlay_start_1:
0x0: {  	(tag) =	ssettag $0x1  }
0x1: {  	s0 =	srdreg.scid;
	s18 =	rddreg [dreg:$0x0]  }
0x2: {  	s5 =	stileid.u32;
	s19 =	rddreg [dreg:$0x1]  }
0x3: {  	s3 =	rddreg [dreg:$0x2];
	s0 =	sand.u32 $0x1, s0;
	s1 =	sshll.u32 s5, $0x1  }
0x4: {  	s4 =	simm.s32 $0x1;
	s2 =	simm.s32 $0x0;
	s1 =	sor.u32 s0, s1  }
0x5: {  	s22 =	simm.s32 $0x8000;
	p1 =	seq.s32 s0, $0x1;
	p0 =	seq.s32 s1, $0x0  }
0x6: {  	s23 =	simm.s32 $0x4000;
	s28 =	simm.s32 $0x4;
	p0 =	por !p0, !p1  }
0x7: {  	s30 =	simm.s32 $0x5;
	[smem:$0x7FF] =	sst s2;
	p0 =	por !p0, !p0  }
0x8: {  	s31 =	simm.s32 $0x0;
	_ =	strace $0x80000047;
	s4 =	simm.s32 @!p0 $0x0  }
0x9: {  	s24 =	sshll.u32 s0, $0x11;
	s0 =	ssub.s32 $0x2, s0;
	s4 =	ssub.s32 s5, s4  }
0xa: {  	s1 =	sshll.u32 s1, $0x4;
	s25 =	sshrl.u32 s0, $0x1;
	s4 =	sshll.u32 s4, $0x12  }
0xb: {  	s1 =	sadd.s32 s1, s3;
	s0 =	ssub.s32 s0, s25;
	s4 =	sor.u32 s24, s4  }
0xc: {  	s3 =	simm.s32 $0x1;
	s25 =	simm.s32 $0x3;
	s16 =	sshrl.u32 s4, $0x3  }
0xd: {  	s21 =	smax.u32 s0, $0x1;
	s24 =	simm.s32 $0xC000;
	s7 =	sor.u32 $0x800, s16  }
0xe: {  	s4 =	sadd.s32 s18, s16;
	s26 =	sadd.s32 s19, s16;
	s9 =	sor.u32 $0x1000, s16  }
0xf: {  	s11 =	sor.u32 $0x1800, s16;
	s13 =	sor.u32 $0x2000, s16;
	s15 =	sor.u32 $0x2800, s16  }
0x10: {  	s17 =	sor.u32 $0x3000, s16;
	s20 =	sor.u32 $0x3800, s16;
	[dreg:$0x4] =	wrdreg s4  }
0x11: {  	[dreg:$0x5] =	wrdreg s26;
	s29 =	sadd.s32 s18, s7;
	s7 =	sadd.s32 s19, s7  }
0x12: {  	s8 =	sadd.s32 s18, s9;
	s9 =	sadd.s32 s19, s9;
	s10 =	sadd.s32 s18, s11  }
0x13: {  	s11 =	sadd.s32 s19, s11;
	s12 =	sadd.s32 s18, s13;
	s13 =	sadd.s32 s19, s13  }
0x14: {  	s14 =	sadd.s32 s18, s15;
	s15 =	sadd.s32 s19, s15;
	s16 =	sadd.s32 s18, s17  }
0x15: {  	v0 =	vimm.bf16 $1.4450e+00;
	v1 =	vimm.bf16 $1.0790e-01;
	v2 =	vimm.bf16 $-3.9650e-01;
	s17 =	sadd.s32 s19, s17;
	s18 =	sadd.s32 s18, s20;
	s19 =	sadd.s32 s19, s20  }
0x16: {  	v3 =	vimm.bf16 $0.0e+00;
	v4 =	vimm.bf16 $9.8050e-01;
	v5 =	vimm.bf16 $5.0350e-04;
	s20 =	sadd.s32 $0x600, s1;
	s26 =	simm.s32 $0x2;
	[dreg:$0x6] =	wrdreg s29  }
.LBB2_1:
0x17: {  	s0 =	rddreg [dreg:$0x4]  }
0x18: {  	[tilespmem:s2], [sflag:$0x1] =	stream.linear.gather [hbm4b:s0+s2], $0x4000, $0x38;
	[tilespmem:$0x10080] =	vst v63  }
0x19: {  	s1 =	rddreg [dreg:$0x5]  }
0x1a: {  	[tilespmem:s22], [sflag:$0x3] =	stream.linear.gather [hbm4b:s1+s2], $0x4000, $0x38;
	[tilespmem:$0x10080] =	vst v63  }
0x1b: {  	s4 =	rddreg [dreg:$0x6]  }
0x1c: {  	[tilespmem:s23], [sflag:$0x2] =	stream.linear.gather [hbm4b:s4+s2], $0x4000, $0x38;
	[tilespmem:$0x10080] =	vst v63  }
0x1d: {  	_ = 	snop  }
0x1e: {  	[tilespmem:s24], [sflag:$0x4] =	stream.linear.gather [hbm4b:s7+s2], $0x4000, $0x38;
	[tilespmem:$0x10080] =	vst v63  }
0x1f: {  	_ =	swait.ge [sflag:s3], $0x4000  }
0x20: {  	[sflag:s3] =	ssyncset.done $0x0  }
0x21: {  	s5 =	simm.s32 $0x0;
	s29 =	simm.s32 $0x0;
	[sflag:s3] =	ssyncadd.s32 $0xFFFFC000  }
0x22: {  	s0 =	sand.u32 $0x3000, s5;
	s1 =	sand.u32 $0xC00, s2;
	_ =	swait.ge [sflag:s25], $0x4000  }
0x23: {  	s6 =	sand.u32 $0x380, s29;
	s0 =	sor.u32 s1, s0;
	[sflag:s25] =	ssyncset.done $0x0  }
0x24: {  	s0 =	sor.u32 s6, s0;
	[sflag:s25] =	ssyncadd.s32 $0xFFFFC000  }
0x25: {  	v6 =	vld [tilespmem:s0+$0x30]  }
0x26: {  	v7 =	vld [tilespmem:s0+$0x20];
	_ =	sdelay $0x1  }
0x27: {  	v8 =	vld [tilespmem:s0+$0x10]  }
0x28: {  	v9 =	vld [tilespmem:s0+$0x0];
	_ =	sdelay $0x1  }
0x29: {  	v7 =	vpack.i.f32.bf16 v6, v7  }
0x2a: {  	v21 =	vsub.bf16 v3, v7  }
0x2b: {  	v11 =	vld [tilespmem:s0+$0x70]  }
0x2c: {  	v13 =	vld [tilespmem:s0+$0x50];
	v9 =	vpack.i.f32.bf16 v8, v9;
	v6 =	vmin.bf16 v7, v21  }
0x2d: {  	v14 =	vld [tilespmem:s0+$0x40];
	v10 =	vsub.bf16 v3, v9;
	v6 =	vmul.bf16 v0, v6  }
0x2e: {  	v18 =	vld [tilespmem:s0+$0x8050]  }
0x2f: {  	v16 =	vld [tilespmem:s0+$0x8030];
	v8 =	vmin.bf16 v9, v10;
	(erf) = vpow2.bf16 v6  }
0x30: {  	v8 =	vmul.bf16 v0, v8;
	v6 =	vld [tilespmem:s0+$0x60]  }
0x31: {  	v26 =	vld [tilespmem:s0+$0x8000]  }
0x32: {  	v19 =	vld [tilespmem:s0+$0x8040];
	(erf) = vpow2.bf16 v8;
	_ =	sdelay $0x2  }
0x33: {  	v20 =	vpack.i.f32.bf16 v13, v14;
	v12 =	vpack.i.f32.bf16 v11, v6  }
0x34: {  	v14 =	vimm.f32 $0.0e+00;
	vm0 =	vne.s32 v18, $0x1;
	v13 =	vsub.bf16 v3, v12  }
0x35: {  	vm4 =	vne.s32 v16, $0x1;
	vm6 =	vne.s32 v26, $0x1;
	vm10 =	vne.s32 v19, $0x1  }
0x36: {  	v22 =	vmpcnt.ones.xlane vm0;
	v32 =	vmpcnt.ones.xlane vm10;
	v8 =	vld [tilespmem:s0+$0x8070];
	v15 =	vmin.bf16 v12, v13  }
0x37: {  	v17 =	vsub.bf16 v3, v20;
	v34 =	vmpcnt.ones.xlane vm4;
	v11 =	vld [tilespmem:s0+$0x8060];
	v24 =	vmul.bf16 v0, v15;
	v25 =	vpop (erf)  }
0x38: {  	vm0 =	vmmov vm0;
	vm4 =	vmmov vm4;
	v15 =	vld [tilespmem:s0+$0x8020];
	v28 =	vmul.bf16 v1, v25  }
0x39: {  	v23 =	vmin.bf16 v20, v17;
	v27 =	vmax.bf16 v10, v3;
	(erf) = vpow2.bf16 v24  }
0x3a: {  	v7 =	vmax.bf16 v7, v3;
	v23 =	vmul.bf16 v0, v23;
	v29 =	vpop (erf);
	v28 =	vadd.bf16 v2, v28  }
0x3b: {  	v6 =	vimm.s32 $0x0;
	vm2 =	vne.s32 v8, $0x1;
	v30 =	vmul.bf16 v1, v29  }
0x3c: {  	v35 =	vadd.s32 v6, v32;
	v10 =	vmpcnt.ones.xlane vm2;
	v28 =	vmul.bf16 v28, v25  }
0x3d: {  	vm3 =	vne.s32 v11, $0x1;
	vm1 =	vne.s32 v15, $0x1;
	v30 =	vadd.bf16 v2, v30  }
0x3e: {  	v24 =	vmpcnt.ones.xlane vm6;
	v31 =	vmpcnt.ones.xlane vm1;
	v28 =	vadd.bf16 v4, v28  }
0x3f: {  	v32 =	vmax.bf16 v9, v3;
	v33 =	vmpcnt.ones.xlane vm3;
	v30 =	vmul.bf16 v30, v29  }
0x40: {  	vm2 =	vmmov vm2;
	v31 =	vadd.s32 v6, v31;
	v25 =	vmul.bf16 v28, v25  }
0x41: {  	v24 =	vadd.s32 v6, v24;
	v6 =	vadd.s32 v6, v33;
	v30 =	vadd.bf16 v4, v30  }
0x42: {  	v6 =	vadd.s32 v10, v6;
	v9 =	vadd.s32 v34, v31;
	v28 =	vadd.bf16 v5, v25  }
0x43: {  	v10 =	vadd.s32 v22, v35;
	v25 =	vmul.bf16 v30, v29;
	v29 =	vmax.bf16 v21, v3;
	v31 =	vpop (erf)  }
0x44: {  	v30 =	vld [tilespmem:s0+$0x8010];
	v21 =	vimm.f32 $0.0e+00;
	v33 =	vmul.bf16 v1, v31;
	v22 =	vadd.bf16 v28, v7  }
0x45: {  	s29 =	simm.s32 $0x1;
	s1 =	simm.s32 $0x0;
	v34 =	vadd.bf16 v5, v25;
	v25 =	vimm.f32 $0.0e+00;
	v7 =	vimm.f32 $0.0e+00  }
.LBB2_2:
0x46: {  	s4 =	sshll.u32 s29, $0x7  }
0x47: {  	s1 =	sadd.s32 $0x400, s1;
	vm5 =	vmmov vm10;
	s5 =	smov.u32 s29;
	s0 =	sadd.s32 $0x1, s29  }
0x48: {  	vm7 =	vgt.s32 v18, $0x0;
	s6 =	sand.u32 $0xC00, s1;
	s4 =	sand.u32 $0x3000, s4;
	s5 =	sshll.u32 s5, $0x5;
	v32 =	vadd.bf16 v34, v32;
	v27 =	vadd.bf16 v34, v27  }
0x49: {  	p0 =	sne.s32 s29, $0x7F;
	vm8 =	vgt.s32 v26, $0x0;
	v18 =	vadd.bf16 v2, v33;
	s4 =	sor.u32 s6, s4;
	s5 =	sand.u32 $0x380, s5;
	vm9 =	vgt.s32 v30, $0x0  }
0x4a: {  	s29 =	sor.u32 s5, s4;
	v26 =	vunpack.i.u.bf16.f32 v32;
	v32 =	vunpack.i.l.bf16.f32 v32;
	v33 =	vunpack.i.l.bf16.f32 v27  }
0x4b: {  	v27 =	vunpack.i.u.bf16.f32 v27;
	v34 =	vld [tilespmem:s29+$0x8070];
	v32 =	vsel vm8, v33, v32;
	v33 =	vmul.bf16 v18, v31  }
0x4c: {  	vm12 =	vgt.s32 v8, $0x0;
	v26 =	vsel vm9, v27, v26;
	v18 =	vld [tilespmem:s29+$0x8050];
	v32 =	vnsel vm6, $0x0, v32  }
0x4d: {  	vm6 =	vne.s32 v30, $0x1;
	v27 =	vld [tilespmem:s29+$0x70];
	v36 =	vadd.f32 v32, v14;
	v32 =	vadd.bf16 v4, v33  }
0x4e: {  	v30 =	vmax.bf16 v20, v3;
	v14 =	vnsel vm6, $0x0, v26;
	v26 =	vmpcnt.ones.xlane vm6;
	v33 =	vld [tilespmem:s29+$0x30]  }
0x4f: {  	v20 =	vld [tilespmem:s29+$0x50];
	v14 =	vadd.f32 v36, v14;
	v31 =	vmul.bf16 v32, v31;
	(erf) = vpow2.bf16 v23  }
0x50: {  	v35 =	vmax.bf16 v17, v3;
	v24 =	vadd.s32 v26, v24;
	v23 =	vld [tilespmem:s29+$0x10];
	vm8 =	vne.s32 v34, $0x1;
	v8 =	vmovc v34  }
0x51: {  	vm14 =	vgt.s32 v16, $0x0;
	vm11 =	vgt.s32 v19, $0x0;
	v17 =	vld [tilespmem:s29+$0x20];
	v16 =	vadd.bf16 v5, v31  }
0x52: {  	v28 =	vadd.bf16 v28, v29;
	v12 =	vmax.bf16 v12, v3;
	v13 =	vmax.bf16 v13, v3;
	v19 =	vld [tilespmem:s29+$0x60]  }
0x53: {  	vm9 =	vne.s32 v18, $0x1;
	v26 =	vld [tilespmem:s29+$0x40];
	v12 =	vadd.bf16 v16, v12;
	v13 =	vadd.bf16 v16, v13  }
0x54: {  	vm10 =	vgt.s32 v11, $0x0;
	vm6 =	vgt.s32 v15, $0x0;
	v29 =	vmpcnt.ones.xlane vm9;
	v16 =	vld [tilespmem:s29+$0x0]  }
0x55: {  	v31 =	vunpack.i.u.bf16.f32 v12;
	v11 =	vunpack.i.l.bf16.f32 v12;
	v12 =	vunpack.i.l.bf16.f32 v13  }
0x56: {  	v32 =	vunpack.i.u.bf16.f32 v13;
	v33 =	vpack.i.f32.bf16 v33, v17;
	v11 =	vsel vm10, v12, v11  }
0x57: {  	v34 =	vsub.bf16 v3, v33;
	v12 =	vpack.i.f32.bf16 v27, v19;
	v11 =	vnsel vm3, $0x0, v11  }
0x58: {  	v20 =	vpack.i.f32.bf16 v20, v26;
	v13 =	vsub.bf16 v3, v12;
	v25 =	vadd.f32 v11, v25  }
0x59: {  	v36 =	vpack.i.f32.bf16 v23, v16;
	v11 =	vmin.bf16 v33, v34;
	v17 =	vsub.bf16 v3, v20;
	v37 =	vpop (erf)  }
0x5a: {  	v15 =	vsub.bf16 v3, v36;
	v26 =	vmul.bf16 v0, v11;
	v11 =	vld [tilespmem:s29+$0x8060];
	v19 =	vmin.bf16 v12, v13  }
0x5b: {  	v39 =	vmul.bf16 v1, v37;
	v16 =	vld [tilespmem:s29+$0x8030];
	v23 =	vmin.bf16 v20, v17;
	v38 =	vmul.bf16 v0, v19  }
0x5c: {  	v27 =	vmin.bf16 v36, v15;
	v19 =	vld [tilespmem:s29+$0x8040];
	v23 =	vmul.bf16 v0, v23;
	(erf) = vpow2.bf16 v26  }
0x5d: {  	v41 =	vunpack.i.u.bf16.f32 v22;
	v26 =	vld [tilespmem:s29+$0x8000];
	v40 =	vmul.bf16 v0, v27;
	v27 =	vmax.bf16 v15, v3  }
0x5e: {  	v22 =	vunpack.i.l.bf16.f32 v22;
	v42 =	vunpack.i.l.bf16.f32 v28;
	v39 =	vadd.bf16 v2, v39;
	v15 =	vld [tilespmem:s29+$0x8020]  }
0x5f: {  	v28 =	vunpack.i.u.bf16.f32 v28;
	v22 =	vsel vm6, v42, v22;
	(erf) = vpow2.bf16 v40  }
0x60: {  	v22 =	vnsel vm1, $0x0, v22;
	v39 =	vmul.bf16 v39, v37;
	vm13 =	vne.s32 v16, $0x1  }
0x61: {  	v21 =	vadd.f32 v22, v21;
	v40 =	vmpcnt.ones.xlane vm8;
	vm10 =	vne.s32 v19, $0x1  }
0x62: {  	vm3 =	vne.s32 v11, $0x1;
	v22 =	vadd.bf16 v4, v39;
	vm6 =	vne.s32 v26, $0x1  }
0x63: {  	v28 =	vsel vm14, v28, v41;
	v39 =	vmpcnt.ones.xlane vm6;
	vm1 =	vne.s32 v15, $0x1  }
0x64: {  	v28 =	vnsel vm4, $0x0, v28;
	v22 =	vmul.bf16 v22, v37;
	v41 =	vmpcnt.ones.xlane vm1  }
0x65: {  	v37 =	vmpcnt.ones.xlane vm10;
	v24 =	vadd.s32 v24, v39;
	v39 =	vmpcnt.ones.xlane vm3  }
0x66: {  	v31 =	vsel vm12, v32, v31;
	v9 =	vadd.s32 v9, v41;
	v41 =	vmpcnt.ones.xlane vm13;
	v42 =	vpop (erf)  }
0x67: {  	v10 =	vadd.s32 v10, v37;
	v32 =	vmul.bf16 v1, v42;
	v6 =	vadd.s32 v6, v39  }
0x68: {  	v31 =	vnsel vm2, $0x0, v31;
	v22 =	vadd.bf16 v5, v22;
	v6 =	vadd.s32 v40, v6  }
0x69: {  	v21 =	vadd.f32 v21, v28;
	v37 =	vadd.bf16 v2, v32;
	v39 =	vpop (erf);
	(erf) = vpow2.bf16 v38  }
0x6a: {  	v35 =	vadd.bf16 v22, v35;
	v32 =	vmax.bf16 v36, v3;
	v28 =	vmul.bf16 v1, v39  }
0x6b: {  	v22 =	vadd.bf16 v22, v30;
	v9 =	vadd.s32 v41, v9;
	v36 =	vmul.bf16 v37, v42  }
0x6c: {  	v30 =	vunpack.i.u.bf16.f32 v35;
	v35 =	vunpack.i.l.bf16.f32 v35;
	v28 =	vadd.bf16 v2, v28  }
0x6d: {  	v37 =	vunpack.i.u.bf16.f32 v22;
	v22 =	vunpack.i.l.bf16.f32 v22;
	v36 =	vadd.bf16 v4, v36  }
0x6e: {  	v25 =	vadd.f32 v25, v31;
	v22 =	vsel vm11, v35, v22;
	v28 =	vmul.bf16 v28, v39  }
0x6f: {  	v30 =	vsel vm7, v30, v37;
	v22 =	vnsel vm5, $0x0, v22;
	v31 =	vmul.bf16 v36, v42  }
.Ltmp0:
0x70: {  	v10 =	vadd.s32 v29, v10;
	v36 =	vnsel vm0, $0x0, v30;
	v35 =	vadd.bf16 v4, v28;
	(pc) =	sbr.rel @p0 .LBB2_2-.Ltmp0, $4  }
0x71: {  	vm2 =	vmmov vm8;
	v7 =	vadd.f32 v22, v7;
	v28 =	vadd.bf16 v5, v31  }
0x72: {  	v29 =	vmax.bf16 v34, v3;
	v22 =	vmax.bf16 v33, v3;
	v30 =	vld [tilespmem:s29+$0x8010];
	v35 =	vmul.bf16 v35, v39  }
0x73: {  	vm0 =	vmmov vm9;
	v7 =	vadd.f32 v7, v36;
	v22 =	vadd.bf16 v28, v22;
	v31 =	vpop (erf)  }
0x74: {  	vm4 =	vmmov vm13;
	s29 =	smov.u32 s0;
	v34 =	vadd.bf16 v5, v35;
	v33 =	vmul.bf16 v1, v31  }
0x75: {  	(erf) = vpow2.bf16 v23;
	_ =	sdelay $0x4  }
0x76: {  	v52 =	vadd.bf16 v2, v33  }
0x77: {  	vm7 =	vgt.s32 v18, $0x0;
	v23 =	vadd.bf16 v34, v32;
	v27 =	vadd.bf16 v34, v27  }
0x78: {  	s1 =	simm.s32 $0x0;
	vm8 =	vgt.s32 v26, $0x0;
	vm9 =	vgt.s32 v30, $0x0;
	v32 =	vmul.bf16 v52, v31  }
0x79: {  	[tilespmem:s1], [sflag:$0x1] =	stream.linear.gather [hbm4b:s8+s1], $0x4000, $0x38;
	v18 =	vunpack.i.l.bf16.f32 v23;
	v26 =	vunpack.i.l.bf16.f32 v27;
	v23 =	vunpack.i.u.bf16.f32 v23;
	[tilespmem:$0x10080] =	vst v63  }
0x7a: {  	v18 =	vsel vm8, v26, v18;
	v26 =	vunpack.i.u.bf16.f32 v27;
	v27 =	vadd.bf16 v4, v32  }
0x7b: {  	[tilespmem:s22], [sflag:$0x3] =	stream.linear.gather [hbm4b:s9+s1], $0x4000, $0x38;
	v18 =	vnsel vm6, $0x0, v18;
	v23 =	vsel vm9, v26, v23;
	v53 =	vpop (erf);
	[tilespmem:$0x10080] =	vst v63  }
0x7c: {  	vm6 =	vne.s32 v30, $0x1;
	v14 =	vadd.f32 v18, v14;
	v26 =	vmul.bf16 v27, v31;
	_ =	swait.ge [sflag:s26], $0x4000  }
0x7d: {  	v18 =	vnsel vm6, $0x0, v23;
	v23 =	vmpcnt.ones.xlane vm6;
	vm6 =	vgt.s32 v8, $0x0;
	[sflag:s26] =	ssyncset.done $0x0  }
0x7e: {  	s0 =	simm.s32 $0x0;
	s5 =	simm.s32 $0x0;
	v8 =	vadd.f32 v14, v18;
	v14 =	vmax.bf16 v17, v3;
	v17 =	vadd.bf16 v5, v26;
	[sflag:s26] =	ssyncadd.s32 $0xFFFFC000  }
0x7f: {  	v12 =	vmax.bf16 v12, v3;
	v13 =	vmax.bf16 v13, v3;
	s4 =	sand.u32 $0xC00, s1;
	s0 =	sand.u32 $0x3000, s0;
	_ =	swait.ge [sflag:s28], $0x4000  }
0x80: {  	s6 =	sand.u32 $0x380, s5;
	s0 =	sor.u32 s4, s0;
	v12 =	vadd.bf16 v17, v12;
	v13 =	vadd.bf16 v17, v13;
	v17 =	vmul.bf16 v1, v53;
	[sflag:s28] =	ssyncset.done $0x0  }
0x81: {  	s0 =	sor.u32 s6, s0;
	[sflag:s28] =	ssyncadd.s32 $0xFFFFC000  }
0x82: {  	v17 =	vadd.bf16 v2, v17;
	v18 =	vld [tilespmem:s0+$0x4030]  }
0x83: {  	vm9 =	vgt.s32 v16, $0x0;
	v16 =	vld [tilespmem:s0+$0x4020]  }
0x84: {  	vm5 =	vmmov vm10;
	v17 =	vmul.bf16 v17, v53  }
0x85: {  	v20 =	vmax.bf16 v20, v3;
	vm10 =	vgt.s32 v11, $0x0;
	vm11 =	vgt.s32 v15, $0x0;
	v11 =	vld [tilespmem:s0+$0x4010]  }
0x86: {  	vm8 =	vgt.s32 v19, $0x0;
	v19 =	vadd.bf16 v28, v29;
	v26 =	vld [tilespmem:s0+$0x4000];
	v17 =	vadd.bf16 v4, v17  }
0x87: {  	v30 =	vadd.s32 v23, v24;
	v23 =	vunpack.i.l.bf16.f32 v12;
	v24 =	vunpack.i.l.bf16.f32 v13  }
0x88: {  	v15 =	vsel vm10, v24, v23;
	v17 =	vmul.bf16 v17, v53;
	v29 =	vpack.i.f32.bf16 v18, v16  }
0x89: {  	v12 =	vunpack.i.u.bf16.f32 v12;
	v15 =	vnsel vm3, $0x0, v15;
	v31 =	vsub.bf16 v3, v29  }
0x8a: {  	v13 =	vunpack.i.u.bf16.f32 v13;
	v17 =	vadd.bf16 v5, v17;
	v16 =	vadd.f32 v15, v25  }
0x8b: {  	v15 =	vunpack.i.l.bf16.f32 v22;
	v28 =	vpack.i.f32.bf16 v11, v26;
	v11 =	vmin.bf16 v29, v31  }
0x8c: {  	v18 =	vunpack.i.l.bf16.f32 v19;
	v25 =	vsub.bf16 v3, v28;
	v11 =	vmul.bf16 v0, v11  }
0x8d: {  	v19 =	vunpack.i.u.bf16.f32 v19;
	v15 =	vsel vm11, v18, v15;
	v18 =	vunpack.i.u.bf16.f32 v22  }
0x8e: {  	v23 =	vld [tilespmem:s0+$0x4050];
	v15 =	vnsel vm1, $0x0, v15;
	v24 =	vmin.bf16 v28, v25;
	(erf) = vpow2.bf16 v11  }
0x8f: {  	v22 =	vld [tilespmem:s0+$0x4070];
	v11 =	vadd.f32 v15, v21;
	v15 =	vsel vm9, v19, v18;
	v19 =	vmul.bf16 v0, v24  }
0x90: {  	v12 =	vsel vm6, v13, v12;
	v13 =	vadd.bf16 v17, v14;
	v14 =	vadd.bf16 v17, v20;
	v18 =	vld [tilespmem:s0+$0x4060]  }
0x91: {  	v12 =	vnsel vm2, $0x0, v12;
	v17 =	vld [tilespmem:s0+$0x4040];
	v15 =	vnsel vm4, $0x0, v15;
	(erf) = vpow2.bf16 v19  }
0x92: {  	v20 =	vld [tilespmem:s0+$0xC050];
	v11 =	vadd.f32 v11, v15;
	v15 =	vunpack.i.l.bf16.f32 v13;
	v19 =	vunpack.i.l.bf16.f32 v14  }
0x93: {  	v32 =	vmax.bf16 v28, v3;
	v27 =	vmax.bf16 v25, v3;
	v15 =	vsel vm8, v15, v19  }
0x94: {  	v26 =	vld [tilespmem:s0+$0xC000];
	v21 =	vunpack.i.u.bf16.f32 v14;
	v13 =	vunpack.i.u.bf16.f32 v13;
	v15 =	vnsel vm5, $0x0, v15  }
0x95: {  	v14 =	vld [tilespmem:s0+$0xC070];
	v21 =	vsel vm7, v13, v21;
	v13 =	vpack.i.f32.bf16 v22, v18;
	v7 =	vadd.f32 v15, v7  }
0x96: {  	v22 =	vpack.i.f32.bf16 v23, v17;
	v23 =	vadd.f32 v16, v12;
	v15 =	vsub.bf16 v3, v13  }
0x97: {  	v19 =	vld [tilespmem:s0+$0xC040];
	v12 =	vnsel vm0, $0x0, v21;
	vm0 =	vne.s32 v20, $0x1;
	v21 =	vsub.bf16 v3, v22  }
0x98: {  	v16 =	vld [tilespmem:s0+$0xC060];
	v54 =	vmpcnt.ones.xlane vm0;
	v7 =	vadd.f32 v7, v12;
	v12 =	vmin.bf16 v13, v15;
	v55 =	vpop (erf)  }
0x99: {  	vm7 =	vne.s32 v26, $0x1;
	v12 =	vmul.bf16 v0, v12;
	v56 =	vmul.bf16 v1, v55  }
0x9a: {  	v17 =	vld [tilespmem:s0+$0xC020];
	vm0 =	vmmov vm0;
	vm2 =	vne.s32 v14, $0x1;
	v24 =	vmin.bf16 v22, v21  }
0x9b: {  	v60 =	vmpcnt.ones.xlane vm2;
	(erf) = vpow2.bf16 v12;
	v57 =	vpop (erf);
	v25 =	vadd.bf16 v2, v56  }
0x9c: {  	v18 =	vld [tilespmem:s0+$0xC030];
	vm10 =	vne.s32 v19, $0x1;
	v12 =	vmpcnt.ones.xlane vm7;
	v35 =	vmul.bf16 v1, v57  }
0x9d: {  	vm2 =	vmmov vm2;
	vm3 =	vne.s32 v16, $0x1;
	v37 =	vmul.bf16 v25, v55  }
0x9e: {  	v25 =	vadd.s32 v30, v12;
	v12 =	vmpcnt.ones.xlane vm10;
	v30 =	vadd.bf16 v2, v35  }
0x9f: {  	v24 =	vmul.bf16 v0, v24;
	vm1 =	vne.s32 v17, $0x1;
	v58 =	vmpcnt.ones.xlane vm3  }
0xa0: {  	v59 =	vadd.bf16 v4, v37;
	v10 =	vadd.s32 v10, v12;
	v12 =	vmul.bf16 v30, v57  }
0xa1: {  	vm4 =	vne.s32 v18, $0x1;
	v36 =	vmpcnt.ones.xlane vm1;
	v6 =	vadd.s32 v6, v58  }
0xa2: {  	v30 =	vmpcnt.ones.xlane vm4;
	v61 =	vmul.bf16 v59, v55;
	v62 =	vadd.bf16 v4, v12  }
0xa3: {  	v9 =	vadd.s32 v9, v36;
	v6 =	vadd.s32 v60, v6;
	vm4 =	vmmov vm4  }
0xa4: {  	v9 =	vadd.s32 v30, v9;
	v28 =	vadd.bf16 v5, v61;
	v63 =	vmul.bf16 v62, v57  }
0xa5: {  	v12 =	vadd.s32 v54, v10;
	v10 =	vmax.bf16 v29, v3;
	v29 =	vmax.bf16 v31, v3;
	v30 =	vld [tilespmem:s0+$0xC010];
	v31 =	vpop (erf)  }
0xa6: {  	s29 =	simm.s32 $0x1;
	v33 =	vmul.bf16 v1, v31;
	v10 =	vadd.bf16 v28, v10;
	v34 =	vadd.bf16 v5, v63  }
.LBB2_4:
0xa7: {  	s4 =	sshll.u32 s29, $0x7  }
0xa8: {  	s1 =	sadd.s32 $0x400, s1;
	vm5 =	vmmov vm10;
	s5 =	smov.u32 s29;
	s0 =	sadd.s32 $0x1, s29  }
0xa9: {  	vm6 =	vgt.s32 v20, $0x0;
	s6 =	sand.u32 $0xC00, s1;
	s4 =	sand.u32 $0x3000, s4;
	s5 =	sshll.u32 s5, $0x5;
	v32 =	vadd.bf16 v34, v32;
	v27 =	vadd.bf16 v34, v27  }
0xaa: {  	p0 =	sne.s32 s29, $0x7F;
	vm8 =	vgt.s32 v26, $0x0;
	v20 =	vadd.bf16 v2, v33;
	s4 =	sor.u32 s6, s4;
	s5 =	sand.u32 $0x380, s5;
	vm9 =	vgt.s32 v30, $0x0  }
0xab: {  	s29 =	sor.u32 s5, s4;
	v26 =	vunpack.i.u.bf16.f32 v32;
	v32 =	vunpack.i.l.bf16.f32 v32;
	v33 =	vunpack.i.l.bf16.f32 v27  }
0xac: {  	v27 =	vunpack.i.u.bf16.f32 v27;
	v34 =	vld [tilespmem:s29+$0xC070];
	v32 =	vsel vm8, v33, v32;
	v33 =	vmul.bf16 v20, v31  }
0xad: {  	vm12 =	vgt.s32 v14, $0x0;
	v26 =	vsel vm9, v27, v26;
	v20 =	vld [tilespmem:s29+$0xC050];
	v32 =	vnsel vm7, $0x0, v32  }
0xae: {  	vm7 =	vne.s32 v30, $0x1;
	v27 =	vld [tilespmem:s29+$0x4070];
	v8 =	vadd.f32 v32, v8;
	v35 =	vadd.bf16 v4, v33  }
0xaf: {  	v30 =	vmax.bf16 v22, v3;
	v26 =	vnsel vm7, $0x0, v26;
	v33 =	vmpcnt.ones.xlane vm7;
	v32 =	vld [tilespmem:s29+$0x4030]  }
0xb0: {  	v22 =	vld [tilespmem:s29+$0x4050];
	v8 =	vadd.f32 v8, v26;
	v26 =	vmul.bf16 v35, v31;
	(erf) = vpow2.bf16 v24  }
0xb1: {  	v25 =	vadd.s32 v33, v25;
	v31 =	vmax.bf16 v21, v3;
	v24 =	vld [tilespmem:s29+$0x4010];
	vm8 =	vne.s32 v34, $0x1;
	v14 =	vmovc v34  }
0xb2: {  	vm14 =	vgt.s32 v18, $0x0;
	vm11 =	vgt.s32 v19, $0x0;
	v21 =	vld [tilespmem:s29+$0x4020];
	v18 =	vadd.bf16 v5, v26  }
0xb3: {  	v28 =	vadd.bf16 v28, v29;
	v13 =	vmax.bf16 v13, v3;
	v15 =	vmax.bf16 v15, v3;
	v19 =	vld [tilespmem:s29+$0x4060]  }
0xb4: {  	vm9 =	vne.s32 v20, $0x1;
	v26 =	vld [tilespmem:s29+$0x4040];
	v13 =	vadd.bf16 v18, v13;
	v15 =	vadd.bf16 v18, v15  }
0xb5: {  	vm10 =	vgt.s32 v16, $0x0;
	vm7 =	vgt.s32 v17, $0x0;
	v29 =	vmpcnt.ones.xlane vm9;
	v18 =	vld [tilespmem:s29+$0x4000]  }
0xb6: {  	v33 =	vunpack.i.u.bf16.f32 v13;
	v13 =	vunpack.i.l.bf16.f32 v13;
	v16 =	vunpack.i.l.bf16.f32 v15  }
0xb7: {  	v34 =	vpack.i.f32.bf16 v32, v21;
	v32 =	vunpack.i.u.bf16.f32 v15;
	v15 =	vsel vm10, v16, v13  }
0xb8: {  	v35 =	vsub.bf16 v3, v34;
	v13 =	vpack.i.f32.bf16 v27, v19;
	v16 =	vnsel vm3, $0x0, v15  }
0xb9: {  	v22 =	vpack.i.f32.bf16 v22, v26;
	v15 =	vsub.bf16 v3, v13;
	v23 =	vadd.f32 v16, v23  }
0xba: {  	v36 =	vpack.i.f32.bf16 v24, v18;
	v16 =	vmin.bf16 v34, v35;
	v21 =	vsub.bf16 v3, v22;
	v37 =	vpop (erf)  }
0xbb: {  	v17 =	vsub.bf16 v3, v36;
	v26 =	vmul.bf16 v0, v16;
	v16 =	vld [tilespmem:s29+$0xC060];
	v19 =	vmin.bf16 v13, v15  }
0xbc: {  	v39 =	vmul.bf16 v1, v37;
	v18 =	vld [tilespmem:s29+$0xC030];
	v24 =	vmin.bf16 v22, v21;
	v38 =	vmul.bf16 v0, v19  }
0xbd: {  	v27 =	vmin.bf16 v36, v17;
	v19 =	vld [tilespmem:s29+$0xC040];
	v24 =	vmul.bf16 v0, v24;
	(erf) = vpow2.bf16 v26  }
0xbe: {  	v41 =	vunpack.i.u.bf16.f32 v10;
	v26 =	vld [tilespmem:s29+$0xC000];
	v40 =	vmul.bf16 v0, v27;
	v27 =	vmax.bf16 v17, v3  }
0xbf: {  	v10 =	vunpack.i.l.bf16.f32 v10;
	v42 =	vunpack.i.l.bf16.f32 v28;
	v39 =	vadd.bf16 v2, v39;
	v17 =	vld [tilespmem:s29+$0xC020]  }
0xc0: {  	v28 =	vunpack.i.u.bf16.f32 v28;
	v10 =	vsel vm7, v42, v10;
	(erf) = vpow2.bf16 v40  }
0xc1: {  	v10 =	vnsel vm1, $0x0, v10;
	v39 =	vmul.bf16 v39, v37;
	vm13 =	vne.s32 v18, $0x1  }
0xc2: {  	v10 =	vadd.f32 v10, v11;
	v40 =	vmpcnt.ones.xlane vm8;
	vm10 =	vne.s32 v19, $0x1  }
0xc3: {  	vm3 =	vne.s32 v16, $0x1;
	v11 =	vadd.bf16 v4, v39;
	vm7 =	vne.s32 v26, $0x1  }
0xc4: {  	v28 =	vsel vm14, v28, v41;
	v39 =	vmpcnt.ones.xlane vm7;
	vm1 =	vne.s32 v17, $0x1  }
0xc5: {  	v28 =	vnsel vm4, $0x0, v28;
	v11 =	vmul.bf16 v11, v37;
	v41 =	vmpcnt.ones.xlane vm1  }
0xc6: {  	v37 =	vmpcnt.ones.xlane vm10;
	v25 =	vadd.s32 v25, v39;
	v39 =	vmpcnt.ones.xlane vm3  }
0xc7: {  	v32 =	vsel vm12, v32, v33;
	v9 =	vadd.s32 v9, v41;
	v41 =	vmpcnt.ones.xlane vm13;
	v42 =	vpop (erf)  }
0xc8: {  	v12 =	vadd.s32 v12, v37;
	v33 =	vmul.bf16 v1, v42;
	v6 =	vadd.s32 v6, v39  }
0xc9: {  	v37 =	vadd.bf16 v5, v11;
	v39 =	vnsel vm2, $0x0, v32;
	v6 =	vadd.s32 v40, v6  }
0xca: {  	v11 =	vadd.f32 v10, v28;
	v33 =	vadd.bf16 v2, v33;
	v40 =	vpop (erf);
	(erf) = vpow2.bf16 v38  }
0xcb: {  	v28 =	vadd.bf16 v37, v31;
	v32 =	vmax.bf16 v36, v3;
	v10 =	vmul.bf16 v1, v40  }
0xcc: {  	v30 =	vadd.bf16 v37, v30;
	v9 =	vadd.s32 v41, v9;
	v31 =	vmul.bf16 v33, v42  }
0xcd: {  	v33 =	vunpack.i.u.bf16.f32 v28;
	v28 =	vunpack.i.l.bf16.f32 v28;
	v10 =	vadd.bf16 v2, v10  }
0xce: {  	v36 =	vunpack.i.u.bf16.f32 v30;
	v30 =	vunpack.i.l.bf16.f32 v30;
	v31 =	vadd.bf16 v4, v31  }
0xcf: {  	v23 =	vadd.f32 v23, v39;
	v28 =	vsel vm11, v28, v30;
	v10 =	vmul.bf16 v10, v40  }
0xd0: {  	v30 =	vmul.bf16 v31, v42;
	v31 =	vnsel vm5, $0x0, v28;
	v28 =	vsel vm6, v33, v36  }
.Ltmp1:
0xd1: {  	v12 =	vadd.s32 v29, v12;
	v10 =	vadd.bf16 v4, v10;
	v33 =	vnsel vm0, $0x0, v28;
	(pc) =	sbr.rel @p0 .LBB2_4-.Ltmp1, $4  }
0xd2: {  	vm2 =	vmmov vm8;
	v7 =	vadd.f32 v31, v7;
	v28 =	vadd.bf16 v5, v30  }
0xd3: {  	v29 =	vmax.bf16 v35, v3;
	v30 =	vld [tilespmem:s29+$0xC010];
	v36 =	vmul.bf16 v10, v40;
	v10 =	vmax.bf16 v34, v3  }
0xd4: {  	vm0 =	vmmov vm9;
	v7 =	vadd.f32 v7, v33;
	v10 =	vadd.bf16 v28, v10;
	v31 =	vpop (erf)  }
0xd5: {  	vm4 =	vmmov vm13;
	s29 =	smov.u32 s0;
	v34 =	vadd.bf16 v5, v36;
	v33 =	vmul.bf16 v1, v31  }
0xd6: {  	(erf) = vpow2.bf16 v24;
	_ =	sdelay $0x4  }
0xd7: {  	v56 =	vadd.bf16 v2, v33  }
0xd8: {  	vm6 =	vgt.s32 v20, $0x0;
	v24 =	vadd.bf16 v34, v32;
	v27 =	vadd.bf16 v34, v27  }
0xd9: {  	s1 =	simm.s32 $0x0;
	vm8 =	vgt.s32 v26, $0x0;
	vm9 =	vgt.s32 v30, $0x0;
	v32 =	vmul.bf16 v56, v31  }
0xda: {  	[tilespmem:s23], [sflag:$0x2] =	stream.linear.gather [hbm4b:s10+s1], $0x4000, $0x38;
	v20 =	vunpack.i.l.bf16.f32 v24;
	v26 =	vunpack.i.l.bf16.f32 v27;
	v24 =	vunpack.i.u.bf16.f32 v24;
	[tilespmem:$0x10080] =	vst v63  }
0xdb: {  	v20 =	vsel vm8, v26, v20;
	v26 =	vunpack.i.u.bf16.f32 v27;
	v27 =	vadd.bf16 v4, v32  }
0xdc: {  	[tilespmem:s24], [sflag:$0x4] =	stream.linear.gather [hbm4b:s11+s1], $0x4000, $0x38;
	v20 =	vnsel vm7, $0x0, v20;
	v24 =	vsel vm9, v26, v24;
	v57 =	vpop (erf);
	[tilespmem:$0x10080] =	vst v63  }
0xdd: {  	vm7 =	vne.s32 v30, $0x1;
	v8 =	vadd.f32 v20, v8;
	v26 =	vmul.bf16 v27, v31;
	_ =	swait.ge [sflag:s3], $0x4000  }
0xde: {  	v20 =	vnsel vm7, $0x0, v24;
	[sflag:s3] =	ssyncset.done $0x0  }
0xdf: {  	s0 =	simm.s32 $0x0;
	s5 =	simm.s32 $0x0;
	v8 =	vadd.f32 v8, v20;
	v20 =	vmax.bf16 v21, v3;
	v21 =	vadd.bf16 v5, v26;
	[sflag:s3] =	ssyncadd.s32 $0xFFFFC000  }
0xe0: {  	v13 =	vmax.bf16 v13, v3;
	v15 =	vmax.bf16 v15, v3;
	s4 =	sand.u32 $0xC00, s1;
	s0 =	sand.u32 $0x3000, s0;
	_ =	swait.ge [sflag:s25], $0x4000  }
0xe1: {  	s6 =	sand.u32 $0x380, s5;
	s0 =	sor.u32 s4, s0;
	v13 =	vadd.bf16 v21, v13;
	v15 =	vadd.bf16 v21, v15;
	v21 =	vmul.bf16 v1, v57;
	[sflag:s25] =	ssyncset.done $0x0  }
0xe2: {  	s0 =	sor.u32 s6, s0;
	v24 =	vmpcnt.ones.xlane vm7;
	[sflag:s25] =	ssyncadd.s32 $0xFFFFC000  }
0xe3: {  	vm7 =	vgt.s32 v14, $0x0;
	v14 =	vmax.bf16 v22, v3;
	v21 =	vadd.bf16 v2, v21;
	v22 =	vld [tilespmem:s0+$0x30]  }
0xe4: {  	vm5 =	vmmov vm10;
	vm9 =	vgt.s32 v18, $0x0;
	v18 =	vld [tilespmem:s0+$0x20]  }
0xe5: {  	vm10 =	vgt.s32 v16, $0x0;
	vm11 =	vgt.s32 v17, $0x0;
	v21 =	vmul.bf16 v21, v57;
	v16 =	vld [tilespmem:s0+$0x10]  }
0xe6: {  	vm8 =	vgt.s32 v19, $0x0;
	v19 =	vadd.bf16 v28, v29;
	v25 =	vadd.s32 v24, v25;
	v27 =	vld [tilespmem:s0+$0x0]  }
0xe7: {  	v24 =	vunpack.i.l.bf16.f32 v13;
	v26 =	vunpack.i.l.bf16.f32 v15;
	v21 =	vadd.bf16 v4, v21  }
0xe8: {  	v13 =	vunpack.i.u.bf16.f32 v13;
	v15 =	vunpack.i.u.bf16.f32 v15;
	v17 =	vsel vm10, v26, v24  }
0xe9: {  	v17 =	vnsel vm3, $0x0, v17;
	v21 =	vmul.bf16 v21, v57;
	v29 =	vpack.i.f32.bf16 v22, v18  }
0xea: {  	v13 =	vsel vm7, v15, v13;
	v17 =	vadd.f32 v17, v23;
	v30 =	vsub.bf16 v3, v29  }
0xeb: {  	v26 =	vld [tilespmem:s0+$0x8000];
	v21 =	vadd.bf16 v5, v21;
	v18 =	vunpack.i.l.bf16.f32 v10;
	v28 =	vpack.i.f32.bf16 v16, v27  }
0xec: {  	v22 =	vunpack.i.l.bf16.f32 v19;
	v27 =	vsub.bf16 v3, v28;
	v16 =	vmin.bf16 v29, v30  }
0xed: {  	v10 =	vunpack.i.u.bf16.f32 v10;
	v18 =	vsel vm11, v22, v18;
	v16 =	vmul.bf16 v0, v16  }
0xee: {  	v23 =	vld [tilespmem:s0+$0x50];
	v19 =	vunpack.i.u.bf16.f32 v19;
	v18 =	vnsel vm1, $0x0, v18;
	v24 =	vmin.bf16 v28, v27  }
0xef: {  	v22 =	vld [tilespmem:s0+$0x70];
	v11 =	vadd.f32 v18, v11;
	v18 =	vmul.bf16 v0, v24;
	(erf) = vpow2.bf16 v16  }
0xf0: {  	vm7 =	vne.s32 v26, $0x1;
	v10 =	vsel vm9, v19, v10;
	v14 =	vadd.bf16 v21, v14;
	v16 =	vld [tilespmem:s0+$0x60]  }
0xf1: {  	v15 =	vadd.bf16 v21, v20;
	v19 =	vld [tilespmem:s0+$0x40];
	v21 =	vnsel vm2, $0x0, v13;
	(erf) = vpow2.bf16 v18  }
0xf2: {  	v20 =	vld [tilespmem:s0+$0x8050];
	v32 =	vmax.bf16 v28, v3;
	v10 =	vnsel vm4, $0x0, v10;
	v13 =	vunpack.i.l.bf16.f32 v14  }
0xf3: {  	v27 =	vmax.bf16 v27, v3;
	v10 =	vadd.f32 v11, v10;
	v11 =	vunpack.i.l.bf16.f32 v15  }
0xf4: {  	v15 =	vunpack.i.u.bf16.f32 v15;
	v11 =	vsel vm8, v11, v13;
	v18 =	vunpack.i.u.bf16.f32 v14  }
0xf5: {  	v11 =	vnsel vm5, $0x0, v11;
	v14 =	vld [tilespmem:s0+$0x8070];
	v24 =	vsel vm6, v15, v18;
	v13 =	vpack.i.f32.bf16 v22, v16  }
0xf6: {  	v7 =	vadd.f32 v11, v7;
	v18 =	vld [tilespmem:s0+$0x8030];
	v11 =	vnsel vm0, $0x0, v24;
	v15 =	vsub.bf16 v3, v13  }
0xf7: {  	vm0 =	vne.s32 v20, $0x1;
	v22 =	vpack.i.f32.bf16 v23, v19;
	v19 =	vld [tilespmem:s0+$0x8040];
	v23 =	vadd.f32 v17, v21  }
0xf8: {  	v7 =	vadd.f32 v7, v11;
	v16 =	vld [tilespmem:s0+$0x8060];
	v21 =	vsub.bf16 v3, v22;
	v11 =	vmin.bf16 v13, v15  }
0xf9: {  	v31 =	vmpcnt.ones.xlane vm0;
	vm0 =	vmmov vm0;
	v11 =	vmul.bf16 v0, v11;
	v58 =	vpop (erf)  }
0xfa: {  	v17 =	vld [tilespmem:s0+$0x8020];
	vm2 =	vne.s32 v14, $0x1;
	v24 =	vmin.bf16 v22, v21;
	v59 =	vmul.bf16 v1, v58  }
0xfb: {  	vm4 =	vne.s32 v18, $0x1;
	(erf) = vpow2.bf16 v11;
	v11 =	vmpcnt.ones.xlane vm7;
	v60 =	vpop (erf)  }
0xfc: {  	v61 =	vmpcnt.ones.xlane vm2;
	v33 =	vadd.bf16 v2, v59;
	v35 =	vmul.bf16 v1, v60  }
0xfd: {  	vm10 =	vne.s32 v19, $0x1;
	vm3 =	vne.s32 v16, $0x1;
	v25 =	vadd.s32 v25, v11  }
0xfe: {  	v11 =	vmpcnt.ones.xlane vm10;
	v33 =	vmul.bf16 v33, v58;
	v35 =	vadd.bf16 v2, v35  }
0xff: {  	v24 =	vmul.bf16 v0, v24;
	vm1 =	vne.s32 v17, $0x1;
	v37 =	vmpcnt.ones.xlane vm3  }
0x100: {  	v11 =	vadd.s32 v12, v11;
	v33 =	vadd.bf16 v4, v33;
	v12 =	vmul.bf16 v35, v60  }
0x101: {  	vm2 =	vmmov vm2;
	v62 =	vmpcnt.ones.xlane vm4;
	v36 =	vmpcnt.ones.xlane vm1  }
0x102: {  	v6 =	vadd.s32 v6, v37;
	v33 =	vmul.bf16 v33, v58;
	v12 =	vadd.bf16 v4, v12  }
0x103: {  	vm4 =	vmmov vm4;
	v9 =	vadd.s32 v9, v36;
	v6 =	vadd.s32 v61, v6  }
0x104: {  	v9 =	vadd.s32 v62, v9;
	v28 =	vadd.bf16 v5, v33;
	v63 =	vmul.bf16 v12, v60  }
0x105: {  	v11 =	vadd.s32 v31, v11;
	v12 =	vmax.bf16 v29, v3;
	v29 =	vmax.bf16 v30, v3;
	v31 =	vpop (erf);
	v30 =	vld [tilespmem:s0+$0x8010]  }
0x106: {  	s29 =	simm.s32 $0x1;
	v33 =	vmul.bf16 v1, v31;
	v12 =	vadd.bf16 v28, v12;
	v34 =	vadd.bf16 v5, v63  }
.LBB2_6:
0x107: {  	s4 =	sshll.u32 s29, $0x7  }
0x108: {  	s1 =	sadd.s32 $0x400, s1;
	vm5 =	vmmov vm10;
	s5 =	smov.u32 s29;
	s0 =	sadd.s32 $0x1, s29  }
0x109: {  	vm6 =	vgt.s32 v20, $0x0;
	s6 =	sand.u32 $0xC00, s1;
	s4 =	sand.u32 $0x3000, s4;
	s5 =	sshll.u32 s5, $0x5;
	v32 =	vadd.bf16 v34, v32;
	v27 =	vadd.bf16 v34, v27  }
0x10a: {  	p0 =	sne.s32 s29, $0x7F;
	vm8 =	vgt.s32 v26, $0x0;
	v20 =	vadd.bf16 v2, v33;
	s4 =	sor.u32 s6, s4;
	s5 =	sand.u32 $0x380, s5;
	vm9 =	vgt.s32 v30, $0x0  }
0x10b: {  	s29 =	sor.u32 s5, s4;
	v26 =	vunpack.i.u.bf16.f32 v32;
	v32 =	vunpack.i.l.bf16.f32 v32;
	v33 =	vunpack.i.l.bf16.f32 v27  }
0x10c: {  	v27 =	vunpack.i.u.bf16.f32 v27;
	v34 =	vld [tilespmem:s29+$0x8070];
	v32 =	vsel vm8, v33, v32;
	v33 =	vmul.bf16 v20, v31  }
0x10d: {  	vm12 =	vgt.s32 v14, $0x0;
	v26 =	vsel vm9, v27, v26;
	v20 =	vld [tilespmem:s29+$0x8050];
	v32 =	vnsel vm7, $0x0, v32  }
0x10e: {  	vm7 =	vne.s32 v30, $0x1;
	v27 =	vld [tilespmem:s29+$0x70];
	v8 =	vadd.f32 v32, v8;
	v35 =	vadd.bf16 v4, v33  }
0x10f: {  	v30 =	vmax.bf16 v22, v3;
	v26 =	vnsel vm7, $0x0, v26;
	v33 =	vmpcnt.ones.xlane vm7;
	v32 =	vld [tilespmem:s29+$0x30]  }
0x110: {  	v22 =	vld [tilespmem:s29+$0x50];
	v8 =	vadd.f32 v8, v26;
	v26 =	vmul.bf16 v35, v31;
	(erf) = vpow2.bf16 v24  }
0x111: {  	v25 =	vadd.s32 v33, v25;
	v31 =	vmax.bf16 v21, v3;
	v24 =	vld [tilespmem:s29+$0x10];
	vm8 =	vne.s32 v34, $0x1;
	v14 =	vmovc v34  }
0x112: {  	vm14 =	vgt.s32 v18, $0x0;
	vm11 =	vgt.s32 v19, $0x0;
	v21 =	vld [tilespmem:s29+$0x20];
	v18 =	vadd.bf16 v5, v26  }
0x113: {  	v28 =	vadd.bf16 v28, v29;
	v13 =	vmax.bf16 v13, v3;
	v15 =	vmax.bf16 v15, v3;
	v19 =	vld [tilespmem:s29+$0x60]  }
0x114: {  	vm9 =	vne.s32 v20, $0x1;
	v26 =	vld [tilespmem:s29+$0x40];
	v13 =	vadd.bf16 v18, v13;
	v15 =	vadd.bf16 v18, v15  }
0x115: {  	vm10 =	vgt.s32 v16, $0x0;
	vm7 =	vgt.s32 v17, $0x0;
	v29 =	vmpcnt.ones.xlane vm9;
	v18 =	vld [tilespmem:s29+$0x0]  }
0x116: {  	v33 =	vunpack.i.u.bf16.f32 v13;
	v13 =	vunpack.i.l.bf16.f32 v13;
	v16 =	vunpack.i.l.bf16.f32 v15  }
0x117: {  	v34 =	vpack.i.f32.bf16 v32, v21;
	v32 =	vunpack.i.u.bf16.f32 v15;
	v15 =	vsel vm10, v16, v13  }
0x118: {  	v35 =	vsub.bf16 v3, v34;
	v13 =	vpack.i.f32.bf16 v27, v19;
	v16 =	vnsel vm3, $0x0, v15  }
0x119: {  	v22 =	vpack.i.f32.bf16 v22, v26;
	v15 =	vsub.bf16 v3, v13;
	v23 =	vadd.f32 v16, v23  }
0x11a: {  	v36 =	vpack.i.f32.bf16 v24, v18;
	v16 =	vmin.bf16 v34, v35;
	v21 =	vsub.bf16 v3, v22;
	v37 =	vpop (erf)  }
0x11b: {  	v17 =	vsub.bf16 v3, v36;
	v26 =	vmul.bf16 v0, v16;
	v16 =	vld [tilespmem:s29+$0x8060];
	v19 =	vmin.bf16 v13, v15  }
0x11c: {  	v39 =	vmul.bf16 v1, v37;
	v18 =	vld [tilespmem:s29+$0x8030];
	v24 =	vmin.bf16 v22, v21;
	v38 =	vmul.bf16 v0, v19  }
0x11d: {  	v27 =	vmin.bf16 v36, v17;
	v19 =	vld [tilespmem:s29+$0x8040];
	v24 =	vmul.bf16 v0, v24;
	(erf) = vpow2.bf16 v26  }
0x11e: {  	v41 =	vunpack.i.u.bf16.f32 v12;
	v26 =	vld [tilespmem:s29+$0x8000];
	v40 =	vmul.bf16 v0, v27;
	v27 =	vmax.bf16 v17, v3  }
0x11f: {  	v12 =	vunpack.i.l.bf16.f32 v12;
	v42 =	vunpack.i.l.bf16.f32 v28;
	v39 =	vadd.bf16 v2, v39;
	v17 =	vld [tilespmem:s29+$0x8020]  }
0x120: {  	v28 =	vunpack.i.u.bf16.f32 v28;
	v12 =	vsel vm7, v42, v12;
	(erf) = vpow2.bf16 v40  }
0x121: {  	v12 =	vnsel vm1, $0x0, v12;
	v39 =	vmul.bf16 v39, v37;
	vm13 =	vne.s32 v18, $0x1  }
0x122: {  	v10 =	vadd.f32 v12, v10;
	v40 =	vmpcnt.ones.xlane vm8;
	vm10 =	vne.s32 v19, $0x1  }
0x123: {  	vm3 =	vne.s32 v16, $0x1;
	v12 =	vadd.bf16 v4, v39;
	vm7 =	vne.s32 v26, $0x1  }
0x124: {  	v28 =	vsel vm14, v28, v41;
	v39 =	vmpcnt.ones.xlane vm7;
	vm1 =	vne.s32 v17, $0x1  }
0x125: {  	v28 =	vnsel vm4, $0x0, v28;
	v12 =	vmul.bf16 v12, v37;
	v41 =	vmpcnt.ones.xlane vm1  }
0x126: {  	v37 =	vmpcnt.ones.xlane vm10;
	v25 =	vadd.s32 v25, v39;
	v39 =	vmpcnt.ones.xlane vm3  }
0x127: {  	v32 =	vsel vm12, v32, v33;
	v9 =	vadd.s32 v9, v41;
	v41 =	vmpcnt.ones.xlane vm13;
	v42 =	vpop (erf)  }
0x128: {  	v11 =	vadd.s32 v11, v37;
	v33 =	vmul.bf16 v1, v42;
	v6 =	vadd.s32 v6, v39  }
0x129: {  	v12 =	vadd.bf16 v5, v12;
	v37 =	vnsel vm2, $0x0, v32;
	v6 =	vadd.s32 v40, v6  }
0x12a: {  	v10 =	vadd.f32 v10, v28;
	v33 =	vadd.bf16 v2, v33;
	v39 =	vpop (erf);
	(erf) = vpow2.bf16 v38  }
0x12b: {  	v32 =	vmax.bf16 v36, v3;
	v31 =	vadd.bf16 v12, v31;
	v28 =	vmul.bf16 v1, v39  }
0x12c: {  	v12 =	vadd.bf16 v12, v30;
	v9 =	vadd.s32 v41, v9;
	v33 =	vmul.bf16 v33, v42  }
0x12d: {  	v30 =	vunpack.i.u.bf16.f32 v31;
	v31 =	vunpack.i.l.bf16.f32 v31;
	v28 =	vadd.bf16 v2, v28  }
0x12e: {  	v36 =	vunpack.i.u.bf16.f32 v12;
	v12 =	vunpack.i.l.bf16.f32 v12;
	v33 =	vadd.bf16 v4, v33  }
0x12f: {  	v23 =	vadd.f32 v23, v37;
	v12 =	vsel vm11, v31, v12;
	v28 =	vmul.bf16 v28, v39  }
0x130: {  	v30 =	vsel vm6, v30, v36;
	v12 =	vnsel vm5, $0x0, v12;
	v31 =	vmul.bf16 v33, v42  }
.Ltmp2:
0x131: {  	v11 =	vadd.s32 v29, v11;
	v36 =	vnsel vm0, $0x0, v30;
	v33 =	vadd.bf16 v4, v28;
	(pc) =	sbr.rel @p0 .LBB2_6-.Ltmp2, $4  }
0x132: {  	vm2 =	vmmov vm8;
	v7 =	vadd.f32 v12, v7;
	v28 =	vadd.bf16 v5, v31  }
0x133: {  	v29 =	vmax.bf16 v35, v3;
	v12 =	vmax.bf16 v34, v3;
	v30 =	vld [tilespmem:s29+$0x8010];
	v33 =	vmul.bf16 v33, v39  }
0x134: {  	vm0 =	vmmov vm9;
	v7 =	vadd.f32 v7, v36;
	v12 =	vadd.bf16 v28, v12;
	v31 =	vpop (erf)  }
0x135: {  	vm4 =	vmmov vm13;
	s29 =	smov.u32 s0;
	v34 =	vadd.bf16 v5, v33;
	v33 =	vmul.bf16 v1, v31  }
0x136: {  	(erf) = vpow2.bf16 v24;
	_ =	sdelay $0x6  }
0x137: {  	s1 =	simm.s32 $0x0  }
0x138: {  	[tilespmem:s1], [sflag:$0x1] =	stream.linear.gather [hbm4b:s12+s1], $0x4000, $0x38;
	[tilespmem:$0x10080] =	vst v63  }
0x139: {  	vm5 =	vmmov vm10;
	vm6 =	vgt.s32 v20, $0x0;
	v55 =	vadd.bf16 v2, v33  }
0x13a: {  	vm8 =	vgt.s32 v26, $0x0;
	v24 =	vadd.bf16 v34, v32;
	v27 =	vadd.bf16 v34, v27;
	[tilespmem:s22], [sflag:$0x3] =	stream.linear.gather [hbm4b:s13+s1], $0x4000, $0x38;
	v56 =	vpop (erf);
	[tilespmem:$0x10080] =	vst v63  }
0x13b: {  	v13 =	vmax.bf16 v13, v3;
	vm9 =	vgt.s32 v30, $0x0;
	v32 =	vmul.bf16 v55, v31;
	_ =	swait.ge [sflag:s26], $0x4000  }
0x13c: {  	v20 =	vunpack.i.l.bf16.f32 v24;
	v26 =	vunpack.i.l.bf16.f32 v27;
	v24 =	vunpack.i.u.bf16.f32 v24;
	[sflag:s26] =	ssyncset.done $0x0  }
0x13d: {  	s0 =	simm.s32 $0x0;
	s5 =	simm.s32 $0x0;
	v20 =	vsel vm8, v26, v20;
	v26 =	vunpack.i.u.bf16.f32 v27;
	v27 =	vadd.bf16 v4, v32;
	[sflag:s26] =	ssyncadd.s32 $0xFFFFC000  }
0x13e: {  	s4 =	sand.u32 $0xC00, s1;
	s0 =	sand.u32 $0x3000, s0;
	v20 =	vnsel vm7, $0x0, v20;
	v24 =	vsel vm9, v26, v24;
	vm7 =	vne.s32 v30, $0x1;
	_ =	swait.ge [sflag:s28], $0x4000  }
0x13f: {  	s6 =	sand.u32 $0x380, s5;
	s0 =	sor.u32 s4, s0;
	v8 =	vadd.f32 v20, v8;
	v20 =	vnsel vm7, $0x0, v24;
	v26 =	vmul.bf16 v27, v31;
	[sflag:s28] =	ssyncset.done $0x0  }
0x140: {  	s0 =	sor.u32 s6, s0;
	v24 =	vmpcnt.ones.xlane vm7;
	vm7 =	vgt.s32 v14, $0x0;
	v14 =	vmax.bf16 v22, v3;
	[sflag:s28] =	ssyncadd.s32 $0xFFFFC000  }
0x141: {  	v8 =	vadd.f32 v8, v20;
	v20 =	vmax.bf16 v21, v3;
	v21 =	vadd.bf16 v5, v26;
	v22 =	vld [tilespmem:s0+$0x4030]  }
0x142: {  	v15 =	vmax.bf16 v15, v3;
	vm10 =	vgt.s32 v16, $0x0;
	vm9 =	vgt.s32 v18, $0x0;
	v18 =	vld [tilespmem:s0+$0x4020]  }
0x143: {  	v13 =	vadd.bf16 v21, v13;
	v15 =	vadd.bf16 v21, v15;
	v21 =	vmul.bf16 v1, v56  }
0x144: {  	vm11 =	vgt.s32 v17, $0x0;
	vm8 =	vgt.s32 v19, $0x0;
	v25 =	vadd.s32 v24, v25;
	v16 =	vld [tilespmem:s0+$0x4010]  }
0x145: {  	v24 =	vunpack.i.l.bf16.f32 v13;
	v26 =	vunpack.i.l.bf16.f32 v15;
	v21 =	vadd.bf16 v2, v21;
	v27 =	vld [tilespmem:s0+$0x4000]  }
0x146: {  	v19 =	vadd.bf16 v28, v29;
	v13 =	vunpack.i.u.bf16.f32 v13;
	v17 =	vsel vm10, v26, v24  }
0x147: {  	v17 =	vnsel vm3, $0x0, v17;
	v21 =	vmul.bf16 v21, v56;
	v29 =	vpack.i.f32.bf16 v22, v18  }
0x148: {  	v15 =	vunpack.i.u.bf16.f32 v15;
	v22 =	vadd.f32 v17, v23;
	v23 =	vsub.bf16 v3, v29  }
0x149: {  	v21 =	vadd.bf16 v4, v21;
	v17 =	vunpack.i.l.bf16.f32 v12;
	v18 =	vunpack.i.l.bf16.f32 v19  }
0x14a: {  	v28 =	vpack.i.f32.bf16 v16, v27;
	v17 =	vsel vm11, v18, v17;
	v16 =	vmin.bf16 v29, v23  }
0x14b: {  	v18 =	vmul.bf16 v21, v56;
	v27 =	vsub.bf16 v3, v28;
	v16 =	vmul.bf16 v0, v16  }
0x14c: {  	v13 =	vsel vm7, v15, v13;
	v24 =	vld [tilespmem:s0+$0x4050];
	v12 =	vunpack.i.u.bf16.f32 v12;
	v17 =	vnsel vm1, $0x0, v17  }
0x14d: {  	v21 =	vld [tilespmem:s0+$0x4070];
	v18 =	vadd.bf16 v5, v18;
	v26 =	vmin.bf16 v28, v27;
	(erf) = vpow2.bf16 v16  }
0x14e: {  	v19 =	vunpack.i.u.bf16.f32 v19;
	v10 =	vadd.f32 v17, v10;
	v17 =	vmul.bf16 v0, v26;
	v16 =	vld [tilespmem:s0+$0x4060]  }
0x14f: {  	v12 =	vsel vm9, v19, v12;
	v15 =	vadd.bf16 v18, v20;
	v14 =	vadd.bf16 v18, v14;
	v18 =	vld [tilespmem:s0+$0x4040]  }
0x150: {  	v12 =	vnsel vm4, $0x0, v12;
	v20 =	vnsel vm2, $0x0, v13;
	(erf) = vpow2.bf16 v17  }
0x151: {  	v19 =	vld [tilespmem:s0+$0xC050];
	v10 =	vadd.f32 v10, v12;
	v12 =	vunpack.i.l.bf16.f32 v15;
	v13 =	vunpack.i.l.bf16.f32 v14  }
0x152: {  	v32 =	vmax.bf16 v28, v3;
	v15 =	vunpack.i.u.bf16.f32 v15;
	v12 =	vsel vm8, v12, v13  }
0x153: {  	v14 =	vunpack.i.u.bf16.f32 v14;
	v13 =	vld [tilespmem:s0+$0xC070];
	v26 =	vnsel vm5, $0x0, v12;
	v12 =	vpack.i.f32.bf16 v21, v16  }
0x154: {  	v15 =	vsel vm6, v15, v14;
	v17 =	vld [tilespmem:s0+$0xC030];
	v21 =	vpack.i.f32.bf16 v24, v18;
	v14 =	vsub.bf16 v3, v12  }
0x155: {  	v22 =	vadd.f32 v22, v20;
	v15 =	vnsel vm0, $0x0, v15;
	v20 =	vsub.bf16 v3, v21  }
0x156: {  	vm0 =	vne.s32 v19, $0x1;
	v7 =	vadd.f32 v26, v7;
	v26 =	vld [tilespmem:s0+$0xC000];
	v24 =	vmin.bf16 v12, v14  }
0x157: {  	v30 =	vmpcnt.ones.xlane vm0;
	v18 =	vld [tilespmem:s0+$0xC040];
	v31 =	vmin.bf16 v21, v20;
	v57 =	vmul.bf16 v0, v24;
	v58 =	vpop (erf)  }
0x158: {  	v27 =	vmax.bf16 v27, v3;
	v16 =	vld [tilespmem:s0+$0xC020];
	v24 =	vmul.bf16 v0, v31;
	v31 =	vmul.bf16 v1, v58  }
0x159: {  	v7 =	vadd.f32 v7, v15;
	vm2 =	vne.s32 v13, $0x1;
	vm4 =	vne.s32 v17, $0x1  }
0x15a: {  	v15 =	vld [tilespmem:s0+$0xC060];
	v62 =	vmpcnt.ones.xlane vm2;
	(erf) = vpow2.bf16 v57;
	v59 =	vpop (erf);
	v31 =	vadd.bf16 v2, v31  }
0x15b: {  	vm0 =	vmmov vm0;
	v38 =	vmpcnt.ones.xlane vm4;
	v35 =	vmul.bf16 v1, v59  }
0x15c: {  	vm2 =	vmmov vm2;
	vm7 =	vne.s32 v26, $0x1;
	v31 =	vmul.bf16 v31, v58  }
0x15d: {  	vm10 =	vne.s32 v18, $0x1;
	vm1 =	vne.s32 v16, $0x1;
	v35 =	vadd.bf16 v2, v35  }
0x15e: {  	v60 =	vmpcnt.ones.xlane vm7;
	v36 =	vmpcnt.ones.xlane vm1;
	v31 =	vadd.bf16 v4, v31  }
0x15f: {  	vm3 =	vne.s32 v15, $0x1;
	v61 =	vmpcnt.ones.xlane vm10;
	v35 =	vmul.bf16 v35, v59  }
0x160: {  	vm4 =	vmmov vm4;
	v37 =	vmpcnt.ones.xlane vm3;
	v31 =	vmul.bf16 v31, v58  }
0x161: {  	v25 =	vadd.s32 v25, v60;
	v9 =	vadd.s32 v9, v36;
	v63 =	vadd.bf16 v4, v35  }
0x162: {  	v11 =	vadd.s32 v11, v61;
	v6 =	vadd.s32 v6, v37;
	v28 =	vadd.bf16 v5, v31  }
0x163: {  	v11 =	vadd.s32 v30, v11;
	v30 =	vmax.bf16 v29, v3;
	v33 =	vmul.bf16 v63, v59  }
0x164: {  	v9 =	vadd.s32 v38, v9;
	v29 =	vmax.bf16 v23, v3;
	v23 =	vadd.bf16 v28, v30;
	v31 =	vpop (erf);
	v30 =	vld [tilespmem:s0+$0xC010]  }
0x165: {  	s29 =	simm.s32 $0x1;
	v6 =	vadd.s32 v62, v6;
	v34 =	vadd.bf16 v5, v33;
	v33 =	vmul.bf16 v1, v31  }
.LBB2_8:
0x166: {  	s4 =	sshll.u32 s29, $0x7  }
0x167: {  	s1 =	sadd.s32 $0x400, s1;
	vm5 =	vmmov vm10;
	s5 =	smov.u32 s29;
	s0 =	sadd.s32 $0x1, s29  }
0x168: {  	vm6 =	vgt.s32 v19, $0x0;
	s6 =	sand.u32 $0xC00, s1;
	s4 =	sand.u32 $0x3000, s4;
	s5 =	sshll.u32 s5, $0x5;
	v32 =	vadd.bf16 v34, v32;
	v27 =	vadd.bf16 v34, v27  }
0x169: {  	p0 =	sne.s32 s29, $0x7F;
	vm8 =	vgt.s32 v26, $0x0;
	v19 =	vadd.bf16 v2, v33;
	s4 =	sor.u32 s6, s4;
	s5 =	sand.u32 $0x380, s5;
	vm9 =	vgt.s32 v30, $0x0  }
0x16a: {  	s29 =	sor.u32 s5, s4;
	v26 =	vunpack.i.u.bf16.f32 v32;
	v32 =	vunpack.i.l.bf16.f32 v32;
	v33 =	vunpack.i.l.bf16.f32 v27  }
0x16b: {  	v27 =	vunpack.i.u.bf16.f32 v27;
	v34 =	vld [tilespmem:s29+$0xC070];
	v32 =	vsel vm8, v33, v32;
	v33 =	vmul.bf16 v19, v31  }
0x16c: {  	vm12 =	vgt.s32 v13, $0x0;
	v26 =	vsel vm9, v27, v26;
	v19 =	vld [tilespmem:s29+$0xC050];
	v32 =	vnsel vm7, $0x0, v32  }
0x16d: {  	vm7 =	vne.s32 v30, $0x1;
	v27 =	vld [tilespmem:s29+$0x4070];
	v8 =	vadd.f32 v32, v8;
	v35 =	vadd.bf16 v4, v33  }
0x16e: {  	v30 =	vmax.bf16 v21, v3;
	v26 =	vnsel vm7, $0x0, v26;
	v33 =	vmpcnt.ones.xlane vm7;
	v32 =	vld [tilespmem:s29+$0x4030]  }
0x16f: {  	v21 =	vld [tilespmem:s29+$0x4050];
	v8 =	vadd.f32 v8, v26;
	v26 =	vmul.bf16 v35, v31;
	(erf) = vpow2.bf16 v24  }
0x170: {  	v25 =	vadd.s32 v33, v25;
	v31 =	vmax.bf16 v20, v3;
	v24 =	vld [tilespmem:s29+$0x4010];
	vm8 =	vne.s32 v34, $0x1;
	v13 =	vmovc v34  }
0x171: {  	vm14 =	vgt.s32 v17, $0x0;
	vm11 =	vgt.s32 v18, $0x0;
	v20 =	vld [tilespmem:s29+$0x4020];
	v17 =	vadd.bf16 v5, v26  }
0x172: {  	v28 =	vadd.bf16 v28, v29;
	v12 =	vmax.bf16 v12, v3;
	v14 =	vmax.bf16 v14, v3;
	v18 =	vld [tilespmem:s29+$0x4060]  }
0x173: {  	vm9 =	vne.s32 v19, $0x1;
	v26 =	vld [tilespmem:s29+$0x4040];
	v12 =	vadd.bf16 v17, v12;
	v14 =	vadd.bf16 v17, v14  }
0x174: {  	vm10 =	vgt.s32 v15, $0x0;
	vm7 =	vgt.s32 v16, $0x0;
	v29 =	vmpcnt.ones.xlane vm9;
	v17 =	vld [tilespmem:s29+$0x4000]  }
0x175: {  	v33 =	vunpack.i.u.bf16.f32 v12;
	v12 =	vunpack.i.l.bf16.f32 v12;
	v15 =	vunpack.i.l.bf16.f32 v14  }
0x176: {  	v34 =	vpack.i.f32.bf16 v32, v20;
	v32 =	vunpack.i.u.bf16.f32 v14;
	v14 =	vsel vm10, v15, v12  }
0x177: {  	v35 =	vsub.bf16 v3, v34;
	v12 =	vpack.i.f32.bf16 v27, v18;
	v15 =	vnsel vm3, $0x0, v14  }
0x178: {  	v21 =	vpack.i.f32.bf16 v21, v26;
	v14 =	vsub.bf16 v3, v12;
	v22 =	vadd.f32 v15, v22  }
0x179: {  	v36 =	vpack.i.f32.bf16 v24, v17;
	v15 =	vmin.bf16 v34, v35;
	v20 =	vsub.bf16 v3, v21;
	v37 =	vpop (erf)  }
0x17a: {  	v16 =	vsub.bf16 v3, v36;
	v26 =	vmul.bf16 v0, v15;
	v15 =	vld [tilespmem:s29+$0xC060];
	v18 =	vmin.bf16 v12, v14  }
0x17b: {  	v39 =	vmul.bf16 v1, v37;
	v17 =	vld [tilespmem:s29+$0xC030];
	v24 =	vmin.bf16 v21, v20;
	v38 =	vmul.bf16 v0, v18  }
0x17c: {  	v27 =	vmin.bf16 v36, v16;
	v18 =	vld [tilespmem:s29+$0xC040];
	v24 =	vmul.bf16 v0, v24;
	(erf) = vpow2.bf16 v26  }
0x17d: {  	v41 =	vunpack.i.u.bf16.f32 v23;
	v26 =	vld [tilespmem:s29+$0xC000];
	v40 =	vmul.bf16 v0, v27;
	v27 =	vmax.bf16 v16, v3  }
0x17e: {  	v23 =	vunpack.i.l.bf16.f32 v23;
	v42 =	vunpack.i.l.bf16.f32 v28;
	v39 =	vadd.bf16 v2, v39;
	v16 =	vld [tilespmem:s29+$0xC020]  }
0x17f: {  	v28 =	vunpack.i.u.bf16.f32 v28;
	v23 =	vsel vm7, v42, v23;
	(erf) = vpow2.bf16 v40  }
0x180: {  	v23 =	vnsel vm1, $0x0, v23;
	v39 =	vmul.bf16 v39, v37;
	vm13 =	vne.s32 v17, $0x1  }
0x181: {  	v10 =	vadd.f32 v23, v10;
	v40 =	vmpcnt.ones.xlane vm8;
	vm10 =	vne.s32 v18, $0x1  }
0x182: {  	vm3 =	vne.s32 v15, $0x1;
	v23 =	vadd.bf16 v4, v39;
	vm7 =	vne.s32 v26, $0x1  }
0x183: {  	v28 =	vsel vm14, v28, v41;
	v39 =	vmpcnt.ones.xlane vm7;
	vm1 =	vne.s32 v16, $0x1  }
0x184: {  	v28 =	vnsel vm4, $0x0, v28;
	v23 =	vmul.bf16 v23, v37;
	v41 =	vmpcnt.ones.xlane vm1  }
0x185: {  	v37 =	vmpcnt.ones.xlane vm10;
	v25 =	vadd.s32 v25, v39;
	v39 =	vmpcnt.ones.xlane vm3  }
0x186: {  	v32 =	vsel vm12, v32, v33;
	v9 =	vadd.s32 v9, v41;
	v41 =	vmpcnt.ones.xlane vm13;
	v42 =	vpop (erf)  }
0x187: {  	v11 =	vadd.s32 v11, v37;
	v33 =	vmul.bf16 v1, v42;
	v6 =	vadd.s32 v6, v39  }
0x188: {  	v23 =	vadd.bf16 v5, v23;
	v37 =	vnsel vm2, $0x0, v32;
	v6 =	vadd.s32 v40, v6  }
0x189: {  	v10 =	vadd.f32 v10, v28;
	v33 =	vadd.bf16 v2, v33;
	v39 =	vpop (erf);
	(erf) = vpow2.bf16 v38  }
0x18a: {  	v32 =	vmax.bf16 v36, v3;
	v31 =	vadd.bf16 v23, v31;
	v28 =	vmul.bf16 v1, v39  }
0x18b: {  	v23 =	vadd.bf16 v23, v30;
	v9 =	vadd.s32 v41, v9;
	v33 =	vmul.bf16 v33, v42  }
0x18c: {  	v30 =	vunpack.i.u.bf16.f32 v31;
	v31 =	vunpack.i.l.bf16.f32 v31;
	v28 =	vadd.bf16 v2, v28  }
0x18d: {  	v36 =	vunpack.i.u.bf16.f32 v23;
	v23 =	vunpack.i.l.bf16.f32 v23;
	v33 =	vadd.bf16 v4, v33  }
0x18e: {  	v22 =	vadd.f32 v22, v37;
	v23 =	vsel vm11, v31, v23;
	v28 =	vmul.bf16 v28, v39  }
0x18f: {  	v30 =	vsel vm6, v30, v36;
	v23 =	vnsel vm5, $0x0, v23;
	v31 =	vmul.bf16 v33, v42  }
.Ltmp3:
0x190: {  	v11 =	vadd.s32 v29, v11;
	v36 =	vnsel vm0, $0x0, v30;
	v33 =	vadd.bf16 v4, v28;
	(pc) =	sbr.rel @p0 .LBB2_8-.Ltmp3, $4  }
0x191: {  	vm2 =	vmmov vm8;
	v7 =	vadd.f32 v23, v7;
	v28 =	vadd.bf16 v5, v31  }
0x192: {  	v29 =	vmax.bf16 v35, v3;
	v23 =	vmax.bf16 v34, v3;
	v30 =	vld [tilespmem:s29+$0xC010];
	v33 =	vmul.bf16 v33, v39  }
0x193: {  	vm0 =	vmmov vm9;
	v7 =	vadd.f32 v7, v36;
	v23 =	vadd.bf16 v28, v23;
	v31 =	vpop (erf)  }
0x194: {  	vm4 =	vmmov vm13;
	s29 =	smov.u32 s0;
	v34 =	vadd.bf16 v5, v33;
	v33 =	vmul.bf16 v1, v31  }
0x195: {  	(erf) = vpow2.bf16 v24;
	_ =	sdelay $0x3  }
0x196: {  	v56 =	vadd.bf16 v2, v33  }
0x197: {  	vm6 =	vgt.s32 v19, $0x0;
	v24 =	vadd.bf16 v34, v32;
	v27 =	vadd.bf16 v34, v27  }
0x198: {  	vm8 =	vgt.s32 v26, $0x0;
	vm9 =	vgt.s32 v30, $0x0;
	v32 =	vmul.bf16 v56, v31  }
0x199: {  	s1 =	simm.s32 $0x0;
	v19 =	vunpack.i.l.bf16.f32 v24;
	v26 =	vunpack.i.l.bf16.f32 v27;
	v24 =	vunpack.i.u.bf16.f32 v24  }
0x19a: {  	[tilespmem:s23], [sflag:$0x2] =	stream.linear.gather [hbm4b:s14+s1], $0x4000, $0x38;
	v19 =	vsel vm8, v26, v19;
	v26 =	vunpack.i.u.bf16.f32 v27;
	v27 =	vadd.bf16 v4, v32;
	[tilespmem:$0x10080] =	vst v63  }
0x19b: {  	v19 =	vnsel vm7, $0x0, v19;
	v24 =	vsel vm9, v26, v24  }
0x19c: {  	[tilespmem:s24], [sflag:$0x4] =	stream.linear.gather [hbm4b:s15+s1], $0x4000, $0x38;
	vm7 =	vne.s32 v30, $0x1;
	v8 =	vadd.f32 v19, v8;
	v26 =	vmul.bf16 v27, v31;
	v57 =	vpop (erf);
	[tilespmem:$0x10080] =	vst v63  }
0x19d: {  	v19 =	vnsel vm7, $0x0, v24;
	_ =	swait.ge [sflag:s3], $0x4000  }
0x19e: {  	v8 =	vadd.f32 v8, v19;
	v19 =	vmax.bf16 v20, v3;
	v20 =	vadd.bf16 v5, v26;
	[sflag:s3] =	ssyncset.done $0x0  }
0x19f: {  	s0 =	simm.s32 $0x0;
	s5 =	simm.s32 $0x0;
	v12 =	vmax.bf16 v12, v3;
	v14 =	vmax.bf16 v14, v3;
	[sflag:s3] =	ssyncadd.s32 $0xFFFFC000  }
0x1a0: {  	s4 =	sand.u32 $0xC00, s1;
	s0 =	sand.u32 $0x3000, s0;
	v12 =	vadd.bf16 v20, v12;
	v14 =	vadd.bf16 v20, v14;
	v20 =	vmul.bf16 v1, v57;
	_ =	swait.ge [sflag:s25], $0x4000  }
0x1a1: {  	s6 =	sand.u32 $0x380, s5;
	s0 =	sor.u32 s4, s0;
	[sflag:s25] =	ssyncset.done $0x0  }
0x1a2: {  	vm5 =	vmmov vm10;
	s0 =	sor.u32 s6, s0;
	v20 =	vadd.bf16 v2, v20;
	[sflag:s25] =	ssyncadd.s32 $0xFFFFC000  }
0x1a3: {  	v24 =	vmpcnt.ones.xlane vm7;
	vm7 =	vgt.s32 v13, $0x0;
	v13 =	vmax.bf16 v21, v3;
	v21 =	vld [tilespmem:s0+$0x30]  }
0x1a4: {  	vm10 =	vgt.s32 v15, $0x0;
	vm9 =	vgt.s32 v17, $0x0;
	v20 =	vmul.bf16 v20, v57;
	v17 =	vld [tilespmem:s0+$0x20]  }
0x1a5: {  	vm11 =	vgt.s32 v16, $0x0;
	vm8 =	vgt.s32 v18, $0x0;
	v25 =	vadd.s32 v24, v25;
	v15 =	vld [tilespmem:s0+$0x10]  }
0x1a6: {  	v24 =	vunpack.i.l.bf16.f32 v12;
	v26 =	vunpack.i.l.bf16.f32 v14;
	v27 =	vld [tilespmem:s0+$0x0];
	v20 =	vadd.bf16 v4, v20  }
0x1a7: {  	v18 =	vadd.bf16 v28, v29;
	v12 =	vunpack.i.u.bf16.f32 v12;
	v16 =	vsel vm10, v26, v24  }
0x1a8: {  	v14 =	vunpack.i.u.bf16.f32 v14;
	v16 =	vnsel vm3, $0x0, v16;
	v20 =	vmul.bf16 v20, v57  }
0x1a9: {  	v12 =	vsel vm7, v14, v12;
	v16 =	vadd.f32 v16, v22;
	v29 =	vpack.i.f32.bf16 v21, v17  }
0x1aa: {  	v20 =	vadd.bf16 v5, v20;
	v17 =	vunpack.i.l.bf16.f32 v23;
	v30 =	vsub.bf16 v3, v29  }
0x1ab: {  	v21 =	vunpack.i.l.bf16.f32 v18;
	v28 =	vpack.i.f32.bf16 v15, v27;
	v18 =	vunpack.i.u.bf16.f32 v18  }
0x1ac: {  	v17 =	vsel vm11, v21, v17;
	v27 =	vsub.bf16 v3, v28;
	v15 =	vmin.bf16 v29, v30  }
0x1ad: {  	v21 =	vunpack.i.u.bf16.f32 v23;
	v23 =	vld [tilespmem:s0+$0x50];
	v14 =	vadd.bf16 v20, v19;
	v15 =	vmul.bf16 v0, v15  }
0x1ae: {  	v13 =	vadd.bf16 v20, v13;
	v20 =	vld [tilespmem:s0+$0x40];
	v17 =	vnsel vm1, $0x0, v17;
	v24 =	vmin.bf16 v28, v27  }
0x1af: {  	v22 =	vld [tilespmem:s0+$0x70];
	(erf) = vpow2.bf16 v15;
	v15 =	vsel vm9, v18, v21;
	v18 =	vmul.bf16 v0, v24  }
0x1b0: {  	v10 =	vadd.f32 v17, v10;
	v17 =	vld [tilespmem:s0+$0x60];
	v24 =	vnsel vm2, $0x0, v12  }
0x1b1: {  	v12 =	vunpack.i.l.bf16.f32 v14;
	v15 =	vnsel vm4, $0x0, v15;
	(erf) = vpow2.bf16 v18  }
0x1b2: {  	v14 =	vunpack.i.u.bf16.f32 v14;
	v10 =	vadd.f32 v10, v15;
	v15 =	vunpack.i.l.bf16.f32 v13  }
0x1b3: {  	v19 =	vld [tilespmem:s0+$0x8050];
	v21 =	vpack.i.f32.bf16 v23, v20;
	v18 =	vunpack.i.u.bf16.f32 v13;
	v12 =	vsel vm8, v12, v15  }
0x1b4: {  	v20 =	vsub.bf16 v3, v21;
	v26 =	vsel vm6, v14, v18;
	v15 =	vnsel vm5, $0x0, v12  }
0x1b5: {  	v12 =	vpack.i.f32.bf16 v22, v17;
	v7 =	vadd.f32 v15, v7;
	v15 =	vnsel vm0, $0x0, v26;
	v26 =	vld [tilespmem:s0+$0x8000]  }
0x1b6: {  	v32 =	vmax.bf16 v28, v3;
	v13 =	vld [tilespmem:s0+$0x8070];
	v14 =	vsub.bf16 v3, v12  }
0x1b7: {  	v27 =	vmax.bf16 v27, v3;
	v18 =	vld [tilespmem:s0+$0x8040];
	v22 =	vadd.f32 v16, v24;
	v24 =	vmin.bf16 v21, v20  }
0x1b8: {  	v16 =	vld [tilespmem:s0+$0x8020];
	vm0 =	vne.s32 v19, $0x1;
	v24 =	vmul.bf16 v0, v24;
	v23 =	vmin.bf16 v12, v14  }
0x1b9: {  	v17 =	vld [tilespmem:s0+$0x8030];
	v31 =	vmpcnt.ones.xlane vm0;
	vm0 =	vmmov vm0;
	v23 =	vmul.bf16 v0, v23;
	v58 =	vpop (erf)  }
0x1ba: {  	v7 =	vadd.f32 v7, v15;
	v15 =	vld [tilespmem:s0+$0x8060];
	vm7 =	vne.s32 v26, $0x1;
	v59 =	vmul.bf16 v1, v58  }
0x1bb: {  	vm2 =	vne.s32 v13, $0x1;
	(erf) = vpow2.bf16 v23;
	v23 =	vmpcnt.ones.xlane vm7;
	v60 =	vpop (erf)  }
0x1bc: {  	vm10 =	vne.s32 v18, $0x1;
	v33 =	vadd.bf16 v2, v59;
	v35 =	vmul.bf16 v1, v60  }
0x1bd: {  	v61 =	vmpcnt.ones.xlane vm2;
	vm1 =	vne.s32 v16, $0x1;
	v25 =	vadd.s32 v25, v23  }
0x1be: {  	v23 =	vmpcnt.ones.xlane vm10;
	v33 =	vmul.bf16 v33, v58;
	v35 =	vadd.bf16 v2, v35  }
0x1bf: {  	vm4 =	vne.s32 v17, $0x1;
	v36 =	vmpcnt.ones.xlane vm1;
	vm3 =	vne.s32 v15, $0x1  }
0x1c0: {  	v11 =	vadd.s32 v11, v23;
	v33 =	vadd.bf16 v4, v33;
	v23 =	vmul.bf16 v35, v60  }
0x1c1: {  	vm2 =	vmmov vm2;
	v62 =	vmpcnt.ones.xlane vm4;
	v37 =	vmpcnt.ones.xlane vm3  }
0x1c2: {  	v9 =	vadd.s32 v9, v36;
	v33 =	vmul.bf16 v33, v58;
	v23 =	vadd.bf16 v4, v23  }
0x1c3: {  	vm4 =	vmmov vm4;
	v9 =	vadd.s32 v62, v9;
	v6 =	vadd.s32 v6, v37  }
0x1c4: {  	v6 =	vadd.s32 v61, v6;
	v28 =	vadd.bf16 v5, v33;
	v63 =	vmul.bf16 v23, v60  }
0x1c5: {  	v11 =	vadd.s32 v31, v11;
	v31 =	vpop (erf);
	v23 =	vmax.bf16 v29, v3;
	v29 =	vmax.bf16 v30, v3;
	v30 =	vld [tilespmem:s0+$0x8010]  }
0x1c6: {  	s29 =	simm.s32 $0x1;
	v33 =	vmul.bf16 v1, v31;
	v23 =	vadd.bf16 v28, v23;
	v34 =	vadd.bf16 v5, v63  }
.LBB2_10:
0x1c7: {  	s4 =	sshll.u32 s29, $0x7  }
0x1c8: {  	s1 =	sadd.s32 $0x400, s1;
	vm5 =	vmmov vm10;
	s5 =	smov.u32 s29;
	s0 =	sadd.s32 $0x1, s29  }
0x1c9: {  	vm6 =	vgt.s32 v19, $0x0;
	s6 =	sand.u32 $0xC00, s1;
	s4 =	sand.u32 $0x3000, s4;
	s5 =	sshll.u32 s5, $0x5;
	v32 =	vadd.bf16 v34, v32;
	v27 =	vadd.bf16 v34, v27  }
0x1ca: {  	p0 =	sne.s32 s29, $0x7F;
	vm8 =	vgt.s32 v26, $0x0;
	v19 =	vadd.bf16 v2, v33;
	s4 =	sor.u32 s6, s4;
	s5 =	sand.u32 $0x380, s5;
	vm9 =	vgt.s32 v30, $0x0  }
0x1cb: {  	s29 =	sor.u32 s5, s4;
	v26 =	vunpack.i.u.bf16.f32 v32;
	v32 =	vunpack.i.l.bf16.f32 v32;
	v33 =	vunpack.i.l.bf16.f32 v27  }
0x1cc: {  	v27 =	vunpack.i.u.bf16.f32 v27;
	v34 =	vld [tilespmem:s29+$0x8070];
	v32 =	vsel vm8, v33, v32;
	v33 =	vmul.bf16 v19, v31  }
0x1cd: {  	vm12 =	vgt.s32 v13, $0x0;
	v26 =	vsel vm9, v27, v26;
	v19 =	vld [tilespmem:s29+$0x8050];
	v32 =	vnsel vm7, $0x0, v32  }
0x1ce: {  	vm7 =	vne.s32 v30, $0x1;
	v27 =	vld [tilespmem:s29+$0x70];
	v8 =	vadd.f32 v32, v8;
	v35 =	vadd.bf16 v4, v33  }
0x1cf: {  	v30 =	vmax.bf16 v21, v3;
	v26 =	vnsel vm7, $0x0, v26;
	v33 =	vmpcnt.ones.xlane vm7;
	v32 =	vld [tilespmem:s29+$0x30]  }
0x1d0: {  	v21 =	vld [tilespmem:s29+$0x50];
	v8 =	vadd.f32 v8, v26;
	v26 =	vmul.bf16 v35, v31;
	(erf) = vpow2.bf16 v24  }
0x1d1: {  	v25 =	vadd.s32 v33, v25;
	v31 =	vmax.bf16 v20, v3;
	v24 =	vld [tilespmem:s29+$0x10];
	vm8 =	vne.s32 v34, $0x1;
	v13 =	vmovc v34  }
0x1d2: {  	vm14 =	vgt.s32 v17, $0x0;
	vm11 =	vgt.s32 v18, $0x0;
	v20 =	vld [tilespmem:s29+$0x20];
	v17 =	vadd.bf16 v5, v26  }
0x1d3: {  	v28 =	vadd.bf16 v28, v29;
	v12 =	vmax.bf16 v12, v3;
	v14 =	vmax.bf16 v14, v3;
	v18 =	vld [tilespmem:s29+$0x60]  }
0x1d4: {  	vm9 =	vne.s32 v19, $0x1;
	v26 =	vld [tilespmem:s29+$0x40];
	v12 =	vadd.bf16 v17, v12;
	v14 =	vadd.bf16 v17, v14  }
0x1d5: {  	vm10 =	vgt.s32 v15, $0x0;
	vm7 =	vgt.s32 v16, $0x0;
	v29 =	vmpcnt.ones.xlane vm9;
	v17 =	vld [tilespmem:s29+$0x0]  }
0x1d6: {  	v33 =	vunpack.i.u.bf16.f32 v12;
	v12 =	vunpack.i.l.bf16.f32 v12;
	v15 =	vunpack.i.l.bf16.f32 v14  }
0x1d7: {  	v34 =	vpack.i.f32.bf16 v32, v20;
	v32 =	vunpack.i.u.bf16.f32 v14;
	v14 =	vsel vm10, v15, v12  }
0x1d8: {  	v35 =	vsub.bf16 v3, v34;
	v12 =	vpack.i.f32.bf16 v27, v18;
	v15 =	vnsel vm3, $0x0, v14  }
0x1d9: {  	v21 =	vpack.i.f32.bf16 v21, v26;
	v14 =	vsub.bf16 v3, v12;
	v22 =	vadd.f32 v15, v22  }
0x1da: {  	v36 =	vpack.i.f32.bf16 v24, v17;
	v15 =	vmin.bf16 v34, v35;
	v20 =	vsub.bf16 v3, v21;
	v37 =	vpop (erf)  }
0x1db: {  	v16 =	vsub.bf16 v3, v36;
	v26 =	vmul.bf16 v0, v15;
	v15 =	vld [tilespmem:s29+$0x8060];
	v18 =	vmin.bf16 v12, v14  }
0x1dc: {  	v39 =	vmul.bf16 v1, v37;
	v17 =	vld [tilespmem:s29+$0x8030];
	v24 =	vmin.bf16 v21, v20;
	v38 =	vmul.bf16 v0, v18  }
0x1dd: {  	v27 =	vmin.bf16 v36, v16;
	v18 =	vld [tilespmem:s29+$0x8040];
	v24 =	vmul.bf16 v0, v24;
	(erf) = vpow2.bf16 v26  }
0x1de: {  	v41 =	vunpack.i.u.bf16.f32 v23;
	v26 =	vld [tilespmem:s29+$0x8000];
	v40 =	vmul.bf16 v0, v27;
	v27 =	vmax.bf16 v16, v3  }
0x1df: {  	v23 =	vunpack.i.l.bf16.f32 v23;
	v42 =	vunpack.i.l.bf16.f32 v28;
	v39 =	vadd.bf16 v2, v39;
	v16 =	vld [tilespmem:s29+$0x8020]  }
0x1e0: {  	v28 =	vunpack.i.u.bf16.f32 v28;
	v23 =	vsel vm7, v42, v23;
	(erf) = vpow2.bf16 v40  }
0x1e1: {  	v23 =	vnsel vm1, $0x0, v23;
	v39 =	vmul.bf16 v39, v37;
	vm13 =	vne.s32 v17, $0x1  }
0x1e2: {  	v10 =	vadd.f32 v23, v10;
	v40 =	vmpcnt.ones.xlane vm8;
	vm10 =	vne.s32 v18, $0x1  }
0x1e3: {  	vm3 =	vne.s32 v15, $0x1;
	v23 =	vadd.bf16 v4, v39;
	vm7 =	vne.s32 v26, $0x1  }
0x1e4: {  	v28 =	vsel vm14, v28, v41;
	v39 =	vmpcnt.ones.xlane vm7;
	vm1 =	vne.s32 v16, $0x1  }
0x1e5: {  	v28 =	vnsel vm4, $0x0, v28;
	v23 =	vmul.bf16 v23, v37;
	v41 =	vmpcnt.ones.xlane vm1  }
0x1e6: {  	v37 =	vmpcnt.ones.xlane vm10;
	v25 =	vadd.s32 v25, v39;
	v39 =	vmpcnt.ones.xlane vm3  }
0x1e7: {  	v32 =	vsel vm12, v32, v33;
	v9 =	vadd.s32 v9, v41;
	v41 =	vmpcnt.ones.xlane vm13;
	v42 =	vpop (erf)  }
0x1e8: {  	v11 =	vadd.s32 v11, v37;
	v33 =	vmul.bf16 v1, v42;
	v6 =	vadd.s32 v6, v39  }
0x1e9: {  	v23 =	vadd.bf16 v5, v23;
	v37 =	vnsel vm2, $0x0, v32;
	v6 =	vadd.s32 v40, v6  }
0x1ea: {  	v10 =	vadd.f32 v10, v28;
	v33 =	vadd.bf16 v2, v33;
	v39 =	vpop (erf);
	(erf) = vpow2.bf16 v38  }
0x1eb: {  	v32 =	vmax.bf16 v36, v3;
	v31 =	vadd.bf16 v23, v31;
	v28 =	vmul.bf16 v1, v39  }
0x1ec: {  	v23 =	vadd.bf16 v23, v30;
	v9 =	vadd.s32 v41, v9;
	v33 =	vmul.bf16 v33, v42  }
0x1ed: {  	v30 =	vunpack.i.u.bf16.f32 v31;
	v31 =	vunpack.i.l.bf16.f32 v31;
	v28 =	vadd.bf16 v2, v28  }
0x1ee: {  	v36 =	vunpack.i.u.bf16.f32 v23;
	v23 =	vunpack.i.l.bf16.f32 v23;
	v33 =	vadd.bf16 v4, v33  }
0x1ef: {  	v22 =	vadd.f32 v22, v37;
	v23 =	vsel vm11, v31, v23;
	v28 =	vmul.bf16 v28, v39  }
0x1f0: {  	v30 =	vsel vm6, v30, v36;
	v23 =	vnsel vm5, $0x0, v23;
	v31 =	vmul.bf16 v33, v42  }
.Ltmp4:
0x1f1: {  	v11 =	vadd.s32 v29, v11;
	v36 =	vnsel vm0, $0x0, v30;
	v33 =	vadd.bf16 v4, v28;
	(pc) =	sbr.rel @p0 .LBB2_10-.Ltmp4, $4  }
0x1f2: {  	vm2 =	vmmov vm8;
	v7 =	vadd.f32 v23, v7;
	v28 =	vadd.bf16 v5, v31  }
0x1f3: {  	v29 =	vmax.bf16 v35, v3;
	v23 =	vmax.bf16 v34, v3;
	v30 =	vld [tilespmem:s29+$0x8010];
	v33 =	vmul.bf16 v33, v39  }
0x1f4: {  	vm0 =	vmmov vm9;
	v7 =	vadd.f32 v7, v36;
	v23 =	vadd.bf16 v28, v23;
	v31 =	vpop (erf)  }
0x1f5: {  	vm4 =	vmmov vm13;
	s29 =	smov.u32 s0;
	v34 =	vadd.bf16 v5, v33;
	v33 =	vmul.bf16 v1, v31  }
0x1f6: {  	(erf) = vpow2.bf16 v24;
	_ =	sdelay $0x3  }
0x1f7: {  	v56 =	vadd.bf16 v2, v33  }
0x1f8: {  	vm6 =	vgt.s32 v19, $0x0;
	v24 =	vadd.bf16 v34, v32;
	v27 =	vadd.bf16 v34, v27  }
0x1f9: {  	vm8 =	vgt.s32 v26, $0x0;
	vm9 =	vgt.s32 v30, $0x0;
	v32 =	vmul.bf16 v56, v31  }
0x1fa: {  	s1 =	simm.s32 $0x0;
	v19 =	vunpack.i.l.bf16.f32 v24;
	v26 =	vunpack.i.l.bf16.f32 v27;
	v24 =	vunpack.i.u.bf16.f32 v24  }
0x1fb: {  	[tilespmem:s1], [sflag:$0x1] =	stream.linear.gather [hbm4b:s16+s1], $0x4000, $0x38;
	v19 =	vsel vm8, v26, v19;
	v26 =	vunpack.i.u.bf16.f32 v27;
	v27 =	vadd.bf16 v4, v32;
	[tilespmem:$0x10080] =	vst v63  }
0x1fc: {  	v19 =	vnsel vm7, $0x0, v19;
	v24 =	vsel vm9, v26, v24  }
0x1fd: {  	[tilespmem:s22], [sflag:$0x3] =	stream.linear.gather [hbm4b:s17+s1], $0x4000, $0x38;
	vm7 =	vne.s32 v30, $0x1;
	v8 =	vadd.f32 v19, v8;
	v26 =	vmul.bf16 v27, v31;
	v57 =	vpop (erf);
	[tilespmem:$0x10080] =	vst v63  }
0x1fe: {  	v19 =	vnsel vm7, $0x0, v24;
	_ =	swait.ge [sflag:s26], $0x4000  }
0x1ff: {  	v8 =	vadd.f32 v8, v19;
	v19 =	vmax.bf16 v20, v3;
	v20 =	vadd.bf16 v5, v26;
	[sflag:s26] =	ssyncset.done $0x0  }
0x200: {  	s0 =	simm.s32 $0x0;
	s5 =	simm.s32 $0x0;
	v12 =	vmax.bf16 v12, v3;
	v14 =	vmax.bf16 v14, v3;
	[sflag:s26] =	ssyncadd.s32 $0xFFFFC000  }
0x201: {  	s4 =	sand.u32 $0xC00, s1;
	s0 =	sand.u32 $0x3000, s0;
	v12 =	vadd.bf16 v20, v12;
	v14 =	vadd.bf16 v20, v14;
	v20 =	vmul.bf16 v1, v57;
	_ =	swait.ge [sflag:s28], $0x4000  }
0x202: {  	s6 =	sand.u32 $0x380, s5;
	s0 =	sor.u32 s4, s0;
	[sflag:s28] =	ssyncset.done $0x0  }
0x203: {  	vm5 =	vmmov vm10;
	s0 =	sor.u32 s6, s0;
	v20 =	vadd.bf16 v2, v20;
	[sflag:s28] =	ssyncadd.s32 $0xFFFFC000  }
0x204: {  	v24 =	vmpcnt.ones.xlane vm7;
	vm7 =	vgt.s32 v13, $0x0;
	v13 =	vmax.bf16 v21, v3;
	v21 =	vld [tilespmem:s0+$0x4030]  }
0x205: {  	vm10 =	vgt.s32 v15, $0x0;
	vm9 =	vgt.s32 v17, $0x0;
	v20 =	vmul.bf16 v20, v57;
	v17 =	vld [tilespmem:s0+$0x4020]  }
0x206: {  	vm11 =	vgt.s32 v16, $0x0;
	vm8 =	vgt.s32 v18, $0x0;
	v25 =	vadd.s32 v24, v25;
	v15 =	vld [tilespmem:s0+$0x4010]  }
0x207: {  	v24 =	vunpack.i.l.bf16.f32 v12;
	v26 =	vunpack.i.l.bf16.f32 v14;
	v27 =	vld [tilespmem:s0+$0x4000];
	v20 =	vadd.bf16 v4, v20  }
0x208: {  	v18 =	vadd.bf16 v28, v29;
	v12 =	vunpack.i.u.bf16.f32 v12;
	v16 =	vsel vm10, v26, v24  }
0x209: {  	v14 =	vunpack.i.u.bf16.f32 v14;
	v16 =	vnsel vm3, $0x0, v16;
	v20 =	vmul.bf16 v20, v57  }
0x20a: {  	v12 =	vsel vm7, v14, v12;
	v16 =	vadd.f32 v16, v22;
	v29 =	vpack.i.f32.bf16 v21, v17  }
0x20b: {  	v20 =	vadd.bf16 v5, v20;
	v17 =	vunpack.i.l.bf16.f32 v23;
	v30 =	vsub.bf16 v3, v29  }
0x20c: {  	v21 =	vunpack.i.l.bf16.f32 v18;
	v28 =	vpack.i.f32.bf16 v15, v27;
	v18 =	vunpack.i.u.bf16.f32 v18  }
0x20d: {  	v17 =	vsel vm11, v21, v17;
	v27 =	vsub.bf16 v3, v28;
	v15 =	vmin.bf16 v29, v30  }
0x20e: {  	v21 =	vunpack.i.u.bf16.f32 v23;
	v23 =	vld [tilespmem:s0+$0x4050];
	v14 =	vadd.bf16 v20, v19;
	v15 =	vmul.bf16 v0, v15  }
0x20f: {  	v13 =	vadd.bf16 v20, v13;
	v20 =	vld [tilespmem:s0+$0x4040];
	v17 =	vnsel vm1, $0x0, v17;
	v24 =	vmin.bf16 v28, v27  }
0x210: {  	v22 =	vld [tilespmem:s0+$0x4070];
	(erf) = vpow2.bf16 v15;
	v15 =	vsel vm9, v18, v21;
	v18 =	vmul.bf16 v0, v24  }
0x211: {  	v10 =	vadd.f32 v17, v10;
	v17 =	vld [tilespmem:s0+$0x4060];
	v24 =	vnsel vm2, $0x0, v12  }
0x212: {  	v12 =	vunpack.i.l.bf16.f32 v14;
	v15 =	vnsel vm4, $0x0, v15;
	(erf) = vpow2.bf16 v18  }
0x213: {  	v14 =	vunpack.i.u.bf16.f32 v14;
	v10 =	vadd.f32 v10, v15;
	v15 =	vunpack.i.l.bf16.f32 v13  }
0x214: {  	v19 =	vld [tilespmem:s0+$0xC050];
	v21 =	vpack.i.f32.bf16 v23, v20;
	v18 =	vunpack.i.u.bf16.f32 v13;
	v12 =	vsel vm8, v12, v15  }
0x215: {  	v20 =	vsub.bf16 v3, v21;
	v26 =	vsel vm6, v14, v18;
	v15 =	vnsel vm5, $0x0, v12  }
0x216: {  	v12 =	vpack.i.f32.bf16 v22, v17;
	v7 =	vadd.f32 v15, v7;
	v15 =	vnsel vm0, $0x0, v26;
	v26 =	vld [tilespmem:s0+$0xC000]  }
0x217: {  	v32 =	vmax.bf16 v28, v3;
	v13 =	vld [tilespmem:s0+$0xC070];
	v14 =	vsub.bf16 v3, v12  }
0x218: {  	v27 =	vmax.bf16 v27, v3;
	v18 =	vld [tilespmem:s0+$0xC040];
	v22 =	vadd.f32 v16, v24;
	v24 =	vmin.bf16 v21, v20  }
0x219: {  	v16 =	vld [tilespmem:s0+$0xC020];
	vm0 =	vne.s32 v19, $0x1;
	v24 =	vmul.bf16 v0, v24;
	v23 =	vmin.bf16 v12, v14  }
0x21a: {  	v17 =	vld [tilespmem:s0+$0xC030];
	v31 =	vmpcnt.ones.xlane vm0;
	vm0 =	vmmov vm0;
	v23 =	vmul.bf16 v0, v23;
	v58 =	vpop (erf)  }
0x21b: {  	v7 =	vadd.f32 v7, v15;
	v15 =	vld [tilespmem:s0+$0xC060];
	vm7 =	vne.s32 v26, $0x1;
	v59 =	vmul.bf16 v1, v58  }
0x21c: {  	vm2 =	vne.s32 v13, $0x1;
	(erf) = vpow2.bf16 v23;
	v23 =	vmpcnt.ones.xlane vm7;
	v60 =	vpop (erf)  }
0x21d: {  	vm10 =	vne.s32 v18, $0x1;
	v33 =	vadd.bf16 v2, v59;
	v35 =	vmul.bf16 v1, v60  }
0x21e: {  	v61 =	vmpcnt.ones.xlane vm2;
	vm1 =	vne.s32 v16, $0x1;
	v25 =	vadd.s32 v25, v23  }
0x21f: {  	v23 =	vmpcnt.ones.xlane vm10;
	v33 =	vmul.bf16 v33, v58;
	v35 =	vadd.bf16 v2, v35  }
0x220: {  	vm4 =	vne.s32 v17, $0x1;
	v36 =	vmpcnt.ones.xlane vm1;
	vm3 =	vne.s32 v15, $0x1  }
0x221: {  	v11 =	vadd.s32 v11, v23;
	v33 =	vadd.bf16 v4, v33;
	v23 =	vmul.bf16 v35, v60  }
0x222: {  	vm2 =	vmmov vm2;
	v62 =	vmpcnt.ones.xlane vm4;
	v37 =	vmpcnt.ones.xlane vm3  }
0x223: {  	v9 =	vadd.s32 v9, v36;
	v33 =	vmul.bf16 v33, v58;
	v23 =	vadd.bf16 v4, v23  }
0x224: {  	vm4 =	vmmov vm4;
	v9 =	vadd.s32 v62, v9;
	v6 =	vadd.s32 v6, v37  }
0x225: {  	v6 =	vadd.s32 v61, v6;
	v28 =	vadd.bf16 v5, v33;
	v63 =	vmul.bf16 v23, v60  }
0x226: {  	v11 =	vadd.s32 v31, v11;
	v31 =	vpop (erf);
	v23 =	vmax.bf16 v29, v3;
	v29 =	vmax.bf16 v30, v3;
	v30 =	vld [tilespmem:s0+$0xC010]  }
0x227: {  	s29 =	simm.s32 $0x1;
	v33 =	vmul.bf16 v1, v31;
	v23 =	vadd.bf16 v28, v23;
	v34 =	vadd.bf16 v5, v63  }
.LBB2_12:
0x228: {  	s4 =	sshll.u32 s29, $0x7  }
0x229: {  	s1 =	sadd.s32 $0x400, s1;
	vm5 =	vmmov vm10;
	s5 =	smov.u32 s29;
	s0 =	sadd.s32 $0x1, s29  }
0x22a: {  	vm6 =	vgt.s32 v19, $0x0;
	s6 =	sand.u32 $0xC00, s1;
	s4 =	sand.u32 $0x3000, s4;
	s5 =	sshll.u32 s5, $0x5;
	v32 =	vadd.bf16 v34, v32;
	v27 =	vadd.bf16 v34, v27  }
0x22b: {  	p0 =	sne.s32 s29, $0x7F;
	vm8 =	vgt.s32 v26, $0x0;
	v19 =	vadd.bf16 v2, v33;
	s4 =	sor.u32 s6, s4;
	s5 =	sand.u32 $0x380, s5;
	vm9 =	vgt.s32 v30, $0x0  }
0x22c: {  	s29 =	sor.u32 s5, s4;
	v26 =	vunpack.i.u.bf16.f32 v32;
	v32 =	vunpack.i.l.bf16.f32 v32;
	v33 =	vunpack.i.l.bf16.f32 v27  }
0x22d: {  	v27 =	vunpack.i.u.bf16.f32 v27;
	v34 =	vld [tilespmem:s29+$0xC070];
	v32 =	vsel vm8, v33, v32;
	v33 =	vmul.bf16 v19, v31  }
0x22e: {  	vm12 =	vgt.s32 v13, $0x0;
	v26 =	vsel vm9, v27, v26;
	v19 =	vld [tilespmem:s29+$0xC050];
	v32 =	vnsel vm7, $0x0, v32  }
0x22f: {  	vm7 =	vne.s32 v30, $0x1;
	v27 =	vld [tilespmem:s29+$0x4070];
	v8 =	vadd.f32 v32, v8;
	v35 =	vadd.bf16 v4, v33  }
0x230: {  	v30 =	vmax.bf16 v21, v3;
	v26 =	vnsel vm7, $0x0, v26;
	v33 =	vmpcnt.ones.xlane vm7;
	v32 =	vld [tilespmem:s29+$0x4030]  }
0x231: {  	v21 =	vld [tilespmem:s29+$0x4050];
	v8 =	vadd.f32 v8, v26;
	v26 =	vmul.bf16 v35, v31;
	(erf) = vpow2.bf16 v24  }
0x232: {  	v25 =	vadd.s32 v33, v25;
	v31 =	vmax.bf16 v20, v3;
	v24 =	vld [tilespmem:s29+$0x4010];
	vm8 =	vne.s32 v34, $0x1;
	v13 =	vmovc v34  }
0x233: {  	vm14 =	vgt.s32 v17, $0x0;
	vm11 =	vgt.s32 v18, $0x0;
	v20 =	vld [tilespmem:s29+$0x4020];
	v17 =	vadd.bf16 v5, v26  }
0x234: {  	v28 =	vadd.bf16 v28, v29;
	v12 =	vmax.bf16 v12, v3;
	v14 =	vmax.bf16 v14, v3;
	v18 =	vld [tilespmem:s29+$0x4060]  }
0x235: {  	vm9 =	vne.s32 v19, $0x1;
	v26 =	vld [tilespmem:s29+$0x4040];
	v12 =	vadd.bf16 v17, v12;
	v14 =	vadd.bf16 v17, v14  }
0x236: {  	vm10 =	vgt.s32 v15, $0x0;
	vm7 =	vgt.s32 v16, $0x0;
	v29 =	vmpcnt.ones.xlane vm9;
	v17 =	vld [tilespmem:s29+$0x4000]  }
0x237: {  	v33 =	vunpack.i.u.bf16.f32 v12;
	v12 =	vunpack.i.l.bf16.f32 v12;
	v15 =	vunpack.i.l.bf16.f32 v14  }
0x238: {  	v34 =	vpack.i.f32.bf16 v32, v20;
	v32 =	vunpack.i.u.bf16.f32 v14;
	v14 =	vsel vm10, v15, v12  }
0x239: {  	v35 =	vsub.bf16 v3, v34;
	v12 =	vpack.i.f32.bf16 v27, v18;
	v15 =	vnsel vm3, $0x0, v14  }
0x23a: {  	v21 =	vpack.i.f32.bf16 v21, v26;
	v14 =	vsub.bf16 v3, v12;
	v22 =	vadd.f32 v15, v22  }
0x23b: {  	v36 =	vpack.i.f32.bf16 v24, v17;
	v15 =	vmin.bf16 v34, v35;
	v20 =	vsub.bf16 v3, v21;
	v37 =	vpop (erf)  }
0x23c: {  	v16 =	vsub.bf16 v3, v36;
	v26 =	vmul.bf16 v0, v15;
	v15 =	vld [tilespmem:s29+$0xC060];
	v18 =	vmin.bf16 v12, v14  }
0x23d: {  	v39 =	vmul.bf16 v1, v37;
	v17 =	vld [tilespmem:s29+$0xC030];
	v24 =	vmin.bf16 v21, v20;
	v38 =	vmul.bf16 v0, v18  }
0x23e: {  	v27 =	vmin.bf16 v36, v16;
	v18 =	vld [tilespmem:s29+$0xC040];
	v24 =	vmul.bf16 v0, v24;
	(erf) = vpow2.bf16 v26  }
0x23f: {  	v41 =	vunpack.i.u.bf16.f32 v23;
	v26 =	vld [tilespmem:s29+$0xC000];
	v40 =	vmul.bf16 v0, v27;
	v27 =	vmax.bf16 v16, v3  }
0x240: {  	v23 =	vunpack.i.l.bf16.f32 v23;
	v42 =	vunpack.i.l.bf16.f32 v28;
	v39 =	vadd.bf16 v2, v39;
	v16 =	vld [tilespmem:s29+$0xC020]  }
0x241: {  	v28 =	vunpack.i.u.bf16.f32 v28;
	v23 =	vsel vm7, v42, v23;
	(erf) = vpow2.bf16 v40  }
0x242: {  	v23 =	vnsel vm1, $0x0, v23;
	v39 =	vmul.bf16 v39, v37;
	vm13 =	vne.s32 v17, $0x1  }
0x243: {  	v10 =	vadd.f32 v23, v10;
	v40 =	vmpcnt.ones.xlane vm8;
	vm10 =	vne.s32 v18, $0x1  }
0x244: {  	vm3 =	vne.s32 v15, $0x1;
	v23 =	vadd.bf16 v4, v39;
	vm7 =	vne.s32 v26, $0x1  }
0x245: {  	v28 =	vsel vm14, v28, v41;
	v39 =	vmpcnt.ones.xlane vm7;
	vm1 =	vne.s32 v16, $0x1  }
0x246: {  	v28 =	vnsel vm4, $0x0, v28;
	v23 =	vmul.bf16 v23, v37;
	v41 =	vmpcnt.ones.xlane vm1  }
0x247: {  	v37 =	vmpcnt.ones.xlane vm10;
	v25 =	vadd.s32 v25, v39;
	v39 =	vmpcnt.ones.xlane vm3  }
0x248: {  	v32 =	vsel vm12, v32, v33;
	v9 =	vadd.s32 v9, v41;
	v41 =	vmpcnt.ones.xlane vm13;
	v42 =	vpop (erf)  }
0x249: {  	v11 =	vadd.s32 v11, v37;
	v33 =	vmul.bf16 v1, v42;
	v6 =	vadd.s32 v6, v39  }
0x24a: {  	v23 =	vadd.bf16 v5, v23;
	v37 =	vnsel vm2, $0x0, v32;
	v6 =	vadd.s32 v40, v6  }
0x24b: {  	v10 =	vadd.f32 v10, v28;
	v33 =	vadd.bf16 v2, v33;
	v39 =	vpop (erf);
	(erf) = vpow2.bf16 v38  }
0x24c: {  	v32 =	vmax.bf16 v36, v3;
	v31 =	vadd.bf16 v23, v31;
	v28 =	vmul.bf16 v1, v39  }
0x24d: {  	v23 =	vadd.bf16 v23, v30;
	v9 =	vadd.s32 v41, v9;
	v33 =	vmul.bf16 v33, v42  }
0x24e: {  	v30 =	vunpack.i.u.bf16.f32 v31;
	v31 =	vunpack.i.l.bf16.f32 v31;
	v28 =	vadd.bf16 v2, v28  }
0x24f: {  	v36 =	vunpack.i.u.bf16.f32 v23;
	v23 =	vunpack.i.l.bf16.f32 v23;
	v33 =	vadd.bf16 v4, v33  }
0x250: {  	v22 =	vadd.f32 v22, v37;
	v23 =	vsel vm11, v31, v23;
	v28 =	vmul.bf16 v28, v39  }
0x251: {  	v30 =	vsel vm6, v30, v36;
	v23 =	vnsel vm5, $0x0, v23;
	v31 =	vmul.bf16 v33, v42  }
.Ltmp5:
0x252: {  	v11 =	vadd.s32 v29, v11;
	v36 =	vnsel vm0, $0x0, v30;
	v33 =	vadd.bf16 v4, v28;
	(pc) =	sbr.rel @p0 .LBB2_12-.Ltmp5, $4  }
0x253: {  	vm2 =	vmmov vm8;
	v7 =	vadd.f32 v23, v7;
	v28 =	vadd.bf16 v5, v31  }
0x254: {  	v29 =	vmax.bf16 v35, v3;
	v23 =	vmax.bf16 v34, v3;
	v30 =	vld [tilespmem:s29+$0xC010];
	v33 =	vmul.bf16 v33, v39  }
0x255: {  	vm0 =	vmmov vm9;
	v7 =	vadd.f32 v7, v36;
	v23 =	vadd.bf16 v28, v23;
	v31 =	vpop (erf)  }
0x256: {  	vm4 =	vmmov vm13;
	s29 =	smov.u32 s0;
	v34 =	vadd.bf16 v5, v33;
	v33 =	vmul.bf16 v1, v31  }
0x257: {  	(erf) = vpow2.bf16 v24;
	_ =	sdelay $0x3  }
0x258: {  	v56 =	vadd.bf16 v2, v33  }
0x259: {  	vm6 =	vgt.s32 v19, $0x0;
	v24 =	vadd.bf16 v34, v32;
	v27 =	vadd.bf16 v34, v27  }
0x25a: {  	vm8 =	vgt.s32 v26, $0x0;
	vm9 =	vgt.s32 v30, $0x0;
	v32 =	vmul.bf16 v56, v31  }
0x25b: {  	s1 =	simm.s32 $0x0;
	v19 =	vunpack.i.l.bf16.f32 v24;
	v26 =	vunpack.i.l.bf16.f32 v27;
	v24 =	vunpack.i.u.bf16.f32 v24  }
0x25c: {  	[tilespmem:s23], [sflag:$0x2] =	stream.linear.gather [hbm4b:s18+s1], $0x4000, $0x38;
	v19 =	vsel vm8, v26, v19;
	v26 =	vunpack.i.u.bf16.f32 v27;
	v27 =	vadd.bf16 v4, v32;
	[tilespmem:$0x10080] =	vst v63  }
0x25d: {  	v19 =	vnsel vm7, $0x0, v19;
	v24 =	vsel vm9, v26, v24  }
0x25e: {  	[tilespmem:s24], [sflag:$0x4] =	stream.linear.gather [hbm4b:s19+s1], $0x4000, $0x38;
	vm7 =	vne.s32 v30, $0x1;
	v8 =	vadd.f32 v19, v8;
	v26 =	vmul.bf16 v27, v31;
	v57 =	vpop (erf);
	[tilespmem:$0x10080] =	vst v63  }
0x25f: {  	v19 =	vnsel vm7, $0x0, v24;
	_ =	swait.ge [sflag:s3], $0x4000  }
0x260: {  	v8 =	vadd.f32 v8, v19;
	v19 =	vmax.bf16 v20, v3;
	v20 =	vadd.bf16 v5, v26;
	[sflag:s3] =	ssyncset.done $0x0  }
0x261: {  	s0 =	simm.s32 $0x0;
	s5 =	simm.s32 $0x0;
	v12 =	vmax.bf16 v12, v3;
	v14 =	vmax.bf16 v14, v3;
	[sflag:s3] =	ssyncadd.s32 $0xFFFFC000  }
0x262: {  	s4 =	sand.u32 $0xC00, s1;
	s0 =	sand.u32 $0x3000, s0;
	v12 =	vadd.bf16 v20, v12;
	v14 =	vadd.bf16 v20, v14;
	v20 =	vmul.bf16 v1, v57;
	_ =	swait.ge [sflag:s25], $0x4000  }
0x263: {  	s6 =	sand.u32 $0x380, s5;
	s0 =	sor.u32 s4, s0;
	[sflag:s25] =	ssyncset.done $0x0  }
0x264: {  	vm5 =	vmmov vm10;
	s0 =	sor.u32 s6, s0;
	v20 =	vadd.bf16 v2, v20;
	[sflag:s25] =	ssyncadd.s32 $0xFFFFC000  }
0x265: {  	v24 =	vmpcnt.ones.xlane vm7;
	vm7 =	vgt.s32 v13, $0x0;
	v13 =	vmax.bf16 v21, v3;
	v21 =	vld [tilespmem:s0+$0x30]  }
0x266: {  	vm10 =	vgt.s32 v15, $0x0;
	vm9 =	vgt.s32 v17, $0x0;
	v20 =	vmul.bf16 v20, v57;
	v17 =	vld [tilespmem:s0+$0x20]  }
0x267: {  	vm11 =	vgt.s32 v16, $0x0;
	vm8 =	vgt.s32 v18, $0x0;
	v25 =	vadd.s32 v24, v25;
	v15 =	vld [tilespmem:s0+$0x10]  }
0x268: {  	v24 =	vunpack.i.l.bf16.f32 v12;
	v26 =	vunpack.i.l.bf16.f32 v14;
	v27 =	vld [tilespmem:s0+$0x0];
	v20 =	vadd.bf16 v4, v20  }
0x269: {  	v18 =	vadd.bf16 v28, v29;
	v12 =	vunpack.i.u.bf16.f32 v12;
	v16 =	vsel vm10, v26, v24  }
0x26a: {  	v14 =	vunpack.i.u.bf16.f32 v14;
	v16 =	vnsel vm3, $0x0, v16;
	v20 =	vmul.bf16 v20, v57  }
0x26b: {  	v12 =	vsel vm7, v14, v12;
	v16 =	vadd.f32 v16, v22;
	v29 =	vpack.i.f32.bf16 v21, v17  }
0x26c: {  	v20 =	vadd.bf16 v5, v20;
	v17 =	vunpack.i.l.bf16.f32 v23;
	v30 =	vsub.bf16 v3, v29  }
0x26d: {  	v21 =	vunpack.i.l.bf16.f32 v18;
	v28 =	vpack.i.f32.bf16 v15, v27;
	v18 =	vunpack.i.u.bf16.f32 v18  }
0x26e: {  	v17 =	vsel vm11, v21, v17;
	v27 =	vsub.bf16 v3, v28;
	v15 =	vmin.bf16 v29, v30  }
0x26f: {  	v21 =	vunpack.i.u.bf16.f32 v23;
	v23 =	vld [tilespmem:s0+$0x50];
	v14 =	vadd.bf16 v20, v19;
	v15 =	vmul.bf16 v0, v15  }
0x270: {  	v13 =	vadd.bf16 v20, v13;
	v20 =	vld [tilespmem:s0+$0x40];
	v17 =	vnsel vm1, $0x0, v17;
	v24 =	vmin.bf16 v28, v27  }
0x271: {  	v22 =	vld [tilespmem:s0+$0x70];
	(erf) = vpow2.bf16 v15;
	v15 =	vsel vm9, v18, v21;
	v18 =	vmul.bf16 v0, v24  }
0x272: {  	v10 =	vadd.f32 v17, v10;
	v17 =	vld [tilespmem:s0+$0x60];
	v24 =	vnsel vm2, $0x0, v12  }
0x273: {  	v12 =	vunpack.i.l.bf16.f32 v14;
	v15 =	vnsel vm4, $0x0, v15;
	(erf) = vpow2.bf16 v18  }
0x274: {  	v14 =	vunpack.i.u.bf16.f32 v14;
	v10 =	vadd.f32 v10, v15;
	v15 =	vunpack.i.l.bf16.f32 v13  }
0x275: {  	v19 =	vld [tilespmem:s0+$0x8050];
	v21 =	vpack.i.f32.bf16 v23, v20;
	v18 =	vunpack.i.u.bf16.f32 v13;
	v12 =	vsel vm8, v12, v15  }
0x276: {  	v20 =	vsub.bf16 v3, v21;
	v26 =	vsel vm6, v14, v18;
	v15 =	vnsel vm5, $0x0, v12  }
0x277: {  	v12 =	vpack.i.f32.bf16 v22, v17;
	v7 =	vadd.f32 v15, v7;
	v15 =	vnsel vm0, $0x0, v26;
	v26 =	vld [tilespmem:s0+$0x8000]  }
0x278: {  	v32 =	vmax.bf16 v28, v3;
	v13 =	vld [tilespmem:s0+$0x8070];
	v14 =	vsub.bf16 v3, v12  }
0x279: {  	v27 =	vmax.bf16 v27, v3;
	v18 =	vld [tilespmem:s0+$0x8040];
	v22 =	vadd.f32 v16, v24;
	v24 =	vmin.bf16 v21, v20  }
0x27a: {  	v16 =	vld [tilespmem:s0+$0x8020];
	vm0 =	vne.s32 v19, $0x1;
	v24 =	vmul.bf16 v0, v24;
	v23 =	vmin.bf16 v12, v14  }
0x27b: {  	v17 =	vld [tilespmem:s0+$0x8030];
	v31 =	vmpcnt.ones.xlane vm0;
	vm0 =	vmmov vm0;
	v23 =	vmul.bf16 v0, v23;
	v58 =	vpop (erf)  }
0x27c: {  	v7 =	vadd.f32 v7, v15;
	v15 =	vld [tilespmem:s0+$0x8060];
	vm7 =	vne.s32 v26, $0x1;
	v59 =	vmul.bf16 v1, v58  }
0x27d: {  	vm2 =	vne.s32 v13, $0x1;
	(erf) = vpow2.bf16 v23;
	v23 =	vmpcnt.ones.xlane vm7;
	v60 =	vpop (erf)  }
0x27e: {  	vm10 =	vne.s32 v18, $0x1;
	v33 =	vadd.bf16 v2, v59;
	v35 =	vmul.bf16 v1, v60  }
0x27f: {  	v61 =	vmpcnt.ones.xlane vm2;
	vm1 =	vne.s32 v16, $0x1;
	v25 =	vadd.s32 v25, v23  }
0x280: {  	v23 =	vmpcnt.ones.xlane vm10;
	v33 =	vmul.bf16 v33, v58;
	v35 =	vadd.bf16 v2, v35  }
0x281: {  	vm4 =	vne.s32 v17, $0x1;
	v36 =	vmpcnt.ones.xlane vm1;
	vm3 =	vne.s32 v15, $0x1  }
0x282: {  	v11 =	vadd.s32 v11, v23;
	v33 =	vadd.bf16 v4, v33;
	v23 =	vmul.bf16 v35, v60  }
0x283: {  	vm2 =	vmmov vm2;
	v62 =	vmpcnt.ones.xlane vm4;
	v37 =	vmpcnt.ones.xlane vm3  }
0x284: {  	v9 =	vadd.s32 v9, v36;
	v33 =	vmul.bf16 v33, v58;
	v23 =	vadd.bf16 v4, v23  }
0x285: {  	vm4 =	vmmov vm4;
	v9 =	vadd.s32 v62, v9;
	v6 =	vadd.s32 v6, v37  }
0x286: {  	v6 =	vadd.s32 v61, v6;
	v28 =	vadd.bf16 v5, v33;
	v63 =	vmul.bf16 v23, v60  }
0x287: {  	v11 =	vadd.s32 v31, v11;
	v31 =	vpop (erf);
	v23 =	vmax.bf16 v29, v3;
	v29 =	vmax.bf16 v30, v3;
	v30 =	vld [tilespmem:s0+$0x8010]  }
0x288: {  	s29 =	simm.s32 $0x1;
	v33 =	vmul.bf16 v1, v31;
	v23 =	vadd.bf16 v28, v23;
	v34 =	vadd.bf16 v5, v63  }
.LBB2_14:
0x289: {  	s4 =	sshll.u32 s29, $0x7  }
0x28a: {  	s1 =	sadd.s32 $0x400, s1;
	vm5 =	vmmov vm10;
	s5 =	smov.u32 s29;
	s0 =	sadd.s32 $0x1, s29  }
0x28b: {  	vm6 =	vgt.s32 v19, $0x0;
	s6 =	sand.u32 $0xC00, s1;
	s4 =	sand.u32 $0x3000, s4;
	s5 =	sshll.u32 s5, $0x5;
	v32 =	vadd.bf16 v34, v32;
	v27 =	vadd.bf16 v34, v27  }
0x28c: {  	p0 =	sne.s32 s29, $0x7F;
	vm8 =	vgt.s32 v26, $0x0;
	v19 =	vadd.bf16 v2, v33;
	s4 =	sor.u32 s6, s4;
	s5 =	sand.u32 $0x380, s5;
	vm9 =	vgt.s32 v30, $0x0  }
0x28d: {  	s29 =	sor.u32 s5, s4;
	v26 =	vunpack.i.u.bf16.f32 v32;
	v32 =	vunpack.i.l.bf16.f32 v32;
	v33 =	vunpack.i.l.bf16.f32 v27  }
0x28e: {  	v27 =	vunpack.i.u.bf16.f32 v27;
	v34 =	vld [tilespmem:s29+$0x8070];
	v32 =	vsel vm8, v33, v32;
	v33 =	vmul.bf16 v19, v31  }
0x28f: {  	vm12 =	vgt.s32 v13, $0x0;
	v26 =	vsel vm9, v27, v26;
	v19 =	vld [tilespmem:s29+$0x8050];
	v32 =	vnsel vm7, $0x0, v32  }
0x290: {  	vm7 =	vne.s32 v30, $0x1;
	v27 =	vld [tilespmem:s29+$0x70];
	v8 =	vadd.f32 v32, v8;
	v35 =	vadd.bf16 v4, v33  }
0x291: {  	v30 =	vmax.bf16 v21, v3;
	v26 =	vnsel vm7, $0x0, v26;
	v33 =	vmpcnt.ones.xlane vm7;
	v32 =	vld [tilespmem:s29+$0x30]  }
0x292: {  	v21 =	vld [tilespmem:s29+$0x50];
	v8 =	vadd.f32 v8, v26;
	v26 =	vmul.bf16 v35, v31;
	(erf) = vpow2.bf16 v24  }
0x293: {  	v25 =	vadd.s32 v33, v25;
	v31 =	vmax.bf16 v20, v3;
	v24 =	vld [tilespmem:s29+$0x10];
	vm8 =	vne.s32 v34, $0x1;
	v13 =	vmovc v34  }
0x294: {  	vm14 =	vgt.s32 v17, $0x0;
	vm11 =	vgt.s32 v18, $0x0;
	v20 =	vld [tilespmem:s29+$0x20];
	v17 =	vadd.bf16 v5, v26  }
0x295: {  	v28 =	vadd.bf16 v28, v29;
	v12 =	vmax.bf16 v12, v3;
	v14 =	vmax.bf16 v14, v3;
	v18 =	vld [tilespmem:s29+$0x60]  }
0x296: {  	vm9 =	vne.s32 v19, $0x1;
	v26 =	vld [tilespmem:s29+$0x40];
	v12 =	vadd.bf16 v17, v12;
	v14 =	vadd.bf16 v17, v14  }
0x297: {  	vm10 =	vgt.s32 v15, $0x0;
	vm7 =	vgt.s32 v16, $0x0;
	v29 =	vmpcnt.ones.xlane vm9;
	v17 =	vld [tilespmem:s29+$0x0]  }
0x298: {  	v33 =	vunpack.i.u.bf16.f32 v12;
	v12 =	vunpack.i.l.bf16.f32 v12;
	v15 =	vunpack.i.l.bf16.f32 v14  }
0x299: {  	v34 =	vpack.i.f32.bf16 v32, v20;
	v32 =	vunpack.i.u.bf16.f32 v14;
	v14 =	vsel vm10, v15, v12  }
0x29a: {  	v35 =	vsub.bf16 v3, v34;
	v12 =	vpack.i.f32.bf16 v27, v18;
	v15 =	vnsel vm3, $0x0, v14  }
0x29b: {  	v21 =	vpack.i.f32.bf16 v21, v26;
	v14 =	vsub.bf16 v3, v12;
	v22 =	vadd.f32 v15, v22  }
0x29c: {  	v36 =	vpack.i.f32.bf16 v24, v17;
	v15 =	vmin.bf16 v34, v35;
	v20 =	vsub.bf16 v3, v21;
	v37 =	vpop (erf)  }
0x29d: {  	v16 =	vsub.bf16 v3, v36;
	v26 =	vmul.bf16 v0, v15;
	v15 =	vld [tilespmem:s29+$0x8060];
	v18 =	vmin.bf16 v12, v14  }
0x29e: {  	v39 =	vmul.bf16 v1, v37;
	v17 =	vld [tilespmem:s29+$0x8030];
	v24 =	vmin.bf16 v21, v20;
	v38 =	vmul.bf16 v0, v18  }
0x29f: {  	v27 =	vmin.bf16 v36, v16;
	v18 =	vld [tilespmem:s29+$0x8040];
	v24 =	vmul.bf16 v0, v24;
	(erf) = vpow2.bf16 v26  }
0x2a0: {  	v41 =	vunpack.i.u.bf16.f32 v23;
	v26 =	vld [tilespmem:s29+$0x8000];
	v40 =	vmul.bf16 v0, v27;
	v27 =	vmax.bf16 v16, v3  }
0x2a1: {  	v23 =	vunpack.i.l.bf16.f32 v23;
	v42 =	vunpack.i.l.bf16.f32 v28;
	v39 =	vadd.bf16 v2, v39;
	v16 =	vld [tilespmem:s29+$0x8020]  }
0x2a2: {  	v28 =	vunpack.i.u.bf16.f32 v28;
	v23 =	vsel vm7, v42, v23;
	(erf) = vpow2.bf16 v40  }
0x2a3: {  	v23 =	vnsel vm1, $0x0, v23;
	v39 =	vmul.bf16 v39, v37;
	vm13 =	vne.s32 v17, $0x1  }
0x2a4: {  	v10 =	vadd.f32 v23, v10;
	v40 =	vmpcnt.ones.xlane vm8;
	vm10 =	vne.s32 v18, $0x1  }
0x2a5: {  	vm3 =	vne.s32 v15, $0x1;
	v23 =	vadd.bf16 v4, v39;
	vm7 =	vne.s32 v26, $0x1  }
0x2a6: {  	v28 =	vsel vm14, v28, v41;
	v39 =	vmpcnt.ones.xlane vm7;
	vm1 =	vne.s32 v16, $0x1  }
0x2a7: {  	v28 =	vnsel vm4, $0x0, v28;
	v23 =	vmul.bf16 v23, v37;
	v41 =	vmpcnt.ones.xlane vm1  }
0x2a8: {  	v37 =	vmpcnt.ones.xlane vm10;
	v25 =	vadd.s32 v25, v39;
	v39 =	vmpcnt.ones.xlane vm3  }
0x2a9: {  	v32 =	vsel vm12, v32, v33;
	v9 =	vadd.s32 v9, v41;
	v41 =	vmpcnt.ones.xlane vm13;
	v42 =	vpop (erf)  }
0x2aa: {  	v11 =	vadd.s32 v11, v37;
	v33 =	vmul.bf16 v1, v42;
	v6 =	vadd.s32 v6, v39  }
0x2ab: {  	v23 =	vadd.bf16 v5, v23;
	v37 =	vnsel vm2, $0x0, v32;
	v6 =	vadd.s32 v40, v6  }
0x2ac: {  	v10 =	vadd.f32 v10, v28;
	v33 =	vadd.bf16 v2, v33;
	v39 =	vpop (erf);
	(erf) = vpow2.bf16 v38  }
0x2ad: {  	v32 =	vmax.bf16 v36, v3;
	v31 =	vadd.bf16 v23, v31;
	v28 =	vmul.bf16 v1, v39  }
0x2ae: {  	v23 =	vadd.bf16 v23, v30;
	v9 =	vadd.s32 v41, v9;
	v33 =	vmul.bf16 v33, v42  }
0x2af: {  	v30 =	vunpack.i.u.bf16.f32 v31;
	v31 =	vunpack.i.l.bf16.f32 v31;
	v28 =	vadd.bf16 v2, v28  }
0x2b0: {  	v36 =	vunpack.i.u.bf16.f32 v23;
	v23 =	vunpack.i.l.bf16.f32 v23;
	v33 =	vadd.bf16 v4, v33  }
0x2b1: {  	v22 =	vadd.f32 v22, v37;
	v23 =	vsel vm11, v31, v23;
	v28 =	vmul.bf16 v28, v39  }
0x2b2: {  	v30 =	vsel vm6, v30, v36;
	v23 =	vnsel vm5, $0x0, v23;
	v31 =	vmul.bf16 v33, v42  }
.Ltmp6:
0x2b3: {  	v11 =	vadd.s32 v29, v11;
	v36 =	vnsel vm0, $0x0, v30;
	v33 =	vadd.bf16 v4, v28;
	(pc) =	sbr.rel @p0 .LBB2_14-.Ltmp6, $4  }
0x2b4: {  	vm2 =	vmmov vm8;
	v7 =	vadd.f32 v23, v7;
	v28 =	vadd.bf16 v5, v31  }
0x2b5: {  	v29 =	vmax.bf16 v35, v3;
	v23 =	vmax.bf16 v34, v3;
	v30 =	vld [tilespmem:s29+$0x8010];
	v33 =	vmul.bf16 v33, v39  }
0x2b6: {  	vm0 =	vmmov vm9;
	v7 =	vadd.f32 v7, v36;
	v23 =	vadd.bf16 v28, v23;
	v31 =	vpop (erf)  }
0x2b7: {  	vm4 =	vmmov vm13;
	s29 =	smov.u32 s0;
	v34 =	vadd.bf16 v5, v33;
	v33 =	vmul.bf16 v1, v31  }
0x2b8: {  	(erf) = vpow2.bf16 v24;
	_ =	sdelay $0x7  }
0x2b9: {  	vm5 =	vmmov vm10;
	vm6 =	vgt.s32 v19, $0x0;
	v56 =	vadd.bf16 v2, v33  }
0x2ba: {  	vm8 =	vgt.s32 v26, $0x0;
	v24 =	vadd.bf16 v34, v32;
	v27 =	vadd.bf16 v34, v27  }
0x2bb: {  	v12 =	vmax.bf16 v12, v3;
	vm9 =	vgt.s32 v30, $0x0;
	v32 =	vmul.bf16 v56, v31;
	v57 =	vpop (erf)  }
0x2bc: {  	v19 =	vunpack.i.l.bf16.f32 v24;
	v26 =	vunpack.i.l.bf16.f32 v27;
	v24 =	vunpack.i.u.bf16.f32 v24;
	_ =	swait.ge [sflag:s26], $0x4000  }
0x2bd: {  	s1 =	simm.s32 $0x0;
	v19 =	vsel vm8, v26, v19;
	v26 =	vunpack.i.u.bf16.f32 v27;
	v27 =	vadd.bf16 v4, v32;
	[sflag:s26] =	ssyncset.done $0x0  }
0x2be: {  	s0 =	simm.s32 $0x0;
	s5 =	simm.s32 $0x0;
	v14 =	vmax.bf16 v14, v3;
	v19 =	vnsel vm7, $0x0, v19;
	v24 =	vsel vm9, v26, v24;
	[sflag:s26] =	ssyncadd.s32 $0xFFFFC000  }
0x2bf: {  	s4 =	sand.u32 $0xC00, s1;
	s0 =	sand.u32 $0x3000, s0;
	vm7 =	vne.s32 v30, $0x1;
	v8 =	vadd.f32 v19, v8;
	v26 =	vmul.bf16 v27, v31;
	_ =	swait.ge [sflag:s28], $0x4000  }
0x2c0: {  	vm10 =	vgt.s32 v15, $0x0;
	s6 =	sand.u32 $0x380, s5;
	s0 =	sor.u32 s4, s0;
	vm9 =	vgt.s32 v17, $0x0;
	v19 =	vnsel vm7, $0x0, v24;
	[sflag:s28] =	ssyncset.done $0x0  }
0x2c1: {  	s0 =	sor.u32 s6, s0;
	v8 =	vadd.f32 v8, v19;
	v19 =	vmax.bf16 v20, v3;
	v20 =	vadd.bf16 v5, v26;
	[sflag:s28] =	ssyncadd.s32 $0xFFFFC000  }
0x2c2: {  	v24 =	vmpcnt.ones.xlane vm7;
	vm7 =	vgt.s32 v13, $0x0;
	v13 =	vmax.bf16 v21, v3;
	v21 =	vld [tilespmem:s0+$0x4030]  }
0x2c3: {  	v12 =	vadd.bf16 v20, v12;
	v14 =	vadd.bf16 v20, v14;
	v20 =	vmul.bf16 v1, v57;
	v17 =	vld [tilespmem:s0+$0x4020]  }
0x2c4: {  	vm11 =	vgt.s32 v16, $0x0;
	vm8 =	vgt.s32 v18, $0x0;
	v25 =	vadd.s32 v24, v25;
	v15 =	vld [tilespmem:s0+$0x4010]  }
0x2c5: {  	v24 =	vunpack.i.l.bf16.f32 v12;
	v26 =	vunpack.i.l.bf16.f32 v14;
	v20 =	vadd.bf16 v2, v20;
	v27 =	vld [tilespmem:s0+$0x4000]  }
0x2c6: {  	v18 =	vadd.bf16 v28, v29;
	v12 =	vunpack.i.u.bf16.f32 v12;
	v16 =	vsel vm10, v26, v24  }
0x2c7: {  	v14 =	vunpack.i.u.bf16.f32 v14;
	v16 =	vnsel vm3, $0x0, v16;
	v20 =	vmul.bf16 v20, v57  }
0x2c8: {  	v22 =	vadd.f32 v16, v22;
	v16 =	vunpack.i.l.bf16.f32 v23;
	v29 =	vpack.i.f32.bf16 v21, v17  }
0x2c9: {  	v20 =	vadd.bf16 v4, v20;
	v17 =	vunpack.i.l.bf16.f32 v18;
	v30 =	vsub.bf16 v3, v29  }
0x2ca: {  	v12 =	vsel vm7, v14, v12;
	v28 =	vpack.i.f32.bf16 v15, v27;
	v16 =	vsel vm11, v17, v16  }
0x2cb: {  	v17 =	vmul.bf16 v20, v57;
	v27 =	vsub.bf16 v3, v28;
	v15 =	vmin.bf16 v29, v30  }
0x2cc: {  	v18 =	vunpack.i.u.bf16.f32 v18;
	v20 =	vunpack.i.u.bf16.f32 v23;
	v15 =	vmul.bf16 v0, v15  }
0x2cd: {  	v21 =	vld [tilespmem:s0+$0x4070];
	v16 =	vnsel vm1, $0x0, v16;
	v17 =	vadd.bf16 v5, v17;
	v24 =	vmin.bf16 v28, v27  }
0x2ce: {  	v23 =	vld [tilespmem:s0+$0x4050];
	v10 =	vadd.f32 v16, v10;
	v16 =	vmul.bf16 v0, v24;
	(erf) = vpow2.bf16 v15  }
0x2cf: {  	v14 =	vadd.bf16 v17, v19;
	v13 =	vadd.bf16 v17, v13;
	v15 =	vsel vm9, v18, v20;
	v18 =	vld [tilespmem:s0+$0x4060]  }
0x2d0: {  	v24 =	vnsel vm2, $0x0, v12;
	v19 =	vld [tilespmem:s0+$0x4040];
	v15 =	vnsel vm4, $0x0, v15;
	(erf) = vpow2.bf16 v16  }
0x2d1: {  	v20 =	vld [tilespmem:s0+$0xC040];
	v12 =	vunpack.i.l.bf16.f32 v14;
	v10 =	vadd.f32 v10, v15;
	v15 =	vunpack.i.l.bf16.f32 v13  }
0x2d2: {  	v17 =	vunpack.i.u.bf16.f32 v14;
	v14 =	vld [tilespmem:s0+$0xC070];
	v13 =	vunpack.i.u.bf16.f32 v13;
	v12 =	vsel vm8, v12, v15  }
0x2d3: {  	v32 =	vmax.bf16 v28, v3;
	v16 =	vld [tilespmem:s0+$0xC050];
	v26 =	vsel vm6, v17, v13;
	v15 =	vnsel vm5, $0x0, v12  }
0x2d4: {  	v12 =	vpack.i.f32.bf16 v21, v18;
	v7 =	vadd.f32 v15, v7;
	v15 =	vnsel vm0, $0x0, v26;
	v26 =	vld [tilespmem:s0+$0xC000]  }
0x2d5: {  	v27 =	vmax.bf16 v27, v3;
	v30 =	vmax.bf16 v30, v3;
	v13 =	vsub.bf16 v3, v12  }
0x2d6: {  	v22 =	vadd.f32 v22, v24;
	v21 =	vpack.i.f32.bf16 v23, v19;
	vm10 =	vne.s32 v20, $0x1  }
0x2d7: {  	v18 =	vld [tilespmem:s0+$0xC020];
	v19 =	vsub.bf16 v3, v21;
	vm2 =	vne.s32 v14, $0x1;
	v23 =	vmin.bf16 v12, v13  }
0x2d8: {  	v17 =	vld [tilespmem:s0+$0xC030];
	v7 =	vadd.f32 v7, v15;
	vm1 =	vne.s32 v16, $0x1;
	v23 =	vmul.bf16 v0, v23;
	v58 =	vpop (erf)  }
0x2d9: {  	v15 =	vld [tilespmem:s0+$0xC060];
	v61 =	vmpcnt.ones.xlane vm2;
	vm7 =	vne.s32 v26, $0x1;
	v59 =	vmul.bf16 v1, v58  }
0x2da: {  	vm2 =	vmmov vm2;
	(erf) = vpow2.bf16 v23;
	v23 =	vmpcnt.ones.xlane vm7;
	v60 =	vpop (erf)  }
0x2db: {  	v31 =	vmpcnt.ones.xlane vm1;
	v33 =	vadd.bf16 v2, v59;
	v35 =	vmul.bf16 v1, v60  }
0x2dc: {  	v24 =	vmin.bf16 v21, v19;
	vm0 =	vne.s32 v18, $0x1;
	v23 =	vadd.s32 v25, v23  }
0x2dd: {  	v25 =	vmpcnt.ones.xlane vm10;
	v33 =	vmul.bf16 v33, v58;
	v35 =	vadd.bf16 v2, v35  }
0x2de: {  	vm4 =	vne.s32 v17, $0x1;
	v36 =	vmpcnt.ones.xlane vm0;
	vm3 =	vne.s32 v15, $0x1  }
0x2df: {  	v11 =	vadd.s32 v11, v25;
	v33 =	vadd.bf16 v4, v33;
	v25 =	vmul.bf16 v35, v60  }
0x2e0: {  	vm1 =	vmmov vm1;
	v62 =	vmpcnt.ones.xlane vm4;
	v37 =	vmpcnt.ones.xlane vm3  }
0x2e1: {  	v9 =	vadd.s32 v9, v36;
	v33 =	vmul.bf16 v33, v58;
	v25 =	vadd.bf16 v4, v25  }
0x2e2: {  	v24 =	vmul.bf16 v0, v24;
	vm4 =	vmmov vm4;
	v9 =	vadd.s32 v62, v9  }
0x2e3: {  	v6 =	vadd.s32 v6, v37;
	v28 =	vadd.bf16 v5, v33;
	v63 =	vmul.bf16 v25, v60  }
0x2e4: {  	v6 =	vadd.s32 v61, v6;
	v11 =	vadd.s32 v31, v11;
	v25 =	vmax.bf16 v29, v3;
	v31 =	vpop (erf);
	v29 =	vld [tilespmem:s0+$0xC010]  }
0x2e5: {  	s29 =	simm.s32 $0x1;
	v33 =	vmul.bf16 v1, v31;
	v25 =	vadd.bf16 v28, v25;
	v34 =	vadd.bf16 v5, v63  }
.LBB2_16:
0x2e6: {  	s4 =	sshll.u32 s29, $0x7  }
0x2e7: {  	s1 =	sadd.s32 $0x400, s1;
	vm5 =	vmmov vm10;
	s5 =	smov.u32 s29;
	s0 =	sadd.s32 $0x1, s29  }
0x2e8: {  	vm6 =	vgt.s32 v16, $0x0;
	s6 =	sand.u32 $0xC00, s1;
	s4 =	sand.u32 $0x3000, s4;
	s5 =	sshll.u32 s5, $0x5;
	v32 =	vadd.bf16 v34, v32;
	v27 =	vadd.bf16 v34, v27  }
0x2e9: {  	p0 =	sne.s32 s29, $0x7F;
	vm8 =	vgt.s32 v26, $0x0;
	v16 =	vadd.bf16 v2, v33;
	s4 =	sor.u32 s6, s4;
	s5 =	sand.u32 $0x380, s5;
	vm9 =	vgt.s32 v29, $0x0  }
0x2ea: {  	s29 =	sor.u32 s5, s4;
	v26 =	vunpack.i.u.bf16.f32 v32;
	v32 =	vunpack.i.l.bf16.f32 v32;
	v33 =	vunpack.i.l.bf16.f32 v27  }
0x2eb: {  	v27 =	vunpack.i.u.bf16.f32 v27;
	v34 =	vld [tilespmem:s29+$0xC070];
	v32 =	vsel vm8, v33, v32;
	v33 =	vmul.bf16 v16, v31  }
0x2ec: {  	vm12 =	vgt.s32 v14, $0x0;
	v26 =	vsel vm9, v27, v26;
	v16 =	vld [tilespmem:s29+$0xC050];
	v32 =	vnsel vm7, $0x0, v32  }
0x2ed: {  	vm7 =	vne.s32 v29, $0x1;
	v27 =	vld [tilespmem:s29+$0x4070];
	v8 =	vadd.f32 v32, v8;
	v35 =	vadd.bf16 v4, v33  }
0x2ee: {  	v29 =	vmax.bf16 v21, v3;
	v26 =	vnsel vm7, $0x0, v26;
	v33 =	vmpcnt.ones.xlane vm7;
	v32 =	vld [tilespmem:s29+$0x4030]  }
0x2ef: {  	v21 =	vld [tilespmem:s29+$0x4050];
	v8 =	vadd.f32 v8, v26;
	v26 =	vmul.bf16 v35, v31;
	(erf) = vpow2.bf16 v24  }
0x2f0: {  	v23 =	vadd.s32 v33, v23;
	v31 =	vmax.bf16 v19, v3;
	v24 =	vld [tilespmem:s29+$0x4010];
	vm8 =	vne.s32 v34, $0x1;
	v14 =	vmovc v34  }
0x2f1: {  	vm14 =	vgt.s32 v17, $0x0;
	vm11 =	vgt.s32 v20, $0x0;
	v19 =	vld [tilespmem:s29+$0x4020];
	v17 =	vadd.bf16 v5, v26  }
0x2f2: {  	v28 =	vadd.bf16 v28, v30;
	v12 =	vmax.bf16 v12, v3;
	v13 =	vmax.bf16 v13, v3;
	v20 =	vld [tilespmem:s29+$0x4060]  }
0x2f3: {  	vm9 =	vne.s32 v16, $0x1;
	v26 =	vld [tilespmem:s29+$0x4040];
	v12 =	vadd.bf16 v17, v12;
	v13 =	vadd.bf16 v17, v13  }
0x2f4: {  	vm10 =	vgt.s32 v15, $0x0;
	vm7 =	vgt.s32 v18, $0x0;
	v30 =	vmpcnt.ones.xlane vm9;
	v17 =	vld [tilespmem:s29+$0x4000]  }
0x2f5: {  	v33 =	vunpack.i.u.bf16.f32 v12;
	v12 =	vunpack.i.l.bf16.f32 v12;
	v15 =	vunpack.i.l.bf16.f32 v13  }
0x2f6: {  	v34 =	vpack.i.f32.bf16 v32, v19;
	v32 =	vunpack.i.u.bf16.f32 v13;
	v13 =	vsel vm10, v15, v12  }
0x2f7: {  	v35 =	vsub.bf16 v3, v34;
	v12 =	vpack.i.f32.bf16 v27, v20;
	v15 =	vnsel vm3, $0x0, v13  }
0x2f8: {  	v21 =	vpack.i.f32.bf16 v21, v26;
	v13 =	vsub.bf16 v3, v12;
	v22 =	vadd.f32 v15, v22  }
0x2f9: {  	v36 =	vpack.i.f32.bf16 v24, v17;
	v15 =	vmin.bf16 v34, v35;
	v19 =	vsub.bf16 v3, v21;
	v37 =	vpop (erf)  }
0x2fa: {  	v18 =	vsub.bf16 v3, v36;
	v26 =	vmul.bf16 v0, v15;
	v15 =	vld [tilespmem:s29+$0xC060];
	v20 =	vmin.bf16 v12, v13  }
0x2fb: {  	v39 =	vmul.bf16 v1, v37;
	v17 =	vld [tilespmem:s29+$0xC030];
	v24 =	vmin.bf16 v21, v19;
	v38 =	vmul.bf16 v0, v20  }
0x2fc: {  	v27 =	vmin.bf16 v36, v18;
	v20 =	vld [tilespmem:s29+$0xC040];
	v24 =	vmul.bf16 v0, v24;
	(erf) = vpow2.bf16 v26  }
0x2fd: {  	v41 =	vunpack.i.u.bf16.f32 v25;
	v26 =	vld [tilespmem:s29+$0xC000];
	v40 =	vmul.bf16 v0, v27;
	v27 =	vmax.bf16 v18, v3  }
0x2fe: {  	v25 =	vunpack.i.l.bf16.f32 v25;
	v42 =	vunpack.i.l.bf16.f32 v28;
	v39 =	vadd.bf16 v2, v39;
	v18 =	vld [tilespmem:s29+$0xC020]  }
0x2ff: {  	v28 =	vunpack.i.u.bf16.f32 v28;
	v25 =	vsel vm7, v42, v25;
	(erf) = vpow2.bf16 v40  }
0x300: {  	v25 =	vnsel vm0, $0x0, v25;
	v39 =	vmul.bf16 v39, v37;
	vm13 =	vne.s32 v17, $0x1  }
0x301: {  	v10 =	vadd.f32 v25, v10;
	v40 =	vmpcnt.ones.xlane vm8;
	vm10 =	vne.s32 v20, $0x1  }
0x302: {  	vm3 =	vne.s32 v15, $0x1;
	v25 =	vadd.bf16 v4, v39;
	vm7 =	vne.s32 v26, $0x1  }
0x303: {  	v28 =	vsel vm14, v28, v41;
	v39 =	vmpcnt.ones.xlane vm7;
	vm0 =	vne.s32 v18, $0x1  }
0x304: {  	v28 =	vnsel vm4, $0x0, v28;
	v25 =	vmul.bf16 v25, v37;
	v41 =	vmpcnt.ones.xlane vm0  }
0x305: {  	v37 =	vmpcnt.ones.xlane vm10;
	v23 =	vadd.s32 v23, v39;
	v39 =	vmpcnt.ones.xlane vm3  }
0x306: {  	v32 =	vsel vm12, v32, v33;
	v9 =	vadd.s32 v9, v41;
	v41 =	vmpcnt.ones.xlane vm13;
	v42 =	vpop (erf)  }
0x307: {  	v11 =	vadd.s32 v11, v37;
	v33 =	vmul.bf16 v1, v42;
	v6 =	vadd.s32 v6, v39  }
0x308: {  	v25 =	vadd.bf16 v5, v25;
	v37 =	vnsel vm2, $0x0, v32;
	v6 =	vadd.s32 v40, v6  }
0x309: {  	v10 =	vadd.f32 v10, v28;
	v33 =	vadd.bf16 v2, v33;
	v39 =	vpop (erf);
	(erf) = vpow2.bf16 v38  }
0x30a: {  	v32 =	vmax.bf16 v36, v3;
	v31 =	vadd.bf16 v25, v31;
	v28 =	vmul.bf16 v1, v39  }
0x30b: {  	v25 =	vadd.bf16 v25, v29;
	v9 =	vadd.s32 v41, v9;
	v33 =	vmul.bf16 v33, v42  }
0x30c: {  	v29 =	vunpack.i.u.bf16.f32 v31;
	v31 =	vunpack.i.l.bf16.f32 v31;
	v28 =	vadd.bf16 v2, v28  }
0x30d: {  	v36 =	vunpack.i.u.bf16.f32 v25;
	v25 =	vunpack.i.l.bf16.f32 v25;
	v33 =	vadd.bf16 v4, v33  }
0x30e: {  	v22 =	vadd.f32 v22, v37;
	v25 =	vsel vm11, v31, v25;
	v28 =	vmul.bf16 v28, v39  }
0x30f: {  	v29 =	vsel vm6, v29, v36;
	v25 =	vnsel vm5, $0x0, v25;
	v31 =	vmul.bf16 v33, v42  }
.Ltmp7:
0x310: {  	v11 =	vadd.s32 v30, v11;
	v36 =	vnsel vm1, $0x0, v29;
	v33 =	vadd.bf16 v4, v28;
	(pc) =	sbr.rel @p0 .LBB2_16-.Ltmp7, $4  }
0x311: {  	vm2 =	vmmov vm8;
	v7 =	vadd.f32 v25, v7;
	v28 =	vadd.bf16 v5, v31  }
0x312: {  	v30 =	vmax.bf16 v35, v3;
	v25 =	vmax.bf16 v34, v3;
	v29 =	vld [tilespmem:s29+$0xC010];
	v33 =	vmul.bf16 v33, v39  }
0x313: {  	vm1 =	vmmov vm9;
	v7 =	vadd.f32 v7, v36;
	v25 =	vadd.bf16 v28, v25;
	v31 =	vpop (erf)  }
0x314: {  	vm4 =	vmmov vm13;
	s29 =	smov.u32 s0;
	v34 =	vadd.bf16 v5, v33;
	v33 =	vmul.bf16 v1, v31  }
0x315: {  	(erf) = vpow2.bf16 v24;
	_ =	sdelay $0x5  }
0x316: {  	vm5 =	vmmov vm10;
	vm6 =	vgt.s32 v16, $0x0;
	vm8 =	vgt.s32 v26, $0x0  }
0x317: {  	v21 =	vmax.bf16 v21, v3;
	v12 =	vmax.bf16 v12, v3;
	v19 =	vmax.bf16 v19, v3  }
0x318: {  	v13 =	vmax.bf16 v13, v3;
	vm13 =	vgt.s32 v17, $0x0;
	vm14 =	vgt.s32 v20, $0x0  }
0x319: {  	v52 =	vadd.bf16 v28, v30;
	vm15 =	vgt.s32 v15, $0x0;
	v39 =	vadd.bf16 v2, v33  }
0x31a: {  	vm11 =	vgt.s32 v18, $0x0;
	v55 =	vunpack.i.l.bf16.f32 v25;
	v58 =	vunpack.i.u.bf16.f32 v25;
	v44 =	vpop (erf)  }
0x31b: {  	v32 =	vadd.bf16 v34, v32;
	v40 =	vmul.bf16 v39, v31;
	v45 =	vmul.bf16 v1, v44  }
0x31c: {  	v27 =	vadd.bf16 v34, v27;
	vm9 =	vgt.s32 v29, $0x0;
	vm12 =	vne.s32 v29, $0x1  }
0x31d: {  	v56 =	vunpack.i.l.bf16.f32 v52;
	v16 =	vadd.bf16 v4, v40;
	v48 =	vadd.bf16 v2, v45  }
0x31e: {  	v41 =	vunpack.i.u.bf16.f32 v32;
	v42 =	vunpack.i.l.bf16.f32 v32;
	v43 =	vunpack.i.l.bf16.f32 v27  }
0x31f: {  	v26 =	vsel vm8, v43, v42;
	v46 =	vmul.bf16 v16, v31;
	v50 =	vmul.bf16 v48, v44  }
0x320: {  	v27 =	vunpack.i.u.bf16.f32 v27;
	v17 =	vsel vm11, v56, v55;
	v26 =	vnsel vm7, $0x0, v26  }
0x321: {  	vm7 =	vgt.s32 v14, $0x0;
	v14 =	vadd.bf16 v5, v46;
	v51 =	vadd.bf16 v4, v50  }
0x322: {  	v49 =	vmpcnt.ones.xlane vm12;
	v24 =	vsel vm9, v27, v41;
	v17 =	vnsel vm0, $0x0, v17  }
0x323: {  	v12 =	vadd.bf16 v14, v12;
	v13 =	vadd.bf16 v14, v13;
	v14 =	vmul.bf16 v51, v44  }
0x324: {  	v47 =	vnsel vm12, $0x0, v24;
	v8 =	vadd.f32 v26, v8;
	v16 =	vunpack.i.u.bf16.f32 v52  }
0x325: {  	v10 =	vadd.f32 v17, v10;
	v16 =	vsel vm13, v16, v58;
	v14 =	vadd.bf16 v5, v14  }
0x326: {  	v63 =	vadd.s32 v49, v23;
	v8 =	vadd.f32 v8, v47;
	v16 =	vnsel vm4, $0x0, v16  }
0x327: {  	v53 =	vunpack.i.l.bf16.f32 v12;
	v57 =	vadd.bf16 v14, v19;
	v14 =	vadd.bf16 v14, v21  }
0x328: {  	v54 =	vunpack.i.l.bf16.f32 v13;
	v12 =	vunpack.i.u.bf16.f32 v12;
	v13 =	vunpack.i.u.bf16.f32 v13  }
0x329: {  	v15 =	vsel vm15, v54, v53;
	v59 =	vunpack.i.l.bf16.f32 v57;
	v60 =	vunpack.i.l.bf16.f32 v14  }
0x32a: {  	v12 =	vsel vm7, v13, v12;
	v15 =	vnsel vm3, $0x0, v15;
	v61 =	vsel vm14, v59, v60  }
0x32b: {  	v18 =	vunpack.i.u.bf16.f32 v57;
	v14 =	vunpack.i.u.bf16.f32 v14;
	v17 =	vnsel vm5, $0x0, v61  }
0x32c: {  	v15 =	vadd.f32 v15, v22;
	v62 =	vsel vm6, v18, v14;
	v7 =	vadd.f32 v17, v7  }
0x32d: {  	v10 =	vadd.f32 v10, v16;
	v12 =	vnsel vm2, $0x0, v12;
	v13 =	vnsel vm1, $0x0, v62  }
0x32e: {  	v9 =	vadd.s32 v63, v9;
	v12 =	vadd.f32 v15, v12;
	v7 =	vadd.f32 v7, v13  }
0x32f: {  	v9 =	vadd.s32 v11, v9  }
0x330: {  	v6 =	vadd.s32 v6, v9;
	v8 =	vadd.f32 v10, v8;
	v7 =	vadd.f32 v12, v7  }
0x331: {  	v6 =	vcvt.s32.f32 v6  }
0x332: {  	s31 =	sadd.s32 $0x1, s31;
	v7 =	vadd.f32 v7, v8  }
0x333: {  	p0 =	sne.s32 s31, s21;
	[tilespmem:$0x10010] =	vst v6  }
.Ltmp8:
0x334: {  	s0 =	simm.s32 $0x10000;
	[tilespmem:$0x10000] =	vst v7;
	(pc) =	sbr.rel @p0 .LBB2_1-.Ltmp8, $4  }
0x335: {  	[hbm4b:s20+s2] =	stream.linear.scatter [tilespmem:s0], [sflag:$0x5], $0x80, $0x38;
	[tilespmem:$0x10080] =	vst v63  }
0x336: {  	_ =	swait.ge [sflag:s30], $0x80  }
0x337: {  	[sflag:s30] =	ssyncset.done $0x0  }
0x338: {  	[sflag:s30] =	ssyncadd.s32 $0xFFFFFF80  }
0x339: {  	_ =	sfence.sel $0x180000  }
0x33a: {  	[bflag:$0x0] =	sbarrier.arrive $0xFFFF  }
0x33b: {  	_ =	strace $0x90000047  }
0x33c: {  	s0 =	stileid.u32;
	[bflag:$0x2] =	sbarrier.arrive $0xFFFF  }
0x33d: {  	p0 =	sne.s32 s0, $0x0;
	s0 =	rddreg [dreg:$0x3]  }
0x33e: {  	s0 =	sadd.s32 @!p0 $0x100000, s0  }
0x33f: {  	[sflag:s0] =	ssyncadd.tile.s32 @!p0 $0x1;
	_ =	shalt  }
.Lfunc_end2:
_tile_overlayer_lowered:
.L_overlay_start_2:
0x340: {  	(tag) =	ssettag $0x2  }
0x341: {  	s0 =	rddreg [dreg:$0x0];
	s2 =	stileid.u32  }
0x342: {  	s1 =	rddreg [dreg:$0x1];
	p0 =	sne.s32 s2, $0x0  }
0x343: {  	s3 =	rddreg [dreg:$0x2];
	[bflag:$0x3] =	sbarrier.arrive $0xFFFF;
	s2 =	simm.s32 @!p0 $0x1C05  }
0x344: {  	[timem:s3], [sflag:s2] =	dma.local @!p0 [hbm:s0], s1  }
0x345: {  	s0 =	simm.s32 @!p0 $0x5  }
0x346: {  	_ =	swait.ge @!p0 [sflag:s0], s1  }
0x347: {  	s1 =	ssub.s32 @!p0 $0x0, s1;
	[sflag:s0] =	ssyncset.done @!p0 $0x0  }
0x348: {  	[sflag:s0] =	ssyncadd.s32 @!p0 s1  }
0x349: {  	[bflag:$0x3] =	sbarrier.arrive $0xFFFF  }
0x34a: {  	_ =	shalt  }

</sc_bundles>
